<compile_context>
chip_gen: v7x
topology: tpu7x:2x2x1
jax: 0.10.2.dev20260603
libtpu: 0.0.44.dev20260713+nightly
codegen_flags: <defaults>
</compile_context>

<pallas_src>
import functools

import jax
import jax.numpy as jnp
from jax import lax
from jax.experimental import pallas as pl
from jax.experimental.pallas import tpu as pltpu
from jax.experimental.pallas import tpu_sc as plsc

N = 100000
N2 = 102400
E = 1600000
R = 400000
F = 32
NW = 32
EC = E // NW
WIN = 2000
GWIN = 400
RW = 2000
BN = 4096
BE = 16000
BR = 8000

_IOTA = lambda: lax.iota(jnp.int32, 16)


def _sc_mesh():
    return plsc.VectorSubcoreMesh(core_axis_name="c", subcore_axis_name="s")


def _wid():
    return lax.axis_index("s") * 2 + lax.axis_index("c")


def _zero_f32(ref, nwords):
    z = jnp.zeros((16,), jnp.float32)

    def body(i, _):
        ref[pl.ds(i * 16, 16)] = z
        return ()

    lax.fori_loop(0, nwords // 16, body, ())


@functools.partial(
    pl.kernel,
    out_type=jax.ShapeDtypeStruct((NW, N2), jnp.float32),
    mesh=_sc_mesh(),
    compiler_params=pltpu.CompilerParams(needs_layout_passes=False, use_tc_tiling_on_sc=False),
    scratch_types=[
        pltpu.VMEM((N2,), jnp.float32),
        pltpu.VMEM((WIN,), jnp.int32),
    ],
)
def _deg_kernel(dst_hbm, out_hbm, acc, dstw):
    w = _wid()
    _zero_f32(acc, N2)
    base0 = w * EC

    def wbody(j, _):
        pltpu.sync_copy(dst_hbm.at[pl.ds(base0 + j * WIN, WIN)], dstw)

        ones = jnp.ones((16,), jnp.float32)
        lanes = _IOTA()

        def vbody(v, _):
            d = dstw[pl.ds(v * 16, 16)]
            for l in range(16):
                cur = plsc.load_gather(acc, [d])
                plsc.store_scatter(acc, [d], cur + ones, mask=lanes == l)
            return ()

        lax.fori_loop(0, WIN // 16, vbody, ())
        return ()

    lax.fori_loop(0, EC // WIN, wbody, ())
    pltpu.sync_copy(acc, out_hbm.at[w])


@functools.partial(
    pl.kernel,
    out_type=jax.ShapeDtypeStruct((F, E), jnp.float32),
    mesh=_sc_mesh(),
    compiler_params=pltpu.CompilerParams(needs_layout_passes=False, use_tc_tiling_on_sc=False),
    scratch_types=[
        pltpu.VMEM((GWIN,), jnp.int32),
        pltpu.VMEM((GWIN, F), jnp.float32),
        pltpu.VMEM((F, GWIN), jnp.float32),
        pltpu.SemaphoreType.DMA,
    ],
)
def _gt_kernel(g_hbm, src_hbm, out_hbm, idxv, rows, tbuf, sem):
    w = _wid()
    base0 = w * EC

    def wbody(j, _):
        b = base0 + j * GWIN
        pltpu.sync_copy(src_hbm.at[pl.ds(b, GWIN)], idxv)
        pltpu.async_copy(g_hbm.at[idxv], rows, sem).wait()
        for f in range(F):
            col = jnp.full((16,), f, jnp.int32)

            def rbody(jj, _):
                ridx = jj * 16 + _IOTA()
                vals = plsc.load_gather(rows, [ridx, col])
                tbuf[f, pl.ds(jj * 16, 16)] = vals
                return ()

            lax.fori_loop(0, GWIN // 16, rbody, ())
        pltpu.sync_copy(tbuf, out_hbm.at[:, pl.ds(b, GWIN)])
        return ()

    lax.fori_loop(0, EC // GWIN, wbody, ())


@functools.partial(
    pl.kernel,
    out_type=jax.ShapeDtypeStruct((F, N2), jnp.float32),
    mesh=_sc_mesh(),
    compiler_params=pltpu.CompilerParams(needs_layout_passes=False, use_tc_tiling_on_sc=False),
    scratch_types=[
        pltpu.VMEM((N2,), jnp.float32),
        pltpu.VMEM((WIN,), jnp.int32),
        pltpu.VMEM((WIN,), jnp.float32),
        pltpu.VMEM((WIN,), jnp.float32),
    ],
)
def _rmw_kernel(dst_hbm, gsT_hbm, hT_hbm, out_hbm, acc, dstw, gw, hw):
    f = _wid()
    _zero_f32(acc, N2)

    def wbody(j, _):
        b = j * WIN
        pltpu.sync_copy(dst_hbm.at[pl.ds(b, WIN)], dstw)
        pltpu.sync_copy(gsT_hbm.at[f, pl.ds(b, WIN)], gw)
        pltpu.sync_copy(hT_hbm.at[f, pl.ds(b, WIN)], hw)

        def first_pass():
            def vbody(v, anyfail):
                sl = pl.ds(v * 16, 16)
                d = dstw[sl]
                tgt = gw[sl] + hw[sl]
                cur = plsc.load_gather(acc, [d])
                plsc.store_scatter(acc, [d], jnp.maximum(cur, tgt))
                chk = plsc.load_gather(acc, [d])
                return anyfail | (chk < tgt)

            return lax.fori_loop(0, WIN // 16, vbody,
                                 jnp.zeros((16,), jnp.bool_))

        def redo_pass(_):
            def vbody(v, anyfail):
                sl = pl.ds(v * 16, 16)
                d = dstw[sl]
                tgt = gw[sl] + hw[sl]
                cur = plsc.load_gather(acc, [d])
                plsc.store_scatter(acc, [d], tgt, mask=cur < tgt)
                chk = plsc.load_gather(acc, [d])
                return anyfail | (chk < tgt)

            return lax.fori_loop(0, WIN // 16, vbody,
                                 jnp.zeros((16,), jnp.bool_))

        af = first_pass()

        def cond(afc):
            return plsc.all_reduce_population_count(afc)[0] > 0

        lax.while_loop(cond, redo_pass, af)
        return ()

    lax.fori_loop(0, E // WIN, wbody, ())
    pltpu.sync_copy(acc, out_hbm.at[f])


@functools.partial(
    pl.kernel,
    out_type=jax.ShapeDtypeStruct((R,), jnp.float32),
    mesh=_sc_mesh(),
    compiler_params=pltpu.CompilerParams(needs_layout_passes=False, use_tc_tiling_on_sc=False),
    scratch_types=[
        pltpu.VMEM((RW,), jnp.int32),
        pltpu.VMEM((RW, 16), jnp.float32),
        pltpu.VMEM((RW,), jnp.float32),
        pltpu.SemaphoreType.DMA,
    ],
)
def _route_kernel(pw_hbm, ridx_hbm, out_hbm, idxv, rows, prw, sem):
    w = _wid()
    nwin = R // RW
    col0 = jnp.zeros((16,), jnp.int32)

    def wbody(t, _):
        j = w + t * NW

        @pl.when(j < nwin)
        def _():
            b = j * RW
            pltpu.sync_copy(ridx_hbm.at[pl.ds(b, RW)], idxv)
            pltpu.async_copy(pw_hbm.at[idxv], rows, sem).wait()

            def vbody(v, _):
                ridx = v * 16 + _IOTA()
                vals = plsc.load_gather(rows, [ridx, col0])
                prw[pl.ds(v * 16, 16)] = vals
                return ()

            lax.fori_loop(0, RW // 16, vbody, ())
            pltpu.sync_copy(prw, out_hbm.at[pl.ds(b, RW)])

        return ()

    lax.fori_loop(0, (nwin + NW - 1) // NW, wbody, ())


def _prep0_body(degp_ref, wa0_ref, emb0_ref, g0_ref):
    d = jnp.sum(degp_ref[...], axis=0, keepdims=True)
    emb0 = d.T / float(N)
    emb0_ref[...] = emb0
    g0_ref[...] = emb0 * wa0_ref[0:1, :]


def _h_body(ea_ref, wa0_ref, wa1_ref, ba0_ref, ba1_ref, h0_ref, h1_ref):
    ea = ea_ref[...]
    dn = (((0,), (1,)), ((), ()))
    h0_ref[...] = lax.dot_general(wa0_ref[...][1:4], ea, dn) + ba0_ref[...].T
    h1_ref[...] = lax.dot_general(wa1_ref[...][32:35], ea, dn) + ba1_ref[...].T


def _comb0_body(aggT_ref, emb0_ref, wn0_ref, wa1_ref, bn0_ref,
                emb1_ref, g1_ref):
    wn0 = wn0_ref[...]
    dn = (((0,), (0,)), ((), ()))
    agg_wn = lax.dot_general(aggT_ref[...], wn0[:F], dn)
    emb1 = jax.nn.relu(agg_wn + emb0_ref[...] * wn0[F:F + 1] + bn0_ref[...])
    emb1_ref[...] = emb1
    g1_ref[...] = emb1 @ wa1_ref[...][:F]


def _comb1_body(aggT_ref, emb1_ref, wn1_ref, wo_ref, bn1_ref, bo_ref,
                pw_ref):
    wn1 = wn1_ref[...]
    dn = (((0,), (0,)), ((), ()))
    agg_wn = lax.dot_general(aggT_ref[...], wn1[:F], dn)
    emb2 = jax.nn.relu(agg_wn + emb1_ref[...] @ wn1[F:] + bn1_ref[...])
    p = emb2 @ wo_ref[...][:F] + bo_ref[0, 0]
    pw_ref[...] = jnp.broadcast_to(p, (p.shape[0], 16))


def _out_body(pr_ref, rf_ref, w_ref, o_ref):
    o_ref[...] = pr_ref[...] + rf_ref[...] @ w_ref[...]


def kernel(edge_index, edge_attr, route_idx, route_feats,
           Wa0, ba0, Wn0, bn0, Wa1, ba1, Wn1, bn1, Wo, bo):
    src = edge_index[0]
    dst = edge_index[1]

    degp = _deg_kernel(dst)
    emb0, g0 = pl.pallas_call(
        _prep0_body,
        grid=(N2 // BN,),
        in_specs=[
            pl.BlockSpec((NW, BN), lambda i: (0, i)),
            pl.BlockSpec((4, F), lambda i: (0, 0)),
        ],
        out_specs=[
            pl.BlockSpec((BN, 1), lambda i: (i, 0)),
            pl.BlockSpec((BN, F), lambda i: (i, 0)),
        ],
        out_shape=[
            jax.ShapeDtypeStruct((N2, 1), jnp.float32),
            jax.ShapeDtypeStruct((N2, F), jnp.float32),
        ],
    )(degp, Wa0)

    h0T, h1T = pl.pallas_call(
        _h_body,
        grid=(E // BE,),
        in_specs=[
            pl.BlockSpec((BE, 3), lambda i: (i, 0)),
            pl.BlockSpec((4, F), lambda i: (0, 0)),
            pl.BlockSpec((35, F), lambda i: (0, 0)),
            pl.BlockSpec((1, F), lambda i: (0, 0)),
            pl.BlockSpec((1, F), lambda i: (0, 0)),
        ],
        out_specs=[
            pl.BlockSpec((F, BE), lambda i: (0, i)),
            pl.BlockSpec((F, BE), lambda i: (0, i)),
        ],
        out_shape=[
            jax.ShapeDtypeStruct((F, E), jnp.float32),
            jax.ShapeDtypeStruct((F, E), jnp.float32),
        ],
    )(edge_attr, Wa0, Wa1, ba0.reshape(1, F), ba1.reshape(1, F))

    gs0T = _gt_kernel(g0, src)
    agg0T = _rmw_kernel(dst, gs0T, h0T)
    emb1, g1 = pl.pallas_call(
        _comb0_body,
        grid=(N2 // BN,),
        in_specs=[
            pl.BlockSpec((F, BN), lambda i: (0, i)),
            pl.BlockSpec((BN, 1), lambda i: (i, 0)),
            pl.BlockSpec((F + 1, F), lambda i: (0, 0)),
            pl.BlockSpec((35, F), lambda i: (0, 0)),
            pl.BlockSpec((1, F), lambda i: (0, 0)),
        ],
        out_specs=[
            pl.BlockSpec((BN, F), lambda i: (i, 0)),
            pl.BlockSpec((BN, F), lambda i: (i, 0)),
        ],
        out_shape=[
            jax.ShapeDtypeStruct((N2, F), jnp.float32),
            jax.ShapeDtypeStruct((N2, F), jnp.float32),
        ],
    )(agg0T, emb0, Wn0, Wa1, bn0.reshape(1, F))

    gs1T = _gt_kernel(g1, src)
    agg1T = _rmw_kernel(dst, gs1T, h1T)
    pw = pl.pallas_call(
        _comb1_body,
        grid=(N2 // BN,),
        in_specs=[
            pl.BlockSpec((F, BN), lambda i: (0, i)),
            pl.BlockSpec((BN, F), lambda i: (i, 0)),
            pl.BlockSpec((2 * F, F), lambda i: (0, 0)),
            pl.BlockSpec((F + 6, 1), lambda i: (0, 0)),
            pl.BlockSpec((1, F), lambda i: (0, 0)),
            pl.BlockSpec((1, 1), lambda i: (0, 0)),
        ],
        out_specs=pl.BlockSpec((BN, 16), lambda i: (i, 0)),
        out_shape=jax.ShapeDtypeStruct((N2, 16), jnp.float32),
    )(agg1T, emb1, Wn1, Wo, bn1.reshape(1, F), bo.reshape(1, 1))

    pr = _route_kernel(pw, route_idx)
    logits = pl.pallas_call(
        _out_body,
        grid=(R // BR,),
        in_specs=[
            pl.BlockSpec((BR, 1), lambda i: (i, 0)),
            pl.BlockSpec((BR, 8), lambda i: (i, 0)),
            pl.BlockSpec((8, 1), lambda i: (0, 0)),
        ],
        out_specs=pl.BlockSpec((BR, 1), lambda i: (i, 0)),
        out_shape=jax.ShapeDtypeStruct((R, 1), jnp.float32),
    )(
        pr.reshape(R, 1),
        jnp.pad(route_feats, ((0, 0), (0, 2))),
        jnp.pad(Wo[F:], ((0, 2), (0, 0))),
    )[:, 0]
    return logits

# --- scband reference (transcript-rebuilt; emitter-appended) ---
"""Pipeline reference for scband-weight-model-9337258902085 (READ-ONLY COPY).

The authoritative reference and input builder live on the scoring server;
editing this copy changes nothing except your own understanding.
"""

import jax, jax.numpy as jnp
import numpy as np

N = 100000
E = 1600000
R = 400000
K_WIDTH = 32
AGG_WIDTH = 32

def setup_inputs(seed: int = 0) -> dict:
    key = jax.random.key(seed)
    ks = jax.random.split(key, 16)
    edge_index = jax.random.randint(ks[0], (2, E), 0, N, dtype=jnp.int32)
    edge_attr = jax.random.uniform(ks[1], (E, 3), dtype=jnp.float32)
    route_idx = jax.random.randint(ks[2], (R,), 0, N, dtype=jnp.int32)
    route_feats = jax.random.uniform(ks[3], (R, 6), dtype=jnp.float32)
    Wa0 = jax.random.normal(ks[4], (1 + 3, AGG_WIDTH), dtype=jnp.float32) * 0.1
    ba0 = jnp.zeros((AGG_WIDTH,), jnp.float32)
    Wn0 = jax.random.normal(ks[5], (AGG_WIDTH + 1, K_WIDTH), dtype=jnp.float32) * 0.1
    bn0 = jnp.zeros((K_WIDTH,), jnp.float32)
    Wa1 = jax.random.normal(ks[6], (K_WIDTH + 3, AGG_WIDTH), dtype=jnp.float32) * 0.1
    ba1 = jnp.zeros((AGG_WIDTH,), jnp.float32)
    Wn1 = jax.random.normal(ks[7], (AGG_WIDTH + K_WIDTH, K_WIDTH), dtype=jnp.float32) * 0.1
    bn1 = jnp.zeros((K_WIDTH,), jnp.float32)
    Wo = jax.random.normal(ks[8], (K_WIDTH + 6, 1), dtype=jnp.float32) * 0.1
    bo = jnp.zeros((1,), jnp.float32)
    return {"edge_index": edge_index, "edge_attr": edge_attr, "route_idx": route_idx,
            "route_feats": route_feats, "Wa0": Wa0, "ba0": ba0, "Wn0": Wn0, "bn0": bn0,
            "Wa1": Wa1, "ba1": ba1, "Wn1": Wn1, "bn1": bn1, "Wo": Wo, "bo": bo}

def reference(edge_index, edge_attr, route_idx, route_feats,
              Wa0, ba0, Wn0, bn0, Wa1, ba1, Wn1, bn1, Wo, bo):
    src = edge_index[0]
    dst = edge_index[1]
    # node.initial_embedding = [len(node.neighbors) / len(nodes)]
    deg = jnp.zeros((N,), jnp.float32).at[dst].add(1.0)
    emb = (deg / float(N))[:, None]
    # K = 2 GraphSage hops: project(neighbor_emb ++ link_feats), max-aggregate, combine
    for (Wa, ba, Wn, bn) in ((Wa0, ba0, Wn0, bn0), (Wa1, ba1, Wn1, bn1)):
        nb = jnp.concatenate([emb[src], edge_attr], axis=1)
        proj = jax.nn.relu(nb @ Wa + ba)
        agg = jax.ops.segment_max(proj, dst, num_segments=N)
        agg = jnp.where(jnp.isfinite(agg), agg, 0.0)
        emb = jax.nn.relu(jnp.concatenate([agg, emb], axis=1) @ Wn + bn)
    # logits for every routing-table entry: Dense(1)(node_emb ++ entry_feats)
    cat = jnp.concatenate([emb[route_idx], route_feats], axis=1)
    logits = (cat @ Wo + bo)[:, 0]
    return logits

if __name__ == "__main__":
    import jax
    _d = setup_inputs()
    print(jax.jit(kernel)(*tuple(_d.values())))

</pallas_src>

<mosaic_0001>
#map = affine_map<(d0, d1) -> (0)>
#map1 = affine_map<(d0, d1) -> (0, 0)>
module attributes {stable_mosaic.version = 14 : i64} {
  func.func @_deg_kernel(%arg0: i32, %arg1: i32, %arg2: memref<1600000xi32, #tpu.memory_space<hbm>>, %arg3: memref<32x102400xf32, #tpu.memory_space<hbm>>, %arg4: memref<102400xf32, #tpu.memory_space<vmem>>, %arg5: memref<2000xi32, #tpu.memory_space<vmem>>) attributes {dimension_semantics = [#tpu.dimension_semantics<core_parallel>, #tpu.dimension_semantics<subcore_parallel>], iteration_bounds = array<i64: 2, 16>, scalar_prefetch = 0 : i64, scratch_operands = 2 : i64, tpu.core_type = #tpu.core_type<sc_vector_subcore>, window_params = [{transform_indices = #map}, {transform_indices = #map1}]} {
    %mul3A = arith.constant 2 : i32
    %mul3A_0 = arith.muli %arg1, %mul3A : i32
    %add3A = arith.addi %mul3A_0, %arg0 : i32
    %broadcast_in_dim3A = arith.constant 0.000000e+00 : f32
    %broadcast_in_dim3A_1 = vector.broadcast %broadcast_in_dim3A : f32 to vector<16xf32>
    %scan3A = arith.constant 0 : i32
    %scan3A_2 = arith.constant 6400 : i32
    %scan3A_3 = arith.addi %scan3A, %scan3A_2 : i32
    %scan3A_4 = arith.constant 1 : i32
    scf.for %scan3A_13 = %scan3A to %scan3A_3 step %scan3A_4  : i32 {
      %mul3A_14 = arith.constant 16 : i32
      %mul3A_15 = arith.muli %scan3A_13, %mul3A_14 : i32
      %swap3A = arith.index_cast %mul3A_15 : i32 to index
      %swap3A_16 = tpu.vector_load %arg4[%swap3A] {strides = array<i32>} : memref<102400xf32, #tpu.memory_space<vmem>>, vector<16xf32>,
      tpu.vector_store %arg4[%swap3A], %broadcast_in_dim3A_1 {strides = array<i32>} : memref<102400xf32, #tpu.memory_space<vmem>>, vector<16xf32>,
    }
    %scan3A_5 = arith.constant 6400 : i32
    %mul3A_6 = arith.constant 50000 : i32
    %mul3A_7 = arith.muli %add3A, %mul3A_6 : i32
    %scan3A_8 = arith.constant 0 : i32
    %scan3A_9 = arith.constant 25 : i32
    %scan3A_10 = arith.addi %scan3A_8, %scan3A_9 : i32
    %scan3A_11 = arith.constant 1 : i32
    scf.for %scan3A_13 = %scan3A_8 to %scan3A_10 step %scan3A_11  : i32 {
      %mul3A_14 = arith.constant 2000 : i32
      %mul3A_15 = arith.muli %scan3A_13, %mul3A_14 : i32
      %add3A_16 = arith.addi %mul3A_7, %mul3A_15 : i32
      "tpu.region"() ({
        %run_scoped3A = tpu.sem_alloc : memref<!tpu.dma_semaphore, #tpu.memory_space<semaphore_mem>>
        %dma_start3A = tpu.memref_slice %arg2[%add3A_16] : memref<1600000xi32, #tpu.memory_space<hbm>> -> memref<2000xi32, #tpu.memory_space<hbm>>
        %dma_start3A_24 = tpu.memref_slice %arg2[%add3A_16] : memref<1600000xi32, #tpu.memory_space<hbm>> -> memref<2000xi32, #tpu.memory_space<hbm>>
        tpu.enqueue_dma source(%dma_start3A_24 : memref<2000xi32, #tpu.memory_space<hbm>>) target(%arg5 : memref<2000xi32, #tpu.memory_space<vmem>>) target_semaphore(%run_scoped3A : memref<!tpu.dma_semaphore, #tpu.memory_space<semaphore_mem>>)
        %dma_wait3A = tpu.memref_slice %arg2[%add3A_16] : memref<1600000xi32, #tpu.memory_space<hbm>> -> memref<2000xi32, #tpu.memory_space<hbm>>
        %dma_wait3A_25 = tpu.memref_slice %arg2[%add3A_16] : memref<1600000xi32, #tpu.memory_space<hbm>> -> memref<2000xi32, #tpu.memory_space<hbm>>
        tpu.wait_dma2 semaphore(%run_scoped3A : memref<!tpu.dma_semaphore, #tpu.memory_space<semaphore_mem>>) src(%dma_wait3A_25 : memref<2000xi32, #tpu.memory_space<hbm>>) dst(%arg5 : memref<2000xi32, #tpu.memory_space<vmem>>)
        tpu.yield
      }) : () -> ()
      %broadcast_in_dim3A_17 = arith.constant 1.000000e+00 : f32
      %broadcast_in_dim3A_18 = vector.broadcast %broadcast_in_dim3A_17 : f32 to vector<16xf32>
      %iota3A = tpu.iota {dimensions = array<i32: 0>} : vector<16xi32>
      %scan3A_19 = arith.constant 0 : i32
      %scan3A_20 = arith.constant 125 : i32
      %scan3A_21 = arith.addi %scan3A_19, %scan3A_20 : i32
      %scan3A_22 = arith.constant 1 : i32
      scf.for %scan3A_24 = %scan3A_19 to %scan3A_21 step %scan3A_22  : i32 {
        %mul3A_25 = arith.constant 16 : i32
        %mul3A_26 = arith.muli %scan3A_24, %mul3A_25 : i32
        %get3A = arith.index_cast %mul3A_26 : i32 to index
        %get3A_27 = tpu.vector_load %arg5[%get3A] {strides = array<i32>} : memref<2000xi32, #tpu.memory_space<vmem>>, vector<16xi32>,
        %gather3A = tpu.vector_load_idx %arg4[%get3A_27] : memref<102400xf32, #tpu.memory_space<vmem>>[vector<16xi32>], vector<16xf32>,
        %add3A_28 = arith.addf %gather3A, %broadcast_in_dim3A_18 : vector<16xf32>
        %eq3A = arith.constant 0 : i32
        %eq3A_29 = vector.broadcast %eq3A : i32 to vector<16xi32>
        %eq3A_30 = arith.cmpi eq, %iota3A, %eq3A_29 : vector<16xi32>
        tpu.vector_store_idx %arg4[%get3A_27], %add3A_28 masked %eq3A_30 : memref<102400xf32, #tpu.memory_space<vmem>>[vector<16xi32>], vector<16xf32>, vector<16xi1>
        %gather3A_31 = tpu.vector_load_idx %arg4[%get3A_27] : memref<102400xf32, #tpu.memory_space<vmem>>[vector<16xi32>], vector<16xf32>,
        %add3A_32 = arith.addf %gather3A_31, %broadcast_in_dim3A_18 : vector<16xf32>
        %eq3A_33 = arith.constant 1 : i32
        %eq3A_34 = vector.broadcast %eq3A_33 : i32 to vector<16xi32>
        %eq3A_35 = arith.cmpi eq, %iota3A, %eq3A_34 : vector<16xi32>
        tpu.vector_store_idx %arg4[%get3A_27], %add3A_32 masked %eq3A_35 : memref<102400xf32, #tpu.memory_space<vmem>>[vector<16xi32>], vector<16xf32>, vector<16xi1>
        %gather3A_36 = tpu.vector_load_idx %arg4[%get3A_27] : memref<102400xf32, #tpu.memory_space<vmem>>[vector<16xi32>], vector<16xf32>,
        %add3A_37 = arith.addf %gather3A_36, %broadcast_in_dim3A_18 : vector<16xf32>
        %eq3A_38 = arith.constant 2 : i32
        %eq3A_39 = vector.broadcast %eq3A_38 : i32 to vector<16xi32>
        %eq3A_40 = arith.cmpi eq, %iota3A, %eq3A_39 : vector<16xi32>
        tpu.vector_store_idx %arg4[%get3A_27], %add3A_37 masked %eq3A_40 : memref<102400xf32, #tpu.memory_space<vmem>>[vector<16xi32>], vector<16xf32>, vector<16xi1>
        %gather3A_41 = tpu.vector_load_idx %arg4[%get3A_27] : memref<102400xf32, #tpu.memory_space<vmem>>[vector<16xi32>], vector<16xf32>,
        %add3A_42 = arith.addf %gather3A_41, %broadcast_in_dim3A_18 : vector<16xf32>
        %eq3A_43 = arith.constant 3 : i32
        %eq3A_44 = vector.broadcast %eq3A_43 : i32 to vector<16xi32>
        %eq3A_45 = arith.cmpi eq, %iota3A, %eq3A_44 : vector<16xi32>
        tpu.vector_store_idx %arg4[%get3A_27], %add3A_42 masked %eq3A_45 : memref<102400xf32, #tpu.memory_space<vmem>>[vector<16xi32>], vector<16xf32>, vector<16xi1>
        %gather3A_46 = tpu.vector_load_idx %arg4[%get3A_27] : memref<102400xf32, #tpu.memory_space<vmem>>[vector<16xi32>], vector<16xf32>,
        %add3A_47 = arith.addf %gather3A_46, %broadcast_in_dim3A_18 : vector<16xf32>
        %eq3A_48 = arith.constant 4 : i32
        %eq3A_49 = vector.broadcast %eq3A_48 : i32 to vector<16xi32>
        %eq3A_50 = arith.cmpi eq, %iota3A, %eq3A_49 : vector<16xi32>
        tpu.vector_store_idx %arg4[%get3A_27], %add3A_47 masked %eq3A_50 : memref<102400xf32, #tpu.memory_space<vmem>>[vector<16xi32>], vector<16xf32>, vector<16xi1>
        %gather3A_51 = tpu.vector_load_idx %arg4[%get3A_27] : memref<102400xf32, #tpu.memory_space<vmem>>[vector<16xi32>], vector<16xf32>,
        %add3A_52 = arith.addf %gather3A_51, %broadcast_in_dim3A_18 : vector<16xf32>
        %eq3A_53 = arith.constant 5 : i32
        %eq3A_54 = vector.broadcast %eq3A_53 : i32 to vector<16xi32>
        %eq3A_55 = arith.cmpi eq, %iota3A, %eq3A_54 : vector<16xi32>
        tpu.vector_store_idx %arg4[%get3A_27], %add3A_52 masked %eq3A_55 : memref<102400xf32, #tpu.memory_space<vmem>>[vector<16xi32>], vector<16xf32>, vector<16xi1>
        %gather3A_56 = tpu.vector_load_idx %arg4[%get3A_27] : memref<102400xf32, #tpu.memory_space<vmem>>[vector<16xi32>], vector<16xf32>,
        %add3A_57 = arith.addf %gather3A_56, %broadcast_in_dim3A_18 : vector<16xf32>
        %eq3A_58 = arith.constant 6 : i32
        %eq3A_59 = vector.broadcast %eq3A_58 : i32 to vector<16xi32>
        %eq3A_60 = arith.cmpi eq, %iota3A, %eq3A_59 : vector<16xi32>
        tpu.vector_store_idx %arg4[%get3A_27], %add3A_57 masked %eq3A_60 : memref<102400xf32, #tpu.memory_space<vmem>>[vector<16xi32>], vector<16xf32>, vector<16xi1>
        %gather3A_61 = tpu.vector_load_idx %arg4[%get3A_27] : memref<102400xf32, #tpu.memory_space<vmem>>[vector<16xi32>], vector<16xf32>,
        %add3A_62 = arith.addf %gather3A_61, %broadcast_in_dim3A_18 : vector<16xf32>
        %eq3A_63 = arith.constant 7 : i32
        %eq3A_64 = vector.broadcast %eq3A_63 : i32 to vector<16xi32>
        %eq3A_65 = arith.cmpi eq, %iota3A, %eq3A_64 : vector<16xi32>
        tpu.vector_store_idx %arg4[%get3A_27], %add3A_62 masked %eq3A_65 : memref<102400xf32, #tpu.memory_space<vmem>>[vector<16xi32>], vector<16xf32>, vector<16xi1>
        %gather3A_66 = tpu.vector_load_idx %arg4[%get3A_27] : memref<102400xf32, #tpu.memory_space<vmem>>[vector<16xi32>], vector<16xf32>,
        %add3A_67 = arith.addf %gather3A_66, %broadcast_in_dim3A_18 : vector<16xf32>
        %eq3A_68 = arith.constant 8 : i32
        %eq3A_69 = vector.broadcast %eq3A_68 : i32 to vector<16xi32>
        %eq3A_70 = arith.cmpi eq, %iota3A, %eq3A_69 : vector<16xi32>
        tpu.vector_store_idx %arg4[%get3A_27], %add3A_67 masked %eq3A_70 : memref<102400xf32, #tpu.memory_space<vmem>>[vector<16xi32>], vector<16xf32>, vector<16xi1>
        %gather3A_71 = tpu.vector_load_idx %arg4[%get3A_27] : memref<102400xf32, #tpu.memory_space<vmem>>[vector<16xi32>], vector<16xf32>,
        %add3A_72 = arith.addf %gather3A_71, %broadcast_in_dim3A_18 : vector<16xf32>
        %eq3A_73 = arith.constant 9 : i32
        %eq3A_74 = vector.broadcast %eq3A_73 : i32 to vector<16xi32>
        %eq3A_75 = arith.cmpi eq, %iota3A, %eq3A_74 : vector<16xi32>
        tpu.vector_store_idx %arg4[%get3A_27], %add3A_72 masked %eq3A_75 : memref<102400xf32, #tpu.memory_space<vmem>>[vector<16xi32>], vector<16xf32>, vector<16xi1>
        %gather3A_76 = tpu.vector_load_idx %arg4[%get3A_27] : memref<102400xf32, #tpu.memory_space<vmem>>[vector<16xi32>], vector<16xf32>,
        %add3A_77 = arith.addf %gather3A_76, %broadcast_in_dim3A_18 : vector<16xf32>
        %eq3A_78 = arith.constant 10 : i32
        %eq3A_79 = vector.broadcast %eq3A_78 : i32 to vector<16xi32>
        %eq3A_80 = arith.cmpi eq, %iota3A, %eq3A_79 : vector<16xi32>
        tpu.vector_store_idx %arg4[%get3A_27], %add3A_77 masked %eq3A_80 : memref<102400xf32, #tpu.memory_space<vmem>>[vector<16xi32>], vector<16xf32>, vector<16xi1>
        %gather3A_81 = tpu.vector_load_idx %arg4[%get3A_27] : memref<102400xf32, #tpu.memory_space<vmem>>[vector<16xi32>], vector<16xf32>,
        %add3A_82 = arith.addf %gather3A_81, %broadcast_in_dim3A_18 : vector<16xf32>
        %eq3A_83 = arith.constant 11 : i32
        %eq3A_84 = vector.broadcast %eq3A_83 : i32 to vector<16xi32>
        %eq3A_85 = arith.cmpi eq, %iota3A, %eq3A_84 : vector<16xi32>
        tpu.vector_store_idx %arg4[%get3A_27], %add3A_82 masked %eq3A_85 : memref<102400xf32, #tpu.memory_space<vmem>>[vector<16xi32>], vector<16xf32>, vector<16xi1>
        %gather3A_86 = tpu.vector_load_idx %arg4[%get3A_27] : memref<102400xf32, #tpu.memory_space<vmem>>[vector<16xi32>], vector<16xf32>,
        %add3A_87 = arith.addf %gather3A_86, %broadcast_in_dim3A_18 : vector<16xf32>
        %eq3A_88 = arith.constant 12 : i32
        %eq3A_89 = vector.broadcast %eq3A_88 : i32 to vector<16xi32>
        %eq3A_90 = arith.cmpi eq, %iota3A, %eq3A_89 : vector<16xi32>
        tpu.vector_store_idx %arg4[%get3A_27], %add3A_87 masked %eq3A_90 : memref<102400xf32, #tpu.memory_space<vmem>>[vector<16xi32>], vector<16xf32>, vector<16xi1>
        %gather3A_91 = tpu.vector_load_idx %arg4[%get3A_27] : memref<102400xf32, #tpu.memory_space<vmem>>[vector<16xi32>], vector<16xf32>,
        %add3A_92 = arith.addf %gather3A_91, %broadcast_in_dim3A_18 : vector<16xf32>
        %eq3A_93 = arith.constant 13 : i32
        %eq3A_94 = vector.broadcast %eq3A_93 : i32 to vector<16xi32>
        %eq3A_95 = arith.cmpi eq, %iota3A, %eq3A_94 : vector<16xi32>
        tpu.vector_store_idx %arg4[%get3A_27], %add3A_92 masked %eq3A_95 : memref<102400xf32, #tpu.memory_space<vmem>>[vector<16xi32>], vector<16xf32>, vector<16xi1>
        %gather3A_96 = tpu.vector_load_idx %arg4[%get3A_27] : memref<102400xf32, #tpu.memory_space<vmem>>[vector<16xi32>], vector<16xf32>,
        %add3A_97 = arith.addf %gather3A_96, %broadcast_in_dim3A_18 : vector<16xf32>
        %eq3A_98 = arith.constant 14 : i32
        %eq3A_99 = vector.broadcast %eq3A_98 : i32 to vector<16xi32>
        %eq3A_100 = arith.cmpi eq, %iota3A, %eq3A_99 : vector<16xi32>
        tpu.vector_store_idx %arg4[%get3A_27], %add3A_97 masked %eq3A_100 : memref<102400xf32, #tpu.memory_space<vmem>>[vector<16xi32>], vector<16xf32>, vector<16xi1>
        %gather3A_101 = tpu.vector_load_idx %arg4[%get3A_27] : memref<102400xf32, #tpu.memory_space<vmem>>[vector<16xi32>], vector<16xf32>,
        %add3A_102 = arith.addf %gather3A_101, %broadcast_in_dim3A_18 : vector<16xf32>
        %eq3A_103 = arith.constant 15 : i32
        %eq3A_104 = vector.broadcast %eq3A_103 : i32 to vector<16xi32>
        %eq3A_105 = arith.cmpi eq, %iota3A, %eq3A_104 : vector<16xi32>
        tpu.vector_store_idx %arg4[%get3A_27], %add3A_102 masked %eq3A_105 : memref<102400xf32, #tpu.memory_space<vmem>>[vector<16xi32>], vector<16xf32>, vector<16xi1>
      }
      %scan3A_23 = arith.constant 125 : i32
    }
    %scan3A_12 = arith.constant 25 : i32
    "tpu.region"() ({
      %run_scoped3A = tpu.sem_alloc : memref<!tpu.dma_semaphore, #tpu.memory_space<semaphore_mem>>
      %dma_start3A = arith.constant 0 : i32
      %dma_start3A_13 = tpu.memref_slice %arg3[%add3A, %dma_start3A] : memref<32x102400xf32, #tpu.memory_space<hbm>> -> memref<1x102400xf32, #tpu.memory_space<hbm>>
      %dma_start3A_14 = tpu.memref_squeeze %dma_start3A_13 : memref<1x102400xf32, #tpu.memory_space<hbm>> -> memref<102400xf32, #tpu.memory_space<hbm>>
      %dma_start3A_15 = arith.constant 0 : i32
      %dma_start3A_16 = tpu.memref_slice %arg3[%add3A, %dma_start3A_15] : memref<32x102400xf32, #tpu.memory_space<hbm>> -> memref<1x102400xf32, #tpu.memory_space<hbm>>
      %dma_start3A_17 = tpu.memref_squeeze %dma_start3A_16 : memref<1x102400xf32, #tpu.memory_space<hbm>> -> memref<102400xf32, #tpu.memory_space<hbm>>
      tpu.enqueue_dma source(%arg4 : memref<102400xf32, #tpu.memory_space<vmem>>) target(%dma_start3A_17 : memref<102400xf32, #tpu.memory_space<hbm>>) target_semaphore(%run_scoped3A : memref<!tpu.dma_semaphore, #tpu.memory_space<semaphore_mem>>)
      %dma_wait3A = arith.constant 0 : i32
      %dma_wait3A_18 = tpu.memref_slice %arg3[%add3A, %dma_wait3A] : memref<32x102400xf32, #tpu.memory_space<hbm>> -> memref<1x102400xf32, #tpu.memory_space<hbm>>
      %dma_wait3A_19 = tpu.memref_squeeze %dma_wait3A_18 : memref<1x102400xf32, #tpu.memory_space<hbm>> -> memref<102400xf32, #tpu.memory_space<hbm>>
      %dma_wait3A_20 = arith.constant 0 : i32
      %dma_wait3A_21 = tpu.memref_slice %arg3[%add3A, %dma_wait3A_20] : memref<32x102400xf32, #tpu.memory_space<hbm>> -> memref<1x102400xf32, #tpu.memory_space<hbm>>
      %dma_wait3A_22 = tpu.memref_squeeze %dma_wait3A_21 : memref<1x102400xf32, #tpu.memory_space<hbm>> -> memref<102400xf32, #tpu.memory_space<hbm>>
      tpu.wait_dma2 semaphore(%run_scoped3A : memref<!tpu.dma_semaphore, #tpu.memory_space<semaphore_mem>>) src(%arg4 : memref<102400xf32, #tpu.memory_space<vmem>>) dst(%dma_wait3A_22 : memref<102400xf32, #tpu.memory_space<hbm>>)
      tpu.yield
    }) : () -> ()
    return
  }
}

#map = affine_map<(d0, d1) -> (0)>
#map1 = affine_map<(d0, d1) -> (0, 0)>
module attributes {stable_mosaic.version = 14 : i64} {
  func.func @_rmw_kernel(%arg0: i32, %arg1: i32, %arg2: memref<1600000xi32, #tpu.memory_space<hbm>>, %arg3: memref<32x1600000xf32, #tpu.memory_space<hbm>>, %arg4: memref<32x1600000xf32, #tpu.memory_space<hbm>>, %arg5: memref<32x102400xf32, #tpu.memory_space<hbm>>, %arg6: memref<102400xf32, #tpu.memory_space<vmem>>, %arg7: memref<2000xi32, #tpu.memory_space<vmem>>, %arg8: memref<2000xf32, #tpu.memory_space<vmem>>, %arg9: memref<2000xf32, #tpu.memory_space<vmem>>) attributes {dimension_semantics = [#tpu.dimension_semantics<core_parallel>, #tpu.dimension_semantics<subcore_parallel>], iteration_bounds = array<i64: 2, 16>, scalar_prefetch = 0 : i64, scratch_operands = 4 : i64, tpu.core_type = #tpu.core_type<sc_vector_subcore>, window_params = [{transform_indices = #map}, {transform_indices = #map1}, {transform_indices = #map1}, {transform_indices = #map1}]} {
    %mul3A = arith.constant 2 : i32
    %mul3A_0 = arith.muli %arg1, %mul3A : i32
    %add3A = arith.addi %mul3A_0, %arg0 : i32
    %broadcast_in_dim3A = arith.constant 0.000000e+00 : f32
    %broadcast_in_dim3A_1 = vector.broadcast %broadcast_in_dim3A : f32 to vector<16xf32>
    %scan3A = arith.constant 0 : i32
    %scan3A_2 = arith.constant 6400 : i32
    %scan3A_3 = arith.addi %scan3A, %scan3A_2 : i32
    %scan3A_4 = arith.constant 1 : i32
    scf.for %scan3A_11 = %scan3A to %scan3A_3 step %scan3A_4  : i32 {
      %mul3A_12 = arith.constant 16 : i32
      %mul3A_13 = arith.muli %scan3A_11, %mul3A_12 : i32
      %swap3A = arith.index_cast %mul3A_13 : i32 to index
      %swap3A_14 = tpu.vector_load %arg6[%swap3A] {strides = array<i32>} : memref<102400xf32, #tpu.memory_space<vmem>>, vector<16xf32>,
      tpu.vector_store %arg6[%swap3A], %broadcast_in_dim3A_1 {strides = array<i32>} : memref<102400xf32, #tpu.memory_space<vmem>>, vector<16xf32>,
    }
    %scan3A_5 = arith.constant 6400 : i32
    %scan3A_6 = arith.constant 0 : i32
    %scan3A_7 = arith.constant 800 : i32
    %scan3A_8 = arith.addi %scan3A_6, %scan3A_7 : i32
    %scan3A_9 = arith.constant 1 : i32
    scf.for %scan3A_11 = %scan3A_6 to %scan3A_8 step %scan3A_9  : i32 {
      %mul3A_12 = arith.constant 2000 : i32
      %mul3A_13 = arith.muli %scan3A_11, %mul3A_12 : i32
      "tpu.region"() ({
        %run_scoped3A = tpu.sem_alloc : memref<!tpu.dma_semaphore, #tpu.memory_space<semaphore_mem>>
        %dma_start3A = tpu.memref_slice %arg2[%mul3A_13] : memref<1600000xi32, #tpu.memory_space<hbm>> -> memref<2000xi32, #tpu.memory_space<hbm>>
        %dma_start3A_22 = tpu.memref_slice %arg2[%mul3A_13] : memref<1600000xi32, #tpu.memory_space<hbm>> -> memref<2000xi32, #tpu.memory_space<hbm>>
        tpu.enqueue_dma source(%dma_start3A_22 : memref<2000xi32, #tpu.memory_space<hbm>>) target(%arg7 : memref<2000xi32, #tpu.memory_space<vmem>>) target_semaphore(%run_scoped3A : memref<!tpu.dma_semaphore, #tpu.memory_space<semaphore_mem>>)
        %dma_wait3A = tpu.memref_slice %arg2[%mul3A_13] : memref<1600000xi32, #tpu.memory_space<hbm>> -> memref<2000xi32, #tpu.memory_space<hbm>>
        %dma_wait3A_23 = tpu.memref_slice %arg2[%mul3A_13] : memref<1600000xi32, #tpu.memory_space<hbm>> -> memref<2000xi32, #tpu.memory_space<hbm>>
        tpu.wait_dma2 semaphore(%run_scoped3A : memref<!tpu.dma_semaphore, #tpu.memory_space<semaphore_mem>>) src(%dma_wait3A_23 : memref<2000xi32, #tpu.memory_space<hbm>>) dst(%arg7 : memref<2000xi32, #tpu.memory_space<vmem>>)
        tpu.yield
      }) : () -> ()
      "tpu.region"() ({
        %run_scoped3A = tpu.sem_alloc : memref<!tpu.dma_semaphore, #tpu.memory_space<semaphore_mem>>
        %dma_start3A = tpu.memref_slice %arg3[%add3A, %mul3A_13] : memref<32x1600000xf32, #tpu.memory_space<hbm>> -> memref<1x2000xf32, #tpu.memory_space<hbm>>
        %dma_start3A_22 = tpu.memref_squeeze %dma_start3A : memref<1x2000xf32, #tpu.memory_space<hbm>> -> memref<2000xf32, #tpu.memory_space<hbm>>
        %dma_start3A_23 = tpu.memref_slice %arg3[%add3A, %mul3A_13] : memref<32x1600000xf32, #tpu.memory_space<hbm>> -> memref<1x2000xf32, #tpu.memory_space<hbm>>
        %dma_start3A_24 = tpu.memref_squeeze %dma_start3A_23 : memref<1x2000xf32, #tpu.memory_space<hbm>> -> memref<2000xf32, #tpu.memory_space<hbm>>
        tpu.enqueue_dma source(%dma_start3A_24 : memref<2000xf32, #tpu.memory_space<hbm>>) target(%arg8 : memref<2000xf32, #tpu.memory_space<vmem>>) target_semaphore(%run_scoped3A : memref<!tpu.dma_semaphore, #tpu.memory_space<semaphore_mem>>)
        %dma_wait3A = tpu.memref_slice %arg3[%add3A, %mul3A_13] : memref<32x1600000xf32, #tpu.memory_space<hbm>> -> memref<1x2000xf32, #tpu.memory_space<hbm>>
        %dma_wait3A_25 = tpu.memref_squeeze %dma_wait3A : memref<1x2000xf32, #tpu.memory_space<hbm>> -> memref<2000xf32, #tpu.memory_space<hbm>>
        %dma_wait3A_26 = tpu.memref_slice %arg3[%add3A, %mul3A_13] : memref<32x1600000xf32, #tpu.memory_space<hbm>> -> memref<1x2000xf32, #tpu.memory_space<hbm>>
        %dma_wait3A_27 = tpu.memref_squeeze %dma_wait3A_26 : memref<1x2000xf32, #tpu.memory_space<hbm>> -> memref<2000xf32, #tpu.memory_space<hbm>>
        tpu.wait_dma2 semaphore(%run_scoped3A : memref<!tpu.dma_semaphore, #tpu.memory_space<semaphore_mem>>) src(%dma_wait3A_27 : memref<2000xf32, #tpu.memory_space<hbm>>) dst(%arg8 : memref<2000xf32, #tpu.memory_space<vmem>>)
        tpu.yield
      }) : () -> ()
      "tpu.region"() ({
        %run_scoped3A = tpu.sem_alloc : memref<!tpu.dma_semaphore, #tpu.memory_space<semaphore_mem>>
        %dma_start3A = tpu.memref_slice %arg4[%add3A, %mul3A_13] : memref<32x1600000xf32, #tpu.memory_space<hbm>> -> memref<1x2000xf32, #tpu.memory_space<hbm>>
        %dma_start3A_22 = tpu.memref_squeeze %dma_start3A : memref<1x2000xf32, #tpu.memory_space<hbm>> -> memref<2000xf32, #tpu.memory_space<hbm>>
        %dma_start3A_23 = tpu.memref_slice %arg4[%add3A, %mul3A_13] : memref<32x1600000xf32, #tpu.memory_space<hbm>> -> memref<1x2000xf32, #tpu.memory_space<hbm>>
        %dma_start3A_24 = tpu.memref_squeeze %dma_start3A_23 : memref<1x2000xf32, #tpu.memory_space<hbm>> -> memref<2000xf32, #tpu.memory_space<hbm>>
        tpu.enqueue_dma source(%dma_start3A_24 : memref<2000xf32, #tpu.memory_space<hbm>>) target(%arg9 : memref<2000xf32, #tpu.memory_space<vmem>>) target_semaphore(%run_scoped3A : memref<!tpu.dma_semaphore, #tpu.memory_space<semaphore_mem>>)
        %dma_wait3A = tpu.memref_slice %arg4[%add3A, %mul3A_13] : memref<32x1600000xf32, #tpu.memory_space<hbm>> -> memref<1x2000xf32, #tpu.memory_space<hbm>>
        %dma_wait3A_25 = tpu.memref_squeeze %dma_wait3A : memref<1x2000xf32, #tpu.memory_space<hbm>> -> memref<2000xf32, #tpu.memory_space<hbm>>
        %dma_wait3A_26 = tpu.memref_slice %arg4[%add3A, %mul3A_13] : memref<32x1600000xf32, #tpu.memory_space<hbm>> -> memref<1x2000xf32, #tpu.memory_space<hbm>>
        %dma_wait3A_27 = tpu.memref_squeeze %dma_wait3A_26 : memref<1x2000xf32, #tpu.memory_space<hbm>> -> memref<2000xf32, #tpu.memory_space<hbm>>
        tpu.wait_dma2 semaphore(%run_scoped3A : memref<!tpu.dma_semaphore, #tpu.memory_space<semaphore_mem>>) src(%dma_wait3A_27 : memref<2000xf32, #tpu.memory_space<hbm>>) dst(%arg9 : memref<2000xf32, #tpu.memory_space<vmem>>)
        tpu.yield
      }) : () -> ()
      %broadcast_in_dim3A_14 = arith.constant false
      %broadcast_in_dim3A_15 = vector.broadcast %broadcast_in_dim3A_14 : i1 to vector<16xi1>
      %scan3A_16 = arith.constant 0 : i32
      %scan3A_17 = arith.constant 125 : i32
      %scan3A_18 = arith.addi %scan3A_16, %scan3A_17 : i32
      %scan3A_19 = arith.constant 1 : i32
      %scan3A_20 = scf.for %scan3A_22 = %scan3A_16 to %scan3A_18 step %scan3A_19 iter_args(%scan3A_23 = %broadcast_in_dim3A_15) -> (vector<16xi1>)  : i32 {
        %mul3A_24 = arith.constant 16 : i32
        %mul3A_25 = arith.muli %scan3A_22, %mul3A_24 : i32
        %get3A = arith.index_cast %mul3A_25 : i32 to index
        %get3A_26 = tpu.vector_load %arg7[%get3A] {strides = array<i32>} : memref<2000xi32, #tpu.memory_space<vmem>>, vector<16xi32>,
        %get3A_27 = arith.index_cast %mul3A_25 : i32 to index
        %get3A_28 = tpu.vector_load %arg8[%get3A_27] {strides = array<i32>} : memref<2000xf32, #tpu.memory_space<vmem>>, vector<16xf32>,
        %get3A_29 = arith.index_cast %mul3A_25 : i32 to index
        %get3A_30 = tpu.vector_load %arg9[%get3A_29] {strides = array<i32>} : memref<2000xf32, #tpu.memory_space<vmem>>, vector<16xf32>,
        %add3A_31 = arith.addf %get3A_28, %get3A_30 : vector<16xf32>
        %gather3A = tpu.vector_load_idx %arg6[%get3A_26] : memref<102400xf32, #tpu.memory_space<vmem>>[vector<16xi32>], vector<16xf32>,
        %max3A = arith.maximumf %gather3A, %add3A_31 : vector<16xf32>
        tpu.vector_store_idx %arg6[%get3A_26], %max3A : memref<102400xf32, #tpu.memory_space<vmem>>[vector<16xi32>], vector<16xf32>,
        %gather3A_32 = tpu.vector_load_idx %arg6[%get3A_26] : memref<102400xf32, #tpu.memory_space<vmem>>[vector<16xi32>], vector<16xf32>,
        %lt3A = arith.cmpf olt, %gather3A_32, %add3A_31 : vector<16xf32>
        %or3A = arith.ori %scan3A_23, %lt3A : vector<16xi1>
        scf.yield %or3A : vector<16xi1>
      }
      %scan3A_21 = arith.constant 125 : i32
      %while3A = scf.while (%while3A_22 = %scan3A_20) : (vector<16xi1>) -> vector<16xi1> {
        %all_reduce_population_count3A = tpu.all_reduce %while3A_22 {dim = 0 : i64, kind = #tpu.reduction_kind<sum>} : vector<16xi1> -> vector<16xi32>
        %slice3A = vector.extract_strided_slice %all_reduce_population_count3A {offsets = [0], sizes = [1], strides = [1]} : vector<16xi32> to vector<1xi32>
        %squeeze3A = vector.extract %slice3A[0] : i32 from vector<1xi32>
        %gt3A = arith.constant 0 : i32
        %gt3A_23 = arith.cmpi sgt, %squeeze3A, %gt3A : i32
        scf.condition(%gt3A_23) %while3A_22 : vector<16xi1>
      } do {
      ^bb0(%while3A_22: vector<16xi1>):
        %broadcast_in_dim3A_23 = arith.constant false
        %broadcast_in_dim3A_24 = vector.broadcast %broadcast_in_dim3A_23 : i1 to vector<16xi1>
        %scan3A_25 = arith.constant 0 : i32
        %scan3A_26 = arith.constant 125 : i32
        %scan3A_27 = arith.addi %scan3A_25, %scan3A_26 : i32
        %scan3A_28 = arith.constant 1 : i32
        %scan3A_29 = scf.for %scan3A_31 = %scan3A_25 to %scan3A_27 step %scan3A_28 iter_args(%scan3A_32 = %broadcast_in_dim3A_24) -> (vector<16xi1>)  : i32 {
          %mul3A_33 = arith.constant 16 : i32
          %mul3A_34 = arith.muli %scan3A_31, %mul3A_33 : i32
          %get3A = arith.index_cast %mul3A_34 : i32 to index
          %get3A_35 = tpu.vector_load %arg7[%get3A] {strides = array<i32>} : memref<2000xi32, #tpu.memory_space<vmem>>, vector<16xi32>,
          %get3A_36 = arith.index_cast %mul3A_34 : i32 to index
          %get3A_37 = tpu.vector_load %arg8[%get3A_36] {strides = array<i32>} : memref<2000xf32, #tpu.memory_space<vmem>>, vector<16xf32>,
          %get3A_38 = arith.index_cast %mul3A_34 : i32 to index
          %get3A_39 = tpu.vector_load %arg9[%get3A_38] {strides = array<i32>} : memref<2000xf32, #tpu.memory_space<vmem>>, vector<16xf32>,
          %add3A_40 = arith.addf %get3A_37, %get3A_39 : vector<16xf32>
          %gather3A = tpu.vector_load_idx %arg6[%get3A_35] : memref<102400xf32, #tpu.memory_space<vmem>>[vector<16xi32>], vector<16xf32>,
          %lt3A = arith.cmpf olt, %gather3A, %add3A_40 : vector<16xf32>
          tpu.vector_store_idx %arg6[%get3A_35], %add3A_40 masked %lt3A : memref<102400xf32, #tpu.memory_space<vmem>>[vector<16xi32>], vector<16xf32>, vector<16xi1>
          %gather3A_41 = tpu.vector_load_idx %arg6[%get3A_35] : memref<102400xf32, #tpu.memory_space<vmem>>[vector<16xi32>], vector<16xf32>,
          %lt3A_42 = arith.cmpf olt, %gather3A_41, %add3A_40 : vector<16xf32>
          %or3A = arith.ori %scan3A_32, %lt3A_42 : vector<16xi1>
          scf.yield %or3A : vector<16xi1>
        }
        %scan3A_30 = arith.constant 125 : i32
        scf.yield %scan3A_29 : vector<16xi1>
      }
    }
    %scan3A_10 = arith.constant 800 : i32
    "tpu.region"() ({
      %run_scoped3A = tpu.sem_alloc : memref<!tpu.dma_semaphore, #tpu.memory_space<semaphore_mem>>
      %dma_start3A = arith.constant 0 : i32
      %dma_start3A_11 = tpu.memref_slice %arg5[%add3A, %dma_start3A] : memref<32x102400xf32, #tpu.memory_space<hbm>> -> memref<1x102400xf32, #tpu.memory_space<hbm>>
      %dma_start3A_12 = tpu.memref_squeeze %dma_start3A_11 : memref<1x102400xf32, #tpu.memory_space<hbm>> -> memref<102400xf32, #tpu.memory_space<hbm>>
      %dma_start3A_13 = arith.constant 0 : i32
      %dma_start3A_14 = tpu.memref_slice %arg5[%add3A, %dma_start3A_13] : memref<32x102400xf32, #tpu.memory_space<hbm>> -> memref<1x102400xf32, #tpu.memory_space<hbm>>
      %dma_start3A_15 = tpu.memref_squeeze %dma_start3A_14 : memref<1x102400xf32, #tpu.memory_space<hbm>> -> memref<102400xf32, #tpu.memory_space<hbm>>
      tpu.enqueue_dma source(%arg6 : memref<102400xf32, #tpu.memory_space<vmem>>) target(%dma_start3A_15 : memref<102400xf32, #tpu.memory_space<hbm>>) target_semaphore(%run_scoped3A : memref<!tpu.dma_semaphore, #tpu.memory_space<semaphore_mem>>)
      %dma_wait3A = arith.constant 0 : i32
      %dma_wait3A_16 = tpu.memref_slice %arg5[%add3A, %dma_wait3A] : memref<32x102400xf32, #tpu.memory_space<hbm>> -> memref<1x102400xf32, #tpu.memory_space<hbm>>
      %dma_wait3A_17 = tpu.memref_squeeze %dma_wait3A_16 : memref<1x102400xf32, #tpu.memory_space<hbm>> -> memref<102400xf32, #tpu.memory_space<hbm>>
      %dma_wait3A_18 = arith.constant 0 : i32
      %dma_wait3A_19 = tpu.memref_slice %arg5[%add3A, %dma_wait3A_18] : memref<32x102400xf32, #tpu.memory_space<hbm>> -> memref<1x102400xf32, #tpu.memory_space<hbm>>
      %dma_wait3A_20 = tpu.memref_squeeze %dma_wait3A_19 : memref<1x102400xf32, #tpu.memory_space<hbm>> -> memref<102400xf32, #tpu.memory_space<hbm>>
      tpu.wait_dma2 semaphore(%run_scoped3A : memref<!tpu.dma_semaphore, #tpu.memory_space<semaphore_mem>>) src(%arg6 : memref<102400xf32, #tpu.memory_space<vmem>>) dst(%dma_wait3A_20 : memref<102400xf32, #tpu.memory_space<hbm>>)
      tpu.yield
    }) : () -> ()
    return
  }
}

#map = affine_map<(d0, d1) -> (0, 0)>
#map1 = affine_map<(d0, d1) -> (0)>
module attributes {stable_mosaic.version = 14 : i64} {
  func.func @_gt_kernel(%arg0: i32, %arg1: i32, %arg2: memref<102400x32xf32, #tpu.memory_space<hbm>>, %arg3: memref<1600000xi32, #tpu.memory_space<hbm>>, %arg4: memref<32x1600000xf32, #tpu.memory_space<hbm>>, %arg5: memref<400xi32, #tpu.memory_space<vmem>>, %arg6: memref<400x32xf32, #tpu.memory_space<vmem>>, %arg7: memref<32x400xf32, #tpu.memory_space<vmem>>, %arg8: memref<!tpu.dma_semaphore, #tpu.memory_space<semaphore_mem>>) attributes {dimension_semantics = [#tpu.dimension_semantics<core_parallel>, #tpu.dimension_semantics<subcore_parallel>], iteration_bounds = array<i64: 2, 16>, scalar_prefetch = 0 : i64, scratch_operands = 4 : i64, tpu.core_type = #tpu.core_type<sc_vector_subcore>, window_params = [{transform_indices = #map}, {transform_indices = #map1}, {transform_indices = #map}]} {
    %mul3A = arith.constant 2 : i32
    %mul3A_0 = arith.muli %arg1, %mul3A : i32
    %add3A = arith.addi %mul3A_0, %arg0 : i32
    %mul3A_1 = arith.constant 50000 : i32
    %mul3A_2 = arith.muli %add3A, %mul3A_1 : i32
    %scan3A = arith.constant 0 : i32
    %scan3A_3 = arith.constant 125 : i32
    %scan3A_4 = arith.addi %scan3A, %scan3A_3 : i32
    %scan3A_5 = arith.constant 1 : i32
    scf.for %scan3A_7 = %scan3A to %scan3A_4 step %scan3A_5  : i32 {
      %mul3A_8 = arith.constant 400 : i32
      %mul3A_9 = arith.muli %scan3A_7, %mul3A_8 : i32
      %add3A_10 = arith.addi %mul3A_2, %mul3A_9 : i32
      "tpu.region"() ({
        %run_scoped3A = tpu.sem_alloc : memref<!tpu.dma_semaphore, #tpu.memory_space<semaphore_mem>>
        %dma_start3A_238 = tpu.memref_slice %arg3[%add3A_10] : memref<1600000xi32, #tpu.memory_space<hbm>> -> memref<400xi32, #tpu.memory_space<hbm>>
        %dma_start3A_239 = tpu.memref_slice %arg3[%add3A_10] : memref<1600000xi32, #tpu.memory_space<hbm>> -> memref<400xi32, #tpu.memory_space<hbm>>
        tpu.enqueue_dma source(%dma_start3A_239 : memref<400xi32, #tpu.memory_space<hbm>>) target(%arg5 : memref<400xi32, #tpu.memory_space<vmem>>) target_semaphore(%run_scoped3A : memref<!tpu.dma_semaphore, #tpu.memory_space<semaphore_mem>>)
        %dma_wait3A_240 = tpu.memref_slice %arg3[%add3A_10] : memref<1600000xi32, #tpu.memory_space<hbm>> -> memref<400xi32, #tpu.memory_space<hbm>>
        %dma_wait3A_241 = tpu.memref_slice %arg3[%add3A_10] : memref<1600000xi32, #tpu.memory_space<hbm>> -> memref<400xi32, #tpu.memory_space<hbm>>
        tpu.wait_dma2 semaphore(%run_scoped3A : memref<!tpu.dma_semaphore, #tpu.memory_space<semaphore_mem>>) src(%dma_wait3A_241 : memref<400xi32, #tpu.memory_space<hbm>>) dst(%arg5 : memref<400xi32, #tpu.memory_space<vmem>>)
        tpu.yield
      }) : () -> ()
      %dma_start3A = arith.constant 0 : i32
      %dma_start3A_11 = arith.constant 0 : i32
      %dma_start3A_12 = tpu.memref_slice %arg2[%dma_start3A, %dma_start3A_11] : memref<102400x32xf32, #tpu.memory_space<hbm>> -> memref<102400x32xf32, #tpu.memory_space<hbm>>
      tpu.enqueue_indirect_dma source(%dma_start3A_12 : memref<102400x32xf32, #tpu.memory_space<hbm>>) target(%arg6 : memref<400x32xf32, #tpu.memory_space<vmem>>) offsets(%arg5 : memref<400xi32, #tpu.memory_space<vmem>>) semaphore(%arg8 : memref<!tpu.dma_semaphore, #tpu.memory_space<semaphore_mem>>)
      %dma_wait3A = arith.constant 0 : i32
      %dma_wait3A_13 = arith.constant 0 : i32
      %dma_wait3A_14 = tpu.memref_slice %arg2[%dma_wait3A, %dma_wait3A_13] : memref<102400x32xf32, #tpu.memory_space<hbm>> -> memref<102400x32xf32, #tpu.memory_space<hbm>>
      tpu.wait_indirect_dma semaphore(%arg8 : memref<!tpu.dma_semaphore, #tpu.memory_space<semaphore_mem>>) src(%dma_wait3A_14 : memref<102400x32xf32, #tpu.memory_space<hbm>>) dst(%arg6 : memref<400x32xf32, #tpu.memory_space<vmem>>)
      %broadcast_in_dim3A = arith.constant 0 : i32
      %broadcast_in_dim3A_15 = vector.broadcast %broadcast_in_dim3A : i32 to vector<16xi32>
      %scan3A_16 = arith.constant 0 : i32
      %scan3A_17 = arith.constant 25 : i32
      %scan3A_18 = arith.addi %scan3A_16, %scan3A_17 : i32
      %scan3A_19 = arith.constant 1 : i32
      scf.for %scan3A_238 = %scan3A_16 to %scan3A_18 step %scan3A_19  : i32 {
        %mul3A_239 = arith.constant 16 : i32
        %mul3A_240 = arith.muli %scan3A_238, %mul3A_239 : i32
        %iota3A = tpu.iota {dimensions = array<i32: 0>} : vector<16xi32>
        %add3A_241 = vector.broadcast %mul3A_240 : i32 to vector<16xi32>
        %add3A_242 = arith.addi %add3A_241, %iota3A : vector<16xi32>
        %gather3A = tpu.vector_load_idx %arg6[%add3A_242, %broadcast_in_dim3A_15] : memref<400x32xf32, #tpu.memory_space<vmem>>[vector<16xi32>, vector<16xi32>], vector<16xf32>,
        %mul3A_243 = arith.constant 16 : i32
        %mul3A_244 = arith.muli %scan3A_238, %mul3A_243 : i32
        %swap3A = arith.constant 0 : i32
        %swap3A_245 = arith.index_cast %swap3A : i32 to index
        %swap3A_246 = arith.index_cast %mul3A_244 : i32 to index
        %swap3A_247 = tpu.vector_load %arg7[%swap3A_245, %swap3A_246] {strides = array<i32>} : memref<32x400xf32, #tpu.memory_space<vmem>>, vector<16xf32>,
        tpu.vector_store %arg7[%swap3A_245, %swap3A_246], %gather3A {strides = array<i32>} : memref<32x400xf32, #tpu.memory_space<vmem>>, vector<16xf32>,
      }
      %scan3A_20 = arith.constant 25 : i32
      %broadcast_in_dim3A_21 = arith.constant 1 : i32
      %broadcast_in_dim3A_22 = vector.broadcast %broadcast_in_dim3A_21 : i32 to vector<16xi32>
      %scan3A_23 = arith.constant 0 : i32
      %scan3A_24 = arith.constant 25 : i32
      %scan3A_25 = arith.addi %scan3A_23, %scan3A_24 : i32
      %scan3A_26 = arith.constant 1 : i32
      scf.for %scan3A_238 = %scan3A_23 to %scan3A_25 step %scan3A_26  : i32 {
        %mul3A_239 = arith.constant 16 : i32
        %mul3A_240 = arith.muli %scan3A_238, %mul3A_239 : i32
        %iota3A = tpu.iota {dimensions = array<i32: 0>} : vector<16xi32>
        %add3A_241 = vector.broadcast %mul3A_240 : i32 to vector<16xi32>
        %add3A_242 = arith.addi %add3A_241, %iota3A : vector<16xi32>
        %gather3A = tpu.vector_load_idx %arg6[%add3A_242, %broadcast_in_dim3A_22] : memref<400x32xf32, #tpu.memory_space<vmem>>[vector<16xi32>, vector<16xi32>], vector<16xf32>,
        %mul3A_243 = arith.constant 16 : i32
        %mul3A_244 = arith.muli %scan3A_238, %mul3A_243 : i32
        %swap3A = arith.constant 1 : i32
        %swap3A_245 = arith.index_cast %swap3A : i32 to index
        %swap3A_246 = arith.index_cast %mul3A_244 : i32 to index
        %swap3A_247 = tpu.vector_load %arg7[%swap3A_245, %swap3A_246] {strides = array<i32>} : memref<32x400xf32, #tpu.memory_space<vmem>>, vector<16xf32>,
        tpu.vector_store %arg7[%swap3A_245, %swap3A_246], %gather3A {strides = array<i32>} : memref<32x400xf32, #tpu.memory_space<vmem>>, vector<16xf32>,
      }
      %scan3A_27 = arith.constant 25 : i32
      %broadcast_in_dim3A_28 = arith.constant 2 : i32
      %broadcast_in_dim3A_29 = vector.broadcast %broadcast_in_dim3A_28 : i32 to vector<16xi32>
      %scan3A_30 = arith.constant 0 : i32
      %scan3A_31 = arith.constant 25 : i32
      %scan3A_32 = arith.addi %scan3A_30, %scan3A_31 : i32
      %scan3A_33 = arith.constant 1 : i32
      scf.for %scan3A_238 = %scan3A_30 to %scan3A_32 step %scan3A_33  : i32 {
        %mul3A_239 = arith.constant 16 : i32
        %mul3A_240 = arith.muli %scan3A_238, %mul3A_239 : i32
        %iota3A = tpu.iota {dimensions = array<i32: 0>} : vector<16xi32>
        %add3A_241 = vector.broadcast %mul3A_240 : i32 to vector<16xi32>
        %add3A_242 = arith.addi %add3A_241, %iota3A : vector<16xi32>
        %gather3A = tpu.vector_load_idx %arg6[%add3A_242, %broadcast_in_dim3A_29] : memref<400x32xf32, #tpu.memory_space<vmem>>[vector<16xi32>, vector<16xi32>], vector<16xf32>,
        %mul3A_243 = arith.constant 16 : i32
        %mul3A_244 = arith.muli %scan3A_238, %mul3A_243 : i32
        %swap3A = arith.constant 2 : i32
        %swap3A_245 = arith.index_cast %swap3A : i32 to index
        %swap3A_246 = arith.index_cast %mul3A_244 : i32 to index
        %swap3A_247 = tpu.vector_load %arg7[%swap3A_245, %swap3A_246] {strides = array<i32>} : memref<32x400xf32, #tpu.memory_space<vmem>>, vector<16xf32>,
        tpu.vector_store %arg7[%swap3A_245, %swap3A_246], %gather3A {strides = array<i32>} : memref<32x400xf32, #tpu.memory_space<vmem>>, vector<16xf32>,
      }
      %scan3A_34 = arith.constant 25 : i32
      %broadcast_in_dim3A_35 = arith.constant 3 : i32
      %broadcast_in_dim3A_36 = vector.broadcast %broadcast_in_dim3A_35 : i32 to vector<16xi32>
      %scan3A_37 = arith.constant 0 : i32
      %scan3A_38 = arith.constant 25 : i32
      %scan3A_39 = arith.addi %scan3A_37, %scan3A_38 : i32
      %scan3A_40 = arith.constant 1 : i32
      scf.for %scan3A_238 = %scan3A_37 to %scan3A_39 step %scan3A_40  : i32 {
        %mul3A_239 = arith.constant 16 : i32
        %mul3A_240 = arith.muli %scan3A_238, %mul3A_239 : i32
        %iota3A = tpu.iota {dimensions = array<i32: 0>} : vector<16xi32>
        %add3A_241 = vector.broadcast %mul3A_240 : i32 to vector<16xi32>
        %add3A_242 = arith.addi %add3A_241, %iota3A : vector<16xi32>
        %gather3A = tpu.vector_load_idx %arg6[%add3A_242, %broadcast_in_dim3A_36] : memref<400x32xf32, #tpu.memory_space<vmem>>[vector<16xi32>, vector<16xi32>], vector<16xf32>,
        %mul3A_243 = arith.constant 16 : i32
        %mul3A_244 = arith.muli %scan3A_238, %mul3A_243 : i32
        %swap3A = arith.constant 3 : i32
        %swap3A_245 = arith.index_cast %swap3A : i32 to index
        %swap3A_246 = arith.index_cast %mul3A_244 : i32 to index
        %swap3A_247 = tpu.vector_load %arg7[%swap3A_245, %swap3A_246] {strides = array<i32>} : memref<32x400xf32, #tpu.memory_space<vmem>>, vector<16xf32>,
        tpu.vector_store %arg7[%swap3A_245, %swap3A_246], %gather3A {strides = array<i32>} : memref<32x400xf32, #tpu.memory_space<vmem>>, vector<16xf32>,
      }
      %scan3A_41 = arith.constant 25 : i32
      %broadcast_in_dim3A_42 = arith.constant 4 : i32
      %broadcast_in_dim3A_43 = vector.broadcast %broadcast_in_dim3A_42 : i32 to vector<16xi32>
      %scan3A_44 = arith.constant 0 : i32
      %scan3A_45 = arith.constant 25 : i32
      %scan3A_46 = arith.addi %scan3A_44, %scan3A_45 : i32
      %scan3A_47 = arith.constant 1 : i32
      scf.for %scan3A_238 = %scan3A_44 to %scan3A_46 step %scan3A_47  : i32 {
        %mul3A_239 = arith.constant 16 : i32
        %mul3A_240 = arith.muli %scan3A_238, %mul3A_239 : i32
        %iota3A = tpu.iota {dimensions = array<i32: 0>} : vector<16xi32>
        %add3A_241 = vector.broadcast %mul3A_240 : i32 to vector<16xi32>
        %add3A_242 = arith.addi %add3A_241, %iota3A : vector<16xi32>
        %gather3A = tpu.vector_load_idx %arg6[%add3A_242, %broadcast_in_dim3A_43] : memref<400x32xf32, #tpu.memory_space<vmem>>[vector<16xi32>, vector<16xi32>], vector<16xf32>,
        %mul3A_243 = arith.constant 16 : i32
        %mul3A_244 = arith.muli %scan3A_238, %mul3A_243 : i32
        %swap3A = arith.constant 4 : i32
        %swap3A_245 = arith.index_cast %swap3A : i32 to index
        %swap3A_246 = arith.index_cast %mul3A_244 : i32 to index
        %swap3A_247 = tpu.vector_load %arg7[%swap3A_245, %swap3A_246] {strides = array<i32>} : memref<32x400xf32, #tpu.memory_space<vmem>>, vector<16xf32>,
        tpu.vector_store %arg7[%swap3A_245, %swap3A_246], %gather3A {strides = array<i32>} : memref<32x400xf32, #tpu.memory_space<vmem>>, vector<16xf32>,
      }
      %scan3A_48 = arith.constant 25 : i32
      %broadcast_in_dim3A_49 = arith.constant 5 : i32
      %broadcast_in_dim3A_50 = vector.broadcast %broadcast_in_dim3A_49 : i32 to vector<16xi32>
      %scan3A_51 = arith.constant 0 : i32
      %scan3A_52 = arith.constant 25 : i32
      %scan3A_53 = arith.addi %scan3A_51, %scan3A_52 : i32
      %scan3A_54 = arith.constant 1 : i32
      scf.for %scan3A_238 = %scan3A_51 to %scan3A_53 step %scan3A_54  : i32 {
        %mul3A_239 = arith.constant 16 : i32
        %mul3A_240 = arith.muli %scan3A_238, %mul3A_239 : i32
        %iota3A = tpu.iota {dimensions = array<i32: 0>} : vector<16xi32>
        %add3A_241 = vector.broadcast %mul3A_240 : i32 to vector<16xi32>
        %add3A_242 = arith.addi %add3A_241, %iota3A : vector<16xi32>
        %gather3A = tpu.vector_load_idx %arg6[%add3A_242, %broadcast_in_dim3A_50] : memref<400x32xf32, #tpu.memory_space<vmem>>[vector<16xi32>, vector<16xi32>], vector<16xf32>,
        %mul3A_243 = arith.constant 16 : i32
        %mul3A_244 = arith.muli %scan3A_238, %mul3A_243 : i32
        %swap3A = arith.constant 5 : i32
        %swap3A_245 = arith.index_cast %swap3A : i32 to index
        %swap3A_246 = arith.index_cast %mul3A_244 : i32 to index
        %swap3A_247 = tpu.vector_load %arg7[%swap3A_245, %swap3A_246] {strides = array<i32>} : memref<32x400xf32, #tpu.memory_space<vmem>>, vector<16xf32>,
        tpu.vector_store %arg7[%swap3A_245, %swap3A_246], %gather3A {strides = array<i32>} : memref<32x400xf32, #tpu.memory_space<vmem>>, vector<16xf32>,
      }
      %scan3A_55 = arith.constant 25 : i32
      %broadcast_in_dim3A_56 = arith.constant 6 : i32
      %broadcast_in_dim3A_57 = vector.broadcast %broadcast_in_dim3A_56 : i32 to vector<16xi32>
      %scan3A_58 = arith.constant 0 : i32
      %scan3A_59 = arith.constant 25 : i32
      %scan3A_60 = arith.addi %scan3A_58, %scan3A_59 : i32
      %scan3A_61 = arith.constant 1 : i32
      scf.for %scan3A_238 = %scan3A_58 to %scan3A_60 step %scan3A_61  : i32 {
        %mul3A_239 = arith.constant 16 : i32
        %mul3A_240 = arith.muli %scan3A_238, %mul3A_239 : i32
        %iota3A = tpu.iota {dimensions = array<i32: 0>} : vector<16xi32>
        %add3A_241 = vector.broadcast %mul3A_240 : i32 to vector<16xi32>
        %add3A_242 = arith.addi %add3A_241, %iota3A : vector<16xi32>
        %gather3A = tpu.vector_load_idx %arg6[%add3A_242, %broadcast_in_dim3A_57] : memref<400x32xf32, #tpu.memory_space<vmem>>[vector<16xi32>, vector<16xi32>], vector<16xf32>,
        %mul3A_243 = arith.constant 16 : i32
        %mul3A_244 = arith.muli %scan3A_238, %mul3A_243 : i32
        %swap3A = arith.constant 6 : i32
        %swap3A_245 = arith.index_cast %swap3A : i32 to index
        %swap3A_246 = arith.index_cast %mul3A_244 : i32 to index
        %swap3A_247 = tpu.vector_load %arg7[%swap3A_245, %swap3A_246] {strides = array<i32>} : memref<32x400xf32, #tpu.memory_space<vmem>>, vector<16xf32>,
        tpu.vector_store %arg7[%swap3A_245, %swap3A_246], %gather3A {strides = array<i32>} : memref<32x400xf32, #tpu.memory_space<vmem>>, vector<16xf32>,
      }
      %scan3A_62 = arith.constant 25 : i32
      %broadcast_in_dim3A_63 = arith.constant 7 : i32
      %broadcast_in_dim3A_64 = vector.broadcast %broadcast_in_dim3A_63 : i32 to vector<16xi32>
      %scan3A_65 = arith.constant 0 : i32
      %scan3A_66 = arith.constant 25 : i32
      %scan3A_67 = arith.addi %scan3A_65, %scan3A_66 : i32
      %scan3A_68 = arith.constant 1 : i32
      scf.for %scan3A_238 = %scan3A_65 to %scan3A_67 step %scan3A_68  : i32 {
        %mul3A_239 = arith.constant 16 : i32
        %mul3A_240 = arith.muli %scan3A_238, %mul3A_239 : i32
        %iota3A = tpu.iota {dimensions = array<i32: 0>} : vector<16xi32>
        %add3A_241 = vector.broadcast %mul3A_240 : i32 to vector<16xi32>
        %add3A_242 = arith.addi %add3A_241, %iota3A : vector<16xi32>
        %gather3A = tpu.vector_load_idx %arg6[%add3A_242, %broadcast_in_dim3A_64] : memref<400x32xf32, #tpu.memory_space<vmem>>[vector<16xi32>, vector<16xi32>], vector<16xf32>,
        %mul3A_243 = arith.constant 16 : i32
        %mul3A_244 = arith.muli %scan3A_238, %mul3A_243 : i32
        %swap3A = arith.constant 7 : i32
        %swap3A_245 = arith.index_cast %swap3A : i32 to index
        %swap3A_246 = arith.index_cast %mul3A_244 : i32 to index
        %swap3A_247 = tpu.vector_load %arg7[%swap3A_245, %swap3A_246] {strides = array<i32>} : memref<32x400xf32, #tpu.memory_space<vmem>>, vector<16xf32>,
        tpu.vector_store %arg7[%swap3A_245, %swap3A_246], %gather3A {strides = array<i32>} : memref<32x400xf32, #tpu.memory_space<vmem>>, vector<16xf32>,
      }
      %scan3A_69 = arith.constant 25 : i32
      %broadcast_in_dim3A_70 = arith.constant 8 : i32
      %broadcast_in_dim3A_71 = vector.broadcast %broadcast_in_dim3A_70 : i32 to vector<16xi32>
      %scan3A_72 = arith.constant 0 : i32
      %scan3A_73 = arith.constant 25 : i32
      %scan3A_74 = arith.addi %scan3A_72, %scan3A_73 : i32
      %scan3A_75 = arith.constant 1 : i32
      scf.for %scan3A_238 = %scan3A_72 to %scan3A_74 step %scan3A_75  : i32 {
        %mul3A_239 = arith.constant 16 : i32
        %mul3A_240 = arith.muli %scan3A_238, %mul3A_239 : i32
        %iota3A = tpu.iota {dimensions = array<i32: 0>} : vector<16xi32>
        %add3A_241 = vector.broadcast %mul3A_240 : i32 to vector<16xi32>
        %add3A_242 = arith.addi %add3A_241, %iota3A : vector<16xi32>
        %gather3A = tpu.vector_load_idx %arg6[%add3A_242, %broadcast_in_dim3A_71] : memref<400x32xf32, #tpu.memory_space<vmem>>[vector<16xi32>, vector<16xi32>], vector<16xf32>,
        %mul3A_243 = arith.constant 16 : i32
        %mul3A_244 = arith.muli %scan3A_238, %mul3A_243 : i32
        %swap3A = arith.constant 8 : i32
        %swap3A_245 = arith.index_cast %swap3A : i32 to index
        %swap3A_246 = arith.index_cast %mul3A_244 : i32 to index
        %swap3A_247 = tpu.vector_load %arg7[%swap3A_245, %swap3A_246] {strides = array<i32>} : memref<32x400xf32, #tpu.memory_space<vmem>>, vector<16xf32>,
        tpu.vector_store %arg7[%swap3A_245, %swap3A_246], %gather3A {strides = array<i32>} : memref<32x400xf32, #tpu.memory_space<vmem>>, vector<16xf32>,
      }
      %scan3A_76 = arith.constant 25 : i32
      %broadcast_in_dim3A_77 = arith.constant 9 : i32
      %broadcast_in_dim3A_78 = vector.broadcast %broadcast_in_dim3A_77 : i32 to vector<16xi32>
      %scan3A_79 = arith.constant 0 : i32
      %scan3A_80 = arith.constant 25 : i32
      %scan3A_81 = arith.addi %scan3A_79, %scan3A_80 : i32
      %scan3A_82 = arith.constant 1 : i32
      scf.for %scan3A_238 = %scan3A_79 to %scan3A_81 step %scan3A_82  : i32 {
        %mul3A_239 = arith.constant 16 : i32
        %mul3A_240 = arith.muli %scan3A_238, %mul3A_239 : i32
        %iota3A = tpu.iota {dimensions = array<i32: 0>} : vector<16xi32>
        %add3A_241 = vector.broadcast %mul3A_240 : i32 to vector<16xi32>
        %add3A_242 = arith.addi %add3A_241, %iota3A : vector<16xi32>
        %gather3A = tpu.vector_load_idx %arg6[%add3A_242, %broadcast_in_dim3A_78] : memref<400x32xf32, #tpu.memory_space<vmem>>[vector<16xi32>, vector<16xi32>], vector<16xf32>,
        %mul3A_243 = arith.constant 16 : i32
        %mul3A_244 = arith.muli %scan3A_238, %mul3A_243 : i32
        %swap3A = arith.constant 9 : i32
        %swap3A_245 = arith.index_cast %swap3A : i32 to index
        %swap3A_246 = arith.index_cast %mul3A_244 : i32 to index
        %swap3A_247 = tpu.vector_load %arg7[%swap3A_245, %swap3A_246] {strides = array<i32>} : memref<32x400xf32, #tpu.memory_space<vmem>>, vector<16xf32>,
        tpu.vector_store %arg7[%swap3A_245, %swap3A_246], %gather3A {strides = array<i32>} : memref<32x400xf32, #tpu.memory_space<vmem>>, vector<16xf32>,
      }
      %scan3A_83 = arith.constant 25 : i32
      %broadcast_in_dim3A_84 = arith.constant 10 : i32
      %broadcast_in_dim3A_85 = vector.broadcast %broadcast_in_dim3A_84 : i32 to vector<16xi32>
      %scan3A_86 = arith.constant 0 : i32
      %scan3A_87 = arith.constant 25 : i32
      %scan3A_88 = arith.addi %scan3A_86, %scan3A_87 : i32
      %scan3A_89 = arith.constant 1 : i32
      scf.for %scan3A_238 = %scan3A_86 to %scan3A_88 step %scan3A_89  : i32 {
        %mul3A_239 = arith.constant 16 : i32
        %mul3A_240 = arith.muli %scan3A_238, %mul3A_239 : i32
        %iota3A = tpu.iota {dimensions = array<i32: 0>} : vector<16xi32>
        %add3A_241 = vector.broadcast %mul3A_240 : i32 to vector<16xi32>
        %add3A_242 = arith.addi %add3A_241, %iota3A : vector<16xi32>
        %gather3A = tpu.vector_load_idx %arg6[%add3A_242, %broadcast_in_dim3A_85] : memref<400x32xf32, #tpu.memory_space<vmem>>[vector<16xi32>, vector<16xi32>], vector<16xf32>,
        %mul3A_243 = arith.constant 16 : i32
        %mul3A_244 = arith.muli %scan3A_238, %mul3A_243 : i32
        %swap3A = arith.constant 10 : i32
        %swap3A_245 = arith.index_cast %swap3A : i32 to index
        %swap3A_246 = arith.index_cast %mul3A_244 : i32 to index
        %swap3A_247 = tpu.vector_load %arg7[%swap3A_245, %swap3A_246] {strides = array<i32>} : memref<32x400xf32, #tpu.memory_space<vmem>>, vector<16xf32>,
        tpu.vector_store %arg7[%swap3A_245, %swap3A_246], %gather3A {strides = array<i32>} : memref<32x400xf32, #tpu.memory_space<vmem>>, vector<16xf32>,
      }
      %scan3A_90 = arith.constant 25 : i32
      %broadcast_in_dim3A_91 = arith.constant 11 : i32
      %broadcast_in_dim3A_92 = vector.broadcast %broadcast_in_dim3A_91 : i32 to vector<16xi32>
      %scan3A_93 = arith.constant 0 : i32
      %scan3A_94 = arith.constant 25 : i32
      %scan3A_95 = arith.addi %scan3A_93, %scan3A_94 : i32
      %scan3A_96 = arith.constant 1 : i32
      scf.for %scan3A_238 = %scan3A_93 to %scan3A_95 step %scan3A_96  : i32 {
        %mul3A_239 = arith.constant 16 : i32
        %mul3A_240 = arith.muli %scan3A_238, %mul3A_239 : i32
        %iota3A = tpu.iota {dimensions = array<i32: 0>} : vector<16xi32>
        %add3A_241 = vector.broadcast %mul3A_240 : i32 to vector<16xi32>
        %add3A_242 = arith.addi %add3A_241, %iota3A : vector<16xi32>
        %gather3A = tpu.vector_load_idx %arg6[%add3A_242, %broadcast_in_dim3A_92] : memref<400x32xf32, #tpu.memory_space<vmem>>[vector<16xi32>, vector<16xi32>], vector<16xf32>,
        %mul3A_243 = arith.constant 16 : i32
        %mul3A_244 = arith.muli %scan3A_238, %mul3A_243 : i32
        %swap3A = arith.constant 11 : i32
        %swap3A_245 = arith.index_cast %swap3A : i32 to index
        %swap3A_246 = arith.index_cast %mul3A_244 : i32 to index
        %swap3A_247 = tpu.vector_load %arg7[%swap3A_245, %swap3A_246] {strides = array<i32>} : memref<32x400xf32, #tpu.memory_space<vmem>>, vector<16xf32>,
        tpu.vector_store %arg7[%swap3A_245, %swap3A_246], %gather3A {strides = array<i32>} : memref<32x400xf32, #tpu.memory_space<vmem>>, vector<16xf32>,
      }
      %scan3A_97 = arith.constant 25 : i32
      %broadcast_in_dim3A_98 = arith.constant 12 : i32
      %broadcast_in_dim3A_99 = vector.broadcast %broadcast_in_dim3A_98 : i32 to vector<16xi32>
      %scan3A_100 = arith.constant 0 : i32
      %scan3A_101 = arith.constant 25 : i32
      %scan3A_102 = arith.addi %scan3A_100, %scan3A_101 : i32
      %scan3A_103 = arith.constant 1 : i32
      scf.for %scan3A_238 = %scan3A_100 to %scan3A_102 step %scan3A_103  : i32 {
        %mul3A_239 = arith.constant 16 : i32
        %mul3A_240 = arith.muli %scan3A_238, %mul3A_239 : i32
        %iota3A = tpu.iota {dimensions = array<i32: 0>} : vector<16xi32>
        %add3A_241 = vector.broadcast %mul3A_240 : i32 to vector<16xi32>
        %add3A_242 = arith.addi %add3A_241, %iota3A : vector<16xi32>
        %gather3A = tpu.vector_load_idx %arg6[%add3A_242, %broadcast_in_dim3A_99] : memref<400x32xf32, #tpu.memory_space<vmem>>[vector<16xi32>, vector<16xi32>], vector<16xf32>,
        %mul3A_243 = arith.constant 16 : i32
        %mul3A_244 = arith.muli %scan3A_238, %mul3A_243 : i32
        %swap3A = arith.constant 12 : i32
        %swap3A_245 = arith.index_cast %swap3A : i32 to index
        %swap3A_246 = arith.index_cast %mul3A_244 : i32 to index
        %swap3A_247 = tpu.vector_load %arg7[%swap3A_245, %swap3A_246] {strides = array<i32>} : memref<32x400xf32, #tpu.memory_space<vmem>>, vector<16xf32>,
        tpu.vector_store %arg7[%swap3A_245, %swap3A_246], %gather3A {strides = array<i32>} : memref<32x400xf32, #tpu.memory_space<vmem>>, vector<16xf32>,
      }
      %scan3A_104 = arith.constant 25 : i32
      %broadcast_in_dim3A_105 = arith.constant 13 : i32
      %broadcast_in_dim3A_106 = vector.broadcast %broadcast_in_dim3A_105 : i32 to vector<16xi32>
      %scan3A_107 = arith.constant 0 : i32
      %scan3A_108 = arith.constant 25 : i32
      %scan3A_109 = arith.addi %scan3A_107, %scan3A_108 : i32
      %scan3A_110 = arith.constant 1 : i32
      scf.for %scan3A_238 = %scan3A_107 to %scan3A_109 step %scan3A_110  : i32 {
        %mul3A_239 = arith.constant 16 : i32
        %mul3A_240 = arith.muli %scan3A_238, %mul3A_239 : i32
        %iota3A = tpu.iota {dimensions = array<i32: 0>} : vector<16xi32>
        %add3A_241 = vector.broadcast %mul3A_240 : i32 to vector<16xi32>
        %add3A_242 = arith.addi %add3A_241, %iota3A : vector<16xi32>
        %gather3A = tpu.vector_load_idx %arg6[%add3A_242, %broadcast_in_dim3A_106] : memref<400x32xf32, #tpu.memory_space<vmem>>[vector<16xi32>, vector<16xi32>], vector<16xf32>,
        %mul3A_243 = arith.constant 16 : i32
        %mul3A_244 = arith.muli %scan3A_238, %mul3A_243 : i32
        %swap3A = arith.constant 13 : i32
        %swap3A_245 = arith.index_cast %swap3A : i32 to index
        %swap3A_246 = arith.index_cast %mul3A_244 : i32 to index
        %swap3A_247 = tpu.vector_load %arg7[%swap3A_245, %swap3A_246] {strides = array<i32>} : memref<32x400xf32, #tpu.memory_space<vmem>>, vector<16xf32>,
        tpu.vector_store %arg7[%swap3A_245, %swap3A_246], %gather3A {strides = array<i32>} : memref<32x400xf32, #tpu.memory_space<vmem>>, vector<16xf32>,
      }
      %scan3A_111 = arith.constant 25 : i32
      %broadcast_in_dim3A_112 = arith.constant 14 : i32
      %broadcast_in_dim3A_113 = vector.broadcast %broadcast_in_dim3A_112 : i32 to vector<16xi32>
      %scan3A_114 = arith.constant 0 : i32
      %scan3A_115 = arith.constant 25 : i32
      %scan3A_116 = arith.addi %scan3A_114, %scan3A_115 : i32
      %scan3A_117 = arith.constant 1 : i32
      scf.for %scan3A_238 = %scan3A_114 to %scan3A_116 step %scan3A_117  : i32 {
        %mul3A_239 = arith.constant 16 : i32
        %mul3A_240 = arith.muli %scan3A_238, %mul3A_239 : i32
        %iota3A = tpu.iota {dimensions = array<i32: 0>} : vector<16xi32>
        %add3A_241 = vector.broadcast %mul3A_240 : i32 to vector<16xi32>
        %add3A_242 = arith.addi %add3A_241, %iota3A : vector<16xi32>
        %gather3A = tpu.vector_load_idx %arg6[%add3A_242, %broadcast_in_dim3A_113] : memref<400x32xf32, #tpu.memory_space<vmem>>[vector<16xi32>, vector<16xi32>], vector<16xf32>,
        %mul3A_243 = arith.constant 16 : i32
        %mul3A_244 = arith.muli %scan3A_238, %mul3A_243 : i32
        %swap3A = arith.constant 14 : i32
        %swap3A_245 = arith.index_cast %swap3A : i32 to index
        %swap3A_246 = arith.index_cast %mul3A_244 : i32 to index
        %swap3A_247 = tpu.vector_load %arg7[%swap3A_245, %swap3A_246] {strides = array<i32>} : memref<32x400xf32, #tpu.memory_space<vmem>>, vector<16xf32>,
        tpu.vector_store %arg7[%swap3A_245, %swap3A_246], %gather3A {strides = array<i32>} : memref<32x400xf32, #tpu.memory_space<vmem>>, vector<16xf32>,
      }
      %scan3A_118 = arith.constant 25 : i32
      %broadcast_in_dim3A_119 = arith.constant 15 : i32
      %broadcast_in_dim3A_120 = vector.broadcast %broadcast_in_dim3A_119 : i32 to vector<16xi32>
      %scan3A_121 = arith.constant 0 : i32
      %scan3A_122 = arith.constant 25 : i32
      %scan3A_123 = arith.addi %scan3A_121, %scan3A_122 : i32
      %scan3A_124 = arith.constant 1 : i32
      scf.for %scan3A_238 = %scan3A_121 to %scan3A_123 step %scan3A_124  : i32 {
        %mul3A_239 = arith.constant 16 : i32
        %mul3A_240 = arith.muli %scan3A_238, %mul3A_239 : i32
        %iota3A = tpu.iota {dimensions = array<i32: 0>} : vector<16xi32>
        %add3A_241 = vector.broadcast %mul3A_240 : i32 to vector<16xi32>
        %add3A_242 = arith.addi %add3A_241, %iota3A : vector<16xi32>
        %gather3A = tpu.vector_load_idx %arg6[%add3A_242, %broadcast_in_dim3A_120] : memref<400x32xf32, #tpu.memory_space<vmem>>[vector<16xi32>, vector<16xi32>], vector<16xf32>,
        %mul3A_243 = arith.constant 16 : i32
        %mul3A_244 = arith.muli %scan3A_238, %mul3A_243 : i32
        %swap3A = arith.constant 15 : i32
        %swap3A_245 = arith.index_cast %swap3A : i32 to index
        %swap3A_246 = arith.index_cast %mul3A_244 : i32 to index
        %swap3A_247 = tpu.vector_load %arg7[%swap3A_245, %swap3A_246] {strides = array<i32>} : memref<32x400xf32, #tpu.memory_space<vmem>>, vector<16xf32>,
        tpu.vector_store %arg7[%swap3A_245, %swap3A_246], %gather3A {strides = array<i32>} : memref<32x400xf32, #tpu.memory_space<vmem>>, vector<16xf32>,
      }
      %scan3A_125 = arith.constant 25 : i32
      %broadcast_in_dim3A_126 = arith.constant 16 : i32
      %broadcast_in_dim3A_127 = vector.broadcast %broadcast_in_dim3A_126 : i32 to vector<16xi32>
      %scan3A_128 = arith.constant 0 : i32
      %scan3A_129 = arith.constant 25 : i32
      %scan3A_130 = arith.addi %scan3A_128, %scan3A_129 : i32
      %scan3A_131 = arith.constant 1 : i32
      scf.for %scan3A_238 = %scan3A_128 to %scan3A_130 step %scan3A_131  : i32 {
        %mul3A_239 = arith.constant 16 : i32
        %mul3A_240 = arith.muli %scan3A_238, %mul3A_239 : i32
        %iota3A = tpu.iota {dimensions = array<i32: 0>} : vector<16xi32>
        %add3A_241 = vector.broadcast %mul3A_240 : i32 to vector<16xi32>
        %add3A_242 = arith.addi %add3A_241, %iota3A : vector<16xi32>
        %gather3A = tpu.vector_load_idx %arg6[%add3A_242, %broadcast_in_dim3A_127] : memref<400x32xf32, #tpu.memory_space<vmem>>[vector<16xi32>, vector<16xi32>], vector<16xf32>,
        %mul3A_243 = arith.constant 16 : i32
        %mul3A_244 = arith.muli %scan3A_238, %mul3A_243 : i32
        %swap3A = arith.constant 16 : i32
        %swap3A_245 = arith.index_cast %swap3A : i32 to index
        %swap3A_246 = arith.index_cast %mul3A_244 : i32 to index
        %swap3A_247 = tpu.vector_load %arg7[%swap3A_245, %swap3A_246] {strides = array<i32>} : memref<32x400xf32, #tpu.memory_space<vmem>>, vector<16xf32>,
        tpu.vector_store %arg7[%swap3A_245, %swap3A_246], %gather3A {strides = array<i32>} : memref<32x400xf32, #tpu.memory_space<vmem>>, vector<16xf32>,
      }
      %scan3A_132 = arith.constant 25 : i32
      %broadcast_in_dim3A_133 = arith.constant 17 : i32
      %broadcast_in_dim3A_134 = vector.broadcast %broadcast_in_dim3A_133 : i32 to vector<16xi32>
      %scan3A_135 = arith.constant 0 : i32
      %scan3A_136 = arith.constant 25 : i32
      %scan3A_137 = arith.addi %scan3A_135, %scan3A_136 : i32
      %scan3A_138 = arith.constant 1 : i32
      scf.for %scan3A_238 = %scan3A_135 to %scan3A_137 step %scan3A_138  : i32 {
        %mul3A_239 = arith.constant 16 : i32
        %mul3A_240 = arith.muli %scan3A_238, %mul3A_239 : i32
        %iota3A = tpu.iota {dimensions = array<i32: 0>} : vector<16xi32>
        %add3A_241 = vector.broadcast %mul3A_240 : i32 to vector<16xi32>
        %add3A_242 = arith.addi %add3A_241, %iota3A : vector<16xi32>
        %gather3A = tpu.vector_load_idx %arg6[%add3A_242, %broadcast_in_dim3A_134] : memref<400x32xf32, #tpu.memory_space<vmem>>[vector<16xi32>, vector<16xi32>], vector<16xf32>,
        %mul3A_243 = arith.constant 16 : i32
        %mul3A_244 = arith.muli %scan3A_238, %mul3A_243 : i32
        %swap3A = arith.constant 17 : i32
        %swap3A_245 = arith.index_cast %swap3A : i32 to index
        %swap3A_246 = arith.index_cast %mul3A_244 : i32 to index
        %swap3A_247 = tpu.vector_load %arg7[%swap3A_245, %swap3A_246] {strides = array<i32>} : memref<32x400xf32, #tpu.memory_space<vmem>>, vector<16xf32>,
        tpu.vector_store %arg7[%swap3A_245, %swap3A_246], %gather3A {strides = array<i32>} : memref<32x400xf32, #tpu.memory_space<vmem>>, vector<16xf32>,
      }
      %scan3A_139 = arith.constant 25 : i32
      %broadcast_in_dim3A_140 = arith.constant 18 : i32
      %broadcast_in_dim3A_141 = vector.broadcast %broadcast_in_dim3A_140 : i32 to vector<16xi32>
      %scan3A_142 = arith.constant 0 : i32
      %scan3A_143 = arith.constant 25 : i32
      %scan3A_144 = arith.addi %scan3A_142, %scan3A_143 : i32
      %scan3A_145 = arith.constant 1 : i32
      scf.for %scan3A_238 = %scan3A_142 to %scan3A_144 step %scan3A_145  : i32 {
        %mul3A_239 = arith.constant 16 : i32
        %mul3A_240 = arith.muli %scan3A_238, %mul3A_239 : i32
        %iota3A = tpu.iota {dimensions = array<i32: 0>} : vector<16xi32>
        %add3A_241 = vector.broadcast %mul3A_240 : i32 to vector<16xi32>
        %add3A_242 = arith.addi %add3A_241, %iota3A : vector<16xi32>
        %gather3A = tpu.vector_load_idx %arg6[%add3A_242, %broadcast_in_dim3A_141] : memref<400x32xf32, #tpu.memory_space<vmem>>[vector<16xi32>, vector<16xi32>], vector<16xf32>,
        %mul3A_243 = arith.constant 16 : i32
        %mul3A_244 = arith.muli %scan3A_238, %mul3A_243 : i32
        %swap3A = arith.constant 18 : i32
        %swap3A_245 = arith.index_cast %swap3A : i32 to index
        %swap3A_246 = arith.index_cast %mul3A_244 : i32 to index
        %swap3A_247 = tpu.vector_load %arg7[%swap3A_245, %swap3A_246] {strides = array<i32>} : memref<32x400xf32, #tpu.memory_space<vmem>>, vector<16xf32>,
        tpu.vector_store %arg7[%swap3A_245, %swap3A_246], %gather3A {strides = array<i32>} : memref<32x400xf32, #tpu.memory_space<vmem>>, vector<16xf32>,
      }
      %scan3A_146 = arith.constant 25 : i32
      %broadcast_in_dim3A_147 = arith.constant 19 : i32
      %broadcast_in_dim3A_148 = vector.broadcast %broadcast_in_dim3A_147 : i32 to vector<16xi32>
      %scan3A_149 = arith.constant 0 : i32
      %scan3A_150 = arith.constant 25 : i32
      %scan3A_151 = arith.addi %scan3A_149, %scan3A_150 : i32
      %scan3A_152 = arith.constant 1 : i32
      scf.for %scan3A_238 = %scan3A_149 to %scan3A_151 step %scan3A_152  : i32 {
        %mul3A_239 = arith.constant 16 : i32
        %mul3A_240 = arith.muli %scan3A_238, %mul3A_239 : i32
        %iota3A = tpu.iota {dimensions = array<i32: 0>} : vector<16xi32>
        %add3A_241 = vector.broadcast %mul3A_240 : i32 to vector<16xi32>
        %add3A_242 = arith.addi %add3A_241, %iota3A : vector<16xi32>
        %gather3A = tpu.vector_load_idx %arg6[%add3A_242, %broadcast_in_dim3A_148] : memref<400x32xf32, #tpu.memory_space<vmem>>[vector<16xi32>, vector<16xi32>], vector<16xf32>,
        %mul3A_243 = arith.constant 16 : i32
        %mul3A_244 = arith.muli %scan3A_238, %mul3A_243 : i32
        %swap3A = arith.constant 19 : i32
        %swap3A_245 = arith.index_cast %swap3A : i32 to index
        %swap3A_246 = arith.index_cast %mul3A_244 : i32 to index
        %swap3A_247 = tpu.vector_load %arg7[%swap3A_245, %swap3A_246] {strides = array<i32>} : memref<32x400xf32, #tpu.memory_space<vmem>>, vector<16xf32>,
        tpu.vector_store %arg7[%swap3A_245, %swap3A_246], %gather3A {strides = array<i32>} : memref<32x400xf32, #tpu.memory_space<vmem>>, vector<16xf32>,
      }
      %scan3A_153 = arith.constant 25 : i32
      %broadcast_in_dim3A_154 = arith.constant 20 : i32
      %broadcast_in_dim3A_155 = vector.broadcast %broadcast_in_dim3A_154 : i32 to vector<16xi32>
      %scan3A_156 = arith.constant 0 : i32
      %scan3A_157 = arith.constant 25 : i32
      %scan3A_158 = arith.addi %scan3A_156, %scan3A_157 : i32
      %scan3A_159 = arith.constant 1 : i32
      scf.for %scan3A_238 = %scan3A_156 to %scan3A_158 step %scan3A_159  : i32 {
        %mul3A_239 = arith.constant 16 : i32
        %mul3A_240 = arith.muli %scan3A_238, %mul3A_239 : i32
        %iota3A = tpu.iota {dimensions = array<i32: 0>} : vector<16xi32>
        %add3A_241 = vector.broadcast %mul3A_240 : i32 to vector<16xi32>
        %add3A_242 = arith.addi %add3A_241, %iota3A : vector<16xi32>
        %gather3A = tpu.vector_load_idx %arg6[%add3A_242, %broadcast_in_dim3A_155] : memref<400x32xf32, #tpu.memory_space<vmem>>[vector<16xi32>, vector<16xi32>], vector<16xf32>,
        %mul3A_243 = arith.constant 16 : i32
        %mul3A_244 = arith.muli %scan3A_238, %mul3A_243 : i32
        %swap3A = arith.constant 20 : i32
        %swap3A_245 = arith.index_cast %swap3A : i32 to index
        %swap3A_246 = arith.index_cast %mul3A_244 : i32 to index
        %swap3A_247 = tpu.vector_load %arg7[%swap3A_245, %swap3A_246] {strides = array<i32>} : memref<32x400xf32, #tpu.memory_space<vmem>>, vector<16xf32>,
        tpu.vector_store %arg7[%swap3A_245, %swap3A_246], %gather3A {strides = array<i32>} : memref<32x400xf32, #tpu.memory_space<vmem>>, vector<16xf32>,
      }
      %scan3A_160 = arith.constant 25 : i32
      %broadcast_in_dim3A_161 = arith.constant 21 : i32
      %broadcast_in_dim3A_162 = vector.broadcast %broadcast_in_dim3A_161 : i32 to vector<16xi32>
      %scan3A_163 = arith.constant 0 : i32
      %scan3A_164 = arith.constant 25 : i32
      %scan3A_165 = arith.addi %scan3A_163, %scan3A_164 : i32
      %scan3A_166 = arith.constant 1 : i32
      scf.for %scan3A_238 = %scan3A_163 to %scan3A_165 step %scan3A_166  : i32 {
        %mul3A_239 = arith.constant 16 : i32
        %mul3A_240 = arith.muli %scan3A_238, %mul3A_239 : i32
        %iota3A = tpu.iota {dimensions = array<i32: 0>} : vector<16xi32>
        %add3A_241 = vector.broadcast %mul3A_240 : i32 to vector<16xi32>
        %add3A_242 = arith.addi %add3A_241, %iota3A : vector<16xi32>
        %gather3A = tpu.vector_load_idx %arg6[%add3A_242, %broadcast_in_dim3A_162] : memref<400x32xf32, #tpu.memory_space<vmem>>[vector<16xi32>, vector<16xi32>], vector<16xf32>,
        %mul3A_243 = arith.constant 16 : i32
        %mul3A_244 = arith.muli %scan3A_238, %mul3A_243 : i32
        %swap3A = arith.constant 21 : i32
        %swap3A_245 = arith.index_cast %swap3A : i32 to index
        %swap3A_246 = arith.index_cast %mul3A_244 : i32 to index
        %swap3A_247 = tpu.vector_load %arg7[%swap3A_245, %swap3A_246] {strides = array<i32>} : memref<32x400xf32, #tpu.memory_space<vmem>>, vector<16xf32>,
        tpu.vector_store %arg7[%swap3A_245, %swap3A_246], %gather3A {strides = array<i32>} : memref<32x400xf32, #tpu.memory_space<vmem>>, vector<16xf32>,
      }
      %scan3A_167 = arith.constant 25 : i32
      %broadcast_in_dim3A_168 = arith.constant 22 : i32
      %broadcast_in_dim3A_169 = vector.broadcast %broadcast_in_dim3A_168 : i32 to vector<16xi32>
      %scan3A_170 = arith.constant 0 : i32
      %scan3A_171 = arith.constant 25 : i32
      %scan3A_172 = arith.addi %scan3A_170, %scan3A_171 : i32
      %scan3A_173 = arith.constant 1 : i32
      scf.for %scan3A_238 = %scan3A_170 to %scan3A_172 step %scan3A_173  : i32 {
        %mul3A_239 = arith.constant 16 : i32
        %mul3A_240 = arith.muli %scan3A_238, %mul3A_239 : i32
        %iota3A = tpu.iota {dimensions = array<i32: 0>} : vector<16xi32>
        %add3A_241 = vector.broadcast %mul3A_240 : i32 to vector<16xi32>
        %add3A_242 = arith.addi %add3A_241, %iota3A : vector<16xi32>
        %gather3A = tpu.vector_load_idx %arg6[%add3A_242, %broadcast_in_dim3A_169] : memref<400x32xf32, #tpu.memory_space<vmem>>[vector<16xi32>, vector<16xi32>], vector<16xf32>,
        %mul3A_243 = arith.constant 16 : i32
        %mul3A_244 = arith.muli %scan3A_238, %mul3A_243 : i32
        %swap3A = arith.constant 22 : i32
        %swap3A_245 = arith.index_cast %swap3A : i32 to index
        %swap3A_246 = arith.index_cast %mul3A_244 : i32 to index
        %swap3A_247 = tpu.vector_load %arg7[%swap3A_245, %swap3A_246] {strides = array<i32>} : memref<32x400xf32, #tpu.memory_space<vmem>>, vector<16xf32>,
        tpu.vector_store %arg7[%swap3A_245, %swap3A_246], %gather3A {strides = array<i32>} : memref<32x400xf32, #tpu.memory_space<vmem>>, vector<16xf32>,
      }
      %scan3A_174 = arith.constant 25 : i32
      %broadcast_in_dim3A_175 = arith.constant 23 : i32
      %broadcast_in_dim3A_176 = vector.broadcast %broadcast_in_dim3A_175 : i32 to vector<16xi32>
      %scan3A_177 = arith.constant 0 : i32
      %scan3A_178 = arith.constant 25 : i32
      %scan3A_179 = arith.addi %scan3A_177, %scan3A_178 : i32
      %scan3A_180 = arith.constant 1 : i32
      scf.for %scan3A_238 = %scan3A_177 to %scan3A_179 step %scan3A_180  : i32 {
        %mul3A_239 = arith.constant 16 : i32
        %mul3A_240 = arith.muli %scan3A_238, %mul3A_239 : i32
        %iota3A = tpu.iota {dimensions = array<i32: 0>} : vector<16xi32>
        %add3A_241 = vector.broadcast %mul3A_240 : i32 to vector<16xi32>
        %add3A_242 = arith.addi %add3A_241, %iota3A : vector<16xi32>
        %gather3A = tpu.vector_load_idx %arg6[%add3A_242, %broadcast_in_dim3A_176] : memref<400x32xf32, #tpu.memory_space<vmem>>[vector<16xi32>, vector<16xi32>], vector<16xf32>,
        %mul3A_243 = arith.constant 16 : i32
        %mul3A_244 = arith.muli %scan3A_238, %mul3A_243 : i32
        %swap3A = arith.constant 23 : i32
        %swap3A_245 = arith.index_cast %swap3A : i32 to index
        %swap3A_246 = arith.index_cast %mul3A_244 : i32 to index
        %swap3A_247 = tpu.vector_load %arg7[%swap3A_245, %swap3A_246] {strides = array<i32>} : memref<32x400xf32, #tpu.memory_space<vmem>>, vector<16xf32>,
        tpu.vector_store %arg7[%swap3A_245, %swap3A_246], %gather3A {strides = array<i32>} : memref<32x400xf32, #tpu.memory_space<vmem>>, vector<16xf32>,
      }
      %scan3A_181 = arith.constant 25 : i32
      %broadcast_in_dim3A_182 = arith.constant 24 : i32
      %broadcast_in_dim3A_183 = vector.broadcast %broadcast_in_dim3A_182 : i32 to vector<16xi32>
      %scan3A_184 = arith.constant 0 : i32
      %scan3A_185 = arith.constant 25 : i32
      %scan3A_186 = arith.addi %scan3A_184, %scan3A_185 : i32
      %scan3A_187 = arith.constant 1 : i32
      scf.for %scan3A_238 = %scan3A_184 to %scan3A_186 step %scan3A_187  : i32 {
        %mul3A_239 = arith.constant 16 : i32
        %mul3A_240 = arith.muli %scan3A_238, %mul3A_239 : i32
        %iota3A = tpu.iota {dimensions = array<i32: 0>} : vector<16xi32>
        %add3A_241 = vector.broadcast %mul3A_240 : i32 to vector<16xi32>
        %add3A_242 = arith.addi %add3A_241, %iota3A : vector<16xi32>
        %gather3A = tpu.vector_load_idx %arg6[%add3A_242, %broadcast_in_dim3A_183] : memref<400x32xf32, #tpu.memory_space<vmem>>[vector<16xi32>, vector<16xi32>], vector<16xf32>,
        %mul3A_243 = arith.constant 16 : i32
        %mul3A_244 = arith.muli %scan3A_238, %mul3A_243 : i32
        %swap3A = arith.constant 24 : i32
        %swap3A_245 = arith.index_cast %swap3A : i32 to index
        %swap3A_246 = arith.index_cast %mul3A_244 : i32 to index
        %swap3A_247 = tpu.vector_load %arg7[%swap3A_245, %swap3A_246] {strides = array<i32>} : memref<32x400xf32, #tpu.memory_space<vmem>>, vector<16xf32>,
        tpu.vector_store %arg7[%swap3A_245, %swap3A_246], %gather3A {strides = array<i32>} : memref<32x400xf32, #tpu.memory_space<vmem>>, vector<16xf32>,
      }
      %scan3A_188 = arith.constant 25 : i32
      %broadcast_in_dim3A_189 = arith.constant 25 : i32
      %broadcast_in_dim3A_190 = vector.broadcast %broadcast_in_dim3A_189 : i32 to vector<16xi32>
      %scan3A_191 = arith.constant 0 : i32
      %scan3A_192 = arith.constant 25 : i32
      %scan3A_193 = arith.addi %scan3A_191, %scan3A_192 : i32
      %scan3A_194 = arith.constant 1 : i32
      scf.for %scan3A_238 = %scan3A_191 to %scan3A_193 step %scan3A_194  : i32 {
        %mul3A_239 = arith.constant 16 : i32
        %mul3A_240 = arith.muli %scan3A_238, %mul3A_239 : i32
        %iota3A = tpu.iota {dimensions = array<i32: 0>} : vector<16xi32>
        %add3A_241 = vector.broadcast %mul3A_240 : i32 to vector<16xi32>
        %add3A_242 = arith.addi %add3A_241, %iota3A : vector<16xi32>
        %gather3A = tpu.vector_load_idx %arg6[%add3A_242, %broadcast_in_dim3A_190] : memref<400x32xf32, #tpu.memory_space<vmem>>[vector<16xi32>, vector<16xi32>], vector<16xf32>,
        %mul3A_243 = arith.constant 16 : i32
        %mul3A_244 = arith.muli %scan3A_238, %mul3A_243 : i32
        %swap3A = arith.constant 25 : i32
        %swap3A_245 = arith.index_cast %swap3A : i32 to index
        %swap3A_246 = arith.index_cast %mul3A_244 : i32 to index
        %swap3A_247 = tpu.vector_load %arg7[%swap3A_245, %swap3A_246] {strides = array<i32>} : memref<32x400xf32, #tpu.memory_space<vmem>>, vector<16xf32>,
        tpu.vector_store %arg7[%swap3A_245, %swap3A_246], %gather3A {strides = array<i32>} : memref<32x400xf32, #tpu.memory_space<vmem>>, vector<16xf32>,
      }
      %scan3A_195 = arith.constant 25 : i32
      %broadcast_in_dim3A_196 = arith.constant 26 : i32
      %broadcast_in_dim3A_197 = vector.broadcast %broadcast_in_dim3A_196 : i32 to vector<16xi32>
      %scan3A_198 = arith.constant 0 : i32
      %scan3A_199 = arith.constant 25 : i32
      %scan3A_200 = arith.addi %scan3A_198, %scan3A_199 : i32
      %scan3A_201 = arith.constant 1 : i32
      scf.for %scan3A_238 = %scan3A_198 to %scan3A_200 step %scan3A_201  : i32 {
        %mul3A_239 = arith.constant 16 : i32
        %mul3A_240 = arith.muli %scan3A_238, %mul3A_239 : i32
        %iota3A = tpu.iota {dimensions = array<i32: 0>} : vector<16xi32>
        %add3A_241 = vector.broadcast %mul3A_240 : i32 to vector<16xi32>
        %add3A_242 = arith.addi %add3A_241, %iota3A : vector<16xi32>
        %gather3A = tpu.vector_load_idx %arg6[%add3A_242, %broadcast_in_dim3A_197] : memref<400x32xf32, #tpu.memory_space<vmem>>[vector<16xi32>, vector<16xi32>], vector<16xf32>,
        %mul3A_243 = arith.constant 16 : i32
        %mul3A_244 = arith.muli %scan3A_238, %mul3A_243 : i32
        %swap3A = arith.constant 26 : i32
        %swap3A_245 = arith.index_cast %swap3A : i32 to index
        %swap3A_246 = arith.index_cast %mul3A_244 : i32 to index
        %swap3A_247 = tpu.vector_load %arg7[%swap3A_245, %swap3A_246] {strides = array<i32>} : memref<32x400xf32, #tpu.memory_space<vmem>>, vector<16xf32>,
        tpu.vector_store %arg7[%swap3A_245, %swap3A_246], %gather3A {strides = array<i32>} : memref<32x400xf32, #tpu.memory_space<vmem>>, vector<16xf32>,
      }
      %scan3A_202 = arith.constant 25 : i32
      %broadcast_in_dim3A_203 = arith.constant 27 : i32
      %broadcast_in_dim3A_204 = vector.broadcast %broadcast_in_dim3A_203 : i32 to vector<16xi32>
      %scan3A_205 = arith.constant 0 : i32
      %scan3A_206 = arith.constant 25 : i32
      %scan3A_207 = arith.addi %scan3A_205, %scan3A_206 : i32
      %scan3A_208 = arith.constant 1 : i32
      scf.for %scan3A_238 = %scan3A_205 to %scan3A_207 step %scan3A_208  : i32 {
        %mul3A_239 = arith.constant 16 : i32
        %mul3A_240 = arith.muli %scan3A_238, %mul3A_239 : i32
        %iota3A = tpu.iota {dimensions = array<i32: 0>} : vector<16xi32>
        %add3A_241 = vector.broadcast %mul3A_240 : i32 to vector<16xi32>
        %add3A_242 = arith.addi %add3A_241, %iota3A : vector<16xi32>
        %gather3A = tpu.vector_load_idx %arg6[%add3A_242, %broadcast_in_dim3A_204] : memref<400x32xf32, #tpu.memory_space<vmem>>[vector<16xi32>, vector<16xi32>], vector<16xf32>,
        %mul3A_243 = arith.constant 16 : i32
        %mul3A_244 = arith.muli %scan3A_238, %mul3A_243 : i32
        %swap3A = arith.constant 27 : i32
        %swap3A_245 = arith.index_cast %swap3A : i32 to index
        %swap3A_246 = arith.index_cast %mul3A_244 : i32 to index
        %swap3A_247 = tpu.vector_load %arg7[%swap3A_245, %swap3A_246] {strides = array<i32>} : memref<32x400xf32, #tpu.memory_space<vmem>>, vector<16xf32>,
        tpu.vector_store %arg7[%swap3A_245, %swap3A_246], %gather3A {strides = array<i32>} : memref<32x400xf32, #tpu.memory_space<vmem>>, vector<16xf32>,
      }
      %scan3A_209 = arith.constant 25 : i32
      %broadcast_in_dim3A_210 = arith.constant 28 : i32
      %broadcast_in_dim3A_211 = vector.broadcast %broadcast_in_dim3A_210 : i32 to vector<16xi32>
      %scan3A_212 = arith.constant 0 : i32
      %scan3A_213 = arith.constant 25 : i32
      %scan3A_214 = arith.addi %scan3A_212, %scan3A_213 : i32
      %scan3A_215 = arith.constant 1 : i32
      scf.for %scan3A_238 = %scan3A_212 to %scan3A_214 step %scan3A_215  : i32 {
        %mul3A_239 = arith.constant 16 : i32
        %mul3A_240 = arith.muli %scan3A_238, %mul3A_239 : i32
        %iota3A = tpu.iota {dimensions = array<i32: 0>} : vector<16xi32>
        %add3A_241 = vector.broadcast %mul3A_240 : i32 to vector<16xi32>
        %add3A_242 = arith.addi %add3A_241, %iota3A : vector<16xi32>
        %gather3A = tpu.vector_load_idx %arg6[%add3A_242, %broadcast_in_dim3A_211] : memref<400x32xf32, #tpu.memory_space<vmem>>[vector<16xi32>, vector<16xi32>], vector<16xf32>,
        %mul3A_243 = arith.constant 16 : i32
        %mul3A_244 = arith.muli %scan3A_238, %mul3A_243 : i32
        %swap3A = arith.constant 28 : i32
        %swap3A_245 = arith.index_cast %swap3A : i32 to index
        %swap3A_246 = arith.index_cast %mul3A_244 : i32 to index
        %swap3A_247 = tpu.vector_load %arg7[%swap3A_245, %swap3A_246] {strides = array<i32>} : memref<32x400xf32, #tpu.memory_space<vmem>>, vector<16xf32>,
        tpu.vector_store %arg7[%swap3A_245, %swap3A_246], %gather3A {strides = array<i32>} : memref<32x400xf32, #tpu.memory_space<vmem>>, vector<16xf32>,
      }
      %scan3A_216 = arith.constant 25 : i32
      %broadcast_in_dim3A_217 = arith.constant 29 : i32
      %broadcast_in_dim3A_218 = vector.broadcast %broadcast_in_dim3A_217 : i32 to vector<16xi32>
      %scan3A_219 = arith.constant 0 : i32
      %scan3A_220 = arith.constant 25 : i32
      %scan3A_221 = arith.addi %scan3A_219, %scan3A_220 : i32
      %scan3A_222 = arith.constant 1 : i32
      scf.for %scan3A_238 = %scan3A_219 to %scan3A_221 step %scan3A_222  : i32 {
        %mul3A_239 = arith.constant 16 : i32
        %mul3A_240 = arith.muli %scan3A_238, %mul3A_239 : i32
        %iota3A = tpu.iota {dimensions = array<i32: 0>} : vector<16xi32>
        %add3A_241 = vector.broadcast %mul3A_240 : i32 to vector<16xi32>
        %add3A_242 = arith.addi %add3A_241, %iota3A : vector<16xi32>
        %gather3A = tpu.vector_load_idx %arg6[%add3A_242, %broadcast_in_dim3A_218] : memref<400x32xf32, #tpu.memory_space<vmem>>[vector<16xi32>, vector<16xi32>], vector<16xf32>,
        %mul3A_243 = arith.constant 16 : i32
        %mul3A_244 = arith.muli %scan3A_238, %mul3A_243 : i32
        %swap3A = arith.constant 29 : i32
        %swap3A_245 = arith.index_cast %swap3A : i32 to index
        %swap3A_246 = arith.index_cast %mul3A_244 : i32 to index
        %swap3A_247 = tpu.vector_load %arg7[%swap3A_245, %swap3A_246] {strides = array<i32>} : memref<32x400xf32, #tpu.memory_space<vmem>>, vector<16xf32>,
        tpu.vector_store %arg7[%swap3A_245, %swap3A_246], %gather3A {strides = array<i32>} : memref<32x400xf32, #tpu.memory_space<vmem>>, vector<16xf32>,
      }
      %scan3A_223 = arith.constant 25 : i32
      %broadcast_in_dim3A_224 = arith.constant 30 : i32
      %broadcast_in_dim3A_225 = vector.broadcast %broadcast_in_dim3A_224 : i32 to vector<16xi32>
      %scan3A_226 = arith.constant 0 : i32
      %scan3A_227 = arith.constant 25 : i32
      %scan3A_228 = arith.addi %scan3A_226, %scan3A_227 : i32
      %scan3A_229 = arith.constant 1 : i32
      scf.for %scan3A_238 = %scan3A_226 to %scan3A_228 step %scan3A_229  : i32 {
        %mul3A_239 = arith.constant 16 : i32
        %mul3A_240 = arith.muli %scan3A_238, %mul3A_239 : i32
        %iota3A = tpu.iota {dimensions = array<i32: 0>} : vector<16xi32>
        %add3A_241 = vector.broadcast %mul3A_240 : i32 to vector<16xi32>
        %add3A_242 = arith.addi %add3A_241, %iota3A : vector<16xi32>
        %gather3A = tpu.vector_load_idx %arg6[%add3A_242, %broadcast_in_dim3A_225] : memref<400x32xf32, #tpu.memory_space<vmem>>[vector<16xi32>, vector<16xi32>], vector<16xf32>,
        %mul3A_243 = arith.constant 16 : i32
        %mul3A_244 = arith.muli %scan3A_238, %mul3A_243 : i32
        %swap3A = arith.constant 30 : i32
        %swap3A_245 = arith.index_cast %swap3A : i32 to index
        %swap3A_246 = arith.index_cast %mul3A_244 : i32 to index
        %swap3A_247 = tpu.vector_load %arg7[%swap3A_245, %swap3A_246] {strides = array<i32>} : memref<32x400xf32, #tpu.memory_space<vmem>>, vector<16xf32>,
        tpu.vector_store %arg7[%swap3A_245, %swap3A_246], %gather3A {strides = array<i32>} : memref<32x400xf32, #tpu.memory_space<vmem>>, vector<16xf32>,
      }
      %scan3A_230 = arith.constant 25 : i32
      %broadcast_in_dim3A_231 = arith.constant 31 : i32
      %broadcast_in_dim3A_232 = vector.broadcast %broadcast_in_dim3A_231 : i32 to vector<16xi32>
      %scan3A_233 = arith.constant 0 : i32
      %scan3A_234 = arith.constant 25 : i32
      %scan3A_235 = arith.addi %scan3A_233, %scan3A_234 : i32
      %scan3A_236 = arith.constant 1 : i32
      scf.for %scan3A_238 = %scan3A_233 to %scan3A_235 step %scan3A_236  : i32 {
        %mul3A_239 = arith.constant 16 : i32
        %mul3A_240 = arith.muli %scan3A_238, %mul3A_239 : i32
        %iota3A = tpu.iota {dimensions = array<i32: 0>} : vector<16xi32>
        %add3A_241 = vector.broadcast %mul3A_240 : i32 to vector<16xi32>
        %add3A_242 = arith.addi %add3A_241, %iota3A : vector<16xi32>
        %gather3A = tpu.vector_load_idx %arg6[%add3A_242, %broadcast_in_dim3A_232] : memref<400x32xf32, #tpu.memory_space<vmem>>[vector<16xi32>, vector<16xi32>], vector<16xf32>,
        %mul3A_243 = arith.constant 16 : i32
        %mul3A_244 = arith.muli %scan3A_238, %mul3A_243 : i32
        %swap3A = arith.constant 31 : i32
        %swap3A_245 = arith.index_cast %swap3A : i32 to index
        %swap3A_246 = arith.index_cast %mul3A_244 : i32 to index
        %swap3A_247 = tpu.vector_load %arg7[%swap3A_245, %swap3A_246] {strides = array<i32>} : memref<32x400xf32, #tpu.memory_space<vmem>>, vector<16xf32>,
        tpu.vector_store %arg7[%swap3A_245, %swap3A_246], %gather3A {strides = array<i32>} : memref<32x400xf32, #tpu.memory_space<vmem>>, vector<16xf32>,
      }
      %scan3A_237 = arith.constant 25 : i32
      "tpu.region"() ({
        %run_scoped3A = tpu.sem_alloc : memref<!tpu.dma_semaphore, #tpu.memory_space<semaphore_mem>>
        %dma_start3A_238 = arith.constant 0 : i32
        %dma_start3A_239 = tpu.memref_slice %arg4[%dma_start3A_238, %add3A_10] : memref<32x1600000xf32, #tpu.memory_space<hbm>> -> memref<32x400xf32, #tpu.memory_space<hbm>>
        %dma_start3A_240 = arith.constant 0 : i32
        %dma_start3A_241 = tpu.memref_slice %arg4[%dma_start3A_240, %add3A_10] : memref<32x1600000xf32, #tpu.memory_space<hbm>> -> memref<32x400xf32, #tpu.memory_space<hbm>>
        tpu.enqueue_dma source(%arg7 : memref<32x400xf32, #tpu.memory_space<vmem>>) target(%dma_start3A_241 : memref<32x400xf32, #tpu.memory_space<hbm>>) target_semaphore(%run_scoped3A : memref<!tpu.dma_semaphore, #tpu.memory_space<semaphore_mem>>)
        %dma_wait3A_242 = arith.constant 0 : i32
        %dma_wait3A_243 = tpu.memref_slice %arg4[%dma_wait3A_242, %add3A_10] : memref<32x1600000xf32, #tpu.memory_space<hbm>> -> memref<32x400xf32, #tpu.memory_space<hbm>>
        %dma_wait3A_244 = arith.constant 0 : i32
        %dma_wait3A_245 = tpu.memref_slice %arg4[%dma_wait3A_244, %add3A_10] : memref<32x1600000xf32, #tpu.memory_space<hbm>> -> memref<32x400xf32, #tpu.memory_space<hbm>>
        tpu.wait_dma2 semaphore(%run_scoped3A : memref<!tpu.dma_semaphore, #tpu.memory_space<semaphore_mem>>) src(%arg7 : memref<32x400xf32, #tpu.memory_space<vmem>>) dst(%dma_wait3A_245 : memref<32x400xf32, #tpu.memory_space<hbm>>)
        tpu.yield
      }) : () -> ()
    }
    %scan3A_6 = arith.constant 125 : i32
    return
  }
}

#map = affine_map<(d0, d1) -> (0, 0)>
#map1 = affine_map<(d0, d1) -> (0)>
module attributes {stable_mosaic.version = 14 : i64} {
  func.func @_gt_kernel(%arg0: i32, %arg1: i32, %arg2: memref<102400x32xf32, #tpu.memory_space<hbm>>, %arg3: memref<1600000xi32, #tpu.memory_space<hbm>>, %arg4: memref<32x1600000xf32, #tpu.memory_space<hbm>>, %arg5: memref<400xi32, #tpu.memory_space<vmem>>, %arg6: memref<400x32xf32, #tpu.memory_space<vmem>>, %arg7: memref<32x400xf32, #tpu.memory_space<vmem>>, %arg8: memref<!tpu.dma_semaphore, #tpu.memory_space<semaphore_mem>>) attributes {dimension_semantics = [#tpu.dimension_semantics<core_parallel>, #tpu.dimension_semantics<subcore_parallel>], iteration_bounds = array<i64: 2, 16>, scalar_prefetch = 0 : i64, scratch_operands = 4 : i64, tpu.core_type = #tpu.core_type<sc_vector_subcore>, window_params = [{transform_indices = #map}, {transform_indices = #map1}, {transform_indices = #map}]} {
    %mul3A = arith.constant 2 : i32
    %mul3A_0 = arith.muli %arg1, %mul3A : i32
    %add3A = arith.addi %mul3A_0, %arg0 : i32
    %mul3A_1 = arith.constant 50000 : i32
    %mul3A_2 = arith.muli %add3A, %mul3A_1 : i32
    %scan3A = arith.constant 0 : i32
    %scan3A_3 = arith.constant 125 : i32
    %scan3A_4 = arith.addi %scan3A, %scan3A_3 : i32
    %scan3A_5 = arith.constant 1 : i32
    scf.for %scan3A_7 = %scan3A to %scan3A_4 step %scan3A_5  : i32 {
      %mul3A_8 = arith.constant 400 : i32
      %mul3A_9 = arith.muli %scan3A_7, %mul3A_8 : i32
      %add3A_10 = arith.addi %mul3A_2, %mul3A_9 : i32
      "tpu.region"() ({
        %run_scoped3A = tpu.sem_alloc : memref<!tpu.dma_semaphore, #tpu.memory_space<semaphore_mem>>
        %dma_start3A_238 = tpu.memref_slice %arg3[%add3A_10] : memref<1600000xi32, #tpu.memory_space<hbm>> -> memref<400xi32, #tpu.memory_space<hbm>>
        %dma_start3A_239 = tpu.memref_slice %arg3[%add3A_10] : memref<1600000xi32, #tpu.memory_space<hbm>> -> memref<400xi32, #tpu.memory_space<hbm>>
        tpu.enqueue_dma source(%dma_start3A_239 : memref<400xi32, #tpu.memory_space<hbm>>) target(%arg5 : memref<400xi32, #tpu.memory_space<vmem>>) target_semaphore(%run_scoped3A : memref<!tpu.dma_semaphore, #tpu.memory_space<semaphore_mem>>)
        %dma_wait3A_240 = tpu.memref_slice %arg3[%add3A_10] : memref<1600000xi32, #tpu.memory_space<hbm>> -> memref<400xi32, #tpu.memory_space<hbm>>
        %dma_wait3A_241 = tpu.memref_slice %arg3[%add3A_10] : memref<1600000xi32, #tpu.memory_space<hbm>> -> memref<400xi32, #tpu.memory_space<hbm>>
        tpu.wait_dma2 semaphore(%run_scoped3A : memref<!tpu.dma_semaphore, #tpu.memory_space<semaphore_mem>>) src(%dma_wait3A_241 : memref<400xi32, #tpu.memory_space<hbm>>) dst(%arg5 : memref<400xi32, #tpu.memory_space<vmem>>)
        tpu.yield
      }) : () -> ()
      %dma_start3A = arith.constant 0 : i32
      %dma_start3A_11 = arith.constant 0 : i32
      %dma_start3A_12 = tpu.memref_slice %arg2[%dma_start3A, %dma_start3A_11] : memref<102400x32xf32, #tpu.memory_space<hbm>> -> memref<102400x32xf32, #tpu.memory_space<hbm>>
      tpu.enqueue_indirect_dma source(%dma_start3A_12 : memref<102400x32xf32, #tpu.memory_space<hbm>>) target(%arg6 : memref<400x32xf32, #tpu.memory_space<vmem>>) offsets(%arg5 : memref<400xi32, #tpu.memory_space<vmem>>) semaphore(%arg8 : memref<!tpu.dma_semaphore, #tpu.memory_space<semaphore_mem>>)
      %dma_wait3A = arith.constant 0 : i32
      %dma_wait3A_13 = arith.constant 0 : i32
      %dma_wait3A_14 = tpu.memref_slice %arg2[%dma_wait3A, %dma_wait3A_13] : memref<102400x32xf32, #tpu.memory_space<hbm>> -> memref<102400x32xf32, #tpu.memory_space<hbm>>
      tpu.wait_indirect_dma semaphore(%arg8 : memref<!tpu.dma_semaphore, #tpu.memory_space<semaphore_mem>>) src(%dma_wait3A_14 : memref<102400x32xf32, #tpu.memory_space<hbm>>) dst(%arg6 : memref<400x32xf32, #tpu.memory_space<vmem>>)
      %broadcast_in_dim3A = arith.constant 0 : i32
      %broadcast_in_dim3A_15 = vector.broadcast %broadcast_in_dim3A : i32 to vector<16xi32>
      %scan3A_16 = arith.constant 0 : i32
      %scan3A_17 = arith.constant 25 : i32
      %scan3A_18 = arith.addi %scan3A_16, %scan3A_17 : i32
      %scan3A_19 = arith.constant 1 : i32
      scf.for %scan3A_238 = %scan3A_16 to %scan3A_18 step %scan3A_19  : i32 {
        %mul3A_239 = arith.constant 16 : i32
        %mul3A_240 = arith.muli %scan3A_238, %mul3A_239 : i32
        %iota3A = tpu.iota {dimensions = array<i32: 0>} : vector<16xi32>
        %add3A_241 = vector.broadcast %mul3A_240 : i32 to vector<16xi32>
        %add3A_242 = arith.addi %add3A_241, %iota3A : vector<16xi32>
        %gather3A = tpu.vector_load_idx %arg6[%add3A_242, %broadcast_in_dim3A_15] : memref<400x32xf32, #tpu.memory_space<vmem>>[vector<16xi32>, vector<16xi32>], vector<16xf32>,
        %mul3A_243 = arith.constant 16 : i32
        %mul3A_244 = arith.muli %scan3A_238, %mul3A_243 : i32
        %swap3A = arith.constant 0 : i32
        %swap3A_245 = arith.index_cast %swap3A : i32 to index
        %swap3A_246 = arith.index_cast %mul3A_244 : i32 to index
        %swap3A_247 = tpu.vector_load %arg7[%swap3A_245, %swap3A_246] {strides = array<i32>} : memref<32x400xf32, #tpu.memory_space<vmem>>, vector<16xf32>,
        tpu.vector_store %arg7[%swap3A_245, %swap3A_246], %gather3A {strides = array<i32>} : memref<32x400xf32, #tpu.memory_space<vmem>>, vector<16xf32>,
      }
      %scan3A_20 = arith.constant 25 : i32
      %broadcast_in_dim3A_21 = arith.constant 1 : i32
      %broadcast_in_dim3A_22 = vector.broadcast %broadcast_in_dim3A_21 : i32 to vector<16xi32>
      %scan3A_23 = arith.constant 0 : i32
      %scan3A_24 = arith.constant 25 : i32
      %scan3A_25 = arith.addi %scan3A_23, %scan3A_24 : i32
      %scan3A_26 = arith.constant 1 : i32
      scf.for %scan3A_238 = %scan3A_23 to %scan3A_25 step %scan3A_26  : i32 {
        %mul3A_239 = arith.constant 16 : i32
        %mul3A_240 = arith.muli %scan3A_238, %mul3A_239 : i32
        %iota3A = tpu.iota {dimensions = array<i32: 0>} : vector<16xi32>
        %add3A_241 = vector.broadcast %mul3A_240 : i32 to vector<16xi32>
        %add3A_242 = arith.addi %add3A_241, %iota3A : vector<16xi32>
        %gather3A = tpu.vector_load_idx %arg6[%add3A_242, %broadcast_in_dim3A_22] : memref<400x32xf32, #tpu.memory_space<vmem>>[vector<16xi32>, vector<16xi32>], vector<16xf32>,
        %mul3A_243 = arith.constant 16 : i32
        %mul3A_244 = arith.muli %scan3A_238, %mul3A_243 : i32
        %swap3A = arith.constant 1 : i32
        %swap3A_245 = arith.index_cast %swap3A : i32 to index
        %swap3A_246 = arith.index_cast %mul3A_244 : i32 to index
        %swap3A_247 = tpu.vector_load %arg7[%swap3A_245, %swap3A_246] {strides = array<i32>} : memref<32x400xf32, #tpu.memory_space<vmem>>, vector<16xf32>,
        tpu.vector_store %arg7[%swap3A_245, %swap3A_246], %gather3A {strides = array<i32>} : memref<32x400xf32, #tpu.memory_space<vmem>>, vector<16xf32>,
      }
      %scan3A_27 = arith.constant 25 : i32
      %broadcast_in_dim3A_28 = arith.constant 2 : i32
      %broadcast_in_dim3A_29 = vector.broadcast %broadcast_in_dim3A_28 : i32 to vector<16xi32>
      %scan3A_30 = arith.constant 0 : i32
      %scan3A_31 = arith.constant 25 : i32
      %scan3A_32 = arith.addi %scan3A_30, %scan3A_31 : i32
      %scan3A_33 = arith.constant 1 : i32
      scf.for %scan3A_238 = %scan3A_30 to %scan3A_32 step %scan3A_33  : i32 {
        %mul3A_239 = arith.constant 16 : i32
        %mul3A_240 = arith.muli %scan3A_238, %mul3A_239 : i32
        %iota3A = tpu.iota {dimensions = array<i32: 0>} : vector<16xi32>
        %add3A_241 = vector.broadcast %mul3A_240 : i32 to vector<16xi32>
        %add3A_242 = arith.addi %add3A_241, %iota3A : vector<16xi32>
        %gather3A = tpu.vector_load_idx %arg6[%add3A_242, %broadcast_in_dim3A_29] : memref<400x32xf32, #tpu.memory_space<vmem>>[vector<16xi32>, vector<16xi32>], vector<16xf32>,
        %mul3A_243 = arith.constant 16 : i32
        %mul3A_244 = arith.muli %scan3A_238, %mul3A_243 : i32
        %swap3A = arith.constant 2 : i32
        %swap3A_245 = arith.index_cast %swap3A : i32 to index
        %swap3A_246 = arith.index_cast %mul3A_244 : i32 to index
        %swap3A_247 = tpu.vector_load %arg7[%swap3A_245, %swap3A_246] {strides = array<i32>} : memref<32x400xf32, #tpu.memory_space<vmem>>, vector<16xf32>,
        tpu.vector_store %arg7[%swap3A_245, %swap3A_246], %gather3A {strides = array<i32>} : memref<32x400xf32, #tpu.memory_space<vmem>>, vector<16xf32>,
      }
      %scan3A_34 = arith.constant 25 : i32
      %broadcast_in_dim3A_35 = arith.constant 3 : i32
      %broadcast_in_dim3A_36 = vector.broadcast %broadcast_in_dim3A_35 : i32 to vector<16xi32>
      %scan3A_37 = arith.constant 0 : i32
      %scan3A_38 = arith.constant 25 : i32
      %scan3A_39 = arith.addi %scan3A_37, %scan3A_38 : i32
      %scan3A_40 = arith.constant 1 : i32
      scf.for %scan3A_238 = %scan3A_37 to %scan3A_39 step %scan3A_40  : i32 {
        %mul3A_239 = arith.constant 16 : i32
        %mul3A_240 = arith.muli %scan3A_238, %mul3A_239 : i32
        %iota3A = tpu.iota {dimensions = array<i32: 0>} : vector<16xi32>
        %add3A_241 = vector.broadcast %mul3A_240 : i32 to vector<16xi32>
        %add3A_242 = arith.addi %add3A_241, %iota3A : vector<16xi32>
        %gather3A = tpu.vector_load_idx %arg6[%add3A_242, %broadcast_in_dim3A_36] : memref<400x32xf32, #tpu.memory_space<vmem>>[vector<16xi32>, vector<16xi32>], vector<16xf32>,
        %mul3A_243 = arith.constant 16 : i32
        %mul3A_244 = arith.muli %scan3A_238, %mul3A_243 : i32
        %swap3A = arith.constant 3 : i32
        %swap3A_245 = arith.index_cast %swap3A : i32 to index
        %swap3A_246 = arith.index_cast %mul3A_244 : i32 to index
        %swap3A_247 = tpu.vector_load %arg7[%swap3A_245, %swap3A_246] {strides = array<i32>} : memref<32x400xf32, #tpu.memory_space<vmem>>, vector<16xf32>,
        tpu.vector_store %arg7[%swap3A_245, %swap3A_246], %gather3A {strides = array<i32>} : memref<32x400xf32, #tpu.memory_space<vmem>>, vector<16xf32>,
      }
      %scan3A_41 = arith.constant 25 : i32
      %broadcast_in_dim3A_42 = arith.constant 4 : i32
      %broadcast_in_dim3A_43 = vector.broadcast %broadcast_in_dim3A_42 : i32 to vector<16xi32>
      %scan3A_44 = arith.constant 0 : i32
      %scan3A_45 = arith.constant 25 : i32
      %scan3A_46 = arith.addi %scan3A_44, %scan3A_45 : i32
      %scan3A_47 = arith.constant 1 : i32
      scf.for %scan3A_238 = %scan3A_44 to %scan3A_46 step %scan3A_47  : i32 {
        %mul3A_239 = arith.constant 16 : i32
        %mul3A_240 = arith.muli %scan3A_238, %mul3A_239 : i32
        %iota3A = tpu.iota {dimensions = array<i32: 0>} : vector<16xi32>
        %add3A_241 = vector.broadcast %mul3A_240 : i32 to vector<16xi32>
        %add3A_242 = arith.addi %add3A_241, %iota3A : vector<16xi32>
        %gather3A = tpu.vector_load_idx %arg6[%add3A_242, %broadcast_in_dim3A_43] : memref<400x32xf32, #tpu.memory_space<vmem>>[vector<16xi32>, vector<16xi32>], vector<16xf32>,
        %mul3A_243 = arith.constant 16 : i32
        %mul3A_244 = arith.muli %scan3A_238, %mul3A_243 : i32
        %swap3A = arith.constant 4 : i32
        %swap3A_245 = arith.index_cast %swap3A : i32 to index
        %swap3A_246 = arith.index_cast %mul3A_244 : i32 to index
        %swap3A_247 = tpu.vector_load %arg7[%swap3A_245, %swap3A_246] {strides = array<i32>} : memref<32x400xf32, #tpu.memory_space<vmem>>, vector<16xf32>,
        tpu.vector_store %arg7[%swap3A_245, %swap3A_246], %gather3A {strides = array<i32>} : memref<32x400xf32, #tpu.memory_space<vmem>>, vector<16xf32>,
      }
      %scan3A_48 = arith.constant 25 : i32
      %broadcast_in_dim3A_49 = arith.constant 5 : i32
      %broadcast_in_dim3A_50 = vector.broadcast %broadcast_in_dim3A_49 : i32 to vector<16xi32>
      %scan3A_51 = arith.constant 0 : i32
      %scan3A_52 = arith.constant 25 : i32
      %scan3A_53 = arith.addi %scan3A_51, %scan3A_52 : i32
      %scan3A_54 = arith.constant 1 : i32
      scf.for %scan3A_238 = %scan3A_51 to %scan3A_53 step %scan3A_54  : i32 {
        %mul3A_239 = arith.constant 16 : i32
        %mul3A_240 = arith.muli %scan3A_238, %mul3A_239 : i32
        %iota3A = tpu.iota {dimensions = array<i32: 0>} : vector<16xi32>
        %add3A_241 = vector.broadcast %mul3A_240 : i32 to vector<16xi32>
        %add3A_242 = arith.addi %add3A_241, %iota3A : vector<16xi32>
        %gather3A = tpu.vector_load_idx %arg6[%add3A_242, %broadcast_in_dim3A_50] : memref<400x32xf32, #tpu.memory_space<vmem>>[vector<16xi32>, vector<16xi32>], vector<16xf32>,
        %mul3A_243 = arith.constant 16 : i32
        %mul3A_244 = arith.muli %scan3A_238, %mul3A_243 : i32
        %swap3A = arith.constant 5 : i32
        %swap3A_245 = arith.index_cast %swap3A : i32 to index
        %swap3A_246 = arith.index_cast %mul3A_244 : i32 to index
        %swap3A_247 = tpu.vector_load %arg7[%swap3A_245, %swap3A_246] {strides = array<i32>} : memref<32x400xf32, #tpu.memory_space<vmem>>, vector<16xf32>,
        tpu.vector_store %arg7[%swap3A_245, %swap3A_246], %gather3A {strides = array<i32>} : memref<32x400xf32, #tpu.memory_space<vmem>>, vector<16xf32>,
      }
      %scan3A_55 = arith.constant 25 : i32
      %broadcast_in_dim3A_56 = arith.constant 6 : i32
      %broadcast_in_dim3A_57 = vector.broadcast %broadcast_in_dim3A_56 : i32 to vector<16xi32>
      %scan3A_58 = arith.constant 0 : i32
      %scan3A_59 = arith.constant 25 : i32
      %scan3A_60 = arith.addi %scan3A_58, %scan3A_59 : i32
      %scan3A_61 = arith.constant 1 : i32
      scf.for %scan3A_238 = %scan3A_58 to %scan3A_60 step %scan3A_61  : i32 {
        %mul3A_239 = arith.constant 16 : i32
        %mul3A_240 = arith.muli %scan3A_238, %mul3A_239 : i32
        %iota3A = tpu.iota {dimensions = array<i32: 0>} : vector<16xi32>
        %add3A_241 = vector.broadcast %mul3A_240 : i32 to vector<16xi32>
        %add3A_242 = arith.addi %add3A_241, %iota3A : vector<16xi32>
        %gather3A = tpu.vector_load_idx %arg6[%add3A_242, %broadcast_in_dim3A_57] : memref<400x32xf32, #tpu.memory_space<vmem>>[vector<16xi32>, vector<16xi32>], vector<16xf32>,
        %mul3A_243 = arith.constant 16 : i32
        %mul3A_244 = arith.muli %scan3A_238, %mul3A_243 : i32
        %swap3A = arith.constant 6 : i32
        %swap3A_245 = arith.index_cast %swap3A : i32 to index
        %swap3A_246 = arith.index_cast %mul3A_244 : i32 to index
        %swap3A_247 = tpu.vector_load %arg7[%swap3A_245, %swap3A_246] {strides = array<i32>} : memref<32x400xf32, #tpu.memory_space<vmem>>, vector<16xf32>,
        tpu.vector_store %arg7[%swap3A_245, %swap3A_246], %gather3A {strides = array<i32>} : memref<32x400xf32, #tpu.memory_space<vmem>>, vector<16xf32>,
      }
      %scan3A_62 = arith.constant 25 : i32
      %broadcast_in_dim3A_63 = arith.constant 7 : i32
      %broadcast_in_dim3A_64 = vector.broadcast %broadcast_in_dim3A_63 : i32 to vector<16xi32>
      %scan3A_65 = arith.constant 0 : i32
      %scan3A_66 = arith.constant 25 : i32
      %scan3A_67 = arith.addi %scan3A_65, %scan3A_66 : i32
      %scan3A_68 = arith.constant 1 : i32
      scf.for %scan3A_238 = %scan3A_65 to %scan3A_67 step %scan3A_68  : i32 {
        %mul3A_239 = arith.constant 16 : i32
        %mul3A_240 = arith.muli %scan3A_238, %mul3A_239 : i32
        %iota3A = tpu.iota {dimensions = array<i32: 0>} : vector<16xi32>
        %add3A_241 = vector.broadcast %mul3A_240 : i32 to vector<16xi32>
        %add3A_242 = arith.addi %add3A_241, %iota3A : vector<16xi32>
        %gather3A = tpu.vector_load_idx %arg6[%add3A_242, %broadcast_in_dim3A_64] : memref<400x32xf32, #tpu.memory_space<vmem>>[vector<16xi32>, vector<16xi32>], vector<16xf32>,
        %mul3A_243 = arith.constant 16 : i32
        %mul3A_244 = arith.muli %scan3A_238, %mul3A_243 : i32
        %swap3A = arith.constant 7 : i32
        %swap3A_245 = arith.index_cast %swap3A : i32 to index
        %swap3A_246 = arith.index_cast %mul3A_244 : i32 to index
        %swap3A_247 = tpu.vector_load %arg7[%swap3A_245, %swap3A_246] {strides = array<i32>} : memref<32x400xf32, #tpu.memory_space<vmem>>, vector<16xf32>,
        tpu.vector_store %arg7[%swap3A_245, %swap3A_246], %gather3A {strides = array<i32>} : memref<32x400xf32, #tpu.memory_space<vmem>>, vector<16xf32>,
      }
      %scan3A_69 = arith.constant 25 : i32
      %broadcast_in_dim3A_70 = arith.constant 8 : i32
      %broadcast_in_dim3A_71 = vector.broadcast %broadcast_in_dim3A_70 : i32 to vector<16xi32>
      %scan3A_72 = arith.constant 0 : i32
      %scan3A_73 = arith.constant 25 : i32
      %scan3A_74 = arith.addi %scan3A_72, %scan3A_73 : i32
      %scan3A_75 = arith.constant 1 : i32
      scf.for %scan3A_238 = %scan3A_72 to %scan3A_74 step %scan3A_75  : i32 {
        %mul3A_239 = arith.constant 16 : i32
        %mul3A_240 = arith.muli %scan3A_238, %mul3A_239 : i32
        %iota3A = tpu.iota {dimensions = array<i32: 0>} : vector<16xi32>
        %add3A_241 = vector.broadcast %mul3A_240 : i32 to vector<16xi32>
        %add3A_242 = arith.addi %add3A_241, %iota3A : vector<16xi32>
        %gather3A = tpu.vector_load_idx %arg6[%add3A_242, %broadcast_in_dim3A_71] : memref<400x32xf32, #tpu.memory_space<vmem>>[vector<16xi32>, vector<16xi32>], vector<16xf32>,
        %mul3A_243 = arith.constant 16 : i32
        %mul3A_244 = arith.muli %scan3A_238, %mul3A_243 : i32
        %swap3A = arith.constant 8 : i32
        %swap3A_245 = arith.index_cast %swap3A : i32 to index
        %swap3A_246 = arith.index_cast %mul3A_244 : i32 to index
        %swap3A_247 = tpu.vector_load %arg7[%swap3A_245, %swap3A_246] {strides = array<i32>} : memref<32x400xf32, #tpu.memory_space<vmem>>, vector<16xf32>,
        tpu.vector_store %arg7[%swap3A_245, %swap3A_246], %gather3A {strides = array<i32>} : memref<32x400xf32, #tpu.memory_space<vmem>>, vector<16xf32>,
      }
      %scan3A_76 = arith.constant 25 : i32
      %broadcast_in_dim3A_77 = arith.constant 9 : i32
      %broadcast_in_dim3A_78 = vector.broadcast %broadcast_in_dim3A_77 : i32 to vector<16xi32>
      %scan3A_79 = arith.constant 0 : i32
      %scan3A_80 = arith.constant 25 : i32
      %scan3A_81 = arith.addi %scan3A_79, %scan3A_80 : i32
      %scan3A_82 = arith.constant 1 : i32
      scf.for %scan3A_238 = %scan3A_79 to %scan3A_81 step %scan3A_82  : i32 {
        %mul3A_239 = arith.constant 16 : i32
        %mul3A_240 = arith.muli %scan3A_238, %mul3A_239 : i32
        %iota3A = tpu.iota {dimensions = array<i32: 0>} : vector<16xi32>
        %add3A_241 = vector.broadcast %mul3A_240 : i32 to vector<16xi32>
        %add3A_242 = arith.addi %add3A_241, %iota3A : vector<16xi32>
        %gather3A = tpu.vector_load_idx %arg6[%add3A_242, %broadcast_in_dim3A_78] : memref<400x32xf32, #tpu.memory_space<vmem>>[vector<16xi32>, vector<16xi32>], vector<16xf32>,
        %mul3A_243 = arith.constant 16 : i32
        %mul3A_244 = arith.muli %scan3A_238, %mul3A_243 : i32
        %swap3A = arith.constant 9 : i32
        %swap3A_245 = arith.index_cast %swap3A : i32 to index
        %swap3A_246 = arith.index_cast %mul3A_244 : i32 to index
        %swap3A_247 = tpu.vector_load %arg7[%swap3A_245, %swap3A_246] {strides = array<i32>} : memref<32x400xf32, #tpu.memory_space<vmem>>, vector<16xf32>,
        tpu.vector_store %arg7[%swap3A_245, %swap3A_246], %gather3A {strides = array<i32>} : memref<32x400xf32, #tpu.memory_space<vmem>>, vector<16xf32>,
      }
      %scan3A_83 = arith.constant 25 : i32
      %broadcast_in_dim3A_84 = arith.constant 10 : i32
      %broadcast_in_dim3A_85 = vector.broadcast %broadcast_in_dim3A_84 : i32 to vector<16xi32>
      %scan3A_86 = arith.constant 0 : i32
      %scan3A_87 = arith.constant 25 : i32
      %scan3A_88 = arith.addi %scan3A_86, %scan3A_87 : i32
      %scan3A_89 = arith.constant 1 : i32
      scf.for %scan3A_238 = %scan3A_86 to %scan3A_88 step %scan3A_89  : i32 {
        %mul3A_239 = arith.constant 16 : i32
        %mul3A_240 = arith.muli %scan3A_238, %mul3A_239 : i32
        %iota3A = tpu.iota {dimensions = array<i32: 0>} : vector<16xi32>
        %add3A_241 = vector.broadcast %mul3A_240 : i32 to vector<16xi32>
        %add3A_242 = arith.addi %add3A_241, %iota3A : vector<16xi32>
        %gather3A = tpu.vector_load_idx %arg6[%add3A_242, %broadcast_in_dim3A_85] : memref<400x32xf32, #tpu.memory_space<vmem>>[vector<16xi32>, vector<16xi32>], vector<16xf32>,
        %mul3A_243 = arith.constant 16 : i32
        %mul3A_244 = arith.muli %scan3A_238, %mul3A_243 : i32
        %swap3A = arith.constant 10 : i32
        %swap3A_245 = arith.index_cast %swap3A : i32 to index
        %swap3A_246 = arith.index_cast %mul3A_244 : i32 to index
        %swap3A_247 = tpu.vector_load %arg7[%swap3A_245, %swap3A_246] {strides = array<i32>} : memref<32x400xf32, #tpu.memory_space<vmem>>, vector<16xf32>,
        tpu.vector_store %arg7[%swap3A_245, %swap3A_246], %gather3A {strides = array<i32>} : memref<32x400xf32, #tpu.memory_space<vmem>>, vector<16xf32>,
      }
      %scan3A_90 = arith.constant 25 : i32
      %broadcast_in_dim3A_91 = arith.constant 11 : i32
      %broadcast_in_dim3A_92 = vector.broadcast %broadcast_in_dim3A_91 : i32 to vector<16xi32>
      %scan3A_93 = arith.constant 0 : i32
      %scan3A_94 = arith.constant 25 : i32
      %scan3A_95 = arith.addi %scan3A_93, %scan3A_94 : i32
      %scan3A_96 = arith.constant 1 : i32
      scf.for %scan3A_238 = %scan3A_93 to %scan3A_95 step %scan3A_96  : i32 {
        %mul3A_239 = arith.constant 16 : i32
        %mul3A_240 = arith.muli %scan3A_238, %mul3A_239 : i32
        %iota3A = tpu.iota {dimensions = array<i32: 0>} : vector<16xi32>
        %add3A_241 = vector.broadcast %mul3A_240 : i32 to vector<16xi32>
        %add3A_242 = arith.addi %add3A_241, %iota3A : vector<16xi32>
        %gather3A = tpu.vector_load_idx %arg6[%add3A_242, %broadcast_in_dim3A_92] : memref<400x32xf32, #tpu.memory_space<vmem>>[vector<16xi32>, vector<16xi32>], vector<16xf32>,
        %mul3A_243 = arith.constant 16 : i32
        %mul3A_244 = arith.muli %scan3A_238, %mul3A_243 : i32
        %swap3A = arith.constant 11 : i32
        %swap3A_245 = arith.index_cast %swap3A : i32 to index
        %swap3A_246 = arith.index_cast %mul3A_244 : i32 to index
        %swap3A_247 = tpu.vector_load %arg7[%swap3A_245, %swap3A_246] {strides = array<i32>} : memref<32x400xf32, #tpu.memory_space<vmem>>, vector<16xf32>,
        tpu.vector_store %arg7[%swap3A_245, %swap3A_246], %gather3A {strides = array<i32>} : memref<32x400xf32, #tpu.memory_space<vmem>>, vector<16xf32>,
      }
      %scan3A_97 = arith.constant 25 : i32
      %broadcast_in_dim3A_98 = arith.constant 12 : i32
      %broadcast_in_dim3A_99 = vector.broadcast %broadcast_in_dim3A_98 : i32 to vector<16xi32>
      %scan3A_100 = arith.constant 0 : i32
      %scan3A_101 = arith.constant 25 : i32
      %scan3A_102 = arith.addi %scan3A_100, %scan3A_101 : i32
      %scan3A_103 = arith.constant 1 : i32
      scf.for %scan3A_238 = %scan3A_100 to %scan3A_102 step %scan3A_103  : i32 {
        %mul3A_239 = arith.constant 16 : i32
        %mul3A_240 = arith.muli %scan3A_238, %mul3A_239 : i32
        %iota3A = tpu.iota {dimensions = array<i32: 0>} : vector<16xi32>
        %add3A_241 = vector.broadcast %mul3A_240 : i32 to vector<16xi32>
        %add3A_242 = arith.addi %add3A_241, %iota3A : vector<16xi32>
        %gather3A = tpu.vector_load_idx %arg6[%add3A_242, %broadcast_in_dim3A_99] : memref<400x32xf32, #tpu.memory_space<vmem>>[vector<16xi32>, vector<16xi32>], vector<16xf32>,
        %mul3A_243 = arith.constant 16 : i32
        %mul3A_244 = arith.muli %scan3A_238, %mul3A_243 : i32
        %swap3A = arith.constant 12 : i32
        %swap3A_245 = arith.index_cast %swap3A : i32 to index
        %swap3A_246 = arith.index_cast %mul3A_244 : i32 to index
        %swap3A_247 = tpu.vector_load %arg7[%swap3A_245, %swap3A_246] {strides = array<i32>} : memref<32x400xf32, #tpu.memory_space<vmem>>, vector<16xf32>,
        tpu.vector_store %arg7[%swap3A_245, %swap3A_246], %gather3A {strides = array<i32>} : memref<32x400xf32, #tpu.memory_space<vmem>>, vector<16xf32>,
      }
      %scan3A_104 = arith.constant 25 : i32
      %broadcast_in_dim3A_105 = arith.constant 13 : i32
      %broadcast_in_dim3A_106 = vector.broadcast %broadcast_in_dim3A_105 : i32 to vector<16xi32>
      %scan3A_107 = arith.constant 0 : i32
      %scan3A_108 = arith.constant 25 : i32
      %scan3A_109 = arith.addi %scan3A_107, %scan3A_108 : i32
      %scan3A_110 = arith.constant 1 : i32
      scf.for %scan3A_238 = %scan3A_107 to %scan3A_109 step %scan3A_110  : i32 {
        %mul3A_239 = arith.constant 16 : i32
        %mul3A_240 = arith.muli %scan3A_238, %mul3A_239 : i32
        %iota3A = tpu.iota {dimensions = array<i32: 0>} : vector<16xi32>
        %add3A_241 = vector.broadcast %mul3A_240 : i32 to vector<16xi32>
        %add3A_242 = arith.addi %add3A_241, %iota3A : vector<16xi32>
        %gather3A = tpu.vector_load_idx %arg6[%add3A_242, %broadcast_in_dim3A_106] : memref<400x32xf32, #tpu.memory_space<vmem>>[vector<16xi32>, vector<16xi32>], vector<16xf32>,
        %mul3A_243 = arith.constant 16 : i32
        %mul3A_244 = arith.muli %scan3A_238, %mul3A_243 : i32
        %swap3A = arith.constant 13 : i32
        %swap3A_245 = arith.index_cast %swap3A : i32 to index
        %swap3A_246 = arith.index_cast %mul3A_244 : i32 to index
        %swap3A_247 = tpu.vector_load %arg7[%swap3A_245, %swap3A_246] {strides = array<i32>} : memref<32x400xf32, #tpu.memory_space<vmem>>, vector<16xf32>,
        tpu.vector_store %arg7[%swap3A_245, %swap3A_246], %gather3A {strides = array<i32>} : memref<32x400xf32, #tpu.memory_space<vmem>>, vector<16xf32>,
      }
      %scan3A_111 = arith.constant 25 : i32
      %broadcast_in_dim3A_112 = arith.constant 14 : i32
      %broadcast_in_dim3A_113 = vector.broadcast %broadcast_in_dim3A_112 : i32 to vector<16xi32>
      %scan3A_114 = arith.constant 0 : i32
      %scan3A_115 = arith.constant 25 : i32
      %scan3A_116 = arith.addi %scan3A_114, %scan3A_115 : i32
      %scan3A_117 = arith.constant 1 : i32
      scf.for %scan3A_238 = %scan3A_114 to %scan3A_116 step %scan3A_117  : i32 {
        %mul3A_239 = arith.constant 16 : i32
        %mul3A_240 = arith.muli %scan3A_238, %mul3A_239 : i32
        %iota3A = tpu.iota {dimensions = array<i32: 0>} : vector<16xi32>
        %add3A_241 = vector.broadcast %mul3A_240 : i32 to vector<16xi32>
        %add3A_242 = arith.addi %add3A_241, %iota3A : vector<16xi32>
        %gather3A = tpu.vector_load_idx %arg6[%add3A_242, %broadcast_in_dim3A_113] : memref<400x32xf32, #tpu.memory_space<vmem>>[vector<16xi32>, vector<16xi32>], vector<16xf32>,
        %mul3A_243 = arith.constant 16 : i32
        %mul3A_244 = arith.muli %scan3A_238, %mul3A_243 : i32
        %swap3A = arith.constant 14 : i32
        %swap3A_245 = arith.index_cast %swap3A : i32 to index
        %swap3A_246 = arith.index_cast %mul3A_244 : i32 to index
        %swap3A_247 = tpu.vector_load %arg7[%swap3A_245, %swap3A_246] {strides = array<i32>} : memref<32x400xf32, #tpu.memory_space<vmem>>, vector<16xf32>,
        tpu.vector_store %arg7[%swap3A_245, %swap3A_246], %gather3A {strides = array<i32>} : memref<32x400xf32, #tpu.memory_space<vmem>>, vector<16xf32>,
      }
      %scan3A_118 = arith.constant 25 : i32
      %broadcast_in_dim3A_119 = arith.constant 15 : i32
      %broadcast_in_dim3A_120 = vector.broadcast %broadcast_in_dim3A_119 : i32 to vector<16xi32>
      %scan3A_121 = arith.constant 0 : i32
      %scan3A_122 = arith.constant 25 : i32
      %scan3A_123 = arith.addi %scan3A_121, %scan3A_122 : i32
      %scan3A_124 = arith.constant 1 : i32
      scf.for %scan3A_238 = %scan3A_121 to %scan3A_123 step %scan3A_124  : i32 {
        %mul3A_239 = arith.constant 16 : i32
        %mul3A_240 = arith.muli %scan3A_238, %mul3A_239 : i32
        %iota3A = tpu.iota {dimensions = array<i32: 0>} : vector<16xi32>
        %add3A_241 = vector.broadcast %mul3A_240 : i32 to vector<16xi32>
        %add3A_242 = arith.addi %add3A_241, %iota3A : vector<16xi32>
        %gather3A = tpu.vector_load_idx %arg6[%add3A_242, %broadcast_in_dim3A_120] : memref<400x32xf32, #tpu.memory_space<vmem>>[vector<16xi32>, vector<16xi32>], vector<16xf32>,
        %mul3A_243 = arith.constant 16 : i32
        %mul3A_244 = arith.muli %scan3A_238, %mul3A_243 : i32
        %swap3A = arith.constant 15 : i32
        %swap3A_245 = arith.index_cast %swap3A : i32 to index
        %swap3A_246 = arith.index_cast %mul3A_244 : i32 to index
        %swap3A_247 = tpu.vector_load %arg7[%swap3A_245, %swap3A_246] {strides = array<i32>} : memref<32x400xf32, #tpu.memory_space<vmem>>, vector<16xf32>,
        tpu.vector_store %arg7[%swap3A_245, %swap3A_246], %gather3A {strides = array<i32>} : memref<32x400xf32, #tpu.memory_space<vmem>>, vector<16xf32>,
      }
      %scan3A_125 = arith.constant 25 : i32
      %broadcast_in_dim3A_126 = arith.constant 16 : i32
      %broadcast_in_dim3A_127 = vector.broadcast %broadcast_in_dim3A_126 : i32 to vector<16xi32>
      %scan3A_128 = arith.constant 0 : i32
      %scan3A_129 = arith.constant 25 : i32
      %scan3A_130 = arith.addi %scan3A_128, %scan3A_129 : i32
      %scan3A_131 = arith.constant 1 : i32
      scf.for %scan3A_238 = %scan3A_128 to %scan3A_130 step %scan3A_131  : i32 {
        %mul3A_239 = arith.constant 16 : i32
        %mul3A_240 = arith.muli %scan3A_238, %mul3A_239 : i32
        %iota3A = tpu.iota {dimensions = array<i32: 0>} : vector<16xi32>
        %add3A_241 = vector.broadcast %mul3A_240 : i32 to vector<16xi32>
        %add3A_242 = arith.addi %add3A_241, %iota3A : vector<16xi32>
        %gather3A = tpu.vector_load_idx %arg6[%add3A_242, %broadcast_in_dim3A_127] : memref<400x32xf32, #tpu.memory_space<vmem>>[vector<16xi32>, vector<16xi32>], vector<16xf32>,
        %mul3A_243 = arith.constant 16 : i32
        %mul3A_244 = arith.muli %scan3A_238, %mul3A_243 : i32
        %swap3A = arith.constant 16 : i32
        %swap3A_245 = arith.index_cast %swap3A : i32 to index
        %swap3A_246 = arith.index_cast %mul3A_244 : i32 to index
        %swap3A_247 = tpu.vector_load %arg7[%swap3A_245, %swap3A_246] {strides = array<i32>} : memref<32x400xf32, #tpu.memory_space<vmem>>, vector<16xf32>,
        tpu.vector_store %arg7[%swap3A_245, %swap3A_246], %gather3A {strides = array<i32>} : memref<32x400xf32, #tpu.memory_space<vmem>>, vector<16xf32>,
      }
      %scan3A_132 = arith.constant 25 : i32
      %broadcast_in_dim3A_133 = arith.constant 17 : i32
      %broadcast_in_dim3A_134 = vector.broadcast %broadcast_in_dim3A_133 : i32 to vector<16xi32>
      %scan3A_135 = arith.constant 0 : i32
      %scan3A_136 = arith.constant 25 : i32
      %scan3A_137 = arith.addi %scan3A_135, %scan3A_136 : i32
      %scan3A_138 = arith.constant 1 : i32
      scf.for %scan3A_238 = %scan3A_135 to %scan3A_137 step %scan3A_138  : i32 {
        %mul3A_239 = arith.constant 16 : i32
        %mul3A_240 = arith.muli %scan3A_238, %mul3A_239 : i32
        %iota3A = tpu.iota {dimensions = array<i32: 0>} : vector<16xi32>
        %add3A_241 = vector.broadcast %mul3A_240 : i32 to vector<16xi32>
        %add3A_242 = arith.addi %add3A_241, %iota3A : vector<16xi32>
        %gather3A = tpu.vector_load_idx %arg6[%add3A_242, %broadcast_in_dim3A_134] : memref<400x32xf32, #tpu.memory_space<vmem>>[vector<16xi32>, vector<16xi32>], vector<16xf32>,
        %mul3A_243 = arith.constant 16 : i32
        %mul3A_244 = arith.muli %scan3A_238, %mul3A_243 : i32
        %swap3A = arith.constant 17 : i32
        %swap3A_245 = arith.index_cast %swap3A : i32 to index
        %swap3A_246 = arith.index_cast %mul3A_244 : i32 to index
        %swap3A_247 = tpu.vector_load %arg7[%swap3A_245, %swap3A_246] {strides = array<i32>} : memref<32x400xf32, #tpu.memory_space<vmem>>, vector<16xf32>,
        tpu.vector_store %arg7[%swap3A_245, %swap3A_246], %gather3A {strides = array<i32>} : memref<32x400xf32, #tpu.memory_space<vmem>>, vector<16xf32>,
      }
      %scan3A_139 = arith.constant 25 : i32
      %broadcast_in_dim3A_140 = arith.constant 18 : i32
      %broadcast_in_dim3A_141 = vector.broadcast %broadcast_in_dim3A_140 : i32 to vector<16xi32>
      %scan3A_142 = arith.constant 0 : i32
      %scan3A_143 = arith.constant 25 : i32
      %scan3A_144 = arith.addi %scan3A_142, %scan3A_143 : i32
      %scan3A_145 = arith.constant 1 : i32
      scf.for %scan3A_238 = %scan3A_142 to %scan3A_144 step %scan3A_145  : i32 {
        %mul3A_239 = arith.constant 16 : i32
        %mul3A_240 = arith.muli %scan3A_238, %mul3A_239 : i32
        %iota3A = tpu.iota {dimensions = array<i32: 0>} : vector<16xi32>
        %add3A_241 = vector.broadcast %mul3A_240 : i32 to vector<16xi32>
        %add3A_242 = arith.addi %add3A_241, %iota3A : vector<16xi32>
        %gather3A = tpu.vector_load_idx %arg6[%add3A_242, %broadcast_in_dim3A_141] : memref<400x32xf32, #tpu.memory_space<vmem>>[vector<16xi32>, vector<16xi32>], vector<16xf32>,
        %mul3A_243 = arith.constant 16 : i32
        %mul3A_244 = arith.muli %scan3A_238, %mul3A_243 : i32
        %swap3A = arith.constant 18 : i32
        %swap3A_245 = arith.index_cast %swap3A : i32 to index
        %swap3A_246 = arith.index_cast %mul3A_244 : i32 to index
        %swap3A_247 = tpu.vector_load %arg7[%swap3A_245, %swap3A_246] {strides = array<i32>} : memref<32x400xf32, #tpu.memory_space<vmem>>, vector<16xf32>,
        tpu.vector_store %arg7[%swap3A_245, %swap3A_246], %gather3A {strides = array<i32>} : memref<32x400xf32, #tpu.memory_space<vmem>>, vector<16xf32>,
      }
      %scan3A_146 = arith.constant 25 : i32
      %broadcast_in_dim3A_147 = arith.constant 19 : i32
      %broadcast_in_dim3A_148 = vector.broadcast %broadcast_in_dim3A_147 : i32 to vector<16xi32>
      %scan3A_149 = arith.constant 0 : i32
      %scan3A_150 = arith.constant 25 : i32
      %scan3A_151 = arith.addi %scan3A_149, %scan3A_150 : i32
      %scan3A_152 = arith.constant 1 : i32
      scf.for %scan3A_238 = %scan3A_149 to %scan3A_151 step %scan3A_152  : i32 {
        %mul3A_239 = arith.constant 16 : i32
        %mul3A_240 = arith.muli %scan3A_238, %mul3A_239 : i32
        %iota3A = tpu.iota {dimensions = array<i32: 0>} : vector<16xi32>
        %add3A_241 = vector.broadcast %mul3A_240 : i32 to vector<16xi32>
        %add3A_242 = arith.addi %add3A_241, %iota3A : vector<16xi32>
        %gather3A = tpu.vector_load_idx %arg6[%add3A_242, %broadcast_in_dim3A_148] : memref<400x32xf32, #tpu.memory_space<vmem>>[vector<16xi32>, vector<16xi32>], vector<16xf32>,
        %mul3A_243 = arith.constant 16 : i32
        %mul3A_244 = arith.muli %scan3A_238, %mul3A_243 : i32
        %swap3A = arith.constant 19 : i32
        %swap3A_245 = arith.index_cast %swap3A : i32 to index
        %swap3A_246 = arith.index_cast %mul3A_244 : i32 to index
        %swap3A_247 = tpu.vector_load %arg7[%swap3A_245, %swap3A_246] {strides = array<i32>} : memref<32x400xf32, #tpu.memory_space<vmem>>, vector<16xf32>,
        tpu.vector_store %arg7[%swap3A_245, %swap3A_246], %gather3A {strides = array<i32>} : memref<32x400xf32, #tpu.memory_space<vmem>>, vector<16xf32>,
      }
      %scan3A_153 = arith.constant 25 : i32
      %broadcast_in_dim3A_154 = arith.constant 20 : i32
      %broadcast_in_dim3A_155 = vector.broadcast %broadcast_in_dim3A_154 : i32 to vector<16xi32>
      %scan3A_156 = arith.constant 0 : i32
      %scan3A_157 = arith.constant 25 : i32
      %scan3A_158 = arith.addi %scan3A_156, %scan3A_157 : i32
      %scan3A_159 = arith.constant 1 : i32
      scf.for %scan3A_238 = %scan3A_156 to %scan3A_158 step %scan3A_159  : i32 {
        %mul3A_239 = arith.constant 16 : i32
        %mul3A_240 = arith.muli %scan3A_238, %mul3A_239 : i32
        %iota3A = tpu.iota {dimensions = array<i32: 0>} : vector<16xi32>
        %add3A_241 = vector.broadcast %mul3A_240 : i32 to vector<16xi32>
        %add3A_242 = arith.addi %add3A_241, %iota3A : vector<16xi32>
        %gather3A = tpu.vector_load_idx %arg6[%add3A_242, %broadcast_in_dim3A_155] : memref<400x32xf32, #tpu.memory_space<vmem>>[vector<16xi32>, vector<16xi32>], vector<16xf32>,
        %mul3A_243 = arith.constant 16 : i32
        %mul3A_244 = arith.muli %scan3A_238, %mul3A_243 : i32
        %swap3A = arith.constant 20 : i32
        %swap3A_245 = arith.index_cast %swap3A : i32 to index
        %swap3A_246 = arith.index_cast %mul3A_244 : i32 to index
        %swap3A_247 = tpu.vector_load %arg7[%swap3A_245, %swap3A_246] {strides = array<i32>} : memref<32x400xf32, #tpu.memory_space<vmem>>, vector<16xf32>,
        tpu.vector_store %arg7[%swap3A_245, %swap3A_246], %gather3A {strides = array<i32>} : memref<32x400xf32, #tpu.memory_space<vmem>>, vector<16xf32>,
      }
      %scan3A_160 = arith.constant 25 : i32
      %broadcast_in_dim3A_161 = arith.constant 21 : i32
      %broadcast_in_dim3A_162 = vector.broadcast %broadcast_in_dim3A_161 : i32 to vector<16xi32>
      %scan3A_163 = arith.constant 0 : i32
      %scan3A_164 = arith.constant 25 : i32
      %scan3A_165 = arith.addi %scan3A_163, %scan3A_164 : i32
      %scan3A_166 = arith.constant 1 : i32
      scf.for %scan3A_238 = %scan3A_163 to %scan3A_165 step %scan3A_166  : i32 {
        %mul3A_239 = arith.constant 16 : i32
        %mul3A_240 = arith.muli %scan3A_238, %mul3A_239 : i32
        %iota3A = tpu.iota {dimensions = array<i32: 0>} : vector<16xi32>
        %add3A_241 = vector.broadcast %mul3A_240 : i32 to vector<16xi32>
        %add3A_242 = arith.addi %add3A_241, %iota3A : vector<16xi32>
        %gather3A = tpu.vector_load_idx %arg6[%add3A_242, %broadcast_in_dim3A_162] : memref<400x32xf32, #tpu.memory_space<vmem>>[vector<16xi32>, vector<16xi32>], vector<16xf32>,
        %mul3A_243 = arith.constant 16 : i32
        %mul3A_244 = arith.muli %scan3A_238, %mul3A_243 : i32
        %swap3A = arith.constant 21 : i32
        %swap3A_245 = arith.index_cast %swap3A : i32 to index
        %swap3A_246 = arith.index_cast %mul3A_244 : i32 to index
        %swap3A_247 = tpu.vector_load %arg7[%swap3A_245, %swap3A_246] {strides = array<i32>} : memref<32x400xf32, #tpu.memory_space<vmem>>, vector<16xf32>,
        tpu.vector_store %arg7[%swap3A_245, %swap3A_246], %gather3A {strides = array<i32>} : memref<32x400xf32, #tpu.memory_space<vmem>>, vector<16xf32>,
      }
      %scan3A_167 = arith.constant 25 : i32
      %broadcast_in_dim3A_168 = arith.constant 22 : i32
      %broadcast_in_dim3A_169 = vector.broadcast %broadcast_in_dim3A_168 : i32 to vector<16xi32>
      %scan3A_170 = arith.constant 0 : i32
      %scan3A_171 = arith.constant 25 : i32
      %scan3A_172 = arith.addi %scan3A_170, %scan3A_171 : i32
      %scan3A_173 = arith.constant 1 : i32
      scf.for %scan3A_238 = %scan3A_170 to %scan3A_172 step %scan3A_173  : i32 {
        %mul3A_239 = arith.constant 16 : i32
        %mul3A_240 = arith.muli %scan3A_238, %mul3A_239 : i32
        %iota3A = tpu.iota {dimensions = array<i32: 0>} : vector<16xi32>
        %add3A_241 = vector.broadcast %mul3A_240 : i32 to vector<16xi32>
        %add3A_242 = arith.addi %add3A_241, %iota3A : vector<16xi32>
        %gather3A = tpu.vector_load_idx %arg6[%add3A_242, %broadcast_in_dim3A_169] : memref<400x32xf32, #tpu.memory_space<vmem>>[vector<16xi32>, vector<16xi32>], vector<16xf32>,
        %mul3A_243 = arith.constant 16 : i32
        %mul3A_244 = arith.muli %scan3A_238, %mul3A_243 : i32
        %swap3A = arith.constant 22 : i32
        %swap3A_245 = arith.index_cast %swap3A : i32 to index
        %swap3A_246 = arith.index_cast %mul3A_244 : i32 to index
        %swap3A_247 = tpu.vector_load %arg7[%swap3A_245, %swap3A_246] {strides = array<i32>} : memref<32x400xf32, #tpu.memory_space<vmem>>, vector<16xf32>,
        tpu.vector_store %arg7[%swap3A_245, %swap3A_246], %gather3A {strides = array<i32>} : memref<32x400xf32, #tpu.memory_space<vmem>>, vector<16xf32>,
      }
      %scan3A_174 = arith.constant 25 : i32
      %broadcast_in_dim3A_175 = arith.constant 23 : i32
      %broadcast_in_dim3A_176 = vector.broadcast %broadcast_in_dim3A_175 : i32 to vector<16xi32>
      %scan3A_177 = arith.constant 0 : i32
      %scan3A_178 = arith.constant 25 : i32
      %scan3A_179 = arith.addi %scan3A_177, %scan3A_178 : i32
      %scan3A_180 = arith.constant 1 : i32
      scf.for %scan3A_238 = %scan3A_177 to %scan3A_179 step %scan3A_180  : i32 {
        %mul3A_239 = arith.constant 16 : i32
        %mul3A_240 = arith.muli %scan3A_238, %mul3A_239 : i32
        %iota3A = tpu.iota {dimensions = array<i32: 0>} : vector<16xi32>
        %add3A_241 = vector.broadcast %mul3A_240 : i32 to vector<16xi32>
        %add3A_242 = arith.addi %add3A_241, %iota3A : vector<16xi32>
        %gather3A = tpu.vector_load_idx %arg6[%add3A_242, %broadcast_in_dim3A_176] : memref<400x32xf32, #tpu.memory_space<vmem>>[vector<16xi32>, vector<16xi32>], vector<16xf32>,
        %mul3A_243 = arith.constant 16 : i32
        %mul3A_244 = arith.muli %scan3A_238, %mul3A_243 : i32
        %swap3A = arith.constant 23 : i32
        %swap3A_245 = arith.index_cast %swap3A : i32 to index
        %swap3A_246 = arith.index_cast %mul3A_244 : i32 to index
        %swap3A_247 = tpu.vector_load %arg7[%swap3A_245, %swap3A_246] {strides = array<i32>} : memref<32x400xf32, #tpu.memory_space<vmem>>, vector<16xf32>,
        tpu.vector_store %arg7[%swap3A_245, %swap3A_246], %gather3A {strides = array<i32>} : memref<32x400xf32, #tpu.memory_space<vmem>>, vector<16xf32>,
      }
      %scan3A_181 = arith.constant 25 : i32
      %broadcast_in_dim3A_182 = arith.constant 24 : i32
      %broadcast_in_dim3A_183 = vector.broadcast %broadcast_in_dim3A_182 : i32 to vector<16xi32>
      %scan3A_184 = arith.constant 0 : i32
      %scan3A_185 = arith.constant 25 : i32
      %scan3A_186 = arith.addi %scan3A_184, %scan3A_185 : i32
      %scan3A_187 = arith.constant 1 : i32
      scf.for %scan3A_238 = %scan3A_184 to %scan3A_186 step %scan3A_187  : i32 {
        %mul3A_239 = arith.constant 16 : i32
        %mul3A_240 = arith.muli %scan3A_238, %mul3A_239 : i32
        %iota3A = tpu.iota {dimensions = array<i32: 0>} : vector<16xi32>
        %add3A_241 = vector.broadcast %mul3A_240 : i32 to vector<16xi32>
        %add3A_242 = arith.addi %add3A_241, %iota3A : vector<16xi32>
        %gather3A = tpu.vector_load_idx %arg6[%add3A_242, %broadcast_in_dim3A_183] : memref<400x32xf32, #tpu.memory_space<vmem>>[vector<16xi32>, vector<16xi32>], vector<16xf32>,
        %mul3A_243 = arith.constant 16 : i32
        %mul3A_244 = arith.muli %scan3A_238, %mul3A_243 : i32
        %swap3A = arith.constant 24 : i32
        %swap3A_245 = arith.index_cast %swap3A : i32 to index
        %swap3A_246 = arith.index_cast %mul3A_244 : i32 to index
        %swap3A_247 = tpu.vector_load %arg7[%swap3A_245, %swap3A_246] {strides = array<i32>} : memref<32x400xf32, #tpu.memory_space<vmem>>, vector<16xf32>,
        tpu.vector_store %arg7[%swap3A_245, %swap3A_246], %gather3A {strides = array<i32>} : memref<32x400xf32, #tpu.memory_space<vmem>>, vector<16xf32>,
      }
      %scan3A_188 = arith.constant 25 : i32
      %broadcast_in_dim3A_189 = arith.constant 25 : i32
      %broadcast_in_dim3A_190 = vector.broadcast %broadcast_in_dim3A_189 : i32 to vector<16xi32>
      %scan3A_191 = arith.constant 0 : i32
      %scan3A_192 = arith.constant 25 : i32
      %scan3A_193 = arith.addi %scan3A_191, %scan3A_192 : i32
      %scan3A_194 = arith.constant 1 : i32
      scf.for %scan3A_238 = %scan3A_191 to %scan3A_193 step %scan3A_194  : i32 {
        %mul3A_239 = arith.constant 16 : i32
        %mul3A_240 = arith.muli %scan3A_238, %mul3A_239 : i32
        %iota3A = tpu.iota {dimensions = array<i32: 0>} : vector<16xi32>
        %add3A_241 = vector.broadcast %mul3A_240 : i32 to vector<16xi32>
        %add3A_242 = arith.addi %add3A_241, %iota3A : vector<16xi32>
        %gather3A = tpu.vector_load_idx %arg6[%add3A_242, %broadcast_in_dim3A_190] : memref<400x32xf32, #tpu.memory_space<vmem>>[vector<16xi32>, vector<16xi32>], vector<16xf32>,
        %mul3A_243 = arith.constant 16 : i32
        %mul3A_244 = arith.muli %scan3A_238, %mul3A_243 : i32
        %swap3A = arith.constant 25 : i32
        %swap3A_245 = arith.index_cast %swap3A : i32 to index
        %swap3A_246 = arith.index_cast %mul3A_244 : i32 to index
        %swap3A_247 = tpu.vector_load %arg7[%swap3A_245, %swap3A_246] {strides = array<i32>} : memref<32x400xf32, #tpu.memory_space<vmem>>, vector<16xf32>,
        tpu.vector_store %arg7[%swap3A_245, %swap3A_246], %gather3A {strides = array<i32>} : memref<32x400xf32, #tpu.memory_space<vmem>>, vector<16xf32>,
      }
      %scan3A_195 = arith.constant 25 : i32
      %broadcast_in_dim3A_196 = arith.constant 26 : i32
      %broadcast_in_dim3A_197 = vector.broadcast %broadcast_in_dim3A_196 : i32 to vector<16xi32>
      %scan3A_198 = arith.constant 0 : i32
      %scan3A_199 = arith.constant 25 : i32
      %scan3A_200 = arith.addi %scan3A_198, %scan3A_199 : i32
      %scan3A_201 = arith.constant 1 : i32
      scf.for %scan3A_238 = %scan3A_198 to %scan3A_200 step %scan3A_201  : i32 {
        %mul3A_239 = arith.constant 16 : i32
        %mul3A_240 = arith.muli %scan3A_238, %mul3A_239 : i32
        %iota3A = tpu.iota {dimensions = array<i32: 0>} : vector<16xi32>
        %add3A_241 = vector.broadcast %mul3A_240 : i32 to vector<16xi32>
        %add3A_242 = arith.addi %add3A_241, %iota3A : vector<16xi32>
        %gather3A = tpu.vector_load_idx %arg6[%add3A_242, %broadcast_in_dim3A_197] : memref<400x32xf32, #tpu.memory_space<vmem>>[vector<16xi32>, vector<16xi32>], vector<16xf32>,
        %mul3A_243 = arith.constant 16 : i32
        %mul3A_244 = arith.muli %scan3A_238, %mul3A_243 : i32
        %swap3A = arith.constant 26 : i32
        %swap3A_245 = arith.index_cast %swap3A : i32 to index
        %swap3A_246 = arith.index_cast %mul3A_244 : i32 to index
        %swap3A_247 = tpu.vector_load %arg7[%swap3A_245, %swap3A_246] {strides = array<i32>} : memref<32x400xf32, #tpu.memory_space<vmem>>, vector<16xf32>,
        tpu.vector_store %arg7[%swap3A_245, %swap3A_246], %gather3A {strides = array<i32>} : memref<32x400xf32, #tpu.memory_space<vmem>>, vector<16xf32>,
      }
      %scan3A_202 = arith.constant 25 : i32
      %broadcast_in_dim3A_203 = arith.constant 27 : i32
      %broadcast_in_dim3A_204 = vector.broadcast %broadcast_in_dim3A_203 : i32 to vector<16xi32>
      %scan3A_205 = arith.constant 0 : i32
      %scan3A_206 = arith.constant 25 : i32
      %scan3A_207 = arith.addi %scan3A_205, %scan3A_206 : i32
      %scan3A_208 = arith.constant 1 : i32
      scf.for %scan3A_238 = %scan3A_205 to %scan3A_207 step %scan3A_208  : i32 {
        %mul3A_239 = arith.constant 16 : i32
        %mul3A_240 = arith.muli %scan3A_238, %mul3A_239 : i32
        %iota3A = tpu.iota {dimensions = array<i32: 0>} : vector<16xi32>
        %add3A_241 = vector.broadcast %mul3A_240 : i32 to vector<16xi32>
        %add3A_242 = arith.addi %add3A_241, %iota3A : vector<16xi32>
        %gather3A = tpu.vector_load_idx %arg6[%add3A_242, %broadcast_in_dim3A_204] : memref<400x32xf32, #tpu.memory_space<vmem>>[vector<16xi32>, vector<16xi32>], vector<16xf32>,
        %mul3A_243 = arith.constant 16 : i32
        %mul3A_244 = arith.muli %scan3A_238, %mul3A_243 : i32
        %swap3A = arith.constant 27 : i32
        %swap3A_245 = arith.index_cast %swap3A : i32 to index
        %swap3A_246 = arith.index_cast %mul3A_244 : i32 to index
        %swap3A_247 = tpu.vector_load %arg7[%swap3A_245, %swap3A_246] {strides = array<i32>} : memref<32x400xf32, #tpu.memory_space<vmem>>, vector<16xf32>,
        tpu.vector_store %arg7[%swap3A_245, %swap3A_246], %gather3A {strides = array<i32>} : memref<32x400xf32, #tpu.memory_space<vmem>>, vector<16xf32>,
      }
      %scan3A_209 = arith.constant 25 : i32
      %broadcast_in_dim3A_210 = arith.constant 28 : i32
      %broadcast_in_dim3A_211 = vector.broadcast %broadcast_in_dim3A_210 : i32 to vector<16xi32>
      %scan3A_212 = arith.constant 0 : i32
      %scan3A_213 = arith.constant 25 : i32
      %scan3A_214 = arith.addi %scan3A_212, %scan3A_213 : i32
      %scan3A_215 = arith.constant 1 : i32
      scf.for %scan3A_238 = %scan3A_212 to %scan3A_214 step %scan3A_215  : i32 {
        %mul3A_239 = arith.constant 16 : i32
        %mul3A_240 = arith.muli %scan3A_238, %mul3A_239 : i32
        %iota3A = tpu.iota {dimensions = array<i32: 0>} : vector<16xi32>
        %add3A_241 = vector.broadcast %mul3A_240 : i32 to vector<16xi32>
        %add3A_242 = arith.addi %add3A_241, %iota3A : vector<16xi32>
        %gather3A = tpu.vector_load_idx %arg6[%add3A_242, %broadcast_in_dim3A_211] : memref<400x32xf32, #tpu.memory_space<vmem>>[vector<16xi32>, vector<16xi32>], vector<16xf32>,
        %mul3A_243 = arith.constant 16 : i32
        %mul3A_244 = arith.muli %scan3A_238, %mul3A_243 : i32
        %swap3A = arith.constant 28 : i32
        %swap3A_245 = arith.index_cast %swap3A : i32 to index
        %swap3A_246 = arith.index_cast %mul3A_244 : i32 to index
        %swap3A_247 = tpu.vector_load %arg7[%swap3A_245, %swap3A_246] {strides = array<i32>} : memref<32x400xf32, #tpu.memory_space<vmem>>, vector<16xf32>,
        tpu.vector_store %arg7[%swap3A_245, %swap3A_246], %gather3A {strides = array<i32>} : memref<32x400xf32, #tpu.memory_space<vmem>>, vector<16xf32>,
      }
      %scan3A_216 = arith.constant 25 : i32
      %broadcast_in_dim3A_217 = arith.constant 29 : i32
      %broadcast_in_dim3A_218 = vector.broadcast %broadcast_in_dim3A_217 : i32 to vector<16xi32>
      %scan3A_219 = arith.constant 0 : i32
      %scan3A_220 = arith.constant 25 : i32
      %scan3A_221 = arith.addi %scan3A_219, %scan3A_220 : i32
      %scan3A_222 = arith.constant 1 : i32
      scf.for %scan3A_238 = %scan3A_219 to %scan3A_221 step %scan3A_222  : i32 {
        %mul3A_239 = arith.constant 16 : i32
        %mul3A_240 = arith.muli %scan3A_238, %mul3A_239 : i32
        %iota3A = tpu.iota {dimensions = array<i32: 0>} : vector<16xi32>
        %add3A_241 = vector.broadcast %mul3A_240 : i32 to vector<16xi32>
        %add3A_242 = arith.addi %add3A_241, %iota3A : vector<16xi32>
        %gather3A = tpu.vector_load_idx %arg6[%add3A_242, %broadcast_in_dim3A_218] : memref<400x32xf32, #tpu.memory_space<vmem>>[vector<16xi32>, vector<16xi32>], vector<16xf32>,
        %mul3A_243 = arith.constant 16 : i32
        %mul3A_244 = arith.muli %scan3A_238, %mul3A_243 : i32
        %swap3A = arith.constant 29 : i32
        %swap3A_245 = arith.index_cast %swap3A : i32 to index
        %swap3A_246 = arith.index_cast %mul3A_244 : i32 to index
        %swap3A_247 = tpu.vector_load %arg7[%swap3A_245, %swap3A_246] {strides = array<i32>} : memref<32x400xf32, #tpu.memory_space<vmem>>, vector<16xf32>,
        tpu.vector_store %arg7[%swap3A_245, %swap3A_246], %gather3A {strides = array<i32>} : memref<32x400xf32, #tpu.memory_space<vmem>>, vector<16xf32>,
      }
      %scan3A_223 = arith.constant 25 : i32
      %broadcast_in_dim3A_224 = arith.constant 30 : i32
      %broadcast_in_dim3A_225 = vector.broadcast %broadcast_in_dim3A_224 : i32 to vector<16xi32>
      %scan3A_226 = arith.constant 0 : i32
      %scan3A_227 = arith.constant 25 : i32
      %scan3A_228 = arith.addi %scan3A_226, %scan3A_227 : i32
      %scan3A_229 = arith.constant 1 : i32
      scf.for %scan3A_238 = %scan3A_226 to %scan3A_228 step %scan3A_229  : i32 {
        %mul3A_239 = arith.constant 16 : i32
        %mul3A_240 = arith.muli %scan3A_238, %mul3A_239 : i32
        %iota3A = tpu.iota {dimensions = array<i32: 0>} : vector<16xi32>
        %add3A_241 = vector.broadcast %mul3A_240 : i32 to vector<16xi32>
        %add3A_242 = arith.addi %add3A_241, %iota3A : vector<16xi32>
        %gather3A = tpu.vector_load_idx %arg6[%add3A_242, %broadcast_in_dim3A_225] : memref<400x32xf32, #tpu.memory_space<vmem>>[vector<16xi32>, vector<16xi32>], vector<16xf32>,
        %mul3A_243 = arith.constant 16 : i32
        %mul3A_244 = arith.muli %scan3A_238, %mul3A_243 : i32
        %swap3A = arith.constant 30 : i32
        %swap3A_245 = arith.index_cast %swap3A : i32 to index
        %swap3A_246 = arith.index_cast %mul3A_244 : i32 to index
        %swap3A_247 = tpu.vector_load %arg7[%swap3A_245, %swap3A_246] {strides = array<i32>} : memref<32x400xf32, #tpu.memory_space<vmem>>, vector<16xf32>,
        tpu.vector_store %arg7[%swap3A_245, %swap3A_246], %gather3A {strides = array<i32>} : memref<32x400xf32, #tpu.memory_space<vmem>>, vector<16xf32>,
      }
      %scan3A_230 = arith.constant 25 : i32
      %broadcast_in_dim3A_231 = arith.constant 31 : i32
      %broadcast_in_dim3A_232 = vector.broadcast %broadcast_in_dim3A_231 : i32 to vector<16xi32>
      %scan3A_233 = arith.constant 0 : i32
      %scan3A_234 = arith.constant 25 : i32
      %scan3A_235 = arith.addi %scan3A_233, %scan3A_234 : i32
      %scan3A_236 = arith.constant 1 : i32
      scf.for %scan3A_238 = %scan3A_233 to %scan3A_235 step %scan3A_236  : i32 {
        %mul3A_239 = arith.constant 16 : i32
        %mul3A_240 = arith.muli %scan3A_238, %mul3A_239 : i32
        %iota3A = tpu.iota {dimensions = array<i32: 0>} : vector<16xi32>
        %add3A_241 = vector.broadcast %mul3A_240 : i32 to vector<16xi32>
        %add3A_242 = arith.addi %add3A_241, %iota3A : vector<16xi32>
        %gather3A = tpu.vector_load_idx %arg6[%add3A_242, %broadcast_in_dim3A_232] : memref<400x32xf32, #tpu.memory_space<vmem>>[vector<16xi32>, vector<16xi32>], vector<16xf32>,
        %mul3A_243 = arith.constant 16 : i32
        %mul3A_244 = arith.muli %scan3A_238, %mul3A_243 : i32
        %swap3A = arith.constant 31 : i32
        %swap3A_245 = arith.index_cast %swap3A : i32 to index
        %swap3A_246 = arith.index_cast %mul3A_244 : i32 to index
        %swap3A_247 = tpu.vector_load %arg7[%swap3A_245, %swap3A_246] {strides = array<i32>} : memref<32x400xf32, #tpu.memory_space<vmem>>, vector<16xf32>,
        tpu.vector_store %arg7[%swap3A_245, %swap3A_246], %gather3A {strides = array<i32>} : memref<32x400xf32, #tpu.memory_space<vmem>>, vector<16xf32>,
      }
      %scan3A_237 = arith.constant 25 : i32
      "tpu.region"() ({
        %run_scoped3A = tpu.sem_alloc : memref<!tpu.dma_semaphore, #tpu.memory_space<semaphore_mem>>
        %dma_start3A_238 = arith.constant 0 : i32
        %dma_start3A_239 = tpu.memref_slice %arg4[%dma_start3A_238, %add3A_10] : memref<32x1600000xf32, #tpu.memory_space<hbm>> -> memref<32x400xf32, #tpu.memory_space<hbm>>
        %dma_start3A_240 = arith.constant 0 : i32
        %dma_start3A_241 = tpu.memref_slice %arg4[%dma_start3A_240, %add3A_10] : memref<32x1600000xf32, #tpu.memory_space<hbm>> -> memref<32x400xf32, #tpu.memory_space<hbm>>
        tpu.enqueue_dma source(%arg7 : memref<32x400xf32, #tpu.memory_space<vmem>>) target(%dma_start3A_241 : memref<32x400xf32, #tpu.memory_space<hbm>>) target_semaphore(%run_scoped3A : memref<!tpu.dma_semaphore, #tpu.memory_space<semaphore_mem>>)
        %dma_wait3A_242 = arith.constant 0 : i32
        %dma_wait3A_243 = tpu.memref_slice %arg4[%dma_wait3A_242, %add3A_10] : memref<32x1600000xf32, #tpu.memory_space<hbm>> -> memref<32x400xf32, #tpu.memory_space<hbm>>
        %dma_wait3A_244 = arith.constant 0 : i32
        %dma_wait3A_245 = tpu.memref_slice %arg4[%dma_wait3A_244, %add3A_10] : memref<32x1600000xf32, #tpu.memory_space<hbm>> -> memref<32x400xf32, #tpu.memory_space<hbm>>
        tpu.wait_dma2 semaphore(%run_scoped3A : memref<!tpu.dma_semaphore, #tpu.memory_space<semaphore_mem>>) src(%arg7 : memref<32x400xf32, #tpu.memory_space<vmem>>) dst(%dma_wait3A_245 : memref<32x400xf32, #tpu.memory_space<hbm>>)
        tpu.yield
      }) : () -> ()
    }
    %scan3A_6 = arith.constant 125 : i32
    return
  }
}

#map = affine_map<(d0, d1) -> (0)>
#map1 = affine_map<(d0, d1) -> (0, 0)>
module attributes {stable_mosaic.version = 14 : i64} {
  func.func @_rmw_kernel(%arg0: i32, %arg1: i32, %arg2: memref<1600000xi32, #tpu.memory_space<hbm>>, %arg3: memref<32x1600000xf32, #tpu.memory_space<hbm>>, %arg4: memref<32x1600000xf32, #tpu.memory_space<hbm>>, %arg5: memref<32x102400xf32, #tpu.memory_space<hbm>>, %arg6: memref<102400xf32, #tpu.memory_space<vmem>>, %arg7: memref<2000xi32, #tpu.memory_space<vmem>>, %arg8: memref<2000xf32, #tpu.memory_space<vmem>>, %arg9: memref<2000xf32, #tpu.memory_space<vmem>>) attributes {dimension_semantics = [#tpu.dimension_semantics<core_parallel>, #tpu.dimension_semantics<subcore_parallel>], iteration_bounds = array<i64: 2, 16>, scalar_prefetch = 0 : i64, scratch_operands = 4 : i64, tpu.core_type = #tpu.core_type<sc_vector_subcore>, window_params = [{transform_indices = #map}, {transform_indices = #map1}, {transform_indices = #map1}, {transform_indices = #map1}]} {
    %mul3A = arith.constant 2 : i32
    %mul3A_0 = arith.muli %arg1, %mul3A : i32
    %add3A = arith.addi %mul3A_0, %arg0 : i32
    %broadcast_in_dim3A = arith.constant 0.000000e+00 : f32
    %broadcast_in_dim3A_1 = vector.broadcast %broadcast_in_dim3A : f32 to vector<16xf32>
    %scan3A = arith.constant 0 : i32
    %scan3A_2 = arith.constant 6400 : i32
    %scan3A_3 = arith.addi %scan3A, %scan3A_2 : i32
    %scan3A_4 = arith.constant 1 : i32
    scf.for %scan3A_11 = %scan3A to %scan3A_3 step %scan3A_4  : i32 {
      %mul3A_12 = arith.constant 16 : i32
      %mul3A_13 = arith.muli %scan3A_11, %mul3A_12 : i32
      %swap3A = arith.index_cast %mul3A_13 : i32 to index
      %swap3A_14 = tpu.vector_load %arg6[%swap3A] {strides = array<i32>} : memref<102400xf32, #tpu.memory_space<vmem>>, vector<16xf32>,
      tpu.vector_store %arg6[%swap3A], %broadcast_in_dim3A_1 {strides = array<i32>} : memref<102400xf32, #tpu.memory_space<vmem>>, vector<16xf32>,
    }
    %scan3A_5 = arith.constant 6400 : i32
    %scan3A_6 = arith.constant 0 : i32
    %scan3A_7 = arith.constant 800 : i32
    %scan3A_8 = arith.addi %scan3A_6, %scan3A_7 : i32
    %scan3A_9 = arith.constant 1 : i32
    scf.for %scan3A_11 = %scan3A_6 to %scan3A_8 step %scan3A_9  : i32 {
      %mul3A_12 = arith.constant 2000 : i32
      %mul3A_13 = arith.muli %scan3A_11, %mul3A_12 : i32
      "tpu.region"() ({
        %run_scoped3A = tpu.sem_alloc : memref<!tpu.dma_semaphore, #tpu.memory_space<semaphore_mem>>
        %dma_start3A = tpu.memref_slice %arg2[%mul3A_13] : memref<1600000xi32, #tpu.memory_space<hbm>> -> memref<2000xi32, #tpu.memory_space<hbm>>
        %dma_start3A_22 = tpu.memref_slice %arg2[%mul3A_13] : memref<1600000xi32, #tpu.memory_space<hbm>> -> memref<2000xi32, #tpu.memory_space<hbm>>
        tpu.enqueue_dma source(%dma_start3A_22 : memref<2000xi32, #tpu.memory_space<hbm>>) target(%arg7 : memref<2000xi32, #tpu.memory_space<vmem>>) target_semaphore(%run_scoped3A : memref<!tpu.dma_semaphore, #tpu.memory_space<semaphore_mem>>)
        %dma_wait3A = tpu.memref_slice %arg2[%mul3A_13] : memref<1600000xi32, #tpu.memory_space<hbm>> -> memref<2000xi32, #tpu.memory_space<hbm>>
        %dma_wait3A_23 = tpu.memref_slice %arg2[%mul3A_13] : memref<1600000xi32, #tpu.memory_space<hbm>> -> memref<2000xi32, #tpu.memory_space<hbm>>
        tpu.wait_dma2 semaphore(%run_scoped3A : memref<!tpu.dma_semaphore, #tpu.memory_space<semaphore_mem>>) src(%dma_wait3A_23 : memref<2000xi32, #tpu.memory_space<hbm>>) dst(%arg7 : memref<2000xi32, #tpu.memory_space<vmem>>)
        tpu.yield
      }) : () -> ()
      "tpu.region"() ({
        %run_scoped3A = tpu.sem_alloc : memref<!tpu.dma_semaphore, #tpu.memory_space<semaphore_mem>>
        %dma_start3A = tpu.memref_slice %arg3[%add3A, %mul3A_13] : memref<32x1600000xf32, #tpu.memory_space<hbm>> -> memref<1x2000xf32, #tpu.memory_space<hbm>>
        %dma_start3A_22 = tpu.memref_squeeze %dma_start3A : memref<1x2000xf32, #tpu.memory_space<hbm>> -> memref<2000xf32, #tpu.memory_space<hbm>>
        %dma_start3A_23 = tpu.memref_slice %arg3[%add3A, %mul3A_13] : memref<32x1600000xf32, #tpu.memory_space<hbm>> -> memref<1x2000xf32, #tpu.memory_space<hbm>>
        %dma_start3A_24 = tpu.memref_squeeze %dma_start3A_23 : memref<1x2000xf32, #tpu.memory_space<hbm>> -> memref<2000xf32, #tpu.memory_space<hbm>>
        tpu.enqueue_dma source(%dma_start3A_24 : memref<2000xf32, #tpu.memory_space<hbm>>) target(%arg8 : memref<2000xf32, #tpu.memory_space<vmem>>) target_semaphore(%run_scoped3A : memref<!tpu.dma_semaphore, #tpu.memory_space<semaphore_mem>>)
        %dma_wait3A = tpu.memref_slice %arg3[%add3A, %mul3A_13] : memref<32x1600000xf32, #tpu.memory_space<hbm>> -> memref<1x2000xf32, #tpu.memory_space<hbm>>
        %dma_wait3A_25 = tpu.memref_squeeze %dma_wait3A : memref<1x2000xf32, #tpu.memory_space<hbm>> -> memref<2000xf32, #tpu.memory_space<hbm>>
        %dma_wait3A_26 = tpu.memref_slice %arg3[%add3A, %mul3A_13] : memref<32x1600000xf32, #tpu.memory_space<hbm>> -> memref<1x2000xf32, #tpu.memory_space<hbm>>
        %dma_wait3A_27 = tpu.memref_squeeze %dma_wait3A_26 : memref<1x2000xf32, #tpu.memory_space<hbm>> -> memref<2000xf32, #tpu.memory_space<hbm>>
        tpu.wait_dma2 semaphore(%run_scoped3A : memref<!tpu.dma_semaphore, #tpu.memory_space<semaphore_mem>>) src(%dma_wait3A_27 : memref<2000xf32, #tpu.memory_space<hbm>>) dst(%arg8 : memref<2000xf32, #tpu.memory_space<vmem>>)
        tpu.yield
      }) : () -> ()
      "tpu.region"() ({
        %run_scoped3A = tpu.sem_alloc : memref<!tpu.dma_semaphore, #tpu.memory_space<semaphore_mem>>
        %dma_start3A = tpu.memref_slice %arg4[%add3A, %mul3A_13] : memref<32x1600000xf32, #tpu.memory_space<hbm>> -> memref<1x2000xf32, #tpu.memory_space<hbm>>
        %dma_start3A_22 = tpu.memref_squeeze %dma_start3A : memref<1x2000xf32, #tpu.memory_space<hbm>> -> memref<2000xf32, #tpu.memory_space<hbm>>
        %dma_start3A_23 = tpu.memref_slice %arg4[%add3A, %mul3A_13] : memref<32x1600000xf32, #tpu.memory_space<hbm>> -> memref<1x2000xf32, #tpu.memory_space<hbm>>
        %dma_start3A_24 = tpu.memref_squeeze %dma_start3A_23 : memref<1x2000xf32, #tpu.memory_space<hbm>> -> memref<2000xf32, #tpu.memory_space<hbm>>
        tpu.enqueue_dma source(%dma_start3A_24 : memref<2000xf32, #tpu.memory_space<hbm>>) target(%arg9 : memref<2000xf32, #tpu.memory_space<vmem>>) target_semaphore(%run_scoped3A : memref<!tpu.dma_semaphore, #tpu.memory_space<semaphore_mem>>)
        %dma_wait3A = tpu.memref_slice %arg4[%add3A, %mul3A_13] : memref<32x1600000xf32, #tpu.memory_space<hbm>> -> memref<1x2000xf32, #tpu.memory_space<hbm>>
        %dma_wait3A_25 = tpu.memref_squeeze %dma_wait3A : memref<1x2000xf32, #tpu.memory_space<hbm>> -> memref<2000xf32, #tpu.memory_space<hbm>>
        %dma_wait3A_26 = tpu.memref_slice %arg4[%add3A, %mul3A_13] : memref<32x1600000xf32, #tpu.memory_space<hbm>> -> memref<1x2000xf32, #tpu.memory_space<hbm>>
        %dma_wait3A_27 = tpu.memref_squeeze %dma_wait3A_26 : memref<1x2000xf32, #tpu.memory_space<hbm>> -> memref<2000xf32, #tpu.memory_space<hbm>>
        tpu.wait_dma2 semaphore(%run_scoped3A : memref<!tpu.dma_semaphore, #tpu.memory_space<semaphore_mem>>) src(%dma_wait3A_27 : memref<2000xf32, #tpu.memory_space<hbm>>) dst(%arg9 : memref<2000xf32, #tpu.memory_space<vmem>>)
        tpu.yield
      }) : () -> ()
      %broadcast_in_dim3A_14 = arith.constant false
      %broadcast_in_dim3A_15 = vector.broadcast %broadcast_in_dim3A_14 : i1 to vector<16xi1>
      %scan3A_16 = arith.constant 0 : i32
      %scan3A_17 = arith.constant 125 : i32
      %scan3A_18 = arith.addi %scan3A_16, %scan3A_17 : i32
      %scan3A_19 = arith.constant 1 : i32
      %scan3A_20 = scf.for %scan3A_22 = %scan3A_16 to %scan3A_18 step %scan3A_19 iter_args(%scan3A_23 = %broadcast_in_dim3A_15) -> (vector<16xi1>)  : i32 {
        %mul3A_24 = arith.constant 16 : i32
        %mul3A_25 = arith.muli %scan3A_22, %mul3A_24 : i32
        %get3A = arith.index_cast %mul3A_25 : i32 to index
        %get3A_26 = tpu.vector_load %arg7[%get3A] {strides = array<i32>} : memref<2000xi32, #tpu.memory_space<vmem>>, vector<16xi32>,
        %get3A_27 = arith.index_cast %mul3A_25 : i32 to index
        %get3A_28 = tpu.vector_load %arg8[%get3A_27] {strides = array<i32>} : memref<2000xf32, #tpu.memory_space<vmem>>, vector<16xf32>,
        %get3A_29 = arith.index_cast %mul3A_25 : i32 to index
        %get3A_30 = tpu.vector_load %arg9[%get3A_29] {strides = array<i32>} : memref<2000xf32, #tpu.memory_space<vmem>>, vector<16xf32>,
        %add3A_31 = arith.addf %get3A_28, %get3A_30 : vector<16xf32>
        %gather3A = tpu.vector_load_idx %arg6[%get3A_26] : memref<102400xf32, #tpu.memory_space<vmem>>[vector<16xi32>], vector<16xf32>,
        %max3A = arith.maximumf %gather3A, %add3A_31 : vector<16xf32>
        tpu.vector_store_idx %arg6[%get3A_26], %max3A : memref<102400xf32, #tpu.memory_space<vmem>>[vector<16xi32>], vector<16xf32>,
        %gather3A_32 = tpu.vector_load_idx %arg6[%get3A_26] : memref<102400xf32, #tpu.memory_space<vmem>>[vector<16xi32>], vector<16xf32>,
        %lt3A = arith.cmpf olt, %gather3A_32, %add3A_31 : vector<16xf32>
        %or3A = arith.ori %scan3A_23, %lt3A : vector<16xi1>
        scf.yield %or3A : vector<16xi1>
      }
      %scan3A_21 = arith.constant 125 : i32
      %while3A = scf.while (%while3A_22 = %scan3A_20) : (vector<16xi1>) -> vector<16xi1> {
        %all_reduce_population_count3A = tpu.all_reduce %while3A_22 {dim = 0 : i64, kind = #tpu.reduction_kind<sum>} : vector<16xi1> -> vector<16xi32>
        %slice3A = vector.extract_strided_slice %all_reduce_population_count3A {offsets = [0], sizes = [1], strides = [1]} : vector<16xi32> to vector<1xi32>
        %squeeze3A = vector.extract %slice3A[0] : i32 from vector<1xi32>
        %gt3A = arith.constant 0 : i32
        %gt3A_23 = arith.cmpi sgt, %squeeze3A, %gt3A : i32
        scf.condition(%gt3A_23) %while3A_22 : vector<16xi1>
      } do {
      ^bb0(%while3A_22: vector<16xi1>):
        %broadcast_in_dim3A_23 = arith.constant false
        %broadcast_in_dim3A_24 = vector.broadcast %broadcast_in_dim3A_23 : i1 to vector<16xi1>
        %scan3A_25 = arith.constant 0 : i32
        %scan3A_26 = arith.constant 125 : i32
        %scan3A_27 = arith.addi %scan3A_25, %scan3A_26 : i32
        %scan3A_28 = arith.constant 1 : i32
        %scan3A_29 = scf.for %scan3A_31 = %scan3A_25 to %scan3A_27 step %scan3A_28 iter_args(%scan3A_32 = %broadcast_in_dim3A_24) -> (vector<16xi1>)  : i32 {
          %mul3A_33 = arith.constant 16 : i32
          %mul3A_34 = arith.muli %scan3A_31, %mul3A_33 : i32
          %get3A = arith.index_cast %mul3A_34 : i32 to index
          %get3A_35 = tpu.vector_load %arg7[%get3A] {strides = array<i32>} : memref<2000xi32, #tpu.memory_space<vmem>>, vector<16xi32>,
          %get3A_36 = arith.index_cast %mul3A_34 : i32 to index
          %get3A_37 = tpu.vector_load %arg8[%get3A_36] {strides = array<i32>} : memref<2000xf32, #tpu.memory_space<vmem>>, vector<16xf32>,
          %get3A_38 = arith.index_cast %mul3A_34 : i32 to index
          %get3A_39 = tpu.vector_load %arg9[%get3A_38] {strides = array<i32>} : memref<2000xf32, #tpu.memory_space<vmem>>, vector<16xf32>,
          %add3A_40 = arith.addf %get3A_37, %get3A_39 : vector<16xf32>
          %gather3A = tpu.vector_load_idx %arg6[%get3A_35] : memref<102400xf32, #tpu.memory_space<vmem>>[vector<16xi32>], vector<16xf32>,
          %lt3A = arith.cmpf olt, %gather3A, %add3A_40 : vector<16xf32>
          tpu.vector_store_idx %arg6[%get3A_35], %add3A_40 masked %lt3A : memref<102400xf32, #tpu.memory_space<vmem>>[vector<16xi32>], vector<16xf32>, vector<16xi1>
          %gather3A_41 = tpu.vector_load_idx %arg6[%get3A_35] : memref<102400xf32, #tpu.memory_space<vmem>>[vector<16xi32>], vector<16xf32>,
          %lt3A_42 = arith.cmpf olt, %gather3A_41, %add3A_40 : vector<16xf32>
          %or3A = arith.ori %scan3A_32, %lt3A_42 : vector<16xi1>
          scf.yield %or3A : vector<16xi1>
        }
        %scan3A_30 = arith.constant 125 : i32
        scf.yield %scan3A_29 : vector<16xi1>
      }
    }
    %scan3A_10 = arith.constant 800 : i32
    "tpu.region"() ({
      %run_scoped3A = tpu.sem_alloc : memref<!tpu.dma_semaphore, #tpu.memory_space<semaphore_mem>>
      %dma_start3A = arith.constant 0 : i32
      %dma_start3A_11 = tpu.memref_slice %arg5[%add3A, %dma_start3A] : memref<32x102400xf32, #tpu.memory_space<hbm>> -> memref<1x102400xf32, #tpu.memory_space<hbm>>
      %dma_start3A_12 = tpu.memref_squeeze %dma_start3A_11 : memref<1x102400xf32, #tpu.memory_space<hbm>> -> memref<102400xf32, #tpu.memory_space<hbm>>
      %dma_start3A_13 = arith.constant 0 : i32
      %dma_start3A_14 = tpu.memref_slice %arg5[%add3A, %dma_start3A_13] : memref<32x102400xf32, #tpu.memory_space<hbm>> -> memref<1x102400xf32, #tpu.memory_space<hbm>>
      %dma_start3A_15 = tpu.memref_squeeze %dma_start3A_14 : memref<1x102400xf32, #tpu.memory_space<hbm>> -> memref<102400xf32, #tpu.memory_space<hbm>>
      tpu.enqueue_dma source(%arg6 : memref<102400xf32, #tpu.memory_space<vmem>>) target(%dma_start3A_15 : memref<102400xf32, #tpu.memory_space<hbm>>) target_semaphore(%run_scoped3A : memref<!tpu.dma_semaphore, #tpu.memory_space<semaphore_mem>>)
      %dma_wait3A = arith.constant 0 : i32
      %dma_wait3A_16 = tpu.memref_slice %arg5[%add3A, %dma_wait3A] : memref<32x102400xf32, #tpu.memory_space<hbm>> -> memref<1x102400xf32, #tpu.memory_space<hbm>>
      %dma_wait3A_17 = tpu.memref_squeeze %dma_wait3A_16 : memref<1x102400xf32, #tpu.memory_space<hbm>> -> memref<102400xf32, #tpu.memory_space<hbm>>
      %dma_wait3A_18 = arith.constant 0 : i32
      %dma_wait3A_19 = tpu.memref_slice %arg5[%add3A, %dma_wait3A_18] : memref<32x102400xf32, #tpu.memory_space<hbm>> -> memref<1x102400xf32, #tpu.memory_space<hbm>>
      %dma_wait3A_20 = tpu.memref_squeeze %dma_wait3A_19 : memref<1x102400xf32, #tpu.memory_space<hbm>> -> memref<102400xf32, #tpu.memory_space<hbm>>
      tpu.wait_dma2 semaphore(%run_scoped3A : memref<!tpu.dma_semaphore, #tpu.memory_space<semaphore_mem>>) src(%arg6 : memref<102400xf32, #tpu.memory_space<vmem>>) dst(%dma_wait3A_20 : memref<102400xf32, #tpu.memory_space<hbm>>)
      tpu.yield
    }) : () -> ()
    return
  }
}

#map = affine_map<(d0, d1) -> (0, 0)>
#map1 = affine_map<(d0, d1) -> (0)>
module attributes {stable_mosaic.version = 14 : i64} {
  func.func @_route_kernel(%arg0: i32, %arg1: i32, %arg2: memref<102400x16xf32, #tpu.memory_space<hbm>>, %arg3: memref<400000xi32, #tpu.memory_space<hbm>>, %arg4: memref<400000xf32, #tpu.memory_space<hbm>>, %arg5: memref<2000xi32, #tpu.memory_space<vmem>>, %arg6: memref<2000x16xf32, #tpu.memory_space<vmem>>, %arg7: memref<2000xf32, #tpu.memory_space<vmem>>, %arg8: memref<!tpu.dma_semaphore, #tpu.memory_space<semaphore_mem>>) attributes {dimension_semantics = [#tpu.dimension_semantics<core_parallel>, #tpu.dimension_semantics<subcore_parallel>], iteration_bounds = array<i64: 2, 16>, scalar_prefetch = 0 : i64, scratch_operands = 4 : i64, tpu.core_type = #tpu.core_type<sc_vector_subcore>, window_params = [{transform_indices = #map}, {transform_indices = #map1}, {transform_indices = #map1}]} {
    %mul3A = arith.constant 2 : i32
    %mul3A_0 = arith.muli %arg1, %mul3A : i32
    %add3A = arith.addi %mul3A_0, %arg0 : i32
    %broadcast_in_dim3A = arith.constant 0 : i32
    %broadcast_in_dim3A_1 = vector.broadcast %broadcast_in_dim3A : i32 to vector<16xi32>
    %scan3A = arith.constant 0 : i32
    %scan3A_2 = arith.constant 7 : i32
    %scan3A_3 = arith.addi %scan3A, %scan3A_2 : i32
    %scan3A_4 = arith.constant 1 : i32
    scf.for %scan3A_6 = %scan3A to %scan3A_3 step %scan3A_4  : i32 {
      %mul3A_7 = arith.constant 32 : i32
      %mul3A_8 = arith.muli %scan3A_6, %mul3A_7 : i32
      %add3A_9 = arith.addi %add3A, %mul3A_8 : i32
      %lt3A = arith.constant 200 : i32
      %lt3A_10 = arith.cmpi slt, %add3A_9, %lt3A : i32
      %convert_element_type3A = arith.extui %lt3A_10 : i1 to i32
      %cond3A = arith.constant 0 : i32
      %cond3A_11 = arith.cmpi ne, %convert_element_type3A, %cond3A : i32
      scf.if %cond3A_11 {
        %mul3A_12 = arith.constant 2000 : i32
        %mul3A_13 = arith.muli %add3A_9, %mul3A_12 : i32
        "tpu.region"() ({
          %run_scoped3A = tpu.sem_alloc : memref<!tpu.dma_semaphore, #tpu.memory_space<semaphore_mem>>
          %dma_start3A_23 = tpu.memref_slice %arg3[%mul3A_13] : memref<400000xi32, #tpu.memory_space<hbm>> -> memref<2000xi32, #tpu.memory_space<hbm>>
          %dma_start3A_24 = tpu.memref_slice %arg3[%mul3A_13] : memref<400000xi32, #tpu.memory_space<hbm>> -> memref<2000xi32, #tpu.memory_space<hbm>>
          tpu.enqueue_dma source(%dma_start3A_24 : memref<2000xi32, #tpu.memory_space<hbm>>) target(%arg5 : memref<2000xi32, #tpu.memory_space<vmem>>) target_semaphore(%run_scoped3A : memref<!tpu.dma_semaphore, #tpu.memory_space<semaphore_mem>>)
          %dma_wait3A_25 = tpu.memref_slice %arg3[%mul3A_13] : memref<400000xi32, #tpu.memory_space<hbm>> -> memref<2000xi32, #tpu.memory_space<hbm>>
          %dma_wait3A_26 = tpu.memref_slice %arg3[%mul3A_13] : memref<400000xi32, #tpu.memory_space<hbm>> -> memref<2000xi32, #tpu.memory_space<hbm>>
          tpu.wait_dma2 semaphore(%run_scoped3A : memref<!tpu.dma_semaphore, #tpu.memory_space<semaphore_mem>>) src(%dma_wait3A_26 : memref<2000xi32, #tpu.memory_space<hbm>>) dst(%arg5 : memref<2000xi32, #tpu.memory_space<vmem>>)
          tpu.yield
        }) : () -> ()
        %dma_start3A = arith.constant 0 : i32
        %dma_start3A_14 = arith.constant 0 : i32
        %dma_start3A_15 = tpu.memref_slice %arg2[%dma_start3A, %dma_start3A_14] : memref<102400x16xf32, #tpu.memory_space<hbm>> -> memref<102400x16xf32, #tpu.memory_space<hbm>>
        tpu.enqueue_indirect_dma source(%dma_start3A_15 : memref<102400x16xf32, #tpu.memory_space<hbm>>) target(%arg6 : memref<2000x16xf32, #tpu.memory_space<vmem>>) offsets(%arg5 : memref<2000xi32, #tpu.memory_space<vmem>>) semaphore(%arg8 : memref<!tpu.dma_semaphore, #tpu.memory_space<semaphore_mem>>)
        %dma_wait3A = arith.constant 0 : i32
        %dma_wait3A_16 = arith.constant 0 : i32
        %dma_wait3A_17 = tpu.memref_slice %arg2[%dma_wait3A, %dma_wait3A_16] : memref<102400x16xf32, #tpu.memory_space<hbm>> -> memref<102400x16xf32, #tpu.memory_space<hbm>>
        tpu.wait_indirect_dma semaphore(%arg8 : memref<!tpu.dma_semaphore, #tpu.memory_space<semaphore_mem>>) src(%dma_wait3A_17 : memref<102400x16xf32, #tpu.memory_space<hbm>>) dst(%arg6 : memref<2000x16xf32, #tpu.memory_space<vmem>>)
        %scan3A_18 = arith.constant 0 : i32
        %scan3A_19 = arith.constant 125 : i32
        %scan3A_20 = arith.addi %scan3A_18, %scan3A_19 : i32
        %scan3A_21 = arith.constant 1 : i32
        scf.for %scan3A_23 = %scan3A_18 to %scan3A_20 step %scan3A_21  : i32 {
          %mul3A_24 = arith.constant 16 : i32
          %mul3A_25 = arith.muli %scan3A_23, %mul3A_24 : i32
          %iota3A = tpu.iota {dimensions = array<i32: 0>} : vector<16xi32>
          %add3A_26 = vector.broadcast %mul3A_25 : i32 to vector<16xi32>
          %add3A_27 = arith.addi %add3A_26, %iota3A : vector<16xi32>
          %gather3A = tpu.vector_load_idx %arg6[%add3A_27, %broadcast_in_dim3A_1] : memref<2000x16xf32, #tpu.memory_space<vmem>>[vector<16xi32>, vector<16xi32>], vector<16xf32>,
          %mul3A_28 = arith.constant 16 : i32
          %mul3A_29 = arith.muli %scan3A_23, %mul3A_28 : i32
          %swap3A = arith.index_cast %mul3A_29 : i32 to index
          %swap3A_30 = tpu.vector_load %arg7[%swap3A] {strides = array<i32>} : memref<2000xf32, #tpu.memory_space<vmem>>, vector<16xf32>,
          tpu.vector_store %arg7[%swap3A], %gather3A {strides = array<i32>} : memref<2000xf32, #tpu.memory_space<vmem>>, vector<16xf32>,
        }
        %scan3A_22 = arith.constant 125 : i32
        "tpu.region"() ({
          %run_scoped3A = tpu.sem_alloc : memref<!tpu.dma_semaphore, #tpu.memory_space<semaphore_mem>>
          %dma_start3A_23 = tpu.memref_slice %arg4[%mul3A_13] : memref<400000xf32, #tpu.memory_space<hbm>> -> memref<2000xf32, #tpu.memory_space<hbm>>
          %dma_start3A_24 = tpu.memref_slice %arg4[%mul3A_13] : memref<400000xf32, #tpu.memory_space<hbm>> -> memref<2000xf32, #tpu.memory_space<hbm>>
          tpu.enqueue_dma source(%arg7 : memref<2000xf32, #tpu.memory_space<vmem>>) target(%dma_start3A_24 : memref<2000xf32, #tpu.memory_space<hbm>>) target_semaphore(%run_scoped3A : memref<!tpu.dma_semaphore, #tpu.memory_space<semaphore_mem>>)
          %dma_wait3A_25 = tpu.memref_slice %arg4[%mul3A_13] : memref<400000xf32, #tpu.memory_space<hbm>> -> memref<2000xf32, #tpu.memory_space<hbm>>
          %dma_wait3A_26 = tpu.memref_slice %arg4[%mul3A_13] : memref<400000xf32, #tpu.memory_space<hbm>> -> memref<2000xf32, #tpu.memory_space<hbm>>
          tpu.wait_dma2 semaphore(%run_scoped3A : memref<!tpu.dma_semaphore, #tpu.memory_space<semaphore_mem>>) src(%arg7 : memref<2000xf32, #tpu.memory_space<vmem>>) dst(%dma_wait3A_26 : memref<2000xf32, #tpu.memory_space<hbm>>)
          tpu.yield
        }) : () -> ()
      } else {
      }
    }
    %scan3A_5 = arith.constant 7 : i32
    return
  }
}

module attributes {stable_mosaic.version = 14 : i64} {
  func.func @_prep0_body(%arg0: i32, %arg1: memref<32x4096xf32, #tpu.memory_space<vmem>>, %arg2: memref<4x32xf32, #tpu.memory_space<vmem>>, %arg3: memref<4096x1xf32, #tpu.memory_space<vmem>>, %arg4: memref<4096x32xf32, #tpu.memory_space<vmem>>) attributes {dimension_semantics = [#tpu.dimension_semantics<arbitrary>], iteration_bounds = array<i64: 25>, scalar_prefetch = 0 : i64, scratch_operands = 0 : i64, tpu.core_type = #tpu.core_type<tc>, window_params = [{transform_indices = @transform_0, window_bounds = array<i64: 32, 4096>}, {pipeline_mode = #tpu.pipeline_mode<synchronous>, transform_indices = @transform_1, window_bounds = array<i64: 4, 32>}, {transform_indices = @transform_2, window_bounds = array<i64: 4096, 1>}, {transform_indices = @transform_3, window_bounds = array<i64: 4096, 32>}]} {
    %get3A = arith.constant 0 : index
    %get3A_0 = arith.constant 0 : index
    %get3A_1 = vector.load %arg1[%get3A, %get3A_0] : memref<32x4096xf32, #tpu.memory_space<vmem>>, vector<32x4096xf32>
    %reduce_sum3A = arith.constant dense<0.000000e+00> : vector<4096xf32>
    %reduce_sum3A_2 = vector.multi_reduction <add>, %get3A_1, %reduce_sum3A [0] : vector<32x4096xf32> to vector<4096xf32>
    %broadcast_in_dim3A = vector.shape_cast %reduce_sum3A_2 : vector<4096xf32> to vector<1x4096xf32>
    %transpose3A = tpu.transpose %broadcast_in_dim3A, [1, 0] : vector<1x4096xf32> -> vector<4096x1xf32>
    %div3A = arith.constant 1.000000e+05 : f32
    %div3A_3 = vector.broadcast %div3A : f32 to vector<4096x1xf32>
    %div3A_4 = arith.divf %transpose3A, %div3A_3 : vector<4096x1xf32>
    %swap3A = arith.constant 0 : index
    %swap3A_5 = arith.constant 0 : index
    %swap3A_6 = vector.load %arg3[%swap3A, %swap3A_5] : memref<4096x1xf32, #tpu.memory_space<vmem>>, vector<4096x1xf32>
    tpu.vector_store %arg3[%swap3A, %swap3A_5], %div3A_4 {strides = array<i32>} : memref<4096x1xf32, #tpu.memory_space<vmem>>, vector<4096x1xf32>,
    %get3A_7 = arith.constant 0 : index
    %get3A_8 = arith.constant 0 : index
    %get3A_9 = vector.load %arg2[%get3A_7, %get3A_8] : memref<4x32xf32, #tpu.memory_space<vmem>>, vector<1x32xf32>
    %mul3A = vector.broadcast %div3A_4 : vector<4096x1xf32> to vector<4096x32xf32>
    %mul3A_10 = vector.broadcast %get3A_9 : vector<1x32xf32> to vector<4096x32xf32>
    %mul3A_11 = arith.mulf %mul3A, %mul3A_10 : vector<4096x32xf32>
    %swap3A_12 = arith.constant 0 : index
    %swap3A_13 = arith.constant 0 : index
    %swap3A_14 = vector.load %arg4[%swap3A_12, %swap3A_13] : memref<4096x32xf32, #tpu.memory_space<vmem>>, vector<4096x32xf32>
    tpu.vector_store %arg4[%swap3A_12, %swap3A_13], %mul3A_11 {strides = array<i32>} : memref<4096x32xf32, #tpu.memory_space<vmem>>, vector<4096x32xf32>,
    return
  }
  func.func @transform_0(%arg0: i32) -> (i32, i32) {
    %c0_i32 = arith.constant 0 : i32
    %c0_i32_0 = arith.constant 0 : i32
    return %c0_i32, %arg0 : i32, i32
  }
  func.func @transform_1(%arg0: i32) -> (i32, i32) {
    %c0_i32 = arith.constant 0 : i32
    %c0_i32_0 = arith.constant 0 : i32
    %c0_i32_1 = arith.constant 0 : i32
    return %c0_i32, %c0_i32_0 : i32, i32
  }
  func.func @transform_2(%arg0: i32) -> (i32, i32) {
    %c0_i32 = arith.constant 0 : i32
    %c0_i32_0 = arith.constant 0 : i32
    return %arg0, %c0_i32 : i32, i32
  }
  func.func @transform_3(%arg0: i32) -> (i32, i32) {
    %c0_i32 = arith.constant 0 : i32
    %c0_i32_0 = arith.constant 0 : i32
    return %arg0, %c0_i32 : i32, i32
  }
}

module attributes {stable_mosaic.version = 14 : i64} {
  func.func @_h_body(%arg0: i32, %arg1: memref<16000x3xf32, #tpu.memory_space<vmem>>, %arg2: memref<4x32xf32, #tpu.memory_space<vmem>>, %arg3: memref<35x32xf32, #tpu.memory_space<vmem>>, %arg4: memref<1x32xf32, #tpu.memory_space<vmem>>, %arg5: memref<1x32xf32, #tpu.memory_space<vmem>>, %arg6: memref<32x16000xf32, #tpu.memory_space<vmem>>, %arg7: memref<32x16000xf32, #tpu.memory_space<vmem>>) attributes {dimension_semantics = [#tpu.dimension_semantics<arbitrary>], iteration_bounds = array<i64: 100>, scalar_prefetch = 0 : i64, scratch_operands = 0 : i64, tpu.core_type = #tpu.core_type<tc>, window_params = [{transform_indices = @transform_0, window_bounds = array<i64: 16000, 3>}, {pipeline_mode = #tpu.pipeline_mode<synchronous>, transform_indices = @transform_1, window_bounds = array<i64: 4, 32>}, {pipeline_mode = #tpu.pipeline_mode<synchronous>, transform_indices = @transform_2, window_bounds = array<i64: 35, 32>}, {pipeline_mode = #tpu.pipeline_mode<synchronous>, transform_indices = @transform_3, window_bounds = array<i64: 1, 32>}, {pipeline_mode = #tpu.pipeline_mode<synchronous>, transform_indices = @transform_4, window_bounds = array<i64: 1, 32>}, {transform_indices = @transform_5, window_bounds = array<i64: 32, 16000>}, {transform_indices = @transform_6, window_bounds = array<i64: 32, 16000>}]} {
    %get3A = arith.constant 0 : index
    %get3A_0 = arith.constant 0 : index
    %get3A_1 = vector.load %arg1[%get3A, %get3A_0] : memref<16000x3xf32, #tpu.memory_space<vmem>>, vector<16000x3xf32>
    %get3A_2 = arith.constant 0 : index
    %get3A_3 = arith.constant 0 : index
    %get3A_4 = vector.load %arg2[%get3A_2, %get3A_3] : memref<4x32xf32, #tpu.memory_space<vmem>>, vector<4x32xf32>
    %slice3A = vector.extract_strided_slice %get3A_4 {offsets = [1, 0], sizes = [3, 32], strides = [1, 1]} : vector<4x32xf32> to vector<3x32xf32>
    %dot_general3A = arith.constant dense<0.000000e+00> : vector<32x16000xf32>
    %dot_general3A_5 = tpu.matmul %slice3A, %get3A_1, %dot_general3A {dimension_numbers = #tpu.dot_dimension_numbers<[0], [1], [1], [0], [0, 1, 1, 0], [], []>, transpose_lhs_hint = false} : vector<3x32xf32>, vector<16000x3xf32>, vector<32x16000xf32> -> vector<32x16000xf32>
    %get3A_6 = arith.constant 0 : index
    %get3A_7 = arith.constant 0 : index
    %get3A_8 = vector.load %arg4[%get3A_6, %get3A_7] : memref<1x32xf32, #tpu.memory_space<vmem>>, vector<1x32xf32>
    %transpose3A = tpu.transpose %get3A_8, [1, 0] : vector<1x32xf32> -> vector<32x1xf32>
    %add3A = vector.broadcast %transpose3A : vector<32x1xf32> to vector<32x16000xf32>
    %add3A_9 = arith.addf %dot_general3A_5, %add3A : vector<32x16000xf32>
    %swap3A = arith.constant 0 : index
    %swap3A_10 = arith.constant 0 : index
    %swap3A_11 = vector.load %arg6[%swap3A, %swap3A_10] : memref<32x16000xf32, #tpu.memory_space<vmem>>, vector<32x16000xf32>
    tpu.vector_store %arg6[%swap3A, %swap3A_10], %add3A_9 {strides = array<i32>} : memref<32x16000xf32, #tpu.memory_space<vmem>>, vector<32x16000xf32>,
    %get3A_12 = arith.constant 0 : index
    %get3A_13 = arith.constant 0 : index
    %get3A_14 = vector.load %arg3[%get3A_12, %get3A_13] : memref<35x32xf32, #tpu.memory_space<vmem>>, vector<35x32xf32>
    %slice3A_15 = vector.extract_strided_slice %get3A_14 {offsets = [32, 0], sizes = [3, 32], strides = [1, 1]} : vector<35x32xf32> to vector<3x32xf32>
    %dot_general3A_16 = arith.constant dense<0.000000e+00> : vector<32x16000xf32>
    %dot_general3A_17 = tpu.matmul %slice3A_15, %get3A_1, %dot_general3A_16 {dimension_numbers = #tpu.dot_dimension_numbers<[0], [1], [1], [0], [0, 1, 1, 0], [], []>, transpose_lhs_hint = false} : vector<3x32xf32>, vector<16000x3xf32>, vector<32x16000xf32> -> vector<32x16000xf32>
    %get3A_18 = arith.constant 0 : index
    %get3A_19 = arith.constant 0 : index
    %get3A_20 = vector.load %arg5[%get3A_18, %get3A_19] : memref<1x32xf32, #tpu.memory_space<vmem>>, vector<1x32xf32>
    %transpose3A_21 = tpu.transpose %get3A_20, [1, 0] : vector<1x32xf32> -> vector<32x1xf32>
    %add3A_22 = vector.broadcast %transpose3A_21 : vector<32x1xf32> to vector<32x16000xf32>
    %add3A_23 = arith.addf %dot_general3A_17, %add3A_22 : vector<32x16000xf32>
    %swap3A_24 = arith.constant 0 : index
    %swap3A_25 = arith.constant 0 : index
    %swap3A_26 = vector.load %arg7[%swap3A_24, %swap3A_25] : memref<32x16000xf32, #tpu.memory_space<vmem>>, vector<32x16000xf32>
    tpu.vector_store %arg7[%swap3A_24, %swap3A_25], %add3A_23 {strides = array<i32>} : memref<32x16000xf32, #tpu.memory_space<vmem>>, vector<32x16000xf32>,
    return
  }
  func.func @transform_0(%arg0: i32) -> (i32, i32) {
    %c0_i32 = arith.constant 0 : i32
    %c0_i32_0 = arith.constant 0 : i32
    return %arg0, %c0_i32 : i32, i32
  }
  func.func @transform_1(%arg0: i32) -> (i32, i32) {
    %c0_i32 = arith.constant 0 : i32
    %c0_i32_0 = arith.constant 0 : i32
    %c0_i32_1 = arith.constant 0 : i32
    return %c0_i32, %c0_i32_0 : i32, i32
  }
  func.func @transform_2(%arg0: i32) -> (i32, i32) {
    %c0_i32 = arith.constant 0 : i32
    %c0_i32_0 = arith.constant 0 : i32
    %c0_i32_1 = arith.constant 0 : i32
    return %c0_i32, %c0_i32_0 : i32, i32
  }
  func.func @transform_3(%arg0: i32) -> (i32, i32) {
    %c0_i32 = arith.constant 0 : i32
    %c0_i32_0 = arith.constant 0 : i32
    %c0_i32_1 = arith.constant 0 : i32
    return %c0_i32, %c0_i32_0 : i32, i32
  }
  func.func @transform_4(%arg0: i32) -> (i32, i32) {
    %c0_i32 = arith.constant 0 : i32
    %c0_i32_0 = arith.constant 0 : i32
    %c0_i32_1 = arith.constant 0 : i32
    return %c0_i32, %c0_i32_0 : i32, i32
  }
  func.func @transform_5(%arg0: i32) -> (i32, i32) {
    %c0_i32 = arith.constant 0 : i32
    %c0_i32_0 = arith.constant 0 : i32
    return %c0_i32, %arg0 : i32, i32
  }
  func.func @transform_6(%arg0: i32) -> (i32, i32) {
    %c0_i32 = arith.constant 0 : i32
    %c0_i32_0 = arith.constant 0 : i32
    return %c0_i32, %arg0 : i32, i32
  }
}

module attributes {stable_mosaic.version = 14 : i64} {
  func.func @_comb0_body(%arg0: i32, %arg1: memref<32x4096xf32, #tpu.memory_space<vmem>>, %arg2: memref<4096x1xf32, #tpu.memory_space<vmem>>, %arg3: memref<33x32xf32, #tpu.memory_space<vmem>>, %arg4: memref<35x32xf32, #tpu.memory_space<vmem>>, %arg5: memref<1x32xf32, #tpu.memory_space<vmem>>, %arg6: memref<4096x32xf32, #tpu.memory_space<vmem>>, %arg7: memref<4096x32xf32, #tpu.memory_space<vmem>>) attributes {dimension_semantics = [#tpu.dimension_semantics<arbitrary>], iteration_bounds = array<i64: 25>, scalar_prefetch = 0 : i64, scratch_operands = 0 : i64, tpu.core_type = #tpu.core_type<tc>, window_params = [{transform_indices = @transform_0, window_bounds = array<i64: 32, 4096>}, {transform_indices = @transform_1, window_bounds = array<i64: 4096, 1>}, {pipeline_mode = #tpu.pipeline_mode<synchronous>, transform_indices = @transform_2, window_bounds = array<i64: 33, 32>}, {pipeline_mode = #tpu.pipeline_mode<synchronous>, transform_indices = @transform_3, window_bounds = array<i64: 35, 32>}, {pipeline_mode = #tpu.pipeline_mode<synchronous>, transform_indices = @transform_4, window_bounds = array<i64: 1, 32>}, {transform_indices = @transform_5, window_bounds = array<i64: 4096, 32>}, {transform_indices = @transform_6, window_bounds = array<i64: 4096, 32>}]} {
    %get3A = arith.constant 0 : index
    %get3A_0 = arith.constant 0 : index
    %get3A_1 = vector.load %arg3[%get3A, %get3A_0] : memref<33x32xf32, #tpu.memory_space<vmem>>, vector<33x32xf32>
    %get3A_2 = arith.constant 0 : index
    %get3A_3 = arith.constant 0 : index
    %get3A_4 = vector.load %arg1[%get3A_2, %get3A_3] : memref<32x4096xf32, #tpu.memory_space<vmem>>, vector<32x4096xf32>
    %slice3A = vector.extract_strided_slice %get3A_1 {offsets = [0, 0], sizes = [32, 32], strides = [1, 1]} : vector<33x32xf32> to vector<32x32xf32>
    %dot_general3A = arith.constant dense<0.000000e+00> : vector<4096x32xf32>
    %dot_general3A_5 = tpu.matmul %get3A_4, %slice3A, %dot_general3A {dimension_numbers = #tpu.dot_dimension_numbers<[0], [0], [1], [1], [0, 1, 1, 1], [], []>, transpose_lhs_hint = false} : vector<32x4096xf32>, vector<32x32xf32>, vector<4096x32xf32> -> vector<4096x32xf32>
    %get3A_6 = arith.constant 0 : index
    %get3A_7 = arith.constant 0 : index
    %get3A_8 = vector.load %arg2[%get3A_6, %get3A_7] : memref<4096x1xf32, #tpu.memory_space<vmem>>, vector<4096x1xf32>
    %slice3A_9 = vector.extract_strided_slice %get3A_1 {offsets = [32, 0], sizes = [1, 32], strides = [1, 1]} : vector<33x32xf32> to vector<1x32xf32>
    %mul3A = vector.broadcast %get3A_8 : vector<4096x1xf32> to vector<4096x32xf32>
    %mul3A_10 = vector.broadcast %slice3A_9 : vector<1x32xf32> to vector<4096x32xf32>
    %mul3A_11 = arith.mulf %mul3A, %mul3A_10 : vector<4096x32xf32>
    %add3A = arith.addf %dot_general3A_5, %mul3A_11 : vector<4096x32xf32>
    %get3A_12 = arith.constant 0 : index
    %get3A_13 = arith.constant 0 : index
    %get3A_14 = vector.load %arg5[%get3A_12, %get3A_13] : memref<1x32xf32, #tpu.memory_space<vmem>>, vector<1x32xf32>
    %add3A_15 = vector.broadcast %get3A_14 : vector<1x32xf32> to vector<4096x32xf32>
    %add3A_16 = arith.addf %add3A, %add3A_15 : vector<4096x32xf32>
    %max3A = arith.constant 0.000000e+00 : f32
    %max3A_17 = vector.broadcast %max3A : f32 to vector<4096x32xf32>
    %max3A_18 = arith.maximumf %add3A_16, %max3A_17 : vector<4096x32xf32>
    %swap3A = arith.constant 0 : index
    %swap3A_19 = arith.constant 0 : index
    %swap3A_20 = vector.load %arg6[%swap3A, %swap3A_19] : memref<4096x32xf32, #tpu.memory_space<vmem>>, vector<4096x32xf32>
    tpu.vector_store %arg6[%swap3A, %swap3A_19], %max3A_18 {strides = array<i32>} : memref<4096x32xf32, #tpu.memory_space<vmem>>, vector<4096x32xf32>,
    %get3A_21 = arith.constant 0 : index
    %get3A_22 = arith.constant 0 : index
    %get3A_23 = vector.load %arg4[%get3A_21, %get3A_22] : memref<35x32xf32, #tpu.memory_space<vmem>>, vector<35x32xf32>
    %slice3A_24 = vector.extract_strided_slice %get3A_23 {offsets = [0, 0], sizes = [32, 32], strides = [1, 1]} : vector<35x32xf32> to vector<32x32xf32>
    %dot_general3A_25 = arith.constant dense<0.000000e+00> : vector<4096x32xf32>
    %dot_general3A_26 = tpu.matmul %max3A_18, %slice3A_24, %dot_general3A_25 {dimension_numbers = #tpu.dot_dimension_numbers<[1], [0], [0], [1], [0, 0, 1, 1], [], []>, transpose_lhs_hint = false} : vector<4096x32xf32>, vector<32x32xf32>, vector<4096x32xf32> -> vector<4096x32xf32>
    %swap3A_27 = arith.constant 0 : index
    %swap3A_28 = arith.constant 0 : index
    %swap3A_29 = vector.load %arg7[%swap3A_27, %swap3A_28] : memref<4096x32xf32, #tpu.memory_space<vmem>>, vector<4096x32xf32>
    tpu.vector_store %arg7[%swap3A_27, %swap3A_28], %dot_general3A_26 {strides = array<i32>} : memref<4096x32xf32, #tpu.memory_space<vmem>>, vector<4096x32xf32>,
    return
  }
  func.func @transform_0(%arg0: i32) -> (i32, i32) {
    %c0_i32 = arith.constant 0 : i32
    %c0_i32_0 = arith.constant 0 : i32
    return %c0_i32, %arg0 : i32, i32
  }
  func.func @transform_1(%arg0: i32) -> (i32, i32) {
    %c0_i32 = arith.constant 0 : i32
    %c0_i32_0 = arith.constant 0 : i32
    return %arg0, %c0_i32 : i32, i32
  }
  func.func @transform_2(%arg0: i32) -> (i32, i32) {
    %c0_i32 = arith.constant 0 : i32
    %c0_i32_0 = arith.constant 0 : i32
    %c0_i32_1 = arith.constant 0 : i32
    return %c0_i32, %c0_i32_0 : i32, i32
  }
  func.func @transform_3(%arg0: i32) -> (i32, i32) {
    %c0_i32 = arith.constant 0 : i32
    %c0_i32_0 = arith.constant 0 : i32
    %c0_i32_1 = arith.constant 0 : i32
    return %c0_i32, %c0_i32_0 : i32, i32
  }
  func.func @transform_4(%arg0: i32) -> (i32, i32) {
    %c0_i32 = arith.constant 0 : i32
    %c0_i32_0 = arith.constant 0 : i32
    %c0_i32_1 = arith.constant 0 : i32
    return %c0_i32, %c0_i32_0 : i32, i32
  }
  func.func @transform_5(%arg0: i32) -> (i32, i32) {
    %c0_i32 = arith.constant 0 : i32
    %c0_i32_0 = arith.constant 0 : i32
    return %arg0, %c0_i32 : i32, i32
  }
  func.func @transform_6(%arg0: i32) -> (i32, i32) {
    %c0_i32 = arith.constant 0 : i32
    %c0_i32_0 = arith.constant 0 : i32
    return %arg0, %c0_i32 : i32, i32
  }
}

module attributes {stable_mosaic.version = 14 : i64} {
  func.func @_comb1_body(%arg0: i32, %arg1: memref<32x4096xf32, #tpu.memory_space<vmem>>, %arg2: memref<4096x32xf32, #tpu.memory_space<vmem>>, %arg3: memref<64x32xf32, #tpu.memory_space<vmem>>, %arg4: memref<38x1xf32, #tpu.memory_space<vmem>>, %arg5: memref<1x32xf32, #tpu.memory_space<vmem>>, %arg6: memref<1x1xf32, #tpu.memory_space<vmem>>, %arg7: memref<4096x16xf32, #tpu.memory_space<vmem>>) attributes {dimension_semantics = [#tpu.dimension_semantics<arbitrary>], iteration_bounds = array<i64: 25>, scalar_prefetch = 0 : i64, scratch_operands = 0 : i64, tpu.core_type = #tpu.core_type<tc>, window_params = [{transform_indices = @transform_0, window_bounds = array<i64: 32, 4096>}, {transform_indices = @transform_1, window_bounds = array<i64: 4096, 32>}, {pipeline_mode = #tpu.pipeline_mode<synchronous>, transform_indices = @transform_2, window_bounds = array<i64: 64, 32>}, {pipeline_mode = #tpu.pipeline_mode<synchronous>, transform_indices = @transform_3, window_bounds = array<i64: 38, 1>}, {pipeline_mode = #tpu.pipeline_mode<synchronous>, transform_indices = @transform_4, window_bounds = array<i64: 1, 32>}, {pipeline_mode = #tpu.pipeline_mode<synchronous>, transform_indices = @transform_5, window_bounds = array<i64: 1, 1>}, {transform_indices = @transform_6, window_bounds = array<i64: 4096, 16>}]} {
    %get3A = arith.constant 0 : index
    %get3A_0 = arith.constant 0 : index
    %get3A_1 = vector.load %arg3[%get3A, %get3A_0] : memref<64x32xf32, #tpu.memory_space<vmem>>, vector<64x32xf32>
    %get3A_2 = arith.constant 0 : index
    %get3A_3 = arith.constant 0 : index
    %get3A_4 = vector.load %arg1[%get3A_2, %get3A_3] : memref<32x4096xf32, #tpu.memory_space<vmem>>, vector<32x4096xf32>
    %slice3A = vector.extract_strided_slice %get3A_1 {offsets = [0, 0], sizes = [32, 32], strides = [1, 1]} : vector<64x32xf32> to vector<32x32xf32>
    %dot_general3A = arith.constant dense<0.000000e+00> : vector<4096x32xf32>
    %dot_general3A_5 = tpu.matmul %get3A_4, %slice3A, %dot_general3A {dimension_numbers = #tpu.dot_dimension_numbers<[0], [0], [1], [1], [0, 1, 1, 1], [], []>, transpose_lhs_hint = false} : vector<32x4096xf32>, vector<32x32xf32>, vector<4096x32xf32> -> vector<4096x32xf32>
    %get3A_6 = arith.constant 0 : index
    %get3A_7 = arith.constant 0 : index
    %get3A_8 = vector.load %arg2[%get3A_6, %get3A_7] : memref<4096x32xf32, #tpu.memory_space<vmem>>, vector<4096x32xf32>
    %slice3A_9 = vector.extract_strided_slice %get3A_1 {offsets = [32, 0], sizes = [32, 32], strides = [1, 1]} : vector<64x32xf32> to vector<32x32xf32>
    %dot_general3A_10 = arith.constant dense<0.000000e+00> : vector<4096x32xf32>
    %dot_general3A_11 = tpu.matmul %get3A_8, %slice3A_9, %dot_general3A_10 {dimension_numbers = #tpu.dot_dimension_numbers<[1], [0], [0], [1], [0, 0, 1, 1], [], []>, transpose_lhs_hint = false} : vector<4096x32xf32>, vector<32x32xf32>, vector<4096x32xf32> -> vector<4096x32xf32>
    %add3A = arith.addf %dot_general3A_5, %dot_general3A_11 : vector<4096x32xf32>
    %get3A_12 = arith.constant 0 : index
    %get3A_13 = arith.constant 0 : index
    %get3A_14 = vector.load %arg5[%get3A_12, %get3A_13] : memref<1x32xf32, #tpu.memory_space<vmem>>, vector<1x32xf32>
    %add3A_15 = vector.broadcast %get3A_14 : vector<1x32xf32> to vector<4096x32xf32>
    %add3A_16 = arith.addf %add3A, %add3A_15 : vector<4096x32xf32>
    %max3A = arith.constant 0.000000e+00 : f32
    %max3A_17 = vector.broadcast %max3A : f32 to vector<4096x32xf32>
    %max3A_18 = arith.maximumf %add3A_16, %max3A_17 : vector<4096x32xf32>
    %get3A_19 = arith.constant 0 : index
    %get3A_20 = arith.constant 0 : index
    %get3A_21 = vector.load %arg4[%get3A_19, %get3A_20] : memref<38x1xf32, #tpu.memory_space<vmem>>, vector<38x1xf32>
    %slice3A_22 = vector.extract_strided_slice %get3A_21 {offsets = [0, 0], sizes = [32, 1], strides = [1, 1]} : vector<38x1xf32> to vector<32x1xf32>
    %dot_general3A_23 = arith.constant dense<0.000000e+00> : vector<4096x1xf32>
    %dot_general3A_24 = tpu.matmul %max3A_18, %slice3A_22, %dot_general3A_23 {dimension_numbers = #tpu.dot_dimension_numbers<[1], [0], [0], [1], [0, 0, 1, 1], [], []>, transpose_lhs_hint = false} : vector<4096x32xf32>, vector<32x1xf32>, vector<4096x1xf32> -> vector<4096x1xf32>
    %get3A_25 = arith.constant 0 : index
    %get3A_26 = arith.constant 0 : index
    %get3A_27 = vector.load %arg6[%get3A_25, %get3A_26] : memref<1x1xf32, #tpu.memory_space<vmem>>, vector<1x1xf32>
    %get3A_28 = vector.extract %get3A_27[0, 0] : f32 from vector<1x1xf32>
    %add3A_29 = vector.broadcast %get3A_28 : f32 to vector<4096x1xf32>
    %add3A_30 = arith.addf %dot_general3A_24, %add3A_29 : vector<4096x1xf32>
    %broadcast_in_dim3A = vector.shape_cast %add3A_30 : vector<4096x1xf32> to vector<4096x1xf32>
    %broadcast_in_dim3A_31 = vector.broadcast %broadcast_in_dim3A : vector<4096x1xf32> to vector<4096x16xf32>
    %swap3A = arith.constant 0 : index
    %swap3A_32 = arith.constant 0 : index
    %swap3A_33 = vector.load %arg7[%swap3A, %swap3A_32] : memref<4096x16xf32, #tpu.memory_space<vmem>>, vector<4096x16xf32>
    tpu.vector_store %arg7[%swap3A, %swap3A_32], %broadcast_in_dim3A_31 {strides = array<i32>} : memref<4096x16xf32, #tpu.memory_space<vmem>>, vector<4096x16xf32>,
    return
  }
  func.func @transform_0(%arg0: i32) -> (i32, i32) {
    %c0_i32 = arith.constant 0 : i32
    %c0_i32_0 = arith.constant 0 : i32
    return %c0_i32, %arg0 : i32, i32
  }
  func.func @transform_1(%arg0: i32) -> (i32, i32) {
    %c0_i32 = arith.constant 0 : i32
    %c0_i32_0 = arith.constant 0 : i32
    return %arg0, %c0_i32 : i32, i32
  }
  func.func @transform_2(%arg0: i32) -> (i32, i32) {
    %c0_i32 = arith.constant 0 : i32
    %c0_i32_0 = arith.constant 0 : i32
    %c0_i32_1 = arith.constant 0 : i32
    return %c0_i32, %c0_i32_0 : i32, i32
  }
  func.func @transform_3(%arg0: i32) -> (i32, i32) {
    %c0_i32 = arith.constant 0 : i32
    %c0_i32_0 = arith.constant 0 : i32
    %c0_i32_1 = arith.constant 0 : i32
    return %c0_i32, %c0_i32_0 : i32, i32
  }
  func.func @transform_4(%arg0: i32) -> (i32, i32) {
    %c0_i32 = arith.constant 0 : i32
    %c0_i32_0 = arith.constant 0 : i32
    %c0_i32_1 = arith.constant 0 : i32
    return %c0_i32, %c0_i32_0 : i32, i32
  }
  func.func @transform_5(%arg0: i32) -> (i32, i32) {
    %c0_i32 = arith.constant 0 : i32
    %c0_i32_0 = arith.constant 0 : i32
    %c0_i32_1 = arith.constant 0 : i32
    return %c0_i32, %c0_i32_0 : i32, i32
  }
  func.func @transform_6(%arg0: i32) -> (i32, i32) {
    %c0_i32 = arith.constant 0 : i32
    %c0_i32_0 = arith.constant 0 : i32
    return %arg0, %c0_i32 : i32, i32
  }
}

module attributes {stable_mosaic.version = 14 : i64} {
  func.func @_out_body(%arg0: i32, %arg1: memref<8000x1xf32, #tpu.memory_space<vmem>>, %arg2: memref<8000x8xf32, #tpu.memory_space<vmem>>, %arg3: memref<8x1xf32, #tpu.memory_space<vmem>>, %arg4: memref<8000x1xf32, #tpu.memory_space<vmem>>) attributes {dimension_semantics = [#tpu.dimension_semantics<arbitrary>], iteration_bounds = array<i64: 50>, scalar_prefetch = 0 : i64, scratch_operands = 0 : i64, tpu.core_type = #tpu.core_type<tc>, window_params = [{transform_indices = @transform_0, window_bounds = array<i64: 8000, 1>}, {transform_indices = @transform_1, window_bounds = array<i64: 8000, 8>}, {pipeline_mode = #tpu.pipeline_mode<synchronous>, transform_indices = @transform_2, window_bounds = array<i64: 8, 1>}, {transform_indices = @transform_3, window_bounds = array<i64: 8000, 1>}]} {
    %get3A = arith.constant 0 : index
    %get3A_0 = arith.constant 0 : index
    %get3A_1 = vector.load %arg1[%get3A, %get3A_0] : memref<8000x1xf32, #tpu.memory_space<vmem>>, vector<8000x1xf32>
    %get3A_2 = arith.constant 0 : index
    %get3A_3 = arith.constant 0 : index
    %get3A_4 = vector.load %arg2[%get3A_2, %get3A_3] : memref<8000x8xf32, #tpu.memory_space<vmem>>, vector<8000x8xf32>
    %get3A_5 = arith.constant 0 : index
    %get3A_6 = arith.constant 0 : index
    %get3A_7 = vector.load %arg3[%get3A_5, %get3A_6] : memref<8x1xf32, #tpu.memory_space<vmem>>, vector<8x1xf32>
    %dot_general3A = arith.constant dense<0.000000e+00> : vector<8000x1xf32>
    %dot_general3A_8 = tpu.matmul %get3A_4, %get3A_7, %dot_general3A {dimension_numbers = #tpu.dot_dimension_numbers<[1], [0], [0], [1], [0, 0, 1, 1], [], []>, transpose_lhs_hint = false} : vector<8000x8xf32>, vector<8x1xf32>, vector<8000x1xf32> -> vector<8000x1xf32>
    %add3A = arith.addf %get3A_1, %dot_general3A_8 : vector<8000x1xf32>
    %swap3A = arith.constant 0 : index
    %swap3A_9 = arith.constant 0 : index
    %swap3A_10 = vector.load %arg4[%swap3A, %swap3A_9] : memref<8000x1xf32, #tpu.memory_space<vmem>>, vector<8000x1xf32>
    tpu.vector_store %arg4[%swap3A, %swap3A_9], %add3A {strides = array<i32>} : memref<8000x1xf32, #tpu.memory_space<vmem>>, vector<8000x1xf32>,
    return
  }
  func.func @transform_0(%arg0: i32) -> (i32, i32) {
    %c0_i32 = arith.constant 0 : i32
    %c0_i32_0 = arith.constant 0 : i32
    return %arg0, %c0_i32 : i32, i32
  }
  func.func @transform_1(%arg0: i32) -> (i32, i32) {
    %c0_i32 = arith.constant 0 : i32
    %c0_i32_0 = arith.constant 0 : i32
    return %arg0, %c0_i32 : i32, i32
  }
  func.func @transform_2(%arg0: i32) -> (i32, i32) {
    %c0_i32 = arith.constant 0 : i32
    %c0_i32_0 = arith.constant 0 : i32
    %c0_i32_1 = arith.constant 0 : i32
    return %c0_i32, %c0_i32_0 : i32, i32
  }
  func.func @transform_3(%arg0: i32) -> (i32, i32) {
    %c0_i32 = arith.constant 0 : i32
    %c0_i32_0 = arith.constant 0 : i32
    return %arg0, %c0_i32 : i32, i32
  }
}

</mosaic_0001>

<sc_bundles>
// kernel: kernel.13.cloned.1.call-start
scs
__scs_entry_jumppad:
0x0: {  	(pc) =	sbr.rel $0x88, $3  }
0x1: {  	(tag) =	ssettag $0x0;
	lr =	simm.s32 $0x1  }
0x2: {  	[smem:$0x3F93] =	sst lr;
	_ =	strace $0xD0000000  }
0x3: {  	_ = 	snop  }
0x4: {  	_ = 	snop  }
0x5: {  	_ = 	snop  }
0x6: {  	_ = 	snop  }
0x7: {  	_ = 	snop  }
__scs_overlays_trampoline_lowered:
0x8: {  	[smem:$0x3FA2] =	sst s0  }
0x9: {  	[smem:$0x3FA3] =	sst s1  }
0xa: {  	[smem:$0x3FA4] =	sst s2  }
0xb: {  	[smem:$0x3FA5] =	sst s3  }
0xc: {  	[smem:$0x3FA6] =	sst s4  }
0xd: {  	[smem:$0x3FA7] =	sst s5  }
0xe: {  	[smem:$0x3FA8] =	sst s6  }
0xf: {  	[smem:$0x3FA9] =	sst s7  }
0x10: {  	[smem:$0x3FAA] =	sst s8  }
0x11: {  	[smem:$0x3FAB] =	sst s9;
	s0 =	simm.s32 @!p0 $0x0  }
0x12: {  	s1 =	sld [smem:$0x3F91];
	s0 =	simm.s32 @p0 $0x1  }
0x13: {  	[smem:$0x3FAC] =	sst s0;
	s0 =	simm.s32 @!p1 $0x0  }
0x14: {  	s2 =	sld [smem:$0x3F90];
	s0 =	simm.s32 @p1 $0x1  }
0x15: {  	[smem:$0x3FAD] =	sst s0;
	s0 =	simm.s32 @!p2 $0x0  }
0x16: {  	s3 =	sld [smem:$0x3FDB];
	s0 =	simm.s32 @p2 $0x1  }
0x17: {  	s4 =	simm.s32 $0x1BF5;
	[smem:$0x3FAF] =	sst s0  }
0x18: {  	s0 =	sld [smem:$0x3F92];
	_ =	swait.ge [sflag:s4], $0x0  }
0x19: {  	s7 =	sld [smem:$0x3F93]  }
0x1a: {  	s8 =	sadd.s32 $0xFFFFE003, lr  }
0x1b: {  	s9 =	sadd.s32 $0xFFFFFEF7, lr;
	s5 =	simm.s32 $0xFFFFFFFF;
	p2 =	slt.u32 s8, $0xFFFFF086  }
0x1c: {  	p1 =	slt.u32 s9, $0xF7A;
	s5 =	simm.s32 @!p2 $0x0  }
0x1d: {  	s5 =	simm.s32 @p1 $0x1;
	p0 =	seq.s32 s7, s2  }
0x1e: {  	s7 =	smul.u32 @!p0 $0xF7A, s2;
	p2 =	seq.s32 @!p0 s5, $0x0  }
0x1f: {  	s9 =	smul.u32 $0xF7A, s1;
	s8 =	simm.s32 @!p0 $0x1BF5;
	p2 =	por !p2, p0  }
0x20: {  	[sflag:s8] =	ssyncset.s32 @!p0 $0xFFFFF086;
	s6 =	sadd.s32 @!p0 s3, s7;
	s7 =	simm.s32 @!p0 $0x108  }
0x21: {  	s3 =	sadd.s32 s3, s9;
	s6 =	sadd.s32 @!p0 $0x88, s6;
	s7 =	simm.s32 @p2 $0x1082  }
0x22: {  	[simem:s7], [sflag:s8] =	dma.local @!p0 [hbm:s6], $0xF7A  }
0x23: {  	s9 =	sor.u32 $0xD0000000, s2;
	s6 =	simm.s32 $0x108;
	_ =	swait.ge @!p0 [sflag:s8], $0x0  }
0x24: {  	s3 =	sadd.s32 $0x88, s3;
	s6 =	simm.s32 @!p1 $0x1082;
	[sflag:s4] =	ssyncset.s32 $0xFFFFF086  }
0x25: {  	[simem:s6], [sflag:s4] =	dma.local [hbm:s3], $0xF7A  }
0x26: {  	[smem:$0x3F93] =	sst s1;
	(tag) =	ssettag s2;
	_ =	strace s9  }
0x27: {  	s1 =	sld [smem:$0x3FA3]  }
0x28: {  	s2 =	sld [smem:$0x3FA4]  }
0x29: {  	s4 =	sld [smem:$0x3FA6]  }
0x2a: {  	p0 =	seq.s32 s5, $0x0;
	s5 =	sld [smem:$0x3FA7]  }
0x2b: {  	s6 =	sld [smem:$0x3FA8]  }
0x2c: {  	s7 =	sld [smem:$0x3FA9]  }
0x2d: {  	s3 =	simm.s32 $0x108;
	s8 =	sld [smem:$0x3FAA]  }
0x2e: {  	s3 =	simm.s32 @!p0 $0x1082;
	s9 =	sld [smem:$0x3FAB]  }
0x2f: {  	lr =	sadd.s32 s0, s3;
	s0 =	sld [smem:$0x3FA2]  }
0x30: {  	s3 =	sld [smem:$0x3FA5]  }
0x31: {  	[smem:$0x3FAE] =	sst s10  }
0x32: {  	s10 =	sld [smem:$0x3FAC];
	_ =	sdelay $0x3  }
0x33: {  	p0 =	seq.s32 s10, $0x1;
	s10 =	sld [smem:$0x3FAE];
	_ =	sdelay $0x3  }
0x34: {  	[smem:$0x3FAE] =	sst s10  }
0x35: {  	s10 =	sld [smem:$0x3FAD];
	_ =	sdelay $0x3  }
0x36: {  	p1 =	seq.s32 s10, $0x1;
	s10 =	sld [smem:$0x3FAE];
	_ =	sdelay $0x3  }
0x37: {  	[smem:$0x3FAE] =	sst s10  }
0x38: {  	s10 =	sld [smem:$0x3FAF]  }
0x39: {  	_ = 	snop;
	(pc) =	sbr.ind lr, $3  }
0x3a: {  	_ = 	snop  }
0x3b: {  	_ = 	snop  }
0x3c: {  	p2 =	seq.s32 s10, $0x1;
	s10 =	sld [smem:$0x3FAE]  }
0x3d: {  	_ =	shalt  }
0x3e: {  	_ =	shalt  }
0x3f: {  	_ =	shalt  }
0x40: {  	_ =	shalt  }
0x41: {  	_ =	shalt  }
0x42: {  	_ =	shalt  }
0x43: {  	_ =	shalt  }
0x44: {  	_ =	shalt  }
0x45: {  	_ =	shalt  }
0x46: {  	_ =	shalt  }
0x47: {  	_ =	shalt  }
0x48: {  	_ =	shalt  }
0x49: {  	_ =	shalt  }
0x4a: {  	_ =	shalt  }
0x4b: {  	_ =	shalt  }
0x4c: {  	_ =	shalt  }
0x4d: {  	_ =	shalt  }
0x4e: {  	_ =	shalt  }
0x4f: {  	_ =	shalt  }
0x50: {  	_ =	shalt  }
0x51: {  	_ =	shalt  }
0x52: {  	_ =	shalt  }
0x53: {  	_ =	shalt  }
0x54: {  	_ =	shalt  }
0x55: {  	_ =	shalt  }
0x56: {  	_ =	shalt  }
0x57: {  	_ =	shalt  }
0x58: {  	_ =	shalt  }
0x59: {  	_ =	shalt  }
0x5a: {  	_ =	shalt  }
0x5b: {  	_ =	shalt  }
0x5c: {  	_ =	shalt  }
0x5d: {  	_ =	shalt  }
0x5e: {  	_ =	shalt  }
0x5f: {  	_ =	shalt  }
0x60: {  	_ =	shalt  }
0x61: {  	_ =	shalt  }
0x62: {  	_ =	shalt  }
0x63: {  	_ =	shalt  }
0x64: {  	_ =	shalt  }
0x65: {  	_ =	shalt  }
0x66: {  	_ =	shalt  }
0x67: {  	_ =	shalt  }
0x68: {  	_ =	shalt  }
0x69: {  	_ =	shalt  }
0x6a: {  	_ =	shalt  }
0x6b: {  	_ =	shalt  }
0x6c: {  	_ =	shalt  }
0x6d: {  	_ =	shalt  }
0x6e: {  	_ =	shalt  }
0x6f: {  	_ =	shalt  }
0x70: {  	_ =	shalt  }
0x71: {  	_ =	shalt  }
0x72: {  	_ =	shalt  }
0x73: {  	_ =	shalt  }
0x74: {  	_ =	shalt  }
0x75: {  	_ =	shalt  }
0x76: {  	_ =	shalt  }
0x77: {  	_ =	shalt  }
0x78: {  	_ =	shalt  }
0x79: {  	_ =	shalt  }
0x7a: {  	_ =	shalt  }
0x7b: {  	_ =	shalt  }
0x7c: {  	_ =	shalt  }
0x7d: {  	_ =	shalt  }
0x7e: {  	_ =	shalt  }
0x7f: {  	_ =	shalt  }
0x80: {  	_ =	shalt  }
0x81: {  	_ =	shalt  }
0x82: {  	_ =	shalt  }
0x83: {  	_ =	shalt  }
0x84: {  	_ =	shalt  }
0x85: {  	_ =	shalt  }
0x86: {  	_ =	shalt  }
0x87: {  	_ =	shalt  }
.Lfunc_end0:
.L_simem_size_0:
called_computation_lowered:
.L_overlay_start_0:
0x88: {  	s2 =	sld [smem:$0x3FD9]  }
0x89: {  	s3 =	sld [smem:$0x3FFE];
	_ =	sdelay $0x1  }
0x8a: {  	s1 =	srdreg.scid  }
0x8b: {  	s0 =	sand.u32 $0x1, s1  }
0x8c: {  	s16 =	sshll.u32 s0, $0xA;
	s2 =	sadd.s32 s3, s2  }
0x8d: {  	s2 =	sadd.s32 s2, s16  }
0x8e: {  	[smem:$0x3FBA] =	sst s2  }
0x8f: {  	_ = 	snop  }
0x90: {  	(tm) =	ssettm $0x1  }
0x91: {  	s17 =	sld [smem:$0x3FFB];
	_ =	sdelay $0x3  }
0x92: {  	_ =	strace s17  }
0x93: {  	s2 =	sld [smem:$0x3FFC];
	_ =	sdelay $0x3  }
0x94: {  	_ =	strace s2  }
0x95: {  	s2 =	sld [smem:$0x3FFD];
	_ =	sdelay $0x3  }
0x96: {  	_ =	strace s2  }
0x97: {  	_ =	strace $0x8FFFFFFF  }
0x98: {  	s18 =	sld [smem:$0x3FDB];
	_ =	sdelay $0x1  }
0x99: {  	s19 =	simm.s32 $_scs_section_size  }
0x9a: {  	s4 =	simm.s32 $_size__tile_overlayer_lowered;
	s5 =	simm.s32 $_tile_overlayer_lowered  }
0x9b: {  	s22 =	simm.s32 $0x1BFF;
	s21 =	sshll.u32 s5, $0x1;
	s2 =	sadd.s32 s19, s18  }
0x9c: {  	s6 =	simm.s32 $0x0;
	s20 =	sshll.u32 s4, $0x1;
	s4 =	sadd.s32 s21, s2  }
0x9d: {  	[timem:s6], [sflag:s22] =	dma.local [hbm:s4], s20  }
0x9e: {  	_ =	swait.ge [sflag:s22], s20  }
0x9f: {  	s3 =	ssub.s32 $0x0, s20;
	[sflag:s22] =	ssyncset.done $0x0  }
0xa0: {  	[sflag:s22] =	ssyncadd.s32 s3;
	_ =	sdelay $0x1  }
0xa1: {  	s23 =	simm.s32 $0x1B8B  }
0xa2: {  	_ =	swait.ge [sflag:s23], $0x1  }
0xa3: {  	[sflag:s23] =	ssyncset.done $0x0  }
0xa4: {  	s25 =	simm.s32 $0x1B8E;
	s24 =	sld [smem:$0x3FFE];
	[sflag:s23] =	ssyncadd.s32 $0xFFFFFFFF  }
0xa5: {  	s26 =	simm.s32 $execute0_lowered;
	[smem:$0x3FD2] =	sst s25  }
0xa6: {  	s4 =	sshll.u32 s26, $0x1;
	_ =	strace $0x80000046;
	[dreg:$0x1] =	wrdreg $0xFFFFFFFF  }
0xa7: {  	s28 =	simm.s32 $_size_execute0_lowered;
	s2 =	sadd.s32 s2, s4;
	[dreg:$0x0] =	wrdreg $0x0  }
0xa8: {  	s4 =	sshll.u32 s28, $0x1;
	[dreg:$0x2] =	wrdreg s2  }
0xa9: {  	[dreg:$0x3] =	wrdreg s4  }
0xaa: {  	[dreg:$0x4] =	wrdreg $0xC0  }
0xab: {  	_ =	task [dreg:s6], $0x5FFFF  }
0xac: {  	[dreg:$0x1] =	wrdreg $0xFFFFFFFF  }
0xad: {  	[dreg:$0x0] =	wrdreg $0x60  }
0xae: {  	[dreg:$0x2] =	wrdreg s24  }
0xaf: {  	[dreg:$0x3] =	wrdreg $0x9  }
0xb0: {  	_ =	task.clear_ibuf [dreg:s6], $0x4FFFF;
	_ =	strace $0x90000046  }
0xb1: {  	s29 =	simm.s32 $0x9;
	_ =	strace $0x80000048  }
0xb2: {  	_ =	swait.ge [sflag:s29], $0x1  }
0xb3: {  	[sflag:s29] =	ssyncadd.s32 $0xFFFFFFFF  }
0xb4: {  	_ =	strace $0x90000048  }
0xb5: {  	_ =	sfence  }
0xb6: {  	s30 =	sld [smem:$0x0];
	_ =	sdelay $0x2  }
0xb7: {  	s31 =	sshll.u32 s1, $0xD;
	s1 =	sshrl.u32 s1, $0x2  }
0xb8: {  	s3 =	sand.u32 $0x4000, s31;
	s1 =	sadd.s32 s1, s30  }
0xb9: {  	s0 =	sor.u32 s3, s0;
	s1 =	sshll.u32 s1, $0x11  }
0xba: {  	s0 =	sor.u32 s1, s0  }
0xbb: {  	s0 =	sadd.s32 $0x8F2B, s0  }
0xbc: {  	[sflag:s0] =	ssyncadd.remote.s32 $0x1  }
0xbd: {  	_ =	sfence.sel $0xFFFF  }
0xbe: {  	[dreg:$0x0] =	wrdreg $0xFFFFFFFF;
	(pc) =	sbr.abs _section_cstart, $3  }
0xbf: {  	[dreg:$0x1] =	wrdreg $0xFFFFFFFF  }
0xc0: {  	_ =	task.clear_ibuf [dreg:s6], $0x2FFFF;
	_ =	strace $0x9FFFFFFF  }
0xc1: {  	(tm) =	ssettm $0x7FFFFFFF  }
tec
execute0_lowered:
.L_overlay_start_1:
0x0: {  	(tag) =	ssettag $0x1  }
0x1: {  	s1 =	srdreg.scid  }
0x2: {  	s0 =	stileid.u32;
	s4 =	rddreg [dreg:$0x0];
	s2 =	simm.s32 $0x0  }
0x3: {  	v0 =	vimm.f32 $0.0e+00;
	s9 =	simm.s32 $0x0;
	s3 =	sand.u32 $0x1, s1;
	s5 =	sshll.u32 s0, $0x1  }
0x4: {  	vm0 =	vcmask $0x704;
	vm1 =	vcmask $0xB08;
	vm14 =	vcmask $0x3F3C;
	s1 =	rddreg [dreg:$0x1];
	s5 =	sor.u32 s3, s5;
	s7 =	ssub.s32 $0x2, s3  }
0x5: {  	vm2 =	vcmask $0xF0C;
	vm3 =	vcmask $0x1310;
	vm4 =	vcmask $0x1714;
	[smem:$0x7FF] =	sst s2;
	s6 =	smul.u32 $0x3200, s5;
	s8 =	sshrl.u32 s7, $0x1  }
0x6: {  	vm5 =	vcmask $0x1B18;
	vm6 =	vcmask $0x1F1C;
	vm7 =	vcmask $0x2320;
	_ =	strace $0x80000047;
	s3 =	sadd.s32 $0x34800, s4;
	s7 =	ssub.s32 s7, s8  }
0x7: {  	vm8 =	vcmask $0x2724;
	vm9 =	vcmask $0x2B28;
	vm10 =	vcmask $0x2F2C;
	s8 =	simm.s32 $0x1;
	s6 =	sadd.s32 s6, s4;
	s4 =	smul.u32 $0xC350, s5  }
0x8: {  	vm11 =	vcmask $0x3330;
	vm12 =	vcmask $0x3734;
	vm13 =	vcmask $0x3B38;
	s5 =	sadd.s32 $0x65600, s6;
	s6 =	smax.u32 s7, $0x1;
	s7 =	simm.s32 $0x19000  }
.LBB2_1:
0x9: {  	s10 =	simm.s32 $0x40;
	s11 =	simm.s32 $0x0  }
.LBB2_2:
0xa: {  	p0 =	sne.s32 s10, $0x63FC0;
	[tilespmem:s11+$0x0] =	vst v0;
	s11 =	smov.u32 s10;
	s10 =	sadd.s32 $0x40, s10  }
.Ltmp0:
0xb: {  	(pc) =	sbr.rel @p0 .LBB2_2-.Ltmp0, $2  }
0xc: {  	_ =	sdelay $0x2  }
0xd: {  	s11 =	sshra.s32 s11, $0x2  }
0xe: {  	[tilespmem:s11+$0x0] =	vst v0;
	s10 =	simm.s32 $0x0;
	s11 =	simm.s32 $0x0  }
.LBB2_4:
0xf: {  	s12 =	smul.u32 $0x7D0, s11;
	_ =	sdelay $0x1  }
0x10: {  	s12 =	sadd.s32 s4, s12  }
0x11: {  	s12 =	sshrl.u32 s12, $0x3  }
0x12: {  	s12 =	sadd.s32 s3, s12  }
0x13: {  	[tilespmem:s7], [sflag:$0x1] =	stream.linear.gather [hbm4b:s12+s10], $0x7D0, $0x38;
	[tilespmem:$0x197D0] =	vst v63  }
0x14: {  	_ =	swait.ge [sflag:s8], $0x7D0  }
0x15: {  	[sflag:s8] =	ssyncset.done $0x0  }
0x16: {  	s31 =	simm.s32 $0x0;
	[sflag:s8] =	ssyncadd.s32 $0xFFFFF830  }
0x17: {  	v1 =	vld [tilespmem:s31+$0x19000];
	_ =	sdelay $0x7  }
0x18: {  	v2 =	vld.idx.msk [tilespmem:v1+s2+$0x0], $0xffff;
	_ =	sdelay $0x4  }
0x19: {  	v2 =	vadd.f32 $1.000000000e+00, v2;
	_ =	sdelay $0x1  }
0x1a: {  	[tilespmem:v1+s2+$0x0] =	vst.idx.msk $0x1, v2  }
0x1b: {  	v2 =	vld.idx.msk [tilespmem:v1+s2+$0x0], $0xffff;
	_ =	sdelay $0x4  }
0x1c: {  	v2 =	vadd.f32 $1.000000000e+00, v2;
	_ =	sdelay $0x1  }
0x1d: {  	[tilespmem:v1+s2+$0x0] =	vst.idx.msk vm0, v2  }
0x1e: {  	v2 =	vld.idx.msk [tilespmem:v1+s2+$0x0], $0xffff;
	_ =	sdelay $0x4  }
0x1f: {  	v2 =	vadd.f32 $1.000000000e+00, v2;
	_ =	sdelay $0x1  }
0x20: {  	[tilespmem:v1+s2+$0x0] =	vst.idx.msk vm1, v2  }
0x21: {  	v2 =	vld.idx.msk [tilespmem:v1+s2+$0x0], $0xffff;
	_ =	sdelay $0x4  }
0x22: {  	v2 =	vadd.f32 $1.000000000e+00, v2;
	_ =	sdelay $0x1  }
0x23: {  	[tilespmem:v1+s2+$0x0] =	vst.idx.msk vm2, v2  }
0x24: {  	v2 =	vld.idx.msk [tilespmem:v1+s2+$0x0], $0xffff;
	_ =	sdelay $0x4  }
0x25: {  	v2 =	vadd.f32 $1.000000000e+00, v2;
	_ =	sdelay $0x1  }
0x26: {  	[tilespmem:v1+s2+$0x0] =	vst.idx.msk vm3, v2  }
0x27: {  	v2 =	vld.idx.msk [tilespmem:v1+s2+$0x0], $0xffff;
	_ =	sdelay $0x4  }
0x28: {  	v2 =	vadd.f32 $1.000000000e+00, v2;
	_ =	sdelay $0x1  }
0x29: {  	[tilespmem:v1+s2+$0x0] =	vst.idx.msk vm4, v2  }
0x2a: {  	v2 =	vld.idx.msk [tilespmem:v1+s2+$0x0], $0xffff;
	_ =	sdelay $0x4  }
0x2b: {  	v2 =	vadd.f32 $1.000000000e+00, v2;
	_ =	sdelay $0x1  }
0x2c: {  	[tilespmem:v1+s2+$0x0] =	vst.idx.msk vm5, v2  }
0x2d: {  	v2 =	vld.idx.msk [tilespmem:v1+s2+$0x0], $0xffff;
	_ =	sdelay $0x4  }
0x2e: {  	v2 =	vadd.f32 $1.000000000e+00, v2;
	_ =	sdelay $0x1  }
0x2f: {  	[tilespmem:v1+s2+$0x0] =	vst.idx.msk vm6, v2  }
0x30: {  	v2 =	vld.idx.msk [tilespmem:v1+s2+$0x0], $0xffff;
	_ =	sdelay $0x4  }
0x31: {  	v2 =	vadd.f32 $1.000000000e+00, v2;
	_ =	sdelay $0x1  }
0x32: {  	[tilespmem:v1+s2+$0x0] =	vst.idx.msk vm7, v2  }
0x33: {  	v2 =	vld.idx.msk [tilespmem:v1+s2+$0x0], $0xffff;
	_ =	sdelay $0x4  }
0x34: {  	v2 =	vadd.f32 $1.000000000e+00, v2;
	_ =	sdelay $0x1  }
0x35: {  	[tilespmem:v1+s2+$0x0] =	vst.idx.msk vm8, v2  }
0x36: {  	v2 =	vld.idx.msk [tilespmem:v1+s2+$0x0], $0xffff;
	_ =	sdelay $0x4  }
0x37: {  	v2 =	vadd.f32 $1.000000000e+00, v2;
	_ =	sdelay $0x1  }
0x38: {  	[tilespmem:v1+s2+$0x0] =	vst.idx.msk vm9, v2  }
0x39: {  	v2 =	vld.idx.msk [tilespmem:v1+s2+$0x0], $0xffff;
	_ =	sdelay $0x4  }
0x3a: {  	v2 =	vadd.f32 $1.000000000e+00, v2;
	_ =	sdelay $0x1  }
0x3b: {  	[tilespmem:v1+s2+$0x0] =	vst.idx.msk vm10, v2  }
0x3c: {  	v2 =	vld.idx.msk [tilespmem:v1+s2+$0x0], $0xffff;
	_ =	sdelay $0x4  }
0x3d: {  	v2 =	vadd.f32 $1.000000000e+00, v2;
	_ =	sdelay $0x1  }
0x3e: {  	[tilespmem:v1+s2+$0x0] =	vst.idx.msk vm11, v2  }
0x3f: {  	v2 =	vld.idx.msk [tilespmem:v1+s2+$0x0], $0xffff;
	_ =	sdelay $0x4  }
0x40: {  	v2 =	vadd.f32 $1.000000000e+00, v2;
	_ =	sdelay $0x1  }
0x41: {  	[tilespmem:v1+s2+$0x0] =	vst.idx.msk vm12, v2  }
0x42: {  	v2 =	vld.idx.msk [tilespmem:v1+s2+$0x0], $0xffff;
	_ =	sdelay $0x4  }
0x43: {  	v2 =	vadd.f32 $1.000000000e+00, v2;
	_ =	sdelay $0x1  }
0x44: {  	[tilespmem:v1+s2+$0x0] =	vst.idx.msk vm13, v2  }
0x45: {  	v2 =	vld.idx.msk [tilespmem:v1+s2+$0x0], $0xffff;
	_ =	sdelay $0x4  }
0x46: {  	s13 =	simm.s32 $0x80;
	s12 =	simm.s32 $0x40;
	v2 =	vadd.f32 $1.000000000e+00, v2  }
.LBB2_5:
0x47: {  	p0 =	sne.s32 s13, $0x1F00  }
0x48: {  	s14 =	sshra.s32 s12, $0x2;
	s12 =	smov.u32 s13;
	s13 =	sadd.s32 $0x40, s13;
	[tilespmem:v1+s2+$0x0] =	vst.idx.msk vm14, v2  }
0x49: {  	v1 =	vld [tilespmem:s14+$0x19000];
	_ =	sdelay $0x7  }
0x4a: {  	v2 =	vld.idx.msk [tilespmem:v1+s2+$0x0], $0xffff;
	_ =	sdelay $0x5  }
0x4b: {  	v2 =	vadd.f32 $1.000000000e+00, v2;
	_ =	sdelay $0x1  }
0x4c: {  	[tilespmem:v1+s2+$0x0] =	vst.idx.msk $0x1, v2  }
0x4d: {  	v2 =	vld.idx.msk [tilespmem:v1+s2+$0x0], $0xffff;
	_ =	sdelay $0x5  }
0x4e: {  	v2 =	vadd.f32 $1.000000000e+00, v2;
	_ =	sdelay $0x1  }
0x4f: {  	[tilespmem:v1+s2+$0x0] =	vst.idx.msk vm0, v2  }
0x50: {  	v2 =	vld.idx.msk [tilespmem:v1+s2+$0x0], $0xffff;
	_ =	sdelay $0x5  }
0x51: {  	v2 =	vadd.f32 $1.000000000e+00, v2;
	_ =	sdelay $0x1  }
0x52: {  	[tilespmem:v1+s2+$0x0] =	vst.idx.msk vm1, v2  }
0x53: {  	v2 =	vld.idx.msk [tilespmem:v1+s2+$0x0], $0xffff;
	_ =	sdelay $0x5  }
0x54: {  	v2 =	vadd.f32 $1.000000000e+00, v2;
	_ =	sdelay $0x1  }
0x55: {  	[tilespmem:v1+s2+$0x0] =	vst.idx.msk vm2, v2  }
0x56: {  	v2 =	vld.idx.msk [tilespmem:v1+s2+$0x0], $0xffff;
	_ =	sdelay $0x5  }
0x57: {  	v2 =	vadd.f32 $1.000000000e+00, v2;
	_ =	sdelay $0x1  }
0x58: {  	[tilespmem:v1+s2+$0x0] =	vst.idx.msk vm3, v2  }
0x59: {  	v2 =	vld.idx.msk [tilespmem:v1+s2+$0x0], $0xffff;
	_ =	sdelay $0x5  }
0x5a: {  	v2 =	vadd.f32 $1.000000000e+00, v2;
	_ =	sdelay $0x1  }
0x5b: {  	[tilespmem:v1+s2+$0x0] =	vst.idx.msk vm4, v2  }
0x5c: {  	v2 =	vld.idx.msk [tilespmem:v1+s2+$0x0], $0xffff;
	_ =	sdelay $0x5  }
0x5d: {  	v2 =	vadd.f32 $1.000000000e+00, v2;
	_ =	sdelay $0x1  }
0x5e: {  	[tilespmem:v1+s2+$0x0] =	vst.idx.msk vm5, v2  }
0x5f: {  	v2 =	vld.idx.msk [tilespmem:v1+s2+$0x0], $0xffff;
	_ =	sdelay $0x5  }
0x60: {  	v2 =	vadd.f32 $1.000000000e+00, v2;
	_ =	sdelay $0x1  }
0x61: {  	[tilespmem:v1+s2+$0x0] =	vst.idx.msk vm6, v2  }
0x62: {  	v2 =	vld.idx.msk [tilespmem:v1+s2+$0x0], $0xffff;
	_ =	sdelay $0x5  }
0x63: {  	v2 =	vadd.f32 $1.000000000e+00, v2;
	_ =	sdelay $0x1  }
0x64: {  	[tilespmem:v1+s2+$0x0] =	vst.idx.msk vm7, v2  }
0x65: {  	v2 =	vld.idx.msk [tilespmem:v1+s2+$0x0], $0xffff;
	_ =	sdelay $0x5  }
0x66: {  	v2 =	vadd.f32 $1.000000000e+00, v2;
	_ =	sdelay $0x1  }
0x67: {  	[tilespmem:v1+s2+$0x0] =	vst.idx.msk vm8, v2  }
0x68: {  	v2 =	vld.idx.msk [tilespmem:v1+s2+$0x0], $0xffff;
	_ =	sdelay $0x5  }
0x69: {  	v2 =	vadd.f32 $1.000000000e+00, v2;
	_ =	sdelay $0x1  }
0x6a: {  	[tilespmem:v1+s2+$0x0] =	vst.idx.msk vm9, v2  }
0x6b: {  	v2 =	vld.idx.msk [tilespmem:v1+s2+$0x0], $0xffff;
	_ =	sdelay $0x5  }
0x6c: {  	v2 =	vadd.f32 $1.000000000e+00, v2;
	_ =	sdelay $0x1  }
0x6d: {  	[tilespmem:v1+s2+$0x0] =	vst.idx.msk vm10, v2  }
0x6e: {  	v2 =	vld.idx.msk [tilespmem:v1+s2+$0x0], $0xffff;
	_ =	sdelay $0x5  }
0x6f: {  	v2 =	vadd.f32 $1.000000000e+00, v2;
	_ =	sdelay $0x1  }
0x70: {  	[tilespmem:v1+s2+$0x0] =	vst.idx.msk vm11, v2  }
0x71: {  	v2 =	vld.idx.msk [tilespmem:v1+s2+$0x0], $0xffff;
	_ =	sdelay $0x5  }
0x72: {  	v2 =	vadd.f32 $1.000000000e+00, v2;
	_ =	sdelay $0x1  }
0x73: {  	[tilespmem:v1+s2+$0x0] =	vst.idx.msk vm12, v2  }
0x74: {  	v2 =	vld.idx.msk [tilespmem:v1+s2+$0x0], $0xffff;
	_ =	sdelay $0x5  }
0x75: {  	v2 =	vadd.f32 $1.000000000e+00, v2;
	_ =	sdelay $0x1  }
0x76: {  	[tilespmem:v1+s2+$0x0] =	vst.idx.msk vm13, v2  }
0x77: {  	v2 =	vld.idx.msk [tilespmem:v1+s2+$0x0], $0xffff;
	_ =	sdelay $0x1  }
.Ltmp1:
0x78: {  	(pc) =	sbr.rel @p0 .LBB2_5-.Ltmp1, $2  }
0x79: {  	_ =	sdelay $0x2  }
0x7a: {  	v2 =	vadd.f32 $1.000000000e+00, v2  }
0x7b: {  	_ =	sdelay $0x4  }
0x7c: {  	s12 =	sshra.s32 s12, $0x2;
	[tilespmem:v1+s2+$0x0] =	vst.idx.msk vm14, v2  }
0x7d: {  	v1 =	vld [tilespmem:s12+$0x19000];
	_ =	sdelay $0x7  }
0x7e: {  	v2 =	vld.idx.msk [tilespmem:v1+s2+$0x0], $0xffff;
	_ =	sdelay $0x4  }
0x7f: {  	v2 =	vadd.f32 $1.000000000e+00, v2;
	_ =	sdelay $0x1  }
0x80: {  	[tilespmem:v1+s2+$0x0] =	vst.idx.msk $0x1, v2  }
0x81: {  	v2 =	vld.idx.msk [tilespmem:v1+s2+$0x0], $0xffff;
	_ =	sdelay $0x4  }
0x82: {  	v2 =	vadd.f32 $1.000000000e+00, v2;
	_ =	sdelay $0x1  }
0x83: {  	[tilespmem:v1+s2+$0x0] =	vst.idx.msk vm0, v2  }
0x84: {  	v2 =	vld.idx.msk [tilespmem:v1+s2+$0x0], $0xffff;
	_ =	sdelay $0x4  }
0x85: {  	v2 =	vadd.f32 $1.000000000e+00, v2;
	_ =	sdelay $0x1  }
0x86: {  	[tilespmem:v1+s2+$0x0] =	vst.idx.msk vm1, v2  }
0x87: {  	v2 =	vld.idx.msk [tilespmem:v1+s2+$0x0], $0xffff;
	_ =	sdelay $0x4  }
0x88: {  	v2 =	vadd.f32 $1.000000000e+00, v2;
	_ =	sdelay $0x1  }
0x89: {  	[tilespmem:v1+s2+$0x0] =	vst.idx.msk vm2, v2  }
0x8a: {  	v2 =	vld.idx.msk [tilespmem:v1+s2+$0x0], $0xffff;
	_ =	sdelay $0x4  }
0x8b: {  	v2 =	vadd.f32 $1.000000000e+00, v2;
	_ =	sdelay $0x1  }
0x8c: {  	[tilespmem:v1+s2+$0x0] =	vst.idx.msk vm3, v2  }
0x8d: {  	v2 =	vld.idx.msk [tilespmem:v1+s2+$0x0], $0xffff;
	_ =	sdelay $0x4  }
0x8e: {  	v2 =	vadd.f32 $1.000000000e+00, v2;
	_ =	sdelay $0x1  }
0x8f: {  	[tilespmem:v1+s2+$0x0] =	vst.idx.msk vm4, v2  }
0x90: {  	v2 =	vld.idx.msk [tilespmem:v1+s2+$0x0], $0xffff;
	_ =	sdelay $0x4  }
0x91: {  	v2 =	vadd.f32 $1.000000000e+00, v2;
	_ =	sdelay $0x1  }
0x92: {  	[tilespmem:v1+s2+$0x0] =	vst.idx.msk vm5, v2  }
0x93: {  	v2 =	vld.idx.msk [tilespmem:v1+s2+$0x0], $0xffff;
	_ =	sdelay $0x4  }
0x94: {  	v2 =	vadd.f32 $1.000000000e+00, v2;
	_ =	sdelay $0x1  }
0x95: {  	[tilespmem:v1+s2+$0x0] =	vst.idx.msk vm6, v2  }
0x96: {  	v2 =	vld.idx.msk [tilespmem:v1+s2+$0x0], $0xffff;
	_ =	sdelay $0x4  }
0x97: {  	v2 =	vadd.f32 $1.000000000e+00, v2;
	_ =	sdelay $0x1  }
0x98: {  	[tilespmem:v1+s2+$0x0] =	vst.idx.msk vm7, v2  }
0x99: {  	v2 =	vld.idx.msk [tilespmem:v1+s2+$0x0], $0xffff;
	_ =	sdelay $0x4  }
0x9a: {  	v2 =	vadd.f32 $1.000000000e+00, v2;
	_ =	sdelay $0x1  }
0x9b: {  	[tilespmem:v1+s2+$0x0] =	vst.idx.msk vm8, v2  }
0x9c: {  	v2 =	vld.idx.msk [tilespmem:v1+s2+$0x0], $0xffff;
	_ =	sdelay $0x4  }
0x9d: {  	v2 =	vadd.f32 $1.000000000e+00, v2;
	_ =	sdelay $0x1  }
0x9e: {  	[tilespmem:v1+s2+$0x0] =	vst.idx.msk vm9, v2  }
0x9f: {  	v2 =	vld.idx.msk [tilespmem:v1+s2+$0x0], $0xffff;
	_ =	sdelay $0x4  }
0xa0: {  	v2 =	vadd.f32 $1.000000000e+00, v2;
	_ =	sdelay $0x1  }
0xa1: {  	[tilespmem:v1+s2+$0x0] =	vst.idx.msk vm10, v2  }
0xa2: {  	v2 =	vld.idx.msk [tilespmem:v1+s2+$0x0], $0xffff;
	_ =	sdelay $0x4  }
0xa3: {  	v2 =	vadd.f32 $1.000000000e+00, v2;
	_ =	sdelay $0x1  }
0xa4: {  	[tilespmem:v1+s2+$0x0] =	vst.idx.msk vm11, v2  }
0xa5: {  	v2 =	vld.idx.msk [tilespmem:v1+s2+$0x0], $0xffff;
	_ =	sdelay $0x4  }
0xa6: {  	v2 =	vadd.f32 $1.000000000e+00, v2;
	_ =	sdelay $0x1  }
0xa7: {  	[tilespmem:v1+s2+$0x0] =	vst.idx.msk vm12, v2  }
0xa8: {  	v2 =	vld.idx.msk [tilespmem:v1+s2+$0x0], $0xffff;
	_ =	sdelay $0x4  }
0xa9: {  	v2 =	vadd.f32 $1.000000000e+00, v2;
	_ =	sdelay $0x1  }
0xaa: {  	[tilespmem:v1+s2+$0x0] =	vst.idx.msk vm13, v2  }
0xab: {  	v2 =	vld.idx.msk [tilespmem:v1+s2+$0x0], $0xffff  }
0xac: {  	s11 =	sadd.s32 $0x1, s11  }
0xad: {  	p0 =	sne.s32 s11, $0x19  }
.Ltmp2:
0xae: {  	_ = 	snop;
	(pc) =	sbr.rel @p0 .LBB2_4-.Ltmp2, $3  }
0xaf: {  	_ = 	snop  }
0xb0: {  	v2 =	vadd.f32 $1.000000000e+00, v2;
	_ =	sdelay $0x1  }
0xb1: {  	[tilespmem:v1+s2+$0x0] =	vst.idx.msk vm14, v2  }
0xb2: {  	s9 =	sadd.s32 $0x1, s9  }
0xb3: {  	p0 =	sne.s32 s9, s6  }
.Ltmp3:
0xb4: {  	_ = 	snop;
	(pc) =	sbr.rel @p0 .LBB2_1-.Ltmp3, $4  }
0xb5: {  	[hbm4b:s5+s2] =	stream.linear.scatter [tilespmem:s2], [sflag:$0x1], $0x19000, $0x38;
	[tilespmem:$0x197D0] =	vst v63  }
0xb6: {  	_ =	swait.ge [sflag:s8], $0x19000  }
0xb7: {  	[sflag:s8] =	ssyncset.done $0x0  }
0xb8: {  	[sflag:s8] =	ssyncadd.s32 $0xFFFE7000  }
0xb9: {  	_ =	sfence.sel $0x180000  }
0xba: {  	[bflag:$0x0] =	sbarrier.arrive $0xFFFF  }
0xbb: {  	p0 =	sne.s32 s0, $0x0;
	_ =	strace $0x90000047  }
0xbc: {  	s0 =	sadd.s32 @!p0 $0x100000, s1;
	[bflag:$0x2] =	sbarrier.arrive $0xFFFF  }
0xbd: {  	[sflag:s0] =	ssyncadd.tile.s32 @!p0 $0x1;
	_ =	shalt  }
.Lfunc_end2:
_tile_overlayer_lowered:
.L_overlay_start_2:
0xbe: {  	(tag) =	ssettag $0x2  }
0xbf: {  	s0 =	rddreg [dreg:$0x0];
	s2 =	stileid.u32  }
0xc0: {  	s1 =	rddreg [dreg:$0x1];
	p0 =	sne.s32 s2, $0x0  }
0xc1: {  	s3 =	rddreg [dreg:$0x2];
	[bflag:$0x3] =	sbarrier.arrive $0xFFFF;
	s2 =	simm.s32 @!p0 $0x1C01  }
0xc2: {  	[timem:s3], [sflag:s2] =	dma.local @!p0 [hbm:s0], s1  }
0xc3: {  	s0 =	simm.s32 @!p0 $0x1  }
0xc4: {  	_ =	swait.ge @!p0 [sflag:s0], s1  }
0xc5: {  	s1 =	ssub.s32 @!p0 $0x0, s1;
	[sflag:s0] =	ssyncset.done @!p0 $0x0  }
0xc6: {  	[sflag:s0] =	ssyncadd.s32 @!p0 s1  }
0xc7: {  	[bflag:$0x3] =	sbarrier.arrive $0xFFFF  }
0xc8: {  	_ =	shalt  }

// kernel: kernel.16.cloned.1.call-start
scs
__scs_entry_jumppad:
0x0: {  	(pc) =	sbr.rel $0x88, $3  }
0x1: {  	(tag) =	ssettag $0x0;
	lr =	simm.s32 $0x1  }
0x2: {  	[smem:$0x3F93] =	sst lr;
	_ =	strace $0xD0000000  }
0x3: {  	_ = 	snop  }
0x4: {  	_ = 	snop  }
0x5: {  	_ = 	snop  }
0x6: {  	_ = 	snop  }
0x7: {  	_ = 	snop  }
__scs_overlays_trampoline_lowered:
0x8: {  	[smem:$0x3FA2] =	sst s0  }
0x9: {  	[smem:$0x3FA3] =	sst s1  }
0xa: {  	[smem:$0x3FA4] =	sst s2  }
0xb: {  	[smem:$0x3FA5] =	sst s3  }
0xc: {  	[smem:$0x3FA6] =	sst s4  }
0xd: {  	[smem:$0x3FA7] =	sst s5  }
0xe: {  	[smem:$0x3FA8] =	sst s6  }
0xf: {  	[smem:$0x3FA9] =	sst s7  }
0x10: {  	[smem:$0x3FAA] =	sst s8  }
0x11: {  	[smem:$0x3FAB] =	sst s9;
	s0 =	simm.s32 @!p0 $0x0  }
0x12: {  	s1 =	sld [smem:$0x3F91];
	s0 =	simm.s32 @p0 $0x1  }
0x13: {  	[smem:$0x3FAC] =	sst s0;
	s0 =	simm.s32 @!p1 $0x0  }
0x14: {  	s2 =	sld [smem:$0x3F90];
	s0 =	simm.s32 @p1 $0x1  }
0x15: {  	[smem:$0x3FAD] =	sst s0;
	s0 =	simm.s32 @!p2 $0x0  }
0x16: {  	s3 =	sld [smem:$0x3FDB];
	s0 =	simm.s32 @p2 $0x1  }
0x17: {  	s4 =	simm.s32 $0x1BF5;
	[smem:$0x3FAF] =	sst s0  }
0x18: {  	s0 =	sld [smem:$0x3F92];
	_ =	swait.ge [sflag:s4], $0x0  }
0x19: {  	s7 =	sld [smem:$0x3F93]  }
0x1a: {  	s8 =	sadd.s32 $0xFFFFE003, lr  }
0x1b: {  	s9 =	sadd.s32 $0xFFFFFEF7, lr;
	s5 =	simm.s32 $0xFFFFFFFF;
	p2 =	slt.u32 s8, $0xFFFFF086  }
0x1c: {  	p1 =	slt.u32 s9, $0xF7A;
	s5 =	simm.s32 @!p2 $0x0  }
0x1d: {  	s5 =	simm.s32 @p1 $0x1;
	p0 =	seq.s32 s7, s2  }
0x1e: {  	s7 =	smul.u32 @!p0 $0xF7A, s2;
	p2 =	seq.s32 @!p0 s5, $0x0  }
0x1f: {  	s9 =	smul.u32 $0xF7A, s1;
	s8 =	simm.s32 @!p0 $0x1BF5;
	p2 =	por !p2, p0  }
0x20: {  	[sflag:s8] =	ssyncset.s32 @!p0 $0xFFFFF086;
	s6 =	sadd.s32 @!p0 s3, s7;
	s7 =	simm.s32 @!p0 $0x108  }
0x21: {  	s3 =	sadd.s32 s3, s9;
	s6 =	sadd.s32 @!p0 $0x88, s6;
	s7 =	simm.s32 @p2 $0x1082  }
0x22: {  	[simem:s7], [sflag:s8] =	dma.local @!p0 [hbm:s6], $0xF7A  }
0x23: {  	s9 =	sor.u32 $0xD0000000, s2;
	s6 =	simm.s32 $0x108;
	_ =	swait.ge @!p0 [sflag:s8], $0x0  }
0x24: {  	s3 =	sadd.s32 $0x88, s3;
	s6 =	simm.s32 @!p1 $0x1082;
	[sflag:s4] =	ssyncset.s32 $0xFFFFF086  }
0x25: {  	[simem:s6], [sflag:s4] =	dma.local [hbm:s3], $0xF7A  }
0x26: {  	[smem:$0x3F93] =	sst s1;
	(tag) =	ssettag s2;
	_ =	strace s9  }
0x27: {  	s1 =	sld [smem:$0x3FA3]  }
0x28: {  	s2 =	sld [smem:$0x3FA4]  }
0x29: {  	s4 =	sld [smem:$0x3FA6]  }
0x2a: {  	p0 =	seq.s32 s5, $0x0;
	s5 =	sld [smem:$0x3FA7]  }
0x2b: {  	s6 =	sld [smem:$0x3FA8]  }
0x2c: {  	s7 =	sld [smem:$0x3FA9]  }
0x2d: {  	s3 =	simm.s32 $0x108;
	s8 =	sld [smem:$0x3FAA]  }
0x2e: {  	s3 =	simm.s32 @!p0 $0x1082;
	s9 =	sld [smem:$0x3FAB]  }
0x2f: {  	lr =	sadd.s32 s0, s3;
	s0 =	sld [smem:$0x3FA2]  }
0x30: {  	s3 =	sld [smem:$0x3FA5]  }
0x31: {  	[smem:$0x3FAE] =	sst s10  }
0x32: {  	s10 =	sld [smem:$0x3FAC];
	_ =	sdelay $0x3  }
0x33: {  	p0 =	seq.s32 s10, $0x1;
	s10 =	sld [smem:$0x3FAE];
	_ =	sdelay $0x3  }
0x34: {  	[smem:$0x3FAE] =	sst s10  }
0x35: {  	s10 =	sld [smem:$0x3FAD];
	_ =	sdelay $0x3  }
0x36: {  	p1 =	seq.s32 s10, $0x1;
	s10 =	sld [smem:$0x3FAE];
	_ =	sdelay $0x3  }
0x37: {  	[smem:$0x3FAE] =	sst s10  }
0x38: {  	s10 =	sld [smem:$0x3FAF]  }
0x39: {  	_ = 	snop;
	(pc) =	sbr.ind lr, $3  }
0x3a: {  	_ = 	snop  }
0x3b: {  	_ = 	snop  }
0x3c: {  	p2 =	seq.s32 s10, $0x1;
	s10 =	sld [smem:$0x3FAE]  }
0x3d: {  	_ =	shalt  }
0x3e: {  	_ =	shalt  }
0x3f: {  	_ =	shalt  }
0x40: {  	_ =	shalt  }
0x41: {  	_ =	shalt  }
0x42: {  	_ =	shalt  }
0x43: {  	_ =	shalt  }
0x44: {  	_ =	shalt  }
0x45: {  	_ =	shalt  }
0x46: {  	_ =	shalt  }
0x47: {  	_ =	shalt  }
0x48: {  	_ =	shalt  }
0x49: {  	_ =	shalt  }
0x4a: {  	_ =	shalt  }
0x4b: {  	_ =	shalt  }
0x4c: {  	_ =	shalt  }
0x4d: {  	_ =	shalt  }
0x4e: {  	_ =	shalt  }
0x4f: {  	_ =	shalt  }
0x50: {  	_ =	shalt  }
0x51: {  	_ =	shalt  }
0x52: {  	_ =	shalt  }
0x53: {  	_ =	shalt  }
0x54: {  	_ =	shalt  }
0x55: {  	_ =	shalt  }
0x56: {  	_ =	shalt  }
0x57: {  	_ =	shalt  }
0x58: {  	_ =	shalt  }
0x59: {  	_ =	shalt  }
0x5a: {  	_ =	shalt  }
0x5b: {  	_ =	shalt  }
0x5c: {  	_ =	shalt  }
0x5d: {  	_ =	shalt  }
0x5e: {  	_ =	shalt  }
0x5f: {  	_ =	shalt  }
0x60: {  	_ =	shalt  }
0x61: {  	_ =	shalt  }
0x62: {  	_ =	shalt  }
0x63: {  	_ =	shalt  }
0x64: {  	_ =	shalt  }
0x65: {  	_ =	shalt  }
0x66: {  	_ =	shalt  }
0x67: {  	_ =	shalt  }
0x68: {  	_ =	shalt  }
0x69: {  	_ =	shalt  }
0x6a: {  	_ =	shalt  }
0x6b: {  	_ =	shalt  }
0x6c: {  	_ =	shalt  }
0x6d: {  	_ =	shalt  }
0x6e: {  	_ =	shalt  }
0x6f: {  	_ =	shalt  }
0x70: {  	_ =	shalt  }
0x71: {  	_ =	shalt  }
0x72: {  	_ =	shalt  }
0x73: {  	_ =	shalt  }
0x74: {  	_ =	shalt  }
0x75: {  	_ =	shalt  }
0x76: {  	_ =	shalt  }
0x77: {  	_ =	shalt  }
0x78: {  	_ =	shalt  }
0x79: {  	_ =	shalt  }
0x7a: {  	_ =	shalt  }
0x7b: {  	_ =	shalt  }
0x7c: {  	_ =	shalt  }
0x7d: {  	_ =	shalt  }
0x7e: {  	_ =	shalt  }
0x7f: {  	_ =	shalt  }
0x80: {  	_ =	shalt  }
0x81: {  	_ =	shalt  }
0x82: {  	_ =	shalt  }
0x83: {  	_ =	shalt  }
0x84: {  	_ =	shalt  }
0x85: {  	_ =	shalt  }
0x86: {  	_ =	shalt  }
0x87: {  	_ =	shalt  }
.Lfunc_end0:
.L_simem_size_0:
called_computation.1_lowered:
.L_overlay_start_0:
0x88: {  	s2 =	sld [smem:$0x3FD9]  }
0x89: {  	s3 =	sld [smem:$0x3FFE];
	_ =	sdelay $0x1  }
0x8a: {  	s1 =	srdreg.scid  }
0x8b: {  	s0 =	sand.u32 $0x1, s1  }
0x8c: {  	s16 =	sshll.u32 s0, $0xA;
	s2 =	sadd.s32 s3, s2  }
0x8d: {  	s2 =	sadd.s32 s2, s16  }
0x8e: {  	[smem:$0x3FBA] =	sst s2  }
0x8f: {  	_ = 	snop  }
0x90: {  	(tm) =	ssettm $0x1  }
0x91: {  	s17 =	sld [smem:$0x3FFB];
	_ =	sdelay $0x3  }
0x92: {  	_ =	strace s17  }
0x93: {  	s2 =	sld [smem:$0x3FFC];
	_ =	sdelay $0x3  }
0x94: {  	_ =	strace s2  }
0x95: {  	s2 =	sld [smem:$0x3FFD];
	_ =	sdelay $0x3  }
0x96: {  	_ =	strace s2  }
0x97: {  	_ =	strace $0x8FFFFFFF  }
0x98: {  	s18 =	sld [smem:$0x3FDB];
	_ =	sdelay $0x1  }
0x99: {  	s19 =	simm.s32 $_scs_section_size  }
0x9a: {  	s4 =	simm.s32 $_size__tile_overlayer_lowered;
	s5 =	simm.s32 $_tile_overlayer_lowered  }
0x9b: {  	s22 =	simm.s32 $0x1BFF;
	s21 =	sshll.u32 s5, $0x1;
	s2 =	sadd.s32 s19, s18  }
0x9c: {  	s6 =	simm.s32 $0x0;
	s20 =	sshll.u32 s4, $0x1;
	s4 =	sadd.s32 s21, s2  }
0x9d: {  	[timem:s6], [sflag:s22] =	dma.local [hbm:s4], s20  }
0x9e: {  	_ =	swait.ge [sflag:s22], s20  }
0x9f: {  	s3 =	ssub.s32 $0x0, s20;
	[sflag:s22] =	ssyncset.done $0x0  }
0xa0: {  	[sflag:s22] =	ssyncadd.s32 s3;
	_ =	sdelay $0x1  }
0xa1: {  	s23 =	simm.s32 $0x1B8B  }
0xa2: {  	_ =	swait.ge [sflag:s23], $0x1  }
0xa3: {  	[sflag:s23] =	ssyncset.done $0x0  }
0xa4: {  	s25 =	simm.s32 $0x1B8E;
	s24 =	sld [smem:$0x3FFE];
	[sflag:s23] =	ssyncadd.s32 $0xFFFFFFFF  }
0xa5: {  	s26 =	simm.s32 $execute0_lowered;
	[smem:$0x3FD2] =	sst s25  }
0xa6: {  	s4 =	sshll.u32 s26, $0x1;
	_ =	strace $0x80000049;
	[dreg:$0x1] =	wrdreg $0xFFFFFFFF  }
0xa7: {  	s28 =	simm.s32 $_size_execute0_lowered;
	s2 =	sadd.s32 s2, s4;
	[dreg:$0x0] =	wrdreg $0x0  }
0xa8: {  	s4 =	sshll.u32 s28, $0x1;
	[dreg:$0x2] =	wrdreg s2  }
0xa9: {  	[dreg:$0x3] =	wrdreg s4  }
0xaa: {  	[dreg:$0x4] =	wrdreg $0xC0  }
0xab: {  	_ =	task [dreg:s6], $0x5FFFF  }
0xac: {  	[dreg:$0x1] =	wrdreg $0xFFFFFFFF  }
0xad: {  	[dreg:$0x0] =	wrdreg $0x60  }
0xae: {  	[dreg:$0x2] =	wrdreg s24  }
0xaf: {  	[dreg:$0x3] =	wrdreg $0x9  }
0xb0: {  	_ =	task.clear_ibuf [dreg:s6], $0x4FFFF;
	_ =	strace $0x90000049  }
0xb1: {  	s29 =	simm.s32 $0x9;
	_ =	strace $0x8000004B  }
0xb2: {  	_ =	swait.ge [sflag:s29], $0x1  }
0xb3: {  	[sflag:s29] =	ssyncadd.s32 $0xFFFFFFFF  }
0xb4: {  	_ =	strace $0x9000004B  }
0xb5: {  	_ =	sfence  }
0xb6: {  	s30 =	sld [smem:$0x0];
	_ =	sdelay $0x2  }
0xb7: {  	s31 =	sshll.u32 s1, $0xD;
	s1 =	sshrl.u32 s1, $0x2  }
0xb8: {  	s3 =	sand.u32 $0x4000, s31;
	s1 =	sadd.s32 s1, s30  }
0xb9: {  	s0 =	sor.u32 s3, s0;
	s1 =	sshll.u32 s1, $0x11  }
0xba: {  	s0 =	sor.u32 s1, s0  }
0xbb: {  	s0 =	sadd.s32 $0x8F2B, s0  }
0xbc: {  	[sflag:s0] =	ssyncadd.remote.s32 $0x1  }
0xbd: {  	_ =	sfence.sel $0xFFFF  }
0xbe: {  	[dreg:$0x0] =	wrdreg $0xFFFFFFFF;
	(pc) =	sbr.abs _section_cstart, $3  }
0xbf: {  	[dreg:$0x1] =	wrdreg $0xFFFFFFFF  }
0xc0: {  	_ =	task.clear_ibuf [dreg:s6], $0x2FFFF;
	_ =	strace $0x9FFFFFFF  }
0xc1: {  	(tm) =	ssettm $0x7FFFFFFF  }
tec
execute0_lowered:
.L_overlay_start_1:
0x0: {  	(tag) =	ssettag $0x1  }
0x1: {  	s5 =	rddreg [dreg:$0x0]  }
0x2: {  	s0 =	rddreg [dreg:$0x1]  }
0x3: {  	s2 =	simm.s32 $0x0;
	s3 =	srdreg.scid;
	s1 =	stileid.u32  }
0x4: {  	s10 =	simm.s32 $0x1;
	s11 =	simm.s32 $0x186A00;
	s12 =	simm.s32 $0x3390  }
0x5: {  	[smem:$0x7FF] =	sst s2;
	s6 =	sand.u32 $0x1, s3;
	s3 =	sadd.s32 $0x385600, s5  }
0x6: {  	s8 =	sshll.u32 s1, $0x1;
	s4 =	sadd.s32 $0x3A00, s5;
	s7 =	ssub.s32 $0x2, s6  }
0x7: {  	s5 =	sadd.s32 $0x3E9600, s5;
	_ =	strace $0x8000004A;
	s9 =	sshrl.u32 s7, $0x1  }
0x8: {  	v0 =	vlaneseq.u32;
	s6 =	sor.u32 s6, s8;
	s8 =	simm.s32 $0x2;
	s7 =	ssub.s32 s7, s9  }
0x9: {  	v0 =	vmul.u32 $0x20, v0;
	s6 =	smul.u32 $0xC350, s6;
	s9 =	simm.s32 $0x190;
	s7 =	smax.u32 s7, $0x1  }
.LBB2_1:
0xa: {  	s13 =	simm.s32 $0x0  }
.LBB2_2:
0xb: {  	s14 =	smul.u32 $0x190, s13;
	_ =	sdelay $0x1  }
0xc: {  	s14 =	sadd.s32 s6, s14  }
0xd: {  	s14 =	sshrl.u32 s14, $0x3  }
0xe: {  	s16 =	simm.s32 $0x0;
	s15 =	sadd.s32 s4, s14  }
0xf: {  	[tilespmem:s16], [sflag:$0x2] =	stream.linear.gather [hbm4b:s15+s16], $0x190, $0x38;
	[tilespmem:$0x6590] =	vst v63  }
0x10: {  	v1 =	vmov s16;
	_ =	swait.ge [sflag:s8], $0x190  }
0x11: {  	v1 =	vshll.u32 v1, $0x5;
	[sflag:s8] =	ssyncset.done $0x0  }
0x12: {  	v1 =	vor.u32 v0, v1;
	[sflag:s8] =	ssyncadd.s32 $0xFFFFFE70  }
0x13: {  	[tilespmem:s9], [sflag:$0x1] =	stream.indirect.gather [hbm4b:s3+s9], $0x20, s16, s9, $0xb8;
	[tilespmem:$0x6590] =	vst v63  }
0x14: {  	_ =	swait.ge [sflag:s10], $0x3200  }
0x15: {  	s31 =	simm.s32 $0x10;
	[sflag:s10] =	ssyncset.done $0x0  }
0x16: {  	v2 =	vmov s31;
	[sflag:s10] =	ssyncadd.s32 $0xFFFFCE00  }
0x17: {  	v2 =	vshll.u32 v2, $0x5;
	v3 =	vld.idx.msk [tilespmem:v1+s9+$0x0], $0xffff  }
0x18: {  	v2 =	vor.u32 v0, v2;
	_ =	sdelay $0x2  }
0x19: {  	s16 =	simm.s32 $0x3390  }
0x1a: {  	s15 =	simm.s32 $0x20;
	[tilespmem:s16+$0x0] =	vst v3  }
0x1b: {  	s17 =	simm.s32 $0x30;
	v4 =	vmov s15;
	v3 =	vld.idx.msk [tilespmem:v2+s9+$0x0], $0xffff  }
.LBB2_3:
0x1c: {  	p0 =	sne.s32 s17, $0x180;
	v4 =	vshll.u32 v4, $0x5  }
0x1d: {  	v5 =	vor.u32 v0, v4  }
.Ltmp0:
0x1e: {  	(pc) =	sbr.rel @p0 .LBB2_3-.Ltmp0, $4  }
0x1f: {  	_ = 	snop  }
0x20: {  	s16 =	sadd.s32 $0x10, s16  }
0x21: {  	[tilespmem:s16+$0x0] =	vst v3  }
0x22: {  	v4 =	vmov s17;
	s17 =	sadd.s32 $0x10, s17;
	v3 =	vld.idx.msk [tilespmem:v5+s9+$0x0], $0xffff  }
0x23: {  	v4 =	vshll.u32 v4, $0x5  }
0x24: {  	v4 =	vor.u32 v0, v4;
	_ =	sdelay $0x2  }
0x25: {  	s16 =	sadd.s32 $0x10, s16  }
0x26: {  	[tilespmem:s16+$0x0] =	vst v3  }
0x27: {  	v3 =	vld.idx.msk [tilespmem:v4+s9+$0x0], $0xffff  }
0x28: {  	v1 =	vor.u32 $0x1, v1;
	_ =	sdelay $0x2  }
0x29: {  	s16 =	sadd.s32 $0x10, s16  }
0x2a: {  	[tilespmem:s16+$0x0] =	vst v3  }
0x2b: {  	v3 =	vld.idx.msk [tilespmem:v1+s9+$0x0], $0xffff  }
0x2c: {  	v1 =	vor.u32 $0x1, v2;
	_ =	sdelay $0x2  }
0x2d: {  	s16 =	simm.s32 $0x3520  }
0x2e: {  	v2 =	vmov s15;
	s15 =	simm.s32 $0x30;
	[tilespmem:s16+$0x0] =	vst v3  }
.LBB2_5:
0x2f: {  	p0 =	sne.s32 s15, $0x180;
	v2 =	vshll.u32 v2, $0x5;
	v3 =	vld.idx.msk [tilespmem:v1+s9+$0x0], $0xffff  }
0x30: {  	v1 =	vor.u32 v0, v2  }
.Ltmp1:
0x31: {  	v1 =	vor.u32 $0x1, v1;
	(pc) =	sbr.rel @p0 .LBB2_5-.Ltmp1, $3  }
0x32: {  	_ =	sdelay $0x1  }
0x33: {  	s16 =	sadd.s32 $0x10, s16  }
0x34: {  	v2 =	vmov s15;
	s15 =	sadd.s32 $0x10, s15;
	[tilespmem:s16+$0x0] =	vst v3  }
0x35: {  	_ =	sdelay $0x2  }
0x36: {  	v2 =	vshll.u32 v2, $0x5  }
0x37: {  	v1 =	vld.idx.msk [tilespmem:v1+s9+$0x0], $0xffff;
	v2 =	vor.u32 v0, v2  }
0x38: {  	v2 =	vor.u32 $0x1, v2;
	_ =	sdelay $0x2  }
0x39: {  	s15 =	simm.s32 $0x0;
	s16 =	sadd.s32 $0x10, s16  }
0x3a: {  	v3 =	vmov s15;
	[tilespmem:s16+$0x0] =	vst v1  }
0x3b: {  	v1 =	vshll.u32 v3, $0x5;
	v2 =	vld.idx.msk [tilespmem:v2+s9+$0x0], $0xffff  }
0x3c: {  	v1 =	vor.u32 v0, v1  }
0x3d: {  	v3 =	vor.u32 $0x2, v1;
	_ =	sdelay $0x1  }
0x3e: {  	s31 =	simm.s32 $0x10;
	s30 =	sadd.s32 $0x10, s16  }
0x3f: {  	[tilespmem:s30+$0x0] =	vst v2;
	v2 =	vmov s31  }
0x40: {  	v2 =	vshll.u32 v2, $0x5  }
0x41: {  	v5 =	vld.idx.msk [tilespmem:v3+s9+$0x0], $0xffff;
	v2 =	vor.u32 v0, v2  }
0x42: {  	v3 =	vor.u32 $0x2, v2;
	_ =	sdelay $0x2  }
0x43: {  	s15 =	simm.s32 $0x20;
	s16 =	simm.s32 $0x36B0  }
0x44: {  	s17 =	simm.s32 $0x30;
	v4 =	vmov s15;
	[tilespmem:s16+$0x0] =	vst v5  }
.LBB2_7:
0x45: {  	p0 =	sne.s32 s17, $0x180;
	v4 =	vshll.u32 v4, $0x5;
	v5 =	vld.idx.msk [tilespmem:v3+s9+$0x0], $0xffff  }
0x46: {  	v3 =	vor.u32 v0, v4  }
.Ltmp2:
0x47: {  	v3 =	vor.u32 $0x2, v3;
	(pc) =	sbr.rel @p0 .LBB2_7-.Ltmp2, $3  }
0x48: {  	_ =	sdelay $0x1  }
0x49: {  	s16 =	sadd.s32 $0x10, s16  }
0x4a: {  	v4 =	vmov s17;
	s17 =	sadd.s32 $0x10, s17;
	[tilespmem:s16+$0x0] =	vst v5  }
0x4b: {  	_ =	sdelay $0x2  }
0x4c: {  	v4 =	vshll.u32 v4, $0x5  }
0x4d: {  	v3 =	vld.idx.msk [tilespmem:v3+s9+$0x0], $0xffff;
	v4 =	vor.u32 v0, v4  }
0x4e: {  	v4 =	vor.u32 $0x2, v4;
	_ =	sdelay $0x2  }
0x4f: {  	s16 =	sadd.s32 $0x10, s16  }
0x50: {  	[tilespmem:s16+$0x0] =	vst v3  }
0x51: {  	v3 =	vld.idx.msk [tilespmem:v4+s9+$0x0], $0xffff  }
0x52: {  	v1 =	vor.u32 $0x3, v1;
	_ =	sdelay $0x2  }
0x53: {  	s16 =	sadd.s32 $0x10, s16  }
0x54: {  	[tilespmem:s16+$0x0] =	vst v3  }
0x55: {  	v3 =	vld.idx.msk [tilespmem:v1+s9+$0x0], $0xffff  }
0x56: {  	v1 =	vor.u32 $0x3, v2;
	_ =	sdelay $0x2  }
0x57: {  	s16 =	simm.s32 $0x3840  }
0x58: {  	v2 =	vmov s15;
	s15 =	simm.s32 $0x30;
	[tilespmem:s16+$0x0] =	vst v3  }
.LBB2_9:
0x59: {  	p0 =	sne.s32 s15, $0x180;
	v2 =	vshll.u32 v2, $0x5;
	v3 =	vld.idx.msk [tilespmem:v1+s9+$0x0], $0xffff  }
0x5a: {  	v1 =	vor.u32 v0, v2  }
.Ltmp3:
0x5b: {  	v1 =	vor.u32 $0x3, v1;
	(pc) =	sbr.rel @p0 .LBB2_9-.Ltmp3, $3  }
0x5c: {  	_ =	sdelay $0x1  }
0x5d: {  	s16 =	sadd.s32 $0x10, s16  }
0x5e: {  	v2 =	vmov s15;
	s15 =	sadd.s32 $0x10, s15;
	[tilespmem:s16+$0x0] =	vst v3  }
0x5f: {  	_ =	sdelay $0x2  }
0x60: {  	v2 =	vshll.u32 v2, $0x5  }
0x61: {  	v1 =	vld.idx.msk [tilespmem:v1+s9+$0x0], $0xffff;
	v2 =	vor.u32 v0, v2  }
0x62: {  	v2 =	vor.u32 $0x3, v2;
	_ =	sdelay $0x2  }
0x63: {  	s15 =	simm.s32 $0x0;
	s16 =	sadd.s32 $0x10, s16  }
0x64: {  	v3 =	vmov s15;
	[tilespmem:s16+$0x0] =	vst v1  }
0x65: {  	v1 =	vshll.u32 v3, $0x5;
	v2 =	vld.idx.msk [tilespmem:v2+s9+$0x0], $0xffff  }
0x66: {  	v1 =	vor.u32 v0, v1  }
0x67: {  	v3 =	vor.u32 $0x4, v1;
	_ =	sdelay $0x1  }
0x68: {  	s31 =	simm.s32 $0x10;
	s30 =	sadd.s32 $0x10, s16  }
0x69: {  	[tilespmem:s30+$0x0] =	vst v2;
	v2 =	vmov s31  }
0x6a: {  	v2 =	vshll.u32 v2, $0x5  }
0x6b: {  	v5 =	vld.idx.msk [tilespmem:v3+s9+$0x0], $0xffff;
	v2 =	vor.u32 v0, v2  }
0x6c: {  	v3 =	vor.u32 $0x4, v2;
	_ =	sdelay $0x2  }
0x6d: {  	s15 =	simm.s32 $0x20;
	s16 =	simm.s32 $0x39D0  }
0x6e: {  	s17 =	simm.s32 $0x30;
	v4 =	vmov s15;
	[tilespmem:s16+$0x0] =	vst v5  }
.LBB2_11:
0x6f: {  	p0 =	sne.s32 s17, $0x180;
	v4 =	vshll.u32 v4, $0x5;
	v5 =	vld.idx.msk [tilespmem:v3+s9+$0x0], $0xffff  }
0x70: {  	v3 =	vor.u32 v0, v4  }
.Ltmp4:
0x71: {  	v3 =	vor.u32 $0x4, v3;
	(pc) =	sbr.rel @p0 .LBB2_11-.Ltmp4, $3  }
0x72: {  	_ =	sdelay $0x1  }
0x73: {  	s16 =	sadd.s32 $0x10, s16  }
0x74: {  	v4 =	vmov s17;
	s17 =	sadd.s32 $0x10, s17;
	[tilespmem:s16+$0x0] =	vst v5  }
0x75: {  	_ =	sdelay $0x2  }
0x76: {  	v4 =	vshll.u32 v4, $0x5  }
0x77: {  	v3 =	vld.idx.msk [tilespmem:v3+s9+$0x0], $0xffff;
	v4 =	vor.u32 v0, v4  }
0x78: {  	v4 =	vor.u32 $0x4, v4;
	_ =	sdelay $0x2  }
0x79: {  	s16 =	sadd.s32 $0x10, s16  }
0x7a: {  	[tilespmem:s16+$0x0] =	vst v3  }
0x7b: {  	v3 =	vld.idx.msk [tilespmem:v4+s9+$0x0], $0xffff  }
0x7c: {  	v1 =	vor.u32 $0x5, v1;
	_ =	sdelay $0x2  }
0x7d: {  	s16 =	sadd.s32 $0x10, s16  }
0x7e: {  	[tilespmem:s16+$0x0] =	vst v3  }
0x7f: {  	v3 =	vld.idx.msk [tilespmem:v1+s9+$0x0], $0xffff  }
0x80: {  	v1 =	vor.u32 $0x5, v2;
	_ =	sdelay $0x2  }
0x81: {  	s16 =	simm.s32 $0x3B60  }
0x82: {  	v2 =	vmov s15;
	s15 =	simm.s32 $0x30;
	[tilespmem:s16+$0x0] =	vst v3  }
.LBB2_13:
0x83: {  	p0 =	sne.s32 s15, $0x180;
	v2 =	vshll.u32 v2, $0x5;
	v3 =	vld.idx.msk [tilespmem:v1+s9+$0x0], $0xffff  }
0x84: {  	v1 =	vor.u32 v0, v2  }
.Ltmp5:
0x85: {  	v1 =	vor.u32 $0x5, v1;
	(pc) =	sbr.rel @p0 .LBB2_13-.Ltmp5, $3  }
0x86: {  	_ =	sdelay $0x1  }
0x87: {  	s16 =	sadd.s32 $0x10, s16  }
0x88: {  	v2 =	vmov s15;
	s15 =	sadd.s32 $0x10, s15;
	[tilespmem:s16+$0x0] =	vst v3  }
0x89: {  	_ =	sdelay $0x2  }
0x8a: {  	v2 =	vshll.u32 v2, $0x5  }
0x8b: {  	v1 =	vld.idx.msk [tilespmem:v1+s9+$0x0], $0xffff;
	v2 =	vor.u32 v0, v2  }
0x8c: {  	v2 =	vor.u32 $0x5, v2;
	_ =	sdelay $0x2  }
0x8d: {  	s15 =	simm.s32 $0x0;
	s16 =	sadd.s32 $0x10, s16  }
0x8e: {  	v3 =	vmov s15;
	[tilespmem:s16+$0x0] =	vst v1  }
0x8f: {  	v1 =	vshll.u32 v3, $0x5;
	v2 =	vld.idx.msk [tilespmem:v2+s9+$0x0], $0xffff  }
0x90: {  	v1 =	vor.u32 v0, v1  }
0x91: {  	v3 =	vor.u32 $0x6, v1;
	_ =	sdelay $0x1  }
0x92: {  	s31 =	simm.s32 $0x10;
	s30 =	sadd.s32 $0x10, s16  }
0x93: {  	[tilespmem:s30+$0x0] =	vst v2;
	v2 =	vmov s31  }
0x94: {  	v2 =	vshll.u32 v2, $0x5  }
0x95: {  	v5 =	vld.idx.msk [tilespmem:v3+s9+$0x0], $0xffff;
	v2 =	vor.u32 v0, v2  }
0x96: {  	v3 =	vor.u32 $0x6, v2;
	_ =	sdelay $0x2  }
0x97: {  	s15 =	simm.s32 $0x20;
	s16 =	simm.s32 $0x3CF0  }
0x98: {  	s17 =	simm.s32 $0x30;
	v4 =	vmov s15;
	[tilespmem:s16+$0x0] =	vst v5  }
.LBB2_15:
0x99: {  	p0 =	sne.s32 s17, $0x180;
	v4 =	vshll.u32 v4, $0x5;
	v5 =	vld.idx.msk [tilespmem:v3+s9+$0x0], $0xffff  }
0x9a: {  	v3 =	vor.u32 v0, v4  }
.Ltmp6:
0x9b: {  	v3 =	vor.u32 $0x6, v3;
	(pc) =	sbr.rel @p0 .LBB2_15-.Ltmp6, $3  }
0x9c: {  	_ =	sdelay $0x1  }
0x9d: {  	s16 =	sadd.s32 $0x10, s16  }
0x9e: {  	v4 =	vmov s17;
	s17 =	sadd.s32 $0x10, s17;
	[tilespmem:s16+$0x0] =	vst v5  }
0x9f: {  	_ =	sdelay $0x2  }
0xa0: {  	v4 =	vshll.u32 v4, $0x5  }
0xa1: {  	v3 =	vld.idx.msk [tilespmem:v3+s9+$0x0], $0xffff;
	v4 =	vor.u32 v0, v4  }
0xa2: {  	v4 =	vor.u32 $0x6, v4;
	_ =	sdelay $0x2  }
0xa3: {  	s16 =	sadd.s32 $0x10, s16  }
0xa4: {  	[tilespmem:s16+$0x0] =	vst v3  }
0xa5: {  	v3 =	vld.idx.msk [tilespmem:v4+s9+$0x0], $0xffff  }
0xa6: {  	v1 =	vor.u32 $0x7, v1;
	_ =	sdelay $0x2  }
0xa7: {  	s16 =	sadd.s32 $0x10, s16  }
0xa8: {  	[tilespmem:s16+$0x0] =	vst v3  }
0xa9: {  	v3 =	vld.idx.msk [tilespmem:v1+s9+$0x0], $0xffff  }
0xaa: {  	v1 =	vor.u32 $0x7, v2;
	_ =	sdelay $0x2  }
0xab: {  	s16 =	simm.s32 $0x3E80  }
0xac: {  	v2 =	vmov s15;
	s15 =	simm.s32 $0x30;
	[tilespmem:s16+$0x0] =	vst v3  }
.LBB2_17:
0xad: {  	p0 =	sne.s32 s15, $0x180;
	v2 =	vshll.u32 v2, $0x5;
	v3 =	vld.idx.msk [tilespmem:v1+s9+$0x0], $0xffff  }
0xae: {  	v1 =	vor.u32 v0, v2  }
.Ltmp7:
0xaf: {  	v1 =	vor.u32 $0x7, v1;
	(pc) =	sbr.rel @p0 .LBB2_17-.Ltmp7, $3  }
0xb0: {  	_ =	sdelay $0x1  }
0xb1: {  	s16 =	sadd.s32 $0x10, s16  }
0xb2: {  	v2 =	vmov s15;
	s15 =	sadd.s32 $0x10, s15;
	[tilespmem:s16+$0x0] =	vst v3  }
0xb3: {  	_ =	sdelay $0x2  }
0xb4: {  	v2 =	vshll.u32 v2, $0x5  }
0xb5: {  	v1 =	vld.idx.msk [tilespmem:v1+s9+$0x0], $0xffff;
	v2 =	vor.u32 v0, v2  }
0xb6: {  	v2 =	vor.u32 $0x7, v2;
	_ =	sdelay $0x2  }
0xb7: {  	s15 =	simm.s32 $0x0;
	s16 =	sadd.s32 $0x10, s16  }
0xb8: {  	v3 =	vmov s15;
	[tilespmem:s16+$0x0] =	vst v1  }
0xb9: {  	v1 =	vshll.u32 v3, $0x5;
	v2 =	vld.idx.msk [tilespmem:v2+s9+$0x0], $0xffff  }
0xba: {  	v1 =	vor.u32 v0, v1  }
0xbb: {  	v3 =	vor.u32 $0x8, v1;
	_ =	sdelay $0x1  }
0xbc: {  	s31 =	simm.s32 $0x10;
	s30 =	sadd.s32 $0x10, s16  }
0xbd: {  	[tilespmem:s30+$0x0] =	vst v2;
	v2 =	vmov s31  }
0xbe: {  	v2 =	vshll.u32 v2, $0x5  }
0xbf: {  	v5 =	vld.idx.msk [tilespmem:v3+s9+$0x0], $0xffff;
	v2 =	vor.u32 v0, v2  }
0xc0: {  	v3 =	vor.u32 $0x8, v2;
	_ =	sdelay $0x2  }
0xc1: {  	s15 =	simm.s32 $0x20;
	s16 =	simm.s32 $0x4010  }
0xc2: {  	s17 =	simm.s32 $0x30;
	v4 =	vmov s15;
	[tilespmem:s16+$0x0] =	vst v5  }
.LBB2_19:
0xc3: {  	p0 =	sne.s32 s17, $0x180;
	v4 =	vshll.u32 v4, $0x5;
	v5 =	vld.idx.msk [tilespmem:v3+s9+$0x0], $0xffff  }
0xc4: {  	v3 =	vor.u32 v0, v4  }
.Ltmp8:
0xc5: {  	v3 =	vor.u32 $0x8, v3;
	(pc) =	sbr.rel @p0 .LBB2_19-.Ltmp8, $3  }
0xc6: {  	_ =	sdelay $0x1  }
0xc7: {  	s16 =	sadd.s32 $0x10, s16  }
0xc8: {  	v4 =	vmov s17;
	s17 =	sadd.s32 $0x10, s17;
	[tilespmem:s16+$0x0] =	vst v5  }
0xc9: {  	_ =	sdelay $0x2  }
0xca: {  	v4 =	vshll.u32 v4, $0x5  }
0xcb: {  	v3 =	vld.idx.msk [tilespmem:v3+s9+$0x0], $0xffff;
	v4 =	vor.u32 v0, v4  }
0xcc: {  	v4 =	vor.u32 $0x8, v4;
	_ =	sdelay $0x2  }
0xcd: {  	s16 =	sadd.s32 $0x10, s16  }
0xce: {  	[tilespmem:s16+$0x0] =	vst v3  }
0xcf: {  	v3 =	vld.idx.msk [tilespmem:v4+s9+$0x0], $0xffff  }
0xd0: {  	v1 =	vor.u32 $0x9, v1;
	_ =	sdelay $0x2  }
0xd1: {  	s16 =	sadd.s32 $0x10, s16  }
0xd2: {  	[tilespmem:s16+$0x0] =	vst v3  }
0xd3: {  	v3 =	vld.idx.msk [tilespmem:v1+s9+$0x0], $0xffff  }
0xd4: {  	v1 =	vor.u32 $0x9, v2;
	_ =	sdelay $0x2  }
0xd5: {  	s16 =	simm.s32 $0x41A0  }
0xd6: {  	v2 =	vmov s15;
	s15 =	simm.s32 $0x30;
	[tilespmem:s16+$0x0] =	vst v3  }
.LBB2_21:
0xd7: {  	p0 =	sne.s32 s15, $0x180;
	v2 =	vshll.u32 v2, $0x5;
	v3 =	vld.idx.msk [tilespmem:v1+s9+$0x0], $0xffff  }
0xd8: {  	v1 =	vor.u32 v0, v2  }
.Ltmp9:
0xd9: {  	v1 =	vor.u32 $0x9, v1;
	(pc) =	sbr.rel @p0 .LBB2_21-.Ltmp9, $3  }
0xda: {  	_ =	sdelay $0x1  }
0xdb: {  	s16 =	sadd.s32 $0x10, s16  }
0xdc: {  	v2 =	vmov s15;
	s15 =	sadd.s32 $0x10, s15;
	[tilespmem:s16+$0x0] =	vst v3  }
0xdd: {  	_ =	sdelay $0x2  }
0xde: {  	v2 =	vshll.u32 v2, $0x5  }
0xdf: {  	v1 =	vld.idx.msk [tilespmem:v1+s9+$0x0], $0xffff;
	v2 =	vor.u32 v0, v2  }
0xe0: {  	v2 =	vor.u32 $0x9, v2;
	_ =	sdelay $0x2  }
0xe1: {  	s15 =	simm.s32 $0x0;
	s16 =	sadd.s32 $0x10, s16  }
0xe2: {  	v3 =	vmov s15;
	[tilespmem:s16+$0x0] =	vst v1  }
0xe3: {  	v1 =	vshll.u32 v3, $0x5;
	v2 =	vld.idx.msk [tilespmem:v2+s9+$0x0], $0xffff  }
0xe4: {  	v1 =	vor.u32 v0, v1  }
0xe5: {  	v3 =	vor.u32 $0xA, v1;
	_ =	sdelay $0x1  }
0xe6: {  	s31 =	simm.s32 $0x10;
	s30 =	sadd.s32 $0x10, s16  }
0xe7: {  	[tilespmem:s30+$0x0] =	vst v2;
	v2 =	vmov s31  }
0xe8: {  	v2 =	vshll.u32 v2, $0x5  }
0xe9: {  	v5 =	vld.idx.msk [tilespmem:v3+s9+$0x0], $0xffff;
	v2 =	vor.u32 v0, v2  }
0xea: {  	v3 =	vor.u32 $0xA, v2;
	_ =	sdelay $0x2  }
0xeb: {  	s15 =	simm.s32 $0x20;
	s16 =	simm.s32 $0x4330  }
0xec: {  	s17 =	simm.s32 $0x30;
	v4 =	vmov s15;
	[tilespmem:s16+$0x0] =	vst v5  }
.LBB2_23:
0xed: {  	p0 =	sne.s32 s17, $0x180;
	v4 =	vshll.u32 v4, $0x5;
	v5 =	vld.idx.msk [tilespmem:v3+s9+$0x0], $0xffff  }
0xee: {  	v3 =	vor.u32 v0, v4  }
.Ltmp10:
0xef: {  	v3 =	vor.u32 $0xA, v3;
	(pc) =	sbr.rel @p0 .LBB2_23-.Ltmp10, $3  }
0xf0: {  	_ =	sdelay $0x1  }
0xf1: {  	s16 =	sadd.s32 $0x10, s16  }
0xf2: {  	v4 =	vmov s17;
	s17 =	sadd.s32 $0x10, s17;
	[tilespmem:s16+$0x0] =	vst v5  }
0xf3: {  	_ =	sdelay $0x2  }
0xf4: {  	v4 =	vshll.u32 v4, $0x5  }
0xf5: {  	v3 =	vld.idx.msk [tilespmem:v3+s9+$0x0], $0xffff;
	v4 =	vor.u32 v0, v4  }
0xf6: {  	v4 =	vor.u32 $0xA, v4;
	_ =	sdelay $0x2  }
0xf7: {  	s16 =	sadd.s32 $0x10, s16  }
0xf8: {  	[tilespmem:s16+$0x0] =	vst v3  }
0xf9: {  	v3 =	vld.idx.msk [tilespmem:v4+s9+$0x0], $0xffff  }
0xfa: {  	v1 =	vor.u32 $0xB, v1;
	_ =	sdelay $0x2  }
0xfb: {  	s16 =	sadd.s32 $0x10, s16  }
0xfc: {  	[tilespmem:s16+$0x0] =	vst v3  }
0xfd: {  	v3 =	vld.idx.msk [tilespmem:v1+s9+$0x0], $0xffff  }
0xfe: {  	v1 =	vor.u32 $0xB, v2;
	_ =	sdelay $0x2  }
0xff: {  	s16 =	simm.s32 $0x44C0  }
0x100: {  	v2 =	vmov s15;
	s15 =	simm.s32 $0x30;
	[tilespmem:s16+$0x0] =	vst v3  }
.LBB2_25:
0x101: {  	p0 =	sne.s32 s15, $0x180;
	v2 =	vshll.u32 v2, $0x5;
	v3 =	vld.idx.msk [tilespmem:v1+s9+$0x0], $0xffff  }
0x102: {  	v1 =	vor.u32 v0, v2  }
.Ltmp11:
0x103: {  	v1 =	vor.u32 $0xB, v1;
	(pc) =	sbr.rel @p0 .LBB2_25-.Ltmp11, $3  }
0x104: {  	_ =	sdelay $0x1  }
0x105: {  	s16 =	sadd.s32 $0x10, s16  }
0x106: {  	v2 =	vmov s15;
	s15 =	sadd.s32 $0x10, s15;
	[tilespmem:s16+$0x0] =	vst v3  }
0x107: {  	_ =	sdelay $0x2  }
0x108: {  	v2 =	vshll.u32 v2, $0x5  }
0x109: {  	v1 =	vld.idx.msk [tilespmem:v1+s9+$0x0], $0xffff;
	v2 =	vor.u32 v0, v2  }
0x10a: {  	v2 =	vor.u32 $0xB, v2;
	_ =	sdelay $0x2  }
0x10b: {  	s15 =	simm.s32 $0x0;
	s16 =	sadd.s32 $0x10, s16  }
0x10c: {  	v3 =	vmov s15;
	[tilespmem:s16+$0x0] =	vst v1  }
0x10d: {  	v1 =	vshll.u32 v3, $0x5;
	v2 =	vld.idx.msk [tilespmem:v2+s9+$0x0], $0xffff  }
0x10e: {  	v1 =	vor.u32 v0, v1  }
0x10f: {  	v3 =	vor.u32 $0xC, v1;
	_ =	sdelay $0x1  }
0x110: {  	s31 =	simm.s32 $0x10;
	s30 =	sadd.s32 $0x10, s16  }
0x111: {  	[tilespmem:s30+$0x0] =	vst v2;
	v2 =	vmov s31  }
0x112: {  	v2 =	vshll.u32 v2, $0x5  }
0x113: {  	v5 =	vld.idx.msk [tilespmem:v3+s9+$0x0], $0xffff;
	v2 =	vor.u32 v0, v2  }
0x114: {  	v3 =	vor.u32 $0xC, v2;
	_ =	sdelay $0x2  }
0x115: {  	s15 =	simm.s32 $0x20;
	s16 =	simm.s32 $0x4650  }
0x116: {  	s17 =	simm.s32 $0x30;
	v4 =	vmov s15;
	[tilespmem:s16+$0x0] =	vst v5  }
.LBB2_27:
0x117: {  	p0 =	sne.s32 s17, $0x180;
	v4 =	vshll.u32 v4, $0x5;
	v5 =	vld.idx.msk [tilespmem:v3+s9+$0x0], $0xffff  }
0x118: {  	v3 =	vor.u32 v0, v4  }
.Ltmp12:
0x119: {  	v3 =	vor.u32 $0xC, v3;
	(pc) =	sbr.rel @p0 .LBB2_27-.Ltmp12, $3  }
0x11a: {  	_ =	sdelay $0x1  }
0x11b: {  	s16 =	sadd.s32 $0x10, s16  }
0x11c: {  	v4 =	vmov s17;
	s17 =	sadd.s32 $0x10, s17;
	[tilespmem:s16+$0x0] =	vst v5  }
0x11d: {  	_ =	sdelay $0x2  }
0x11e: {  	v4 =	vshll.u32 v4, $0x5  }
0x11f: {  	v3 =	vld.idx.msk [tilespmem:v3+s9+$0x0], $0xffff;
	v4 =	vor.u32 v0, v4  }
0x120: {  	v4 =	vor.u32 $0xC, v4;
	_ =	sdelay $0x2  }
0x121: {  	s16 =	sadd.s32 $0x10, s16  }
0x122: {  	[tilespmem:s16+$0x0] =	vst v3  }
0x123: {  	v3 =	vld.idx.msk [tilespmem:v4+s9+$0x0], $0xffff  }
0x124: {  	v1 =	vor.u32 $0xD, v1;
	_ =	sdelay $0x2  }
0x125: {  	s16 =	sadd.s32 $0x10, s16  }
0x126: {  	[tilespmem:s16+$0x0] =	vst v3  }
0x127: {  	v3 =	vld.idx.msk [tilespmem:v1+s9+$0x0], $0xffff  }
0x128: {  	v1 =	vor.u32 $0xD, v2;
	_ =	sdelay $0x2  }
0x129: {  	s16 =	simm.s32 $0x47E0  }
0x12a: {  	v2 =	vmov s15;
	s15 =	simm.s32 $0x30;
	[tilespmem:s16+$0x0] =	vst v3  }
.LBB2_29:
0x12b: {  	p0 =	sne.s32 s15, $0x180;
	v2 =	vshll.u32 v2, $0x5;
	v3 =	vld.idx.msk [tilespmem:v1+s9+$0x0], $0xffff  }
0x12c: {  	v1 =	vor.u32 v0, v2  }
.Ltmp13:
0x12d: {  	v1 =	vor.u32 $0xD, v1;
	(pc) =	sbr.rel @p0 .LBB2_29-.Ltmp13, $3  }
0x12e: {  	_ =	sdelay $0x1  }
0x12f: {  	s16 =	sadd.s32 $0x10, s16  }
0x130: {  	v2 =	vmov s15;
	s15 =	sadd.s32 $0x10, s15;
	[tilespmem:s16+$0x0] =	vst v3  }
0x131: {  	_ =	sdelay $0x2  }
0x132: {  	v2 =	vshll.u32 v2, $0x5  }
0x133: {  	v1 =	vld.idx.msk [tilespmem:v1+s9+$0x0], $0xffff;
	v2 =	vor.u32 v0, v2  }
0x134: {  	v2 =	vor.u32 $0xD, v2;
	_ =	sdelay $0x2  }
0x135: {  	s15 =	simm.s32 $0x0;
	s16 =	sadd.s32 $0x10, s16  }
0x136: {  	v3 =	vmov s15;
	[tilespmem:s16+$0x0] =	vst v1  }
0x137: {  	v1 =	vshll.u32 v3, $0x5;
	v2 =	vld.idx.msk [tilespmem:v2+s9+$0x0], $0xffff  }
0x138: {  	v1 =	vor.u32 v0, v1  }
0x139: {  	v3 =	vor.u32 $0xE, v1;
	_ =	sdelay $0x1  }
0x13a: {  	s31 =	simm.s32 $0x10;
	s30 =	sadd.s32 $0x10, s16  }
0x13b: {  	[tilespmem:s30+$0x0] =	vst v2;
	v2 =	vmov s31  }
0x13c: {  	v2 =	vshll.u32 v2, $0x5  }
0x13d: {  	v5 =	vld.idx.msk [tilespmem:v3+s9+$0x0], $0xffff;
	v2 =	vor.u32 v0, v2  }
0x13e: {  	v3 =	vor.u32 $0xE, v2;
	_ =	sdelay $0x2  }
0x13f: {  	s15 =	simm.s32 $0x20;
	s16 =	simm.s32 $0x4970  }
0x140: {  	s17 =	simm.s32 $0x30;
	v4 =	vmov s15;
	[tilespmem:s16+$0x0] =	vst v5  }
.LBB2_31:
0x141: {  	p0 =	sne.s32 s17, $0x180;
	v4 =	vshll.u32 v4, $0x5;
	v5 =	vld.idx.msk [tilespmem:v3+s9+$0x0], $0xffff  }
0x142: {  	v3 =	vor.u32 v0, v4  }
.Ltmp14:
0x143: {  	v3 =	vor.u32 $0xE, v3;
	(pc) =	sbr.rel @p0 .LBB2_31-.Ltmp14, $3  }
0x144: {  	_ =	sdelay $0x1  }
0x145: {  	s16 =	sadd.s32 $0x10, s16  }
0x146: {  	v4 =	vmov s17;
	s17 =	sadd.s32 $0x10, s17;
	[tilespmem:s16+$0x0] =	vst v5  }
0x147: {  	_ =	sdelay $0x2  }
0x148: {  	v4 =	vshll.u32 v4, $0x5  }
0x149: {  	v3 =	vld.idx.msk [tilespmem:v3+s9+$0x0], $0xffff;
	v4 =	vor.u32 v0, v4  }
0x14a: {  	v4 =	vor.u32 $0xE, v4;
	_ =	sdelay $0x2  }
0x14b: {  	s16 =	sadd.s32 $0x10, s16  }
0x14c: {  	[tilespmem:s16+$0x0] =	vst v3  }
0x14d: {  	v3 =	vld.idx.msk [tilespmem:v4+s9+$0x0], $0xffff  }
0x14e: {  	v1 =	vor.u32 $0xF, v1;
	_ =	sdelay $0x2  }
0x14f: {  	s16 =	sadd.s32 $0x10, s16  }
0x150: {  	[tilespmem:s16+$0x0] =	vst v3  }
0x151: {  	v3 =	vld.idx.msk [tilespmem:v1+s9+$0x0], $0xffff  }
0x152: {  	v1 =	vor.u32 $0xF, v2;
	_ =	sdelay $0x2  }
0x153: {  	s16 =	simm.s32 $0x4B00  }
0x154: {  	v2 =	vmov s15;
	s15 =	simm.s32 $0x30;
	[tilespmem:s16+$0x0] =	vst v3  }
.LBB2_33:
0x155: {  	p0 =	sne.s32 s15, $0x180;
	v2 =	vshll.u32 v2, $0x5;
	v3 =	vld.idx.msk [tilespmem:v1+s9+$0x0], $0xffff  }
0x156: {  	v1 =	vor.u32 v0, v2  }
.Ltmp15:
0x157: {  	v1 =	vor.u32 $0xF, v1;
	(pc) =	sbr.rel @p0 .LBB2_33-.Ltmp15, $3  }
0x158: {  	_ =	sdelay $0x1  }
0x159: {  	s16 =	sadd.s32 $0x10, s16  }
0x15a: {  	v2 =	vmov s15;
	s15 =	sadd.s32 $0x10, s15;
	[tilespmem:s16+$0x0] =	vst v3  }
0x15b: {  	_ =	sdelay $0x2  }
0x15c: {  	v2 =	vshll.u32 v2, $0x5  }
0x15d: {  	v1 =	vld.idx.msk [tilespmem:v1+s9+$0x0], $0xffff;
	v2 =	vor.u32 v0, v2  }
0x15e: {  	v2 =	vor.u32 $0xF, v2;
	_ =	sdelay $0x2  }
0x15f: {  	s15 =	simm.s32 $0x0;
	s16 =	sadd.s32 $0x10, s16  }
0x160: {  	v3 =	vmov s15;
	[tilespmem:s16+$0x0] =	vst v1  }
0x161: {  	v1 =	vshll.u32 v3, $0x5;
	v2 =	vld.idx.msk [tilespmem:v2+s9+$0x0], $0xffff  }
0x162: {  	v1 =	vor.u32 v0, v1  }
0x163: {  	v3 =	vor.u32 $0x10, v1;
	_ =	sdelay $0x1  }
0x164: {  	s31 =	simm.s32 $0x10;
	s30 =	sadd.s32 $0x10, s16  }
0x165: {  	[tilespmem:s30+$0x0] =	vst v2;
	v2 =	vmov s31  }
0x166: {  	v2 =	vshll.u32 v2, $0x5  }
0x167: {  	v5 =	vld.idx.msk [tilespmem:v3+s9+$0x0], $0xffff;
	v2 =	vor.u32 v0, v2  }
0x168: {  	v3 =	vor.u32 $0x10, v2;
	_ =	sdelay $0x2  }
0x169: {  	s15 =	simm.s32 $0x20;
	s16 =	simm.s32 $0x4C90  }
0x16a: {  	s17 =	simm.s32 $0x30;
	v4 =	vmov s15;
	[tilespmem:s16+$0x0] =	vst v5  }
.LBB2_35:
0x16b: {  	p0 =	sne.s32 s17, $0x180;
	v4 =	vshll.u32 v4, $0x5;
	v5 =	vld.idx.msk [tilespmem:v3+s9+$0x0], $0xffff  }
0x16c: {  	v3 =	vor.u32 v0, v4  }
.Ltmp16:
0x16d: {  	v3 =	vor.u32 $0x10, v3;
	(pc) =	sbr.rel @p0 .LBB2_35-.Ltmp16, $3  }
0x16e: {  	_ =	sdelay $0x1  }
0x16f: {  	s16 =	sadd.s32 $0x10, s16  }
0x170: {  	v4 =	vmov s17;
	s17 =	sadd.s32 $0x10, s17;
	[tilespmem:s16+$0x0] =	vst v5  }
0x171: {  	_ =	sdelay $0x2  }
0x172: {  	v4 =	vshll.u32 v4, $0x5  }
0x173: {  	v3 =	vld.idx.msk [tilespmem:v3+s9+$0x0], $0xffff;
	v4 =	vor.u32 v0, v4  }
0x174: {  	v4 =	vor.u32 $0x10, v4;
	_ =	sdelay $0x2  }
0x175: {  	s16 =	sadd.s32 $0x10, s16  }
0x176: {  	[tilespmem:s16+$0x0] =	vst v3  }
0x177: {  	v3 =	vld.idx.msk [tilespmem:v4+s9+$0x0], $0xffff  }
0x178: {  	v1 =	vor.u32 $0x11, v1;
	_ =	sdelay $0x2  }
0x179: {  	s16 =	sadd.s32 $0x10, s16  }
0x17a: {  	[tilespmem:s16+$0x0] =	vst v3  }
0x17b: {  	v3 =	vld.idx.msk [tilespmem:v1+s9+$0x0], $0xffff  }
0x17c: {  	v1 =	vor.u32 $0x11, v2;
	_ =	sdelay $0x2  }
0x17d: {  	s16 =	simm.s32 $0x4E20  }
0x17e: {  	v2 =	vmov s15;
	s15 =	simm.s32 $0x30;
	[tilespmem:s16+$0x0] =	vst v3  }
.LBB2_37:
0x17f: {  	p0 =	sne.s32 s15, $0x180;
	v2 =	vshll.u32 v2, $0x5;
	v3 =	vld.idx.msk [tilespmem:v1+s9+$0x0], $0xffff  }
0x180: {  	v1 =	vor.u32 v0, v2  }
.Ltmp17:
0x181: {  	v1 =	vor.u32 $0x11, v1;
	(pc) =	sbr.rel @p0 .LBB2_37-.Ltmp17, $3  }
0x182: {  	_ =	sdelay $0x1  }
0x183: {  	s16 =	sadd.s32 $0x10, s16  }
0x184: {  	v2 =	vmov s15;
	s15 =	sadd.s32 $0x10, s15;
	[tilespmem:s16+$0x0] =	vst v3  }
0x185: {  	_ =	sdelay $0x2  }
0x186: {  	v2 =	vshll.u32 v2, $0x5  }
0x187: {  	v1 =	vld.idx.msk [tilespmem:v1+s9+$0x0], $0xffff;
	v2 =	vor.u32 v0, v2  }
0x188: {  	v2 =	vor.u32 $0x11, v2;
	_ =	sdelay $0x2  }
0x189: {  	s15 =	simm.s32 $0x0;
	s16 =	sadd.s32 $0x10, s16  }
0x18a: {  	v3 =	vmov s15;
	[tilespmem:s16+$0x0] =	vst v1  }
0x18b: {  	v1 =	vshll.u32 v3, $0x5;
	v2 =	vld.idx.msk [tilespmem:v2+s9+$0x0], $0xffff  }
0x18c: {  	v1 =	vor.u32 v0, v1  }
0x18d: {  	v3 =	vor.u32 $0x12, v1;
	_ =	sdelay $0x1  }
0x18e: {  	s31 =	simm.s32 $0x10;
	s30 =	sadd.s32 $0x10, s16  }
0x18f: {  	[tilespmem:s30+$0x0] =	vst v2;
	v2 =	vmov s31  }
0x190: {  	v2 =	vshll.u32 v2, $0x5  }
0x191: {  	v5 =	vld.idx.msk [tilespmem:v3+s9+$0x0], $0xffff;
	v2 =	vor.u32 v0, v2  }
0x192: {  	v3 =	vor.u32 $0x12, v2;
	_ =	sdelay $0x2  }
0x193: {  	s15 =	simm.s32 $0x20;
	s16 =	simm.s32 $0x4FB0  }
0x194: {  	s17 =	simm.s32 $0x30;
	v4 =	vmov s15;
	[tilespmem:s16+$0x0] =	vst v5  }
.LBB2_39:
0x195: {  	p0 =	sne.s32 s17, $0x180;
	v4 =	vshll.u32 v4, $0x5;
	v5 =	vld.idx.msk [tilespmem:v3+s9+$0x0], $0xffff  }
0x196: {  	v3 =	vor.u32 v0, v4  }
.Ltmp18:
0x197: {  	v3 =	vor.u32 $0x12, v3;
	(pc) =	sbr.rel @p0 .LBB2_39-.Ltmp18, $3  }
0x198: {  	_ =	sdelay $0x1  }
0x199: {  	s16 =	sadd.s32 $0x10, s16  }
0x19a: {  	v4 =	vmov s17;
	s17 =	sadd.s32 $0x10, s17;
	[tilespmem:s16+$0x0] =	vst v5  }
0x19b: {  	_ =	sdelay $0x2  }
0x19c: {  	v4 =	vshll.u32 v4, $0x5  }
0x19d: {  	v3 =	vld.idx.msk [tilespmem:v3+s9+$0x0], $0xffff;
	v4 =	vor.u32 v0, v4  }
0x19e: {  	v4 =	vor.u32 $0x12, v4;
	_ =	sdelay $0x2  }
0x19f: {  	s16 =	sadd.s32 $0x10, s16  }
0x1a0: {  	[tilespmem:s16+$0x0] =	vst v3  }
0x1a1: {  	v3 =	vld.idx.msk [tilespmem:v4+s9+$0x0], $0xffff  }
0x1a2: {  	v1 =	vor.u32 $0x13, v1;
	_ =	sdelay $0x2  }
0x1a3: {  	s16 =	sadd.s32 $0x10, s16  }
0x1a4: {  	[tilespmem:s16+$0x0] =	vst v3  }
0x1a5: {  	v3 =	vld.idx.msk [tilespmem:v1+s9+$0x0], $0xffff  }
0x1a6: {  	v1 =	vor.u32 $0x13, v2;
	_ =	sdelay $0x2  }
0x1a7: {  	s16 =	simm.s32 $0x5140  }
0x1a8: {  	v2 =	vmov s15;
	s15 =	simm.s32 $0x30;
	[tilespmem:s16+$0x0] =	vst v3  }
.LBB2_41:
0x1a9: {  	p0 =	sne.s32 s15, $0x180;
	v2 =	vshll.u32 v2, $0x5;
	v3 =	vld.idx.msk [tilespmem:v1+s9+$0x0], $0xffff  }
0x1aa: {  	v1 =	vor.u32 v0, v2  }
.Ltmp19:
0x1ab: {  	v1 =	vor.u32 $0x13, v1;
	(pc) =	sbr.rel @p0 .LBB2_41-.Ltmp19, $3  }
0x1ac: {  	_ =	sdelay $0x1  }
0x1ad: {  	s16 =	sadd.s32 $0x10, s16  }
0x1ae: {  	v2 =	vmov s15;
	s15 =	sadd.s32 $0x10, s15;
	[tilespmem:s16+$0x0] =	vst v3  }
0x1af: {  	_ =	sdelay $0x2  }
0x1b0: {  	v2 =	vshll.u32 v2, $0x5  }
0x1b1: {  	v1 =	vld.idx.msk [tilespmem:v1+s9+$0x0], $0xffff;
	v2 =	vor.u32 v0, v2  }
0x1b2: {  	v2 =	vor.u32 $0x13, v2;
	_ =	sdelay $0x2  }
0x1b3: {  	s15 =	simm.s32 $0x0;
	s16 =	sadd.s32 $0x10, s16  }
0x1b4: {  	v3 =	vmov s15;
	[tilespmem:s16+$0x0] =	vst v1  }
0x1b5: {  	v1 =	vshll.u32 v3, $0x5;
	v2 =	vld.idx.msk [tilespmem:v2+s9+$0x0], $0xffff  }
0x1b6: {  	v1 =	vor.u32 v0, v1  }
0x1b7: {  	v3 =	vor.u32 $0x14, v1;
	_ =	sdelay $0x1  }
0x1b8: {  	s31 =	simm.s32 $0x10;
	s30 =	sadd.s32 $0x10, s16  }
0x1b9: {  	[tilespmem:s30+$0x0] =	vst v2;
	v2 =	vmov s31  }
0x1ba: {  	v2 =	vshll.u32 v2, $0x5  }
0x1bb: {  	v5 =	vld.idx.msk [tilespmem:v3+s9+$0x0], $0xffff;
	v2 =	vor.u32 v0, v2  }
0x1bc: {  	v3 =	vor.u32 $0x14, v2;
	_ =	sdelay $0x2  }
0x1bd: {  	s15 =	simm.s32 $0x20;
	s16 =	simm.s32 $0x52D0  }
0x1be: {  	s17 =	simm.s32 $0x30;
	v4 =	vmov s15;
	[tilespmem:s16+$0x0] =	vst v5  }
.LBB2_43:
0x1bf: {  	p0 =	sne.s32 s17, $0x180;
	v4 =	vshll.u32 v4, $0x5;
	v5 =	vld.idx.msk [tilespmem:v3+s9+$0x0], $0xffff  }
0x1c0: {  	v3 =	vor.u32 v0, v4  }
.Ltmp20:
0x1c1: {  	v3 =	vor.u32 $0x14, v3;
	(pc) =	sbr.rel @p0 .LBB2_43-.Ltmp20, $3  }
0x1c2: {  	_ =	sdelay $0x1  }
0x1c3: {  	s16 =	sadd.s32 $0x10, s16  }
0x1c4: {  	v4 =	vmov s17;
	s17 =	sadd.s32 $0x10, s17;
	[tilespmem:s16+$0x0] =	vst v5  }
0x1c5: {  	_ =	sdelay $0x2  }
0x1c6: {  	v4 =	vshll.u32 v4, $0x5  }
0x1c7: {  	v3 =	vld.idx.msk [tilespmem:v3+s9+$0x0], $0xffff;
	v4 =	vor.u32 v0, v4  }
0x1c8: {  	v4 =	vor.u32 $0x14, v4;
	_ =	sdelay $0x2  }
0x1c9: {  	s16 =	sadd.s32 $0x10, s16  }
0x1ca: {  	[tilespmem:s16+$0x0] =	vst v3  }
0x1cb: {  	v3 =	vld.idx.msk [tilespmem:v4+s9+$0x0], $0xffff  }
0x1cc: {  	v1 =	vor.u32 $0x15, v1;
	_ =	sdelay $0x2  }
0x1cd: {  	s16 =	sadd.s32 $0x10, s16  }
0x1ce: {  	[tilespmem:s16+$0x0] =	vst v3  }
0x1cf: {  	v3 =	vld.idx.msk [tilespmem:v1+s9+$0x0], $0xffff  }
0x1d0: {  	v1 =	vor.u32 $0x15, v2;
	_ =	sdelay $0x2  }
0x1d1: {  	s16 =	simm.s32 $0x5460  }
0x1d2: {  	v2 =	vmov s15;
	s15 =	simm.s32 $0x30;
	[tilespmem:s16+$0x0] =	vst v3  }
.LBB2_45:
0x1d3: {  	p0 =	sne.s32 s15, $0x180;
	v2 =	vshll.u32 v2, $0x5;
	v3 =	vld.idx.msk [tilespmem:v1+s9+$0x0], $0xffff  }
0x1d4: {  	v1 =	vor.u32 v0, v2  }
.Ltmp21:
0x1d5: {  	v1 =	vor.u32 $0x15, v1;
	(pc) =	sbr.rel @p0 .LBB2_45-.Ltmp21, $3  }
0x1d6: {  	_ =	sdelay $0x1  }
0x1d7: {  	s16 =	sadd.s32 $0x10, s16  }
0x1d8: {  	v2 =	vmov s15;
	s15 =	sadd.s32 $0x10, s15;
	[tilespmem:s16+$0x0] =	vst v3  }
0x1d9: {  	_ =	sdelay $0x2  }
0x1da: {  	v2 =	vshll.u32 v2, $0x5  }
0x1db: {  	v1 =	vld.idx.msk [tilespmem:v1+s9+$0x0], $0xffff;
	v2 =	vor.u32 v0, v2  }
0x1dc: {  	v2 =	vor.u32 $0x15, v2;
	_ =	sdelay $0x2  }
0x1dd: {  	s15 =	simm.s32 $0x0;
	s16 =	sadd.s32 $0x10, s16  }
0x1de: {  	v3 =	vmov s15;
	[tilespmem:s16+$0x0] =	vst v1  }
0x1df: {  	v1 =	vshll.u32 v3, $0x5;
	v2 =	vld.idx.msk [tilespmem:v2+s9+$0x0], $0xffff  }
0x1e0: {  	v1 =	vor.u32 v0, v1  }
0x1e1: {  	v3 =	vor.u32 $0x16, v1;
	_ =	sdelay $0x1  }
0x1e2: {  	s31 =	simm.s32 $0x10;
	s30 =	sadd.s32 $0x10, s16  }
0x1e3: {  	[tilespmem:s30+$0x0] =	vst v2;
	v2 =	vmov s31  }
0x1e4: {  	v2 =	vshll.u32 v2, $0x5  }
0x1e5: {  	v5 =	vld.idx.msk [tilespmem:v3+s9+$0x0], $0xffff;
	v2 =	vor.u32 v0, v2  }
0x1e6: {  	v3 =	vor.u32 $0x16, v2;
	_ =	sdelay $0x2  }
0x1e7: {  	s15 =	simm.s32 $0x20;
	s16 =	simm.s32 $0x55F0  }
0x1e8: {  	s17 =	simm.s32 $0x30;
	v4 =	vmov s15;
	[tilespmem:s16+$0x0] =	vst v5  }
.LBB2_47:
0x1e9: {  	p0 =	sne.s32 s17, $0x180;
	v4 =	vshll.u32 v4, $0x5;
	v5 =	vld.idx.msk [tilespmem:v3+s9+$0x0], $0xffff  }
0x1ea: {  	v3 =	vor.u32 v0, v4  }
.Ltmp22:
0x1eb: {  	v3 =	vor.u32 $0x16, v3;
	(pc) =	sbr.rel @p0 .LBB2_47-.Ltmp22, $3  }
0x1ec: {  	_ =	sdelay $0x1  }
0x1ed: {  	s16 =	sadd.s32 $0x10, s16  }
0x1ee: {  	v4 =	vmov s17;
	s17 =	sadd.s32 $0x10, s17;
	[tilespmem:s16+$0x0] =	vst v5  }
0x1ef: {  	_ =	sdelay $0x2  }
0x1f0: {  	v4 =	vshll.u32 v4, $0x5  }
0x1f1: {  	v3 =	vld.idx.msk [tilespmem:v3+s9+$0x0], $0xffff;
	v4 =	vor.u32 v0, v4  }
0x1f2: {  	v4 =	vor.u32 $0x16, v4;
	_ =	sdelay $0x2  }
0x1f3: {  	s16 =	sadd.s32 $0x10, s16  }
0x1f4: {  	[tilespmem:s16+$0x0] =	vst v3  }
0x1f5: {  	v3 =	vld.idx.msk [tilespmem:v4+s9+$0x0], $0xffff  }
0x1f6: {  	v1 =	vor.u32 $0x17, v1;
	_ =	sdelay $0x2  }
0x1f7: {  	s16 =	sadd.s32 $0x10, s16  }
0x1f8: {  	[tilespmem:s16+$0x0] =	vst v3  }
0x1f9: {  	v3 =	vld.idx.msk [tilespmem:v1+s9+$0x0], $0xffff  }
0x1fa: {  	v1 =	vor.u32 $0x17, v2;
	_ =	sdelay $0x2  }
0x1fb: {  	s16 =	simm.s32 $0x5780  }
0x1fc: {  	v2 =	vmov s15;
	s15 =	simm.s32 $0x30;
	[tilespmem:s16+$0x0] =	vst v3  }
.LBB2_49:
0x1fd: {  	p0 =	sne.s32 s15, $0x180;
	v2 =	vshll.u32 v2, $0x5;
	v3 =	vld.idx.msk [tilespmem:v1+s9+$0x0], $0xffff  }
0x1fe: {  	v1 =	vor.u32 v0, v2  }
.Ltmp23:
0x1ff: {  	v1 =	vor.u32 $0x17, v1;
	(pc) =	sbr.rel @p0 .LBB2_49-.Ltmp23, $3  }
0x200: {  	_ =	sdelay $0x1  }
0x201: {  	s16 =	sadd.s32 $0x10, s16  }
0x202: {  	v2 =	vmov s15;
	s15 =	sadd.s32 $0x10, s15;
	[tilespmem:s16+$0x0] =	vst v3  }
0x203: {  	_ =	sdelay $0x2  }
0x204: {  	v2 =	vshll.u32 v2, $0x5  }
0x205: {  	v1 =	vld.idx.msk [tilespmem:v1+s9+$0x0], $0xffff;
	v2 =	vor.u32 v0, v2  }
0x206: {  	v2 =	vor.u32 $0x17, v2;
	_ =	sdelay $0x2  }
0x207: {  	s15 =	simm.s32 $0x0;
	s16 =	sadd.s32 $0x10, s16  }
0x208: {  	v3 =	vmov s15;
	[tilespmem:s16+$0x0] =	vst v1  }
0x209: {  	v1 =	vshll.u32 v3, $0x5;
	v2 =	vld.idx.msk [tilespmem:v2+s9+$0x0], $0xffff  }
0x20a: {  	v1 =	vor.u32 v0, v1  }
0x20b: {  	v3 =	vor.u32 $0x18, v1;
	_ =	sdelay $0x1  }
0x20c: {  	s31 =	simm.s32 $0x10;
	s30 =	sadd.s32 $0x10, s16  }
0x20d: {  	[tilespmem:s30+$0x0] =	vst v2;
	v2 =	vmov s31  }
0x20e: {  	v2 =	vshll.u32 v2, $0x5  }
0x20f: {  	v5 =	vld.idx.msk [tilespmem:v3+s9+$0x0], $0xffff;
	v2 =	vor.u32 v0, v2  }
0x210: {  	v3 =	vor.u32 $0x18, v2;
	_ =	sdelay $0x2  }
0x211: {  	s15 =	simm.s32 $0x20;
	s16 =	simm.s32 $0x5910  }
0x212: {  	s17 =	simm.s32 $0x30;
	v4 =	vmov s15;
	[tilespmem:s16+$0x0] =	vst v5  }
.LBB2_51:
0x213: {  	p0 =	sne.s32 s17, $0x180;
	v4 =	vshll.u32 v4, $0x5;
	v5 =	vld.idx.msk [tilespmem:v3+s9+$0x0], $0xffff  }
0x214: {  	v3 =	vor.u32 v0, v4  }
.Ltmp24:
0x215: {  	v3 =	vor.u32 $0x18, v3;
	(pc) =	sbr.rel @p0 .LBB2_51-.Ltmp24, $3  }
0x216: {  	_ =	sdelay $0x1  }
0x217: {  	s16 =	sadd.s32 $0x10, s16  }
0x218: {  	v4 =	vmov s17;
	s17 =	sadd.s32 $0x10, s17;
	[tilespmem:s16+$0x0] =	vst v5  }
0x219: {  	_ =	sdelay $0x2  }
0x21a: {  	v4 =	vshll.u32 v4, $0x5  }
0x21b: {  	v3 =	vld.idx.msk [tilespmem:v3+s9+$0x0], $0xffff;
	v4 =	vor.u32 v0, v4  }
0x21c: {  	v4 =	vor.u32 $0x18, v4;
	_ =	sdelay $0x2  }
0x21d: {  	s16 =	sadd.s32 $0x10, s16  }
0x21e: {  	[tilespmem:s16+$0x0] =	vst v3  }
0x21f: {  	v3 =	vld.idx.msk [tilespmem:v4+s9+$0x0], $0xffff  }
0x220: {  	v1 =	vor.u32 $0x19, v1;
	_ =	sdelay $0x2  }
0x221: {  	s16 =	sadd.s32 $0x10, s16  }
0x222: {  	[tilespmem:s16+$0x0] =	vst v3  }
0x223: {  	v3 =	vld.idx.msk [tilespmem:v1+s9+$0x0], $0xffff  }
0x224: {  	v1 =	vor.u32 $0x19, v2;
	_ =	sdelay $0x2  }
0x225: {  	s16 =	simm.s32 $0x5AA0  }
0x226: {  	v2 =	vmov s15;
	s15 =	simm.s32 $0x30;
	[tilespmem:s16+$0x0] =	vst v3  }
.LBB2_53:
0x227: {  	p0 =	sne.s32 s15, $0x180;
	v2 =	vshll.u32 v2, $0x5;
	v3 =	vld.idx.msk [tilespmem:v1+s9+$0x0], $0xffff  }
0x228: {  	v1 =	vor.u32 v0, v2  }
.Ltmp25:
0x229: {  	v1 =	vor.u32 $0x19, v1;
	(pc) =	sbr.rel @p0 .LBB2_53-.Ltmp25, $3  }
0x22a: {  	_ =	sdelay $0x1  }
0x22b: {  	s16 =	sadd.s32 $0x10, s16  }
0x22c: {  	v2 =	vmov s15;
	s15 =	sadd.s32 $0x10, s15;
	[tilespmem:s16+$0x0] =	vst v3  }
0x22d: {  	_ =	sdelay $0x2  }
0x22e: {  	v2 =	vshll.u32 v2, $0x5  }
0x22f: {  	v1 =	vld.idx.msk [tilespmem:v1+s9+$0x0], $0xffff;
	v2 =	vor.u32 v0, v2  }
0x230: {  	v2 =	vor.u32 $0x19, v2;
	_ =	sdelay $0x2  }
0x231: {  	s15 =	simm.s32 $0x0;
	s16 =	sadd.s32 $0x10, s16  }
0x232: {  	v3 =	vmov s15;
	[tilespmem:s16+$0x0] =	vst v1  }
0x233: {  	v1 =	vshll.u32 v3, $0x5;
	v2 =	vld.idx.msk [tilespmem:v2+s9+$0x0], $0xffff  }
0x234: {  	v1 =	vor.u32 v0, v1  }
0x235: {  	v3 =	vor.u32 $0x1A, v1;
	_ =	sdelay $0x1  }
0x236: {  	s31 =	simm.s32 $0x10;
	s30 =	sadd.s32 $0x10, s16  }
0x237: {  	[tilespmem:s30+$0x0] =	vst v2;
	v2 =	vmov s31  }
0x238: {  	v2 =	vshll.u32 v2, $0x5  }
0x239: {  	v5 =	vld.idx.msk [tilespmem:v3+s9+$0x0], $0xffff;
	v2 =	vor.u32 v0, v2  }
0x23a: {  	v3 =	vor.u32 $0x1A, v2;
	_ =	sdelay $0x2  }
0x23b: {  	s15 =	simm.s32 $0x20;
	s16 =	simm.s32 $0x5C30  }
0x23c: {  	s17 =	simm.s32 $0x30;
	v4 =	vmov s15;
	[tilespmem:s16+$0x0] =	vst v5  }
.LBB2_55:
0x23d: {  	p0 =	sne.s32 s17, $0x180;
	v4 =	vshll.u32 v4, $0x5;
	v5 =	vld.idx.msk [tilespmem:v3+s9+$0x0], $0xffff  }
0x23e: {  	v3 =	vor.u32 v0, v4  }
.Ltmp26:
0x23f: {  	v3 =	vor.u32 $0x1A, v3;
	(pc) =	sbr.rel @p0 .LBB2_55-.Ltmp26, $3  }
0x240: {  	_ =	sdelay $0x1  }
0x241: {  	s16 =	sadd.s32 $0x10, s16  }
0x242: {  	v4 =	vmov s17;
	s17 =	sadd.s32 $0x10, s17;
	[tilespmem:s16+$0x0] =	vst v5  }
0x243: {  	_ =	sdelay $0x2  }
0x244: {  	v4 =	vshll.u32 v4, $0x5  }
0x245: {  	v3 =	vld.idx.msk [tilespmem:v3+s9+$0x0], $0xffff;
	v4 =	vor.u32 v0, v4  }
0x246: {  	v4 =	vor.u32 $0x1A, v4;
	_ =	sdelay $0x2  }
0x247: {  	s16 =	sadd.s32 $0x10, s16  }
0x248: {  	[tilespmem:s16+$0x0] =	vst v3  }
0x249: {  	v3 =	vld.idx.msk [tilespmem:v4+s9+$0x0], $0xffff  }
0x24a: {  	v1 =	vor.u32 $0x1B, v1;
	_ =	sdelay $0x2  }
0x24b: {  	s16 =	sadd.s32 $0x10, s16  }
0x24c: {  	[tilespmem:s16+$0x0] =	vst v3  }
0x24d: {  	v3 =	vld.idx.msk [tilespmem:v1+s9+$0x0], $0xffff  }
0x24e: {  	v1 =	vor.u32 $0x1B, v2;
	_ =	sdelay $0x2  }
0x24f: {  	s16 =	simm.s32 $0x5DC0  }
0x250: {  	v2 =	vmov s15;
	s15 =	simm.s32 $0x30;
	[tilespmem:s16+$0x0] =	vst v3  }
.LBB2_57:
0x251: {  	p0 =	sne.s32 s15, $0x180;
	v2 =	vshll.u32 v2, $0x5;
	v3 =	vld.idx.msk [tilespmem:v1+s9+$0x0], $0xffff  }
0x252: {  	v1 =	vor.u32 v0, v2  }
.Ltmp27:
0x253: {  	v1 =	vor.u32 $0x1B, v1;
	(pc) =	sbr.rel @p0 .LBB2_57-.Ltmp27, $3  }
0x254: {  	_ =	sdelay $0x1  }
0x255: {  	s16 =	sadd.s32 $0x10, s16  }
0x256: {  	v2 =	vmov s15;
	s15 =	sadd.s32 $0x10, s15;
	[tilespmem:s16+$0x0] =	vst v3  }
0x257: {  	_ =	sdelay $0x2  }
0x258: {  	v2 =	vshll.u32 v2, $0x5  }
0x259: {  	v1 =	vld.idx.msk [tilespmem:v1+s9+$0x0], $0xffff;
	v2 =	vor.u32 v0, v2  }
0x25a: {  	v2 =	vor.u32 $0x1B, v2;
	_ =	sdelay $0x2  }
0x25b: {  	s15 =	simm.s32 $0x0;
	s16 =	sadd.s32 $0x10, s16  }
0x25c: {  	v3 =	vmov s15;
	[tilespmem:s16+$0x0] =	vst v1  }
0x25d: {  	v1 =	vshll.u32 v3, $0x5;
	v2 =	vld.idx.msk [tilespmem:v2+s9+$0x0], $0xffff  }
0x25e: {  	v1 =	vor.u32 v0, v1  }
0x25f: {  	v3 =	vor.u32 $0x1C, v1;
	_ =	sdelay $0x1  }
0x260: {  	s31 =	simm.s32 $0x10;
	s30 =	sadd.s32 $0x10, s16  }
0x261: {  	[tilespmem:s30+$0x0] =	vst v2;
	v2 =	vmov s31  }
0x262: {  	v2 =	vshll.u32 v2, $0x5  }
0x263: {  	v5 =	vld.idx.msk [tilespmem:v3+s9+$0x0], $0xffff;
	v2 =	vor.u32 v0, v2  }
0x264: {  	v3 =	vor.u32 $0x1C, v2;
	_ =	sdelay $0x2  }
0x265: {  	s15 =	simm.s32 $0x20;
	s16 =	simm.s32 $0x5F50  }
0x266: {  	s17 =	simm.s32 $0x30;
	v4 =	vmov s15;
	[tilespmem:s16+$0x0] =	vst v5  }
.LBB2_59:
0x267: {  	p0 =	sne.s32 s17, $0x180;
	v4 =	vshll.u32 v4, $0x5;
	v5 =	vld.idx.msk [tilespmem:v3+s9+$0x0], $0xffff  }
0x268: {  	v3 =	vor.u32 v0, v4  }
.Ltmp28:
0x269: {  	v3 =	vor.u32 $0x1C, v3;
	(pc) =	sbr.rel @p0 .LBB2_59-.Ltmp28, $3  }
0x26a: {  	_ =	sdelay $0x1  }
0x26b: {  	s16 =	sadd.s32 $0x10, s16  }
0x26c: {  	v4 =	vmov s17;
	s17 =	sadd.s32 $0x10, s17;
	[tilespmem:s16+$0x0] =	vst v5  }
0x26d: {  	_ =	sdelay $0x2  }
0x26e: {  	v4 =	vshll.u32 v4, $0x5  }
0x26f: {  	v3 =	vld.idx.msk [tilespmem:v3+s9+$0x0], $0xffff;
	v4 =	vor.u32 v0, v4  }
0x270: {  	v4 =	vor.u32 $0x1C, v4;
	_ =	sdelay $0x2  }
0x271: {  	s16 =	sadd.s32 $0x10, s16  }
0x272: {  	[tilespmem:s16+$0x0] =	vst v3  }
0x273: {  	v3 =	vld.idx.msk [tilespmem:v4+s9+$0x0], $0xffff  }
0x274: {  	v1 =	vor.u32 $0x1D, v1;
	_ =	sdelay $0x2  }
0x275: {  	s16 =	sadd.s32 $0x10, s16  }
0x276: {  	[tilespmem:s16+$0x0] =	vst v3  }
0x277: {  	v3 =	vld.idx.msk [tilespmem:v1+s9+$0x0], $0xffff  }
0x278: {  	v1 =	vor.u32 $0x1D, v2;
	_ =	sdelay $0x2  }
0x279: {  	s16 =	simm.s32 $0x60E0  }
0x27a: {  	v2 =	vmov s15;
	s15 =	simm.s32 $0x30;
	[tilespmem:s16+$0x0] =	vst v3  }
.LBB2_61:
0x27b: {  	p0 =	sne.s32 s15, $0x180;
	v2 =	vshll.u32 v2, $0x5;
	v3 =	vld.idx.msk [tilespmem:v1+s9+$0x0], $0xffff  }
0x27c: {  	v1 =	vor.u32 v0, v2  }
.Ltmp29:
0x27d: {  	v1 =	vor.u32 $0x1D, v1;
	(pc) =	sbr.rel @p0 .LBB2_61-.Ltmp29, $3  }
0x27e: {  	_ =	sdelay $0x1  }
0x27f: {  	s16 =	sadd.s32 $0x10, s16  }
0x280: {  	v2 =	vmov s15;
	s15 =	sadd.s32 $0x10, s15;
	[tilespmem:s16+$0x0] =	vst v3  }
0x281: {  	_ =	sdelay $0x2  }
0x282: {  	v2 =	vshll.u32 v2, $0x5  }
0x283: {  	v1 =	vld.idx.msk [tilespmem:v1+s9+$0x0], $0xffff;
	v2 =	vor.u32 v0, v2  }
0x284: {  	v2 =	vor.u32 $0x1D, v2;
	_ =	sdelay $0x2  }
0x285: {  	s15 =	simm.s32 $0x0;
	s16 =	sadd.s32 $0x10, s16  }
0x286: {  	v3 =	vmov s15;
	[tilespmem:s16+$0x0] =	vst v1  }
0x287: {  	v1 =	vshll.u32 v3, $0x5;
	v2 =	vld.idx.msk [tilespmem:v2+s9+$0x0], $0xffff  }
0x288: {  	v1 =	vor.u32 v0, v1  }
0x289: {  	v3 =	vor.u32 $0x1E, v1;
	_ =	sdelay $0x1  }
0x28a: {  	s31 =	simm.s32 $0x10;
	s30 =	sadd.s32 $0x10, s16  }
0x28b: {  	[tilespmem:s30+$0x0] =	vst v2;
	v2 =	vmov s31  }
0x28c: {  	v2 =	vshll.u32 v2, $0x5  }
0x28d: {  	v5 =	vld.idx.msk [tilespmem:v3+s9+$0x0], $0xffff;
	v2 =	vor.u32 v0, v2  }
0x28e: {  	v3 =	vor.u32 $0x1E, v2;
	_ =	sdelay $0x2  }
0x28f: {  	s15 =	simm.s32 $0x20;
	s16 =	simm.s32 $0x6270  }
0x290: {  	s17 =	simm.s32 $0x30;
	v4 =	vmov s15;
	[tilespmem:s16+$0x0] =	vst v5  }
.LBB2_63:
0x291: {  	p0 =	sne.s32 s17, $0x180;
	v4 =	vshll.u32 v4, $0x5;
	v5 =	vld.idx.msk [tilespmem:v3+s9+$0x0], $0xffff  }
0x292: {  	v3 =	vor.u32 v0, v4  }
.Ltmp30:
0x293: {  	v3 =	vor.u32 $0x1E, v3;
	(pc) =	sbr.rel @p0 .LBB2_63-.Ltmp30, $3  }
0x294: {  	_ =	sdelay $0x1  }
0x295: {  	s16 =	sadd.s32 $0x10, s16  }
0x296: {  	v4 =	vmov s17;
	s17 =	sadd.s32 $0x10, s17;
	[tilespmem:s16+$0x0] =	vst v5  }
0x297: {  	_ =	sdelay $0x2  }
0x298: {  	v4 =	vshll.u32 v4, $0x5  }
0x299: {  	v3 =	vld.idx.msk [tilespmem:v3+s9+$0x0], $0xffff;
	v4 =	vor.u32 v0, v4  }
0x29a: {  	v4 =	vor.u32 $0x1E, v4;
	_ =	sdelay $0x2  }
0x29b: {  	s16 =	sadd.s32 $0x10, s16  }
0x29c: {  	[tilespmem:s16+$0x0] =	vst v3  }
0x29d: {  	v3 =	vld.idx.msk [tilespmem:v4+s9+$0x0], $0xffff  }
0x29e: {  	v1 =	vor.u32 $0x1F, v1;
	_ =	sdelay $0x2  }
0x29f: {  	s16 =	sadd.s32 $0x10, s16  }
0x2a0: {  	[tilespmem:s16+$0x0] =	vst v3  }
0x2a1: {  	v3 =	vld.idx.msk [tilespmem:v1+s9+$0x0], $0xffff  }
0x2a2: {  	v1 =	vor.u32 $0x1F, v2;
	_ =	sdelay $0x2  }
0x2a3: {  	s16 =	simm.s32 $0x6400  }
0x2a4: {  	v2 =	vmov s15;
	s15 =	simm.s32 $0x30;
	[tilespmem:s16+$0x0] =	vst v3  }
.LBB2_65:
0x2a5: {  	p0 =	sne.s32 s15, $0x180;
	v2 =	vshll.u32 v2, $0x5;
	v3 =	vld.idx.msk [tilespmem:v1+s9+$0x0], $0xffff  }
0x2a6: {  	v1 =	vor.u32 v0, v2  }
.Ltmp31:
0x2a7: {  	v1 =	vor.u32 $0x1F, v1;
	(pc) =	sbr.rel @p0 .LBB2_65-.Ltmp31, $3  }
0x2a8: {  	_ =	sdelay $0x1  }
0x2a9: {  	s16 =	sadd.s32 $0x10, s16  }
0x2aa: {  	v2 =	vmov s15;
	s15 =	sadd.s32 $0x10, s15;
	[tilespmem:s16+$0x0] =	vst v3  }
0x2ab: {  	_ =	sdelay $0x2  }
0x2ac: {  	v2 =	vshll.u32 v2, $0x5  }
0x2ad: {  	v1 =	vld.idx.msk [tilespmem:v1+s9+$0x0], $0xffff;
	v2 =	vor.u32 v0, v2  }
0x2ae: {  	v2 =	vor.u32 $0x1F, v2;
	_ =	sdelay $0x2  }
0x2af: {  	s15 =	sadd.s32 $0x10, s16  }
0x2b0: {  	[tilespmem:s15+$0x0] =	vst v1  }
0x2b1: {  	v1 =	vld.idx.msk [tilespmem:v2+s9+$0x0], $0xffff;
	_ =	sdelay $0x2  }
0x2b2: {  	s13 =	sadd.s32 $0x1, s13  }
0x2b3: {  	p0 =	sne.s32 s13, $0x7D;
	s15 =	sadd.s32 $0x10, s15  }
.Ltmp32:
0x2b4: {  	s14 =	sadd.s32 s5, s14;
	[tilespmem:s15+$0x0] =	vst v1;
	(pc) =	sbr.rel @p0 .LBB2_2-.Ltmp32, $4  }
0x2b5: {  	[hbm4b:s14+s9] =	stream.strided.scatter [tilespmem:s12], [sflag:$0x2], $0x3200, s11, s9, $0x38;
	[tilespmem:$0x6590] =	vst v63  }
0x2b6: {  	_ =	swait.ge [sflag:s8], $0x3200  }
0x2b7: {  	[sflag:s8] =	ssyncset.done $0x0  }
0x2b8: {  	[sflag:s8] =	ssyncadd.s32 $0xFFFFCE00  }
0x2b9: {  	s2 =	sadd.s32 $0x1, s2  }
0x2ba: {  	p0 =	sne.s32 s2, s7  }
.Ltmp33:
0x2bb: {  	_ = 	snop;
	(pc) =	sbr.rel @p0 .LBB2_1-.Ltmp33, $1  }
0x2bc: {  	_ =	sdelay $0x3  }
0x2bd: {  	_ =	sfence.sel $0x180000  }
0x2be: {  	[bflag:$0x0] =	sbarrier.arrive $0xFFFF  }
0x2bf: {  	p0 =	sne.s32 s1, $0x0;
	_ =	strace $0x9000004A  }
0x2c0: {  	s0 =	sadd.s32 @!p0 $0x100000, s0;
	[bflag:$0x2] =	sbarrier.arrive $0xFFFF  }
0x2c1: {  	[sflag:s0] =	ssyncadd.tile.s32 @!p0 $0x1;
	_ =	shalt  }
.Lfunc_end2:
_tile_overlayer_lowered:
.L_overlay_start_2:
0x2c2: {  	(tag) =	ssettag $0x2  }
0x2c3: {  	s0 =	rddreg [dreg:$0x0];
	s2 =	stileid.u32  }
0x2c4: {  	s1 =	rddreg [dreg:$0x1];
	p0 =	sne.s32 s2, $0x0  }
0x2c5: {  	s3 =	rddreg [dreg:$0x2];
	[bflag:$0x3] =	sbarrier.arrive $0xFFFF;
	s2 =	simm.s32 @!p0 $0x1C02  }
0x2c6: {  	[timem:s3], [sflag:s2] =	dma.local @!p0 [hbm:s0], s1  }
0x2c7: {  	s0 =	simm.s32 @!p0 $0x2  }
0x2c8: {  	_ =	swait.ge @!p0 [sflag:s0], s1  }
0x2c9: {  	s1 =	ssub.s32 @!p0 $0x0, s1;
	[sflag:s0] =	ssyncset.done @!p0 $0x0  }
0x2ca: {  	[sflag:s0] =	ssyncadd.s32 @!p0 s1  }
0x2cb: {  	[bflag:$0x3] =	sbarrier.arrive $0xFFFF  }
0x2cc: {  	_ =	shalt  }

// kernel: kernel.19.cloned.1.call-start
scs
__scs_entry_jumppad:
0x0: {  	(pc) =	sbr.rel $0x88, $3  }
0x1: {  	(tag) =	ssettag $0x0;
	lr =	simm.s32 $0x1  }
0x2: {  	[smem:$0x3F93] =	sst lr;
	_ =	strace $0xD0000000  }
0x3: {  	_ = 	snop  }
0x4: {  	_ = 	snop  }
0x5: {  	_ = 	snop  }
0x6: {  	_ = 	snop  }
0x7: {  	_ = 	snop  }
__scs_overlays_trampoline_lowered:
0x8: {  	[smem:$0x3FA2] =	sst s0  }
0x9: {  	[smem:$0x3FA3] =	sst s1  }
0xa: {  	[smem:$0x3FA4] =	sst s2  }
0xb: {  	[smem:$0x3FA5] =	sst s3  }
0xc: {  	[smem:$0x3FA6] =	sst s4  }
0xd: {  	[smem:$0x3FA7] =	sst s5  }
0xe: {  	[smem:$0x3FA8] =	sst s6  }
0xf: {  	[smem:$0x3FA9] =	sst s7  }
0x10: {  	[smem:$0x3FAA] =	sst s8  }
0x11: {  	[smem:$0x3FAB] =	sst s9;
	s0 =	simm.s32 @!p0 $0x0  }
0x12: {  	s1 =	sld [smem:$0x3F91];
	s0 =	simm.s32 @p0 $0x1  }
0x13: {  	[smem:$0x3FAC] =	sst s0;
	s0 =	simm.s32 @!p1 $0x0  }
0x14: {  	s2 =	sld [smem:$0x3F90];
	s0 =	simm.s32 @p1 $0x1  }
0x15: {  	[smem:$0x3FAD] =	sst s0;
	s0 =	simm.s32 @!p2 $0x0  }
0x16: {  	s3 =	sld [smem:$0x3FDB];
	s0 =	simm.s32 @p2 $0x1  }
0x17: {  	s4 =	simm.s32 $0x1BF5;
	[smem:$0x3FAF] =	sst s0  }
0x18: {  	s0 =	sld [smem:$0x3F92];
	_ =	swait.ge [sflag:s4], $0x0  }
0x19: {  	s7 =	sld [smem:$0x3F93]  }
0x1a: {  	s8 =	sadd.s32 $0xFFFFE003, lr  }
0x1b: {  	s9 =	sadd.s32 $0xFFFFFEF7, lr;
	s5 =	simm.s32 $0xFFFFFFFF;
	p2 =	slt.u32 s8, $0xFFFFF086  }
0x1c: {  	p1 =	slt.u32 s9, $0xF7A;
	s5 =	simm.s32 @!p2 $0x0  }
0x1d: {  	s5 =	simm.s32 @p1 $0x1;
	p0 =	seq.s32 s7, s2  }
0x1e: {  	s7 =	smul.u32 @!p0 $0xF7A, s2;
	p2 =	seq.s32 @!p0 s5, $0x0  }
0x1f: {  	s9 =	smul.u32 $0xF7A, s1;
	s8 =	simm.s32 @!p0 $0x1BF5;
	p2 =	por !p2, p0  }
0x20: {  	[sflag:s8] =	ssyncset.s32 @!p0 $0xFFFFF086;
	s6 =	sadd.s32 @!p0 s3, s7;
	s7 =	simm.s32 @!p0 $0x108  }
0x21: {  	s3 =	sadd.s32 s3, s9;
	s6 =	sadd.s32 @!p0 $0x88, s6;
	s7 =	simm.s32 @p2 $0x1082  }
0x22: {  	[simem:s7], [sflag:s8] =	dma.local @!p0 [hbm:s6], $0xF7A  }
0x23: {  	s9 =	sor.u32 $0xD0000000, s2;
	s6 =	simm.s32 $0x108;
	_ =	swait.ge @!p0 [sflag:s8], $0x0  }
0x24: {  	s3 =	sadd.s32 $0x88, s3;
	s6 =	simm.s32 @!p1 $0x1082;
	[sflag:s4] =	ssyncset.s32 $0xFFFFF086  }
0x25: {  	[simem:s6], [sflag:s4] =	dma.local [hbm:s3], $0xF7A  }
0x26: {  	[smem:$0x3F93] =	sst s1;
	(tag) =	ssettag s2;
	_ =	strace s9  }
0x27: {  	s1 =	sld [smem:$0x3FA3]  }
0x28: {  	s2 =	sld [smem:$0x3FA4]  }
0x29: {  	s4 =	sld [smem:$0x3FA6]  }
0x2a: {  	p0 =	seq.s32 s5, $0x0;
	s5 =	sld [smem:$0x3FA7]  }
0x2b: {  	s6 =	sld [smem:$0x3FA8]  }
0x2c: {  	s7 =	sld [smem:$0x3FA9]  }
0x2d: {  	s3 =	simm.s32 $0x108;
	s8 =	sld [smem:$0x3FAA]  }
0x2e: {  	s3 =	simm.s32 @!p0 $0x1082;
	s9 =	sld [smem:$0x3FAB]  }
0x2f: {  	lr =	sadd.s32 s0, s3;
	s0 =	sld [smem:$0x3FA2]  }
0x30: {  	s3 =	sld [smem:$0x3FA5]  }
0x31: {  	[smem:$0x3FAE] =	sst s10  }
0x32: {  	s10 =	sld [smem:$0x3FAC];
	_ =	sdelay $0x3  }
0x33: {  	p0 =	seq.s32 s10, $0x1;
	s10 =	sld [smem:$0x3FAE];
	_ =	sdelay $0x3  }
0x34: {  	[smem:$0x3FAE] =	sst s10  }
0x35: {  	s10 =	sld [smem:$0x3FAD];
	_ =	sdelay $0x3  }
0x36: {  	p1 =	seq.s32 s10, $0x1;
	s10 =	sld [smem:$0x3FAE];
	_ =	sdelay $0x3  }
0x37: {  	[smem:$0x3FAE] =	sst s10  }
0x38: {  	s10 =	sld [smem:$0x3FAF]  }
0x39: {  	_ = 	snop;
	(pc) =	sbr.ind lr, $3  }
0x3a: {  	_ = 	snop  }
0x3b: {  	_ = 	snop  }
0x3c: {  	p2 =	seq.s32 s10, $0x1;
	s10 =	sld [smem:$0x3FAE]  }
0x3d: {  	_ =	shalt  }
0x3e: {  	_ =	shalt  }
0x3f: {  	_ =	shalt  }
0x40: {  	_ =	shalt  }
0x41: {  	_ =	shalt  }
0x42: {  	_ =	shalt  }
0x43: {  	_ =	shalt  }
0x44: {  	_ =	shalt  }
0x45: {  	_ =	shalt  }
0x46: {  	_ =	shalt  }
0x47: {  	_ =	shalt  }
0x48: {  	_ =	shalt  }
0x49: {  	_ =	shalt  }
0x4a: {  	_ =	shalt  }
0x4b: {  	_ =	shalt  }
0x4c: {  	_ =	shalt  }
0x4d: {  	_ =	shalt  }
0x4e: {  	_ =	shalt  }
0x4f: {  	_ =	shalt  }
0x50: {  	_ =	shalt  }
0x51: {  	_ =	shalt  }
0x52: {  	_ =	shalt  }
0x53: {  	_ =	shalt  }
0x54: {  	_ =	shalt  }
0x55: {  	_ =	shalt  }
0x56: {  	_ =	shalt  }
0x57: {  	_ =	shalt  }
0x58: {  	_ =	shalt  }
0x59: {  	_ =	shalt  }
0x5a: {  	_ =	shalt  }
0x5b: {  	_ =	shalt  }
0x5c: {  	_ =	shalt  }
0x5d: {  	_ =	shalt  }
0x5e: {  	_ =	shalt  }
0x5f: {  	_ =	shalt  }
0x60: {  	_ =	shalt  }
0x61: {  	_ =	shalt  }
0x62: {  	_ =	shalt  }
0x63: {  	_ =	shalt  }
0x64: {  	_ =	shalt  }
0x65: {  	_ =	shalt  }
0x66: {  	_ =	shalt  }
0x67: {  	_ =	shalt  }
0x68: {  	_ =	shalt  }
0x69: {  	_ =	shalt  }
0x6a: {  	_ =	shalt  }
0x6b: {  	_ =	shalt  }
0x6c: {  	_ =	shalt  }
0x6d: {  	_ =	shalt  }
0x6e: {  	_ =	shalt  }
0x6f: {  	_ =	shalt  }
0x70: {  	_ =	shalt  }
0x71: {  	_ =	shalt  }
0x72: {  	_ =	shalt  }
0x73: {  	_ =	shalt  }
0x74: {  	_ =	shalt  }
0x75: {  	_ =	shalt  }
0x76: {  	_ =	shalt  }
0x77: {  	_ =	shalt  }
0x78: {  	_ =	shalt  }
0x79: {  	_ =	shalt  }
0x7a: {  	_ =	shalt  }
0x7b: {  	_ =	shalt  }
0x7c: {  	_ =	shalt  }
0x7d: {  	_ =	shalt  }
0x7e: {  	_ =	shalt  }
0x7f: {  	_ =	shalt  }
0x80: {  	_ =	shalt  }
0x81: {  	_ =	shalt  }
0x82: {  	_ =	shalt  }
0x83: {  	_ =	shalt  }
0x84: {  	_ =	shalt  }
0x85: {  	_ =	shalt  }
0x86: {  	_ =	shalt  }
0x87: {  	_ =	shalt  }
.Lfunc_end0:
.L_simem_size_0:
called_computation.2_lowered:
.L_overlay_start_0:
0x88: {  	s2 =	sld [smem:$0x3FD9]  }
0x89: {  	s3 =	sld [smem:$0x3FFE];
	_ =	sdelay $0x1  }
0x8a: {  	s1 =	srdreg.scid  }
0x8b: {  	s0 =	sand.u32 $0x1, s1  }
0x8c: {  	s16 =	sshll.u32 s0, $0xA;
	s2 =	sadd.s32 s3, s2  }
0x8d: {  	s2 =	sadd.s32 s2, s16  }
0x8e: {  	[smem:$0x3FBA] =	sst s2  }
0x8f: {  	_ = 	snop  }
0x90: {  	(tm) =	ssettm $0x1  }
0x91: {  	s17 =	sld [smem:$0x3FFB];
	_ =	sdelay $0x3  }
0x92: {  	_ =	strace s17  }
0x93: {  	s2 =	sld [smem:$0x3FFC];
	_ =	sdelay $0x3  }
0x94: {  	_ =	strace s2  }
0x95: {  	s2 =	sld [smem:$0x3FFD];
	_ =	sdelay $0x3  }
0x96: {  	_ =	strace s2  }
0x97: {  	_ =	strace $0x8FFFFFFF  }
0x98: {  	s18 =	sld [smem:$0x3FDB];
	_ =	sdelay $0x1  }
0x99: {  	s19 =	simm.s32 $_scs_section_size  }
0x9a: {  	s4 =	simm.s32 $_size__tile_overlayer_lowered;
	s5 =	simm.s32 $_tile_overlayer_lowered  }
0x9b: {  	s22 =	simm.s32 $0x1BFF;
	s21 =	sshll.u32 s5, $0x1;
	s2 =	sadd.s32 s19, s18  }
0x9c: {  	s6 =	simm.s32 $0x0;
	s20 =	sshll.u32 s4, $0x1;
	s4 =	sadd.s32 s21, s2  }
0x9d: {  	[timem:s6], [sflag:s22] =	dma.local [hbm:s4], s20  }
0x9e: {  	_ =	swait.ge [sflag:s22], s20  }
0x9f: {  	s3 =	ssub.s32 $0x0, s20;
	[sflag:s22] =	ssyncset.done $0x0  }
0xa0: {  	[sflag:s22] =	ssyncadd.s32 s3;
	_ =	sdelay $0x1  }
0xa1: {  	s23 =	simm.s32 $0x1B8B  }
0xa2: {  	_ =	swait.ge [sflag:s23], $0x1  }
0xa3: {  	[sflag:s23] =	ssyncset.done $0x0  }
0xa4: {  	s25 =	simm.s32 $0x1B8E;
	s24 =	sld [smem:$0x3FFE];
	[sflag:s23] =	ssyncadd.s32 $0xFFFFFFFF  }
0xa5: {  	s26 =	simm.s32 $execute0_lowered;
	[smem:$0x3FD2] =	sst s25  }
0xa6: {  	s4 =	sshll.u32 s26, $0x1;
	_ =	strace $0x8000004C;
	[dreg:$0x1] =	wrdreg $0xFFFFFFFF  }
0xa7: {  	s28 =	simm.s32 $_size_execute0_lowered;
	s2 =	sadd.s32 s2, s4;
	[dreg:$0x0] =	wrdreg $0x0  }
0xa8: {  	s4 =	sshll.u32 s28, $0x1;
	[dreg:$0x2] =	wrdreg s2  }
0xa9: {  	[dreg:$0x3] =	wrdreg s4  }
0xaa: {  	[dreg:$0x4] =	wrdreg $0xC0  }
0xab: {  	_ =	task [dreg:s6], $0x5FFFF  }
0xac: {  	[dreg:$0x1] =	wrdreg $0xFFFFFFFF  }
0xad: {  	[dreg:$0x0] =	wrdreg $0x60  }
0xae: {  	[dreg:$0x2] =	wrdreg s24  }
0xaf: {  	[dreg:$0x3] =	wrdreg $0x9  }
0xb0: {  	_ =	task.clear_ibuf [dreg:s6], $0x4FFFF;
	_ =	strace $0x9000004C  }
0xb1: {  	s29 =	simm.s32 $0x9;
	_ =	strace $0x8000004E  }
0xb2: {  	_ =	swait.ge [sflag:s29], $0x1  }
0xb3: {  	[sflag:s29] =	ssyncadd.s32 $0xFFFFFFFF  }
0xb4: {  	_ =	strace $0x9000004E  }
0xb5: {  	_ =	sfence  }
0xb6: {  	s30 =	sld [smem:$0x0];
	_ =	sdelay $0x2  }
0xb7: {  	s31 =	sshll.u32 s1, $0xD;
	s1 =	sshrl.u32 s1, $0x2  }
0xb8: {  	s3 =	sand.u32 $0x4000, s31;
	s1 =	sadd.s32 s1, s30  }
0xb9: {  	s0 =	sor.u32 s3, s0;
	s1 =	sshll.u32 s1, $0x11  }
0xba: {  	s0 =	sor.u32 s1, s0  }
0xbb: {  	s0 =	sadd.s32 $0x8F2B, s0  }
0xbc: {  	[sflag:s0] =	ssyncadd.remote.s32 $0x1  }
0xbd: {  	_ =	sfence.sel $0xFFFF  }
0xbe: {  	[dreg:$0x0] =	wrdreg $0xFFFFFFFF;
	(pc) =	sbr.abs _section_cstart, $3  }
0xbf: {  	[dreg:$0x1] =	wrdreg $0xFFFFFFFF  }
0xc0: {  	_ =	task.clear_ibuf [dreg:s6], $0x2FFFF;
	_ =	strace $0x9FFFFFFF  }
0xc1: {  	(tm) =	ssettm $0x7FFFFFFF  }
tec
execute0_lowered:
.L_overlay_start_1:
0x0: {  	(tag) =	ssettag $0x1  }
0x1: {  	s6 =	rddreg [dreg:$0x0]  }
0x2: {  	s0 =	rddreg [dreg:$0x1];
	s3 =	srdreg.scid  }
0x3: {  	s1 =	stileid.u32;
	s2 =	simm.s32 $0x0;
	s10 =	simm.s32 $0x1  }
0x4: {  	s11 =	simm.s32 $0x197D0;
	s12 =	simm.s32 $0x19FA0;
	s13 =	simm.s32 $0x0  }
0x5: {  	s5 =	sand.u32 $0x1, s3;
	s30 =	sshll.u32 s1, $0x1;
	[smem:$0x7FF] =	sst s2  }
.Ltmp0:
0x6: {  	s3 =	sadd.s32 $0x34800, s6;
	s7 =	sor.u32 s5, s30;
	(pc) =	sbr.rel .LBB2_1-.Ltmp0, $4  }
0x7: {  	s4 =	sadd.s32 $0x3E9600, s6;
	s9 =	ssub.s32 $0x2, s5;
	s8 =	smul.u32 $0x3200, s7  }
0x8: {  	_ =	strace $0x8000004D;
	s5 =	sadd.s32 $0xA03E00, s6;
	s31 =	sshrl.u32 s9, $0x1  }
0x9: {  	s9 =	ssub.s32 s9, s31;
	s8 =	sadd.s32 s8, s6;
	s6 =	smul.u32 $0x186A00, s7  }
0xa: {  	v0 =	vimm.f32 $0.0e+00;
	vm0 =	vmxor vm0, vm0;
	s7 =	sadd.s32 $0x385600, s8;
	s8 =	smax.u32 s9, $0x1;
	s9 =	simm.s32 $0x19000  }
.LBB2_9:
0xb: {  	s13 =	sadd.s32 $0x1, s13  }
0xc: {  	p0 =	sne.s32 s13, s8  }
.Ltmp1:
0xd: {  	_ = 	snop;
	(pc) =	sbr.rel @!p0 .LBB2_10-.Ltmp1, $4  }
0xe: {  	[hbm4b:s7+s2] =	stream.linear.scatter [tilespmem:s2], [sflag:$0x1], $0x19000, $0x38;
	[tilespmem:$0x1A770] =	vst v63  }
0xf: {  	_ =	swait.ge [sflag:s10], $0x19000  }
0x10: {  	[sflag:s10] =	ssyncset.done $0x0  }
0x11: {  	[sflag:s10] =	ssyncadd.s32 $0xFFFE7000  }
.LBB2_1:
0x12: {  	s14 =	simm.s32 $0x40;
	s15 =	simm.s32 $0x0  }
.LBB2_2:
0x13: {  	p0 =	sne.s32 s14, $0x63FC0;
	[tilespmem:s15+$0x0] =	vst v0;
	s15 =	smov.u32 s14;
	s14 =	sadd.s32 $0x40, s14  }
.Ltmp2:
0x14: {  	(pc) =	sbr.rel @p0 .LBB2_2-.Ltmp2, $2  }
0x15: {  	_ =	sdelay $0x2  }
0x16: {  	s15 =	sshra.s32 s15, $0x2  }
.Ltmp3:
0x17: {  	(pc) =	sbr.rel .LBB2_4-.Ltmp3, $2  }
0x18: {  	_ =	sdelay $0x2  }
0x19: {  	[tilespmem:s15+$0x0] =	vst v0;
	s14 =	simm.s32 $0x0;
	s15 =	simm.s32 $0x0  }
.LBB2_8:
0x1a: {  	s15 =	sadd.s32 $0x1, s15  }
0x1b: {  	p0 =	sne.s32 s15, $0x320  }
.Ltmp4:
0x1c: {  	_ = 	snop;
	(pc) =	sbr.rel @!p0 .LBB2_9-.Ltmp4, $1  }
0x1d: {  	_ =	sdelay $0x3  }
.LBB2_4:
0x1e: {  	s16 =	smul.u32 $0x7D0, s15;
	_ =	sdelay $0x1  }
0x1f: {  	s17 =	sshrl.u32 s16, $0x3  }
0x20: {  	s17 =	sadd.s32 s3, s17  }
0x21: {  	[tilespmem:s9], [sflag:$0x1] =	stream.linear.gather [hbm4b:s17+s14], $0x7D0, $0x38;
	[tilespmem:$0x1A770] =	vst v63  }
0x22: {  	s16 =	sadd.s32 s6, s16;
	_ =	swait.ge [sflag:s10], $0x7D0  }
0x23: {  	s16 =	sshrl.u32 s16, $0x3;
	[sflag:s10] =	ssyncset.done $0x0  }
0x24: {  	s30 =	sadd.s32 s4, s16;
	[sflag:s10] =	ssyncadd.s32 $0xFFFFF830  }
0x25: {  	[tilespmem:s11], [sflag:$0x1] =	stream.linear.gather [hbm4b:s30+s14], $0x7D0, $0x38;
	[tilespmem:$0x1A770] =	vst v63  }
0x26: {  	_ =	swait.ge [sflag:s10], $0x7D0  }
0x27: {  	[sflag:s10] =	ssyncset.done $0x0  }
0x28: {  	s16 =	sadd.s32 s5, s16;
	[sflag:s10] =	ssyncadd.s32 $0xFFFFF830  }
0x29: {  	[tilespmem:s12], [sflag:$0x1] =	stream.linear.gather [hbm4b:s16+s14], $0x7D0, $0x38;
	[tilespmem:$0x1A770] =	vst v63  }
0x2a: {  	_ =	swait.ge [sflag:s10], $0x7D0  }
0x2b: {  	[sflag:s10] =	ssyncset.done $0x0  }
0x2c: {  	s31 =	simm.s32 $0x0;
	[sflag:s10] =	ssyncadd.s32 $0xFFFFF830  }
0x2d: {  	v1 =	vld [tilespmem:s31+$0x19000];
	_ =	sdelay $0x4  }
0x2e: {  	v2 =	vld [tilespmem:s31+$0x197D0]  }
0x2f: {  	v3 =	vld [tilespmem:s31+$0x19FA0];
	_ =	sdelay $0x1  }
0x30: {  	v4 =	vld.idx.msk [tilespmem:v1+s2+$0x0], $0xffff;
	_ =	sdelay $0x2  }
0x31: {  	v2 =	vadd.f32 v3, v2;
	_ =	sdelay $0x1  }
0x32: {  	v3 =	vmax.f32 v4, v2  }
0x33: {  	vm1 =	vmmov vm0;
	s17 =	simm.s32 $0x10;
	s16 =	simm.s32 $0x80;
	[tilespmem:v1+s2+$0x0] =	vst.idx.msk $0xffff, v3  }
.LBB2_5:
0x34: {  	p0 =	seq.s32 s16, $0x1F00;
	v3 =	vld [tilespmem:s17+$0x19000]  }
0x35: {  	v4 =	vld.idx.msk [tilespmem:v1+s2+$0x0], $0xffff;
	_ =	sdelay $0x3  }
0x36: {  	v1 =	vmov v3  }
0x37: {  	v5 =	vld [tilespmem:s17+$0x197D0]  }
0x38: {  	vm2 =	vlt.f32 v4, v2;
	v6 =	vld [tilespmem:s17+$0x19FA0]  }
0x39: {  	vm1 =	vmor vm1, vm2;
	v3 =	vld.idx.msk [tilespmem:v3+s2+$0x0], $0xffff;
	_ =	sdelay $0x2  }
.Ltmp5:
0x3a: {  	(pc) =	sbr.rel @!p0 .LBB2_5-.Ltmp5, $3  }
0x3b: {  	v2 =	vadd.f32 v6, v5;
	_ =	sdelay $0x1  }
0x3c: {  	v3 =	vmax.f32 v3, v2  }
0x3d: {  	s17 =	sshra.s32 s16, $0x2;
	s16 =	sadd.s32 $0x40, s16;
	[tilespmem:v1+s2+$0x0] =	vst.idx.msk $0xffff, v3  }
0x3e: {  	v3 =	vld [tilespmem:s17+$0x19000];
	_ =	sdelay $0x4  }
0x3f: {  	v4 =	vld [tilespmem:s17+$0x197D0]  }
0x40: {  	v5 =	vld [tilespmem:s17+$0x19FA0];
	_ =	sdelay $0x1  }
0x41: {  	v6 =	vld.idx.msk [tilespmem:v3+s2+$0x0], $0xffff;
	_ =	sdelay $0x2  }
0x42: {  	v4 =	vadd.f32 v5, v4;
	_ =	sdelay $0x1  }
0x43: {  	v5 =	vmax.f32 v6, v4  }
0x44: {  	v1 =	vld.idx.msk [tilespmem:v1+s2+$0x0], $0xffff;
	[tilespmem:v3+s2+$0x0] =	vst.idx.msk $0xffff, v5  }
0x45: {  	v3 =	vld.idx.msk [tilespmem:v3+s2+$0x0], $0xffff;
	_ =	sdelay $0x3  }
0x46: {  	vm2 =	vlt.f32 v1, v2  }
0x47: {  	vm1 =	vmor vm1, vm2;
	vm2 =	vlt.f32 v3, v4  }
0x48: {  	vm1 =	vmor vm1, vm2  }
0x49: {  	v1 =	vmpcnt.ones.xlane vm1;
	_ =	sdelay $0x1  }
0x4a: {  	(v2sf) =	vpush v1, $0x0;
	_ =	sdelay $0xe  }
0x4b: {  	s16 =	spop (v2sf)  }
0x4c: {  	p0 =	sgt.s32 s16, $0x0  }
.Ltmp6:
0x4d: {  	_ = 	snop;
	(pc) =	sbr.rel @!p0 .LBB2_8-.Ltmp6, $2  }
0x4e: {  	_ =	sdelay $0x2  }
0x4f: {  	vm1 =	vmmov vm0;
	s16 =	simm.s32 $0x0  }
.LBB2_7:
0x50: {  	s17 =	sshll.u32 s16, $0x4  }
0x51: {  	v1 =	vld [tilespmem:s17+$0x19000];
	_ =	sdelay $0x4  }
0x52: {  	v2 =	vld [tilespmem:s17+$0x197D0]  }
0x53: {  	v3 =	vld [tilespmem:s17+$0x19FA0];
	_ =	sdelay $0x1  }
0x54: {  	v4 =	vld.idx.msk [tilespmem:v1+s2+$0x0], $0xffff;
	_ =	sdelay $0x2  }
0x55: {  	v2 =	vadd.f32 v3, v2;
	_ =	sdelay $0x1  }
0x56: {  	vm2 =	vlt.f32 v4, v2;
	_ =	sdelay $0x5  }
0x57: {  	[tilespmem:v1+s2+$0x0] =	vst.idx.msk vm2, v2  }
0x58: {  	v1 =	vld.idx.msk [tilespmem:v1+s2+$0x0], $0xffff;
	_ =	sdelay $0x4  }
0x59: {  	s16 =	sadd.s32 $0x1, s16;
	vm2 =	vlt.f32 v1, v2  }
0x5a: {  	p0 =	seq.s32 s16, $0x7D;
	vm1 =	vmor vm1, vm2  }
0x5b: {  	v1 =	vmpcnt.ones.xlane @p0 vm1;
	_ =	sdelay $0x1  }
0x5c: {  	(v2sf) =	vpush @p0 v1, $0x0;
	_ =	sdelay $0xe  }
0x5d: {  	s17 =	spop @p0 (v2sf)  }
0x5e: {  	p1 =	slt.s32 @p0 s17, $0x1  }
0x5f: {  	p1 =	por !p0, !p1  }
.Ltmp7:
0x60: {  	_ = 	snop;
	(pc) =	sbr.rel @p1 .LBB2_7-.Ltmp7, $3  }
0x61: {  	_ =	sdelay $0x1  }
0x62: {  	vm2 =	vmxor @p0 vm2, vm2  }
0x63: {  	s16 =	simm.s32 @p0 $0x0;
	vm1 =	vmmov @p0 vm2  }
.Ltmp8:
0x64: {  	_ = 	snop;
	(pc) =	sbr.rel .LBB2_8-.Ltmp8, $1  }
0x65: {  	_ =	sdelay $0x3  }
.LBB2_10:
0x66: {  	_ =	sfence.sel $0x180000  }
0x67: {  	[bflag:$0x0] =	sbarrier.arrive $0xFFFF  }
0x68: {  	p0 =	sne.s32 s1, $0x0;
	_ =	strace $0x9000004D  }
0x69: {  	s0 =	sadd.s32 @!p0 $0x100000, s0;
	[bflag:$0x2] =	sbarrier.arrive $0xFFFF  }
0x6a: {  	[sflag:s0] =	ssyncadd.tile.s32 @!p0 $0x1;
	_ =	shalt  }
.Lfunc_end2:
_tile_overlayer_lowered:
.L_overlay_start_2:
0x6b: {  	(tag) =	ssettag $0x2  }
0x6c: {  	s0 =	rddreg [dreg:$0x0];
	s2 =	stileid.u32  }
0x6d: {  	s1 =	rddreg [dreg:$0x1];
	p0 =	sne.s32 s2, $0x0  }
0x6e: {  	s3 =	rddreg [dreg:$0x2];
	[bflag:$0x3] =	sbarrier.arrive $0xFFFF;
	s2 =	simm.s32 @!p0 $0x1C01  }
0x6f: {  	[timem:s3], [sflag:s2] =	dma.local @!p0 [hbm:s0], s1  }
0x70: {  	s0 =	simm.s32 @!p0 $0x1  }
0x71: {  	_ =	swait.ge @!p0 [sflag:s0], s1  }
0x72: {  	s1 =	ssub.s32 @!p0 $0x0, s1;
	[sflag:s0] =	ssyncset.done @!p0 $0x0  }
0x73: {  	[sflag:s0] =	ssyncadd.s32 @!p0 s1  }
0x74: {  	[bflag:$0x3] =	sbarrier.arrive $0xFFFF  }
0x75: {  	_ =	shalt  }

// kernel: kernel.22.cloned.1.call-start
scs
__scs_entry_jumppad:
0x0: {  	(pc) =	sbr.rel $0x88, $3  }
0x1: {  	(tag) =	ssettag $0x0;
	lr =	simm.s32 $0x1  }
0x2: {  	[smem:$0x3F93] =	sst lr;
	_ =	strace $0xD0000000  }
0x3: {  	_ = 	snop  }
0x4: {  	_ = 	snop  }
0x5: {  	_ = 	snop  }
0x6: {  	_ = 	snop  }
0x7: {  	_ = 	snop  }
__scs_overlays_trampoline_lowered:
0x8: {  	[smem:$0x3FA2] =	sst s0  }
0x9: {  	[smem:$0x3FA3] =	sst s1  }
0xa: {  	[smem:$0x3FA4] =	sst s2  }
0xb: {  	[smem:$0x3FA5] =	sst s3  }
0xc: {  	[smem:$0x3FA6] =	sst s4  }
0xd: {  	[smem:$0x3FA7] =	sst s5  }
0xe: {  	[smem:$0x3FA8] =	sst s6  }
0xf: {  	[smem:$0x3FA9] =	sst s7  }
0x10: {  	[smem:$0x3FAA] =	sst s8  }
0x11: {  	[smem:$0x3FAB] =	sst s9;
	s0 =	simm.s32 @!p0 $0x0  }
0x12: {  	s1 =	sld [smem:$0x3F91];
	s0 =	simm.s32 @p0 $0x1  }
0x13: {  	[smem:$0x3FAC] =	sst s0;
	s0 =	simm.s32 @!p1 $0x0  }
0x14: {  	s2 =	sld [smem:$0x3F90];
	s0 =	simm.s32 @p1 $0x1  }
0x15: {  	[smem:$0x3FAD] =	sst s0;
	s0 =	simm.s32 @!p2 $0x0  }
0x16: {  	s3 =	sld [smem:$0x3FDB];
	s0 =	simm.s32 @p2 $0x1  }
0x17: {  	s4 =	simm.s32 $0x1BF5;
	[smem:$0x3FAF] =	sst s0  }
0x18: {  	s0 =	sld [smem:$0x3F92];
	_ =	swait.ge [sflag:s4], $0x0  }
0x19: {  	s7 =	sld [smem:$0x3F93]  }
0x1a: {  	s8 =	sadd.s32 $0xFFFFE003, lr  }
0x1b: {  	s9 =	sadd.s32 $0xFFFFFEF7, lr;
	s5 =	simm.s32 $0xFFFFFFFF;
	p2 =	slt.u32 s8, $0xFFFFF086  }
0x1c: {  	p1 =	slt.u32 s9, $0xF7A;
	s5 =	simm.s32 @!p2 $0x0  }
0x1d: {  	s5 =	simm.s32 @p1 $0x1;
	p0 =	seq.s32 s7, s2  }
0x1e: {  	s7 =	smul.u32 @!p0 $0xF7A, s2;
	p2 =	seq.s32 @!p0 s5, $0x0  }
0x1f: {  	s9 =	smul.u32 $0xF7A, s1;
	s8 =	simm.s32 @!p0 $0x1BF5;
	p2 =	por !p2, p0  }
0x20: {  	[sflag:s8] =	ssyncset.s32 @!p0 $0xFFFFF086;
	s6 =	sadd.s32 @!p0 s3, s7;
	s7 =	simm.s32 @!p0 $0x108  }
0x21: {  	s3 =	sadd.s32 s3, s9;
	s6 =	sadd.s32 @!p0 $0x88, s6;
	s7 =	simm.s32 @p2 $0x1082  }
0x22: {  	[simem:s7], [sflag:s8] =	dma.local @!p0 [hbm:s6], $0xF7A  }
0x23: {  	s9 =	sor.u32 $0xD0000000, s2;
	s6 =	simm.s32 $0x108;
	_ =	swait.ge @!p0 [sflag:s8], $0x0  }
0x24: {  	s3 =	sadd.s32 $0x88, s3;
	s6 =	simm.s32 @!p1 $0x1082;
	[sflag:s4] =	ssyncset.s32 $0xFFFFF086  }
0x25: {  	[simem:s6], [sflag:s4] =	dma.local [hbm:s3], $0xF7A  }
0x26: {  	[smem:$0x3F93] =	sst s1;
	(tag) =	ssettag s2;
	_ =	strace s9  }
0x27: {  	s1 =	sld [smem:$0x3FA3]  }
0x28: {  	s2 =	sld [smem:$0x3FA4]  }
0x29: {  	s4 =	sld [smem:$0x3FA6]  }
0x2a: {  	p0 =	seq.s32 s5, $0x0;
	s5 =	sld [smem:$0x3FA7]  }
0x2b: {  	s6 =	sld [smem:$0x3FA8]  }
0x2c: {  	s7 =	sld [smem:$0x3FA9]  }
0x2d: {  	s3 =	simm.s32 $0x108;
	s8 =	sld [smem:$0x3FAA]  }
0x2e: {  	s3 =	simm.s32 @!p0 $0x1082;
	s9 =	sld [smem:$0x3FAB]  }
0x2f: {  	lr =	sadd.s32 s0, s3;
	s0 =	sld [smem:$0x3FA2]  }
0x30: {  	s3 =	sld [smem:$0x3FA5]  }
0x31: {  	[smem:$0x3FAE] =	sst s10  }
0x32: {  	s10 =	sld [smem:$0x3FAC];
	_ =	sdelay $0x3  }
0x33: {  	p0 =	seq.s32 s10, $0x1;
	s10 =	sld [smem:$0x3FAE];
	_ =	sdelay $0x3  }
0x34: {  	[smem:$0x3FAE] =	sst s10  }
0x35: {  	s10 =	sld [smem:$0x3FAD];
	_ =	sdelay $0x3  }
0x36: {  	p1 =	seq.s32 s10, $0x1;
	s10 =	sld [smem:$0x3FAE];
	_ =	sdelay $0x3  }
0x37: {  	[smem:$0x3FAE] =	sst s10  }
0x38: {  	s10 =	sld [smem:$0x3FAF]  }
0x39: {  	_ = 	snop;
	(pc) =	sbr.ind lr, $3  }
0x3a: {  	_ = 	snop  }
0x3b: {  	_ = 	snop  }
0x3c: {  	p2 =	seq.s32 s10, $0x1;
	s10 =	sld [smem:$0x3FAE]  }
0x3d: {  	_ =	shalt  }
0x3e: {  	_ =	shalt  }
0x3f: {  	_ =	shalt  }
0x40: {  	_ =	shalt  }
0x41: {  	_ =	shalt  }
0x42: {  	_ =	shalt  }
0x43: {  	_ =	shalt  }
0x44: {  	_ =	shalt  }
0x45: {  	_ =	shalt  }
0x46: {  	_ =	shalt  }
0x47: {  	_ =	shalt  }
0x48: {  	_ =	shalt  }
0x49: {  	_ =	shalt  }
0x4a: {  	_ =	shalt  }
0x4b: {  	_ =	shalt  }
0x4c: {  	_ =	shalt  }
0x4d: {  	_ =	shalt  }
0x4e: {  	_ =	shalt  }
0x4f: {  	_ =	shalt  }
0x50: {  	_ =	shalt  }
0x51: {  	_ =	shalt  }
0x52: {  	_ =	shalt  }
0x53: {  	_ =	shalt  }
0x54: {  	_ =	shalt  }
0x55: {  	_ =	shalt  }
0x56: {  	_ =	shalt  }
0x57: {  	_ =	shalt  }
0x58: {  	_ =	shalt  }
0x59: {  	_ =	shalt  }
0x5a: {  	_ =	shalt  }
0x5b: {  	_ =	shalt  }
0x5c: {  	_ =	shalt  }
0x5d: {  	_ =	shalt  }
0x5e: {  	_ =	shalt  }
0x5f: {  	_ =	shalt  }
0x60: {  	_ =	shalt  }
0x61: {  	_ =	shalt  }
0x62: {  	_ =	shalt  }
0x63: {  	_ =	shalt  }
0x64: {  	_ =	shalt  }
0x65: {  	_ =	shalt  }
0x66: {  	_ =	shalt  }
0x67: {  	_ =	shalt  }
0x68: {  	_ =	shalt  }
0x69: {  	_ =	shalt  }
0x6a: {  	_ =	shalt  }
0x6b: {  	_ =	shalt  }
0x6c: {  	_ =	shalt  }
0x6d: {  	_ =	shalt  }
0x6e: {  	_ =	shalt  }
0x6f: {  	_ =	shalt  }
0x70: {  	_ =	shalt  }
0x71: {  	_ =	shalt  }
0x72: {  	_ =	shalt  }
0x73: {  	_ =	shalt  }
0x74: {  	_ =	shalt  }
0x75: {  	_ =	shalt  }
0x76: {  	_ =	shalt  }
0x77: {  	_ =	shalt  }
0x78: {  	_ =	shalt  }
0x79: {  	_ =	shalt  }
0x7a: {  	_ =	shalt  }
0x7b: {  	_ =	shalt  }
0x7c: {  	_ =	shalt  }
0x7d: {  	_ =	shalt  }
0x7e: {  	_ =	shalt  }
0x7f: {  	_ =	shalt  }
0x80: {  	_ =	shalt  }
0x81: {  	_ =	shalt  }
0x82: {  	_ =	shalt  }
0x83: {  	_ =	shalt  }
0x84: {  	_ =	shalt  }
0x85: {  	_ =	shalt  }
0x86: {  	_ =	shalt  }
0x87: {  	_ =	shalt  }
.Lfunc_end0:
.L_simem_size_0:
called_computation.3_lowered:
.L_overlay_start_0:
0x88: {  	s2 =	sld [smem:$0x3FD9]  }
0x89: {  	s3 =	sld [smem:$0x3FFE];
	_ =	sdelay $0x1  }
0x8a: {  	s1 =	srdreg.scid  }
0x8b: {  	s0 =	sand.u32 $0x1, s1  }
0x8c: {  	s16 =	sshll.u32 s0, $0xA;
	s2 =	sadd.s32 s3, s2  }
0x8d: {  	s2 =	sadd.s32 s2, s16  }
0x8e: {  	[smem:$0x3FBA] =	sst s2  }
0x8f: {  	_ = 	snop  }
0x90: {  	(tm) =	ssettm $0x1  }
0x91: {  	s17 =	sld [smem:$0x3FFB];
	_ =	sdelay $0x3  }
0x92: {  	_ =	strace s17  }
0x93: {  	s2 =	sld [smem:$0x3FFC];
	_ =	sdelay $0x3  }
0x94: {  	_ =	strace s2  }
0x95: {  	s2 =	sld [smem:$0x3FFD];
	_ =	sdelay $0x3  }
0x96: {  	_ =	strace s2  }
0x97: {  	_ =	strace $0x8FFFFFFF  }
0x98: {  	s18 =	sld [smem:$0x3FDB];
	_ =	sdelay $0x1  }
0x99: {  	s19 =	simm.s32 $_scs_section_size  }
0x9a: {  	s4 =	simm.s32 $_size__tile_overlayer_lowered;
	s5 =	simm.s32 $_tile_overlayer_lowered  }
0x9b: {  	s22 =	simm.s32 $0x1BFF;
	s21 =	sshll.u32 s5, $0x1;
	s2 =	sadd.s32 s19, s18  }
0x9c: {  	s6 =	simm.s32 $0x0;
	s20 =	sshll.u32 s4, $0x1;
	s4 =	sadd.s32 s21, s2  }
0x9d: {  	[timem:s6], [sflag:s22] =	dma.local [hbm:s4], s20  }
0x9e: {  	_ =	swait.ge [sflag:s22], s20  }
0x9f: {  	s3 =	ssub.s32 $0x0, s20;
	[sflag:s22] =	ssyncset.done $0x0  }
0xa0: {  	[sflag:s22] =	ssyncadd.s32 s3;
	_ =	sdelay $0x1  }
0xa1: {  	s23 =	simm.s32 $0x1B8B  }
0xa2: {  	_ =	swait.ge [sflag:s23], $0x1  }
0xa3: {  	[sflag:s23] =	ssyncset.done $0x0  }
0xa4: {  	s25 =	simm.s32 $0x1B8E;
	s24 =	sld [smem:$0x3FFE];
	[sflag:s23] =	ssyncadd.s32 $0xFFFFFFFF  }
0xa5: {  	s26 =	simm.s32 $execute0_lowered;
	[smem:$0x3FD2] =	sst s25  }
0xa6: {  	s4 =	sshll.u32 s26, $0x1;
	_ =	strace $0x8000004F;
	[dreg:$0x1] =	wrdreg $0xFFFFFFFF  }
0xa7: {  	s28 =	simm.s32 $_size_execute0_lowered;
	s2 =	sadd.s32 s2, s4;
	[dreg:$0x0] =	wrdreg $0x0  }
0xa8: {  	s4 =	sshll.u32 s28, $0x1;
	[dreg:$0x2] =	wrdreg s2  }
0xa9: {  	[dreg:$0x3] =	wrdreg s4  }
0xaa: {  	[dreg:$0x4] =	wrdreg $0xC0  }
0xab: {  	_ =	task [dreg:s6], $0x5FFFF  }
0xac: {  	[dreg:$0x1] =	wrdreg $0xFFFFFFFF  }
0xad: {  	[dreg:$0x0] =	wrdreg $0x60  }
0xae: {  	[dreg:$0x2] =	wrdreg s24  }
0xaf: {  	[dreg:$0x3] =	wrdreg $0x9  }
0xb0: {  	_ =	task.clear_ibuf [dreg:s6], $0x4FFFF;
	_ =	strace $0x9000004F  }
0xb1: {  	s29 =	simm.s32 $0x9;
	_ =	strace $0x80000051  }
0xb2: {  	_ =	swait.ge [sflag:s29], $0x1  }
0xb3: {  	[sflag:s29] =	ssyncadd.s32 $0xFFFFFFFF  }
0xb4: {  	_ =	strace $0x90000051  }
0xb5: {  	_ =	sfence  }
0xb6: {  	s30 =	sld [smem:$0x0];
	_ =	sdelay $0x2  }
0xb7: {  	s31 =	sshll.u32 s1, $0xD;
	s1 =	sshrl.u32 s1, $0x2  }
0xb8: {  	s3 =	sand.u32 $0x4000, s31;
	s1 =	sadd.s32 s1, s30  }
0xb9: {  	s0 =	sor.u32 s3, s0;
	s1 =	sshll.u32 s1, $0x11  }
0xba: {  	s0 =	sor.u32 s1, s0  }
0xbb: {  	s0 =	sadd.s32 $0x8F2B, s0  }
0xbc: {  	[sflag:s0] =	ssyncadd.remote.s32 $0x1  }
0xbd: {  	_ =	sfence.sel $0xFFFF  }
0xbe: {  	[dreg:$0x0] =	wrdreg $0xFFFFFFFF;
	(pc) =	sbr.abs _section_cstart, $3  }
0xbf: {  	[dreg:$0x1] =	wrdreg $0xFFFFFFFF  }
0xc0: {  	_ =	task.clear_ibuf [dreg:s6], $0x2FFFF;
	_ =	strace $0x9FFFFFFF  }
0xc1: {  	(tm) =	ssettm $0x7FFFFFFF  }
tec
execute0_lowered:
.L_overlay_start_1:
0x0: {  	(tag) =	ssettag $0x1  }
0x1: {  	s5 =	rddreg [dreg:$0x0]  }
0x2: {  	s0 =	rddreg [dreg:$0x1]  }
0x3: {  	s2 =	simm.s32 $0x0;
	s3 =	srdreg.scid;
	s1 =	stileid.u32  }
0x4: {  	s10 =	simm.s32 $0x1;
	s11 =	simm.s32 $0x186A00;
	s12 =	simm.s32 $0x3390  }
0x5: {  	[smem:$0x7FF] =	sst s2;
	s6 =	sand.u32 $0x1, s3;
	s3 =	sadd.s32 $0x65800, s5  }
0x6: {  	s8 =	sshll.u32 s1, $0x1;
	s4 =	sadd.s32 $0x3A00, s5;
	s7 =	ssub.s32 $0x2, s6  }
0x7: {  	s5 =	sadd.s32 $0x6A5600, s5;
	_ =	strace $0x80000050;
	s9 =	sshrl.u32 s7, $0x1  }
0x8: {  	v0 =	vlaneseq.u32;
	s6 =	sor.u32 s6, s8;
	s8 =	simm.s32 $0x2;
	s7 =	ssub.s32 s7, s9  }
0x9: {  	v0 =	vmul.u32 $0x20, v0;
	s6 =	smul.u32 $0xC350, s6;
	s9 =	simm.s32 $0x190;
	s7 =	smax.u32 s7, $0x1  }
.LBB2_1:
0xa: {  	s13 =	simm.s32 $0x0  }
.LBB2_2:
0xb: {  	s14 =	smul.u32 $0x190, s13;
	_ =	sdelay $0x1  }
0xc: {  	s14 =	sadd.s32 s6, s14  }
0xd: {  	s14 =	sshrl.u32 s14, $0x3  }
0xe: {  	s16 =	simm.s32 $0x0;
	s15 =	sadd.s32 s4, s14  }
0xf: {  	[tilespmem:s16], [sflag:$0x2] =	stream.linear.gather [hbm4b:s15+s16], $0x190, $0x38;
	[tilespmem:$0x6590] =	vst v63  }
0x10: {  	v1 =	vmov s16;
	_ =	swait.ge [sflag:s8], $0x190  }
0x11: {  	v1 =	vshll.u32 v1, $0x5;
	[sflag:s8] =	ssyncset.done $0x0  }
0x12: {  	v1 =	vor.u32 v0, v1;
	[sflag:s8] =	ssyncadd.s32 $0xFFFFFE70  }
0x13: {  	[tilespmem:s9], [sflag:$0x1] =	stream.indirect.gather [hbm4b:s3+s9], $0x20, s16, s9, $0xb8;
	[tilespmem:$0x6590] =	vst v63  }
0x14: {  	_ =	swait.ge [sflag:s10], $0x3200  }
0x15: {  	s31 =	simm.s32 $0x10;
	[sflag:s10] =	ssyncset.done $0x0  }
0x16: {  	v2 =	vmov s31;
	[sflag:s10] =	ssyncadd.s32 $0xFFFFCE00  }
0x17: {  	v2 =	vshll.u32 v2, $0x5;
	v3 =	vld.idx.msk [tilespmem:v1+s9+$0x0], $0xffff  }
0x18: {  	v2 =	vor.u32 v0, v2;
	_ =	sdelay $0x2  }
0x19: {  	s16 =	simm.s32 $0x3390  }
0x1a: {  	s15 =	simm.s32 $0x20;
	[tilespmem:s16+$0x0] =	vst v3  }
0x1b: {  	s17 =	simm.s32 $0x30;
	v4 =	vmov s15;
	v3 =	vld.idx.msk [tilespmem:v2+s9+$0x0], $0xffff  }
.LBB2_3:
0x1c: {  	p0 =	sne.s32 s17, $0x180;
	v4 =	vshll.u32 v4, $0x5  }
0x1d: {  	v5 =	vor.u32 v0, v4  }
.Ltmp0:
0x1e: {  	(pc) =	sbr.rel @p0 .LBB2_3-.Ltmp0, $4  }
0x1f: {  	_ = 	snop  }
0x20: {  	s16 =	sadd.s32 $0x10, s16  }
0x21: {  	[tilespmem:s16+$0x0] =	vst v3  }
0x22: {  	v4 =	vmov s17;
	s17 =	sadd.s32 $0x10, s17;
	v3 =	vld.idx.msk [tilespmem:v5+s9+$0x0], $0xffff  }
0x23: {  	v4 =	vshll.u32 v4, $0x5  }
0x24: {  	v4 =	vor.u32 v0, v4;
	_ =	sdelay $0x2  }
0x25: {  	s16 =	sadd.s32 $0x10, s16  }
0x26: {  	[tilespmem:s16+$0x0] =	vst v3  }
0x27: {  	v3 =	vld.idx.msk [tilespmem:v4+s9+$0x0], $0xffff  }
0x28: {  	v1 =	vor.u32 $0x1, v1;
	_ =	sdelay $0x2  }
0x29: {  	s16 =	sadd.s32 $0x10, s16  }
0x2a: {  	[tilespmem:s16+$0x0] =	vst v3  }
0x2b: {  	v3 =	vld.idx.msk [tilespmem:v1+s9+$0x0], $0xffff  }
0x2c: {  	v1 =	vor.u32 $0x1, v2;
	_ =	sdelay $0x2  }
0x2d: {  	s16 =	simm.s32 $0x3520  }
0x2e: {  	v2 =	vmov s15;
	s15 =	simm.s32 $0x30;
	[tilespmem:s16+$0x0] =	vst v3  }
.LBB2_5:
0x2f: {  	p0 =	sne.s32 s15, $0x180;
	v2 =	vshll.u32 v2, $0x5;
	v3 =	vld.idx.msk [tilespmem:v1+s9+$0x0], $0xffff  }
0x30: {  	v1 =	vor.u32 v0, v2  }
.Ltmp1:
0x31: {  	v1 =	vor.u32 $0x1, v1;
	(pc) =	sbr.rel @p0 .LBB2_5-.Ltmp1, $3  }
0x32: {  	_ =	sdelay $0x1  }
0x33: {  	s16 =	sadd.s32 $0x10, s16  }
0x34: {  	v2 =	vmov s15;
	s15 =	sadd.s32 $0x10, s15;
	[tilespmem:s16+$0x0] =	vst v3  }
0x35: {  	_ =	sdelay $0x2  }
0x36: {  	v2 =	vshll.u32 v2, $0x5  }
0x37: {  	v1 =	vld.idx.msk [tilespmem:v1+s9+$0x0], $0xffff;
	v2 =	vor.u32 v0, v2  }
0x38: {  	v2 =	vor.u32 $0x1, v2;
	_ =	sdelay $0x2  }
0x39: {  	s15 =	simm.s32 $0x0;
	s16 =	sadd.s32 $0x10, s16  }
0x3a: {  	v3 =	vmov s15;
	[tilespmem:s16+$0x0] =	vst v1  }
0x3b: {  	v1 =	vshll.u32 v3, $0x5;
	v2 =	vld.idx.msk [tilespmem:v2+s9+$0x0], $0xffff  }
0x3c: {  	v1 =	vor.u32 v0, v1  }
0x3d: {  	v3 =	vor.u32 $0x2, v1;
	_ =	sdelay $0x1  }
0x3e: {  	s31 =	simm.s32 $0x10;
	s30 =	sadd.s32 $0x10, s16  }
0x3f: {  	[tilespmem:s30+$0x0] =	vst v2;
	v2 =	vmov s31  }
0x40: {  	v2 =	vshll.u32 v2, $0x5  }
0x41: {  	v5 =	vld.idx.msk [tilespmem:v3+s9+$0x0], $0xffff;
	v2 =	vor.u32 v0, v2  }
0x42: {  	v3 =	vor.u32 $0x2, v2;
	_ =	sdelay $0x2  }
0x43: {  	s15 =	simm.s32 $0x20;
	s16 =	simm.s32 $0x36B0  }
0x44: {  	s17 =	simm.s32 $0x30;
	v4 =	vmov s15;
	[tilespmem:s16+$0x0] =	vst v5  }
.LBB2_7:
0x45: {  	p0 =	sne.s32 s17, $0x180;
	v4 =	vshll.u32 v4, $0x5;
	v5 =	vld.idx.msk [tilespmem:v3+s9+$0x0], $0xffff  }
0x46: {  	v3 =	vor.u32 v0, v4  }
.Ltmp2:
0x47: {  	v3 =	vor.u32 $0x2, v3;
	(pc) =	sbr.rel @p0 .LBB2_7-.Ltmp2, $3  }
0x48: {  	_ =	sdelay $0x1  }
0x49: {  	s16 =	sadd.s32 $0x10, s16  }
0x4a: {  	v4 =	vmov s17;
	s17 =	sadd.s32 $0x10, s17;
	[tilespmem:s16+$0x0] =	vst v5  }
0x4b: {  	_ =	sdelay $0x2  }
0x4c: {  	v4 =	vshll.u32 v4, $0x5  }
0x4d: {  	v3 =	vld.idx.msk [tilespmem:v3+s9+$0x0], $0xffff;
	v4 =	vor.u32 v0, v4  }
0x4e: {  	v4 =	vor.u32 $0x2, v4;
	_ =	sdelay $0x2  }
0x4f: {  	s16 =	sadd.s32 $0x10, s16  }
0x50: {  	[tilespmem:s16+$0x0] =	vst v3  }
0x51: {  	v3 =	vld.idx.msk [tilespmem:v4+s9+$0x0], $0xffff  }
0x52: {  	v1 =	vor.u32 $0x3, v1;
	_ =	sdelay $0x2  }
0x53: {  	s16 =	sadd.s32 $0x10, s16  }
0x54: {  	[tilespmem:s16+$0x0] =	vst v3  }
0x55: {  	v3 =	vld.idx.msk [tilespmem:v1+s9+$0x0], $0xffff  }
0x56: {  	v1 =	vor.u32 $0x3, v2;
	_ =	sdelay $0x2  }
0x57: {  	s16 =	simm.s32 $0x3840  }
0x58: {  	v2 =	vmov s15;
	s15 =	simm.s32 $0x30;
	[tilespmem:s16+$0x0] =	vst v3  }
.LBB2_9:
0x59: {  	p0 =	sne.s32 s15, $0x180;
	v2 =	vshll.u32 v2, $0x5;
	v3 =	vld.idx.msk [tilespmem:v1+s9+$0x0], $0xffff  }
0x5a: {  	v1 =	vor.u32 v0, v2  }
.Ltmp3:
0x5b: {  	v1 =	vor.u32 $0x3, v1;
	(pc) =	sbr.rel @p0 .LBB2_9-.Ltmp3, $3  }
0x5c: {  	_ =	sdelay $0x1  }
0x5d: {  	s16 =	sadd.s32 $0x10, s16  }
0x5e: {  	v2 =	vmov s15;
	s15 =	sadd.s32 $0x10, s15;
	[tilespmem:s16+$0x0] =	vst v3  }
0x5f: {  	_ =	sdelay $0x2  }
0x60: {  	v2 =	vshll.u32 v2, $0x5  }
0x61: {  	v1 =	vld.idx.msk [tilespmem:v1+s9+$0x0], $0xffff;
	v2 =	vor.u32 v0, v2  }
0x62: {  	v2 =	vor.u32 $0x3, v2;
	_ =	sdelay $0x2  }
0x63: {  	s15 =	simm.s32 $0x0;
	s16 =	sadd.s32 $0x10, s16  }
0x64: {  	v3 =	vmov s15;
	[tilespmem:s16+$0x0] =	vst v1  }
0x65: {  	v1 =	vshll.u32 v3, $0x5;
	v2 =	vld.idx.msk [tilespmem:v2+s9+$0x0], $0xffff  }
0x66: {  	v1 =	vor.u32 v0, v1  }
0x67: {  	v3 =	vor.u32 $0x4, v1;
	_ =	sdelay $0x1  }
0x68: {  	s31 =	simm.s32 $0x10;
	s30 =	sadd.s32 $0x10, s16  }
0x69: {  	[tilespmem:s30+$0x0] =	vst v2;
	v2 =	vmov s31  }
0x6a: {  	v2 =	vshll.u32 v2, $0x5  }
0x6b: {  	v5 =	vld.idx.msk [tilespmem:v3+s9+$0x0], $0xffff;
	v2 =	vor.u32 v0, v2  }
0x6c: {  	v3 =	vor.u32 $0x4, v2;
	_ =	sdelay $0x2  }
0x6d: {  	s15 =	simm.s32 $0x20;
	s16 =	simm.s32 $0x39D0  }
0x6e: {  	s17 =	simm.s32 $0x30;
	v4 =	vmov s15;
	[tilespmem:s16+$0x0] =	vst v5  }
.LBB2_11:
0x6f: {  	p0 =	sne.s32 s17, $0x180;
	v4 =	vshll.u32 v4, $0x5;
	v5 =	vld.idx.msk [tilespmem:v3+s9+$0x0], $0xffff  }
0x70: {  	v3 =	vor.u32 v0, v4  }
.Ltmp4:
0x71: {  	v3 =	vor.u32 $0x4, v3;
	(pc) =	sbr.rel @p0 .LBB2_11-.Ltmp4, $3  }
0x72: {  	_ =	sdelay $0x1  }
0x73: {  	s16 =	sadd.s32 $0x10, s16  }
0x74: {  	v4 =	vmov s17;
	s17 =	sadd.s32 $0x10, s17;
	[tilespmem:s16+$0x0] =	vst v5  }
0x75: {  	_ =	sdelay $0x2  }
0x76: {  	v4 =	vshll.u32 v4, $0x5  }
0x77: {  	v3 =	vld.idx.msk [tilespmem:v3+s9+$0x0], $0xffff;
	v4 =	vor.u32 v0, v4  }
0x78: {  	v4 =	vor.u32 $0x4, v4;
	_ =	sdelay $0x2  }
0x79: {  	s16 =	sadd.s32 $0x10, s16  }
0x7a: {  	[tilespmem:s16+$0x0] =	vst v3  }
0x7b: {  	v3 =	vld.idx.msk [tilespmem:v4+s9+$0x0], $0xffff  }
0x7c: {  	v1 =	vor.u32 $0x5, v1;
	_ =	sdelay $0x2  }
0x7d: {  	s16 =	sadd.s32 $0x10, s16  }
0x7e: {  	[tilespmem:s16+$0x0] =	vst v3  }
0x7f: {  	v3 =	vld.idx.msk [tilespmem:v1+s9+$0x0], $0xffff  }
0x80: {  	v1 =	vor.u32 $0x5, v2;
	_ =	sdelay $0x2  }
0x81: {  	s16 =	simm.s32 $0x3B60  }
0x82: {  	v2 =	vmov s15;
	s15 =	simm.s32 $0x30;
	[tilespmem:s16+$0x0] =	vst v3  }
.LBB2_13:
0x83: {  	p0 =	sne.s32 s15, $0x180;
	v2 =	vshll.u32 v2, $0x5;
	v3 =	vld.idx.msk [tilespmem:v1+s9+$0x0], $0xffff  }
0x84: {  	v1 =	vor.u32 v0, v2  }
.Ltmp5:
0x85: {  	v1 =	vor.u32 $0x5, v1;
	(pc) =	sbr.rel @p0 .LBB2_13-.Ltmp5, $3  }
0x86: {  	_ =	sdelay $0x1  }
0x87: {  	s16 =	sadd.s32 $0x10, s16  }
0x88: {  	v2 =	vmov s15;
	s15 =	sadd.s32 $0x10, s15;
	[tilespmem:s16+$0x0] =	vst v3  }
0x89: {  	_ =	sdelay $0x2  }
0x8a: {  	v2 =	vshll.u32 v2, $0x5  }
0x8b: {  	v1 =	vld.idx.msk [tilespmem:v1+s9+$0x0], $0xffff;
	v2 =	vor.u32 v0, v2  }
0x8c: {  	v2 =	vor.u32 $0x5, v2;
	_ =	sdelay $0x2  }
0x8d: {  	s15 =	simm.s32 $0x0;
	s16 =	sadd.s32 $0x10, s16  }
0x8e: {  	v3 =	vmov s15;
	[tilespmem:s16+$0x0] =	vst v1  }
0x8f: {  	v1 =	vshll.u32 v3, $0x5;
	v2 =	vld.idx.msk [tilespmem:v2+s9+$0x0], $0xffff  }
0x90: {  	v1 =	vor.u32 v0, v1  }
0x91: {  	v3 =	vor.u32 $0x6, v1;
	_ =	sdelay $0x1  }
0x92: {  	s31 =	simm.s32 $0x10;
	s30 =	sadd.s32 $0x10, s16  }
0x93: {  	[tilespmem:s30+$0x0] =	vst v2;
	v2 =	vmov s31  }
0x94: {  	v2 =	vshll.u32 v2, $0x5  }
0x95: {  	v5 =	vld.idx.msk [tilespmem:v3+s9+$0x0], $0xffff;
	v2 =	vor.u32 v0, v2  }
0x96: {  	v3 =	vor.u32 $0x6, v2;
	_ =	sdelay $0x2  }
0x97: {  	s15 =	simm.s32 $0x20;
	s16 =	simm.s32 $0x3CF0  }
0x98: {  	s17 =	simm.s32 $0x30;
	v4 =	vmov s15;
	[tilespmem:s16+$0x0] =	vst v5  }
.LBB2_15:
0x99: {  	p0 =	sne.s32 s17, $0x180;
	v4 =	vshll.u32 v4, $0x5;
	v5 =	vld.idx.msk [tilespmem:v3+s9+$0x0], $0xffff  }
0x9a: {  	v3 =	vor.u32 v0, v4  }
.Ltmp6:
0x9b: {  	v3 =	vor.u32 $0x6, v3;
	(pc) =	sbr.rel @p0 .LBB2_15-.Ltmp6, $3  }
0x9c: {  	_ =	sdelay $0x1  }
0x9d: {  	s16 =	sadd.s32 $0x10, s16  }
0x9e: {  	v4 =	vmov s17;
	s17 =	sadd.s32 $0x10, s17;
	[tilespmem:s16+$0x0] =	vst v5  }
0x9f: {  	_ =	sdelay $0x2  }
0xa0: {  	v4 =	vshll.u32 v4, $0x5  }
0xa1: {  	v3 =	vld.idx.msk [tilespmem:v3+s9+$0x0], $0xffff;
	v4 =	vor.u32 v0, v4  }
0xa2: {  	v4 =	vor.u32 $0x6, v4;
	_ =	sdelay $0x2  }
0xa3: {  	s16 =	sadd.s32 $0x10, s16  }
0xa4: {  	[tilespmem:s16+$0x0] =	vst v3  }
0xa5: {  	v3 =	vld.idx.msk [tilespmem:v4+s9+$0x0], $0xffff  }
0xa6: {  	v1 =	vor.u32 $0x7, v1;
	_ =	sdelay $0x2  }
0xa7: {  	s16 =	sadd.s32 $0x10, s16  }
0xa8: {  	[tilespmem:s16+$0x0] =	vst v3  }
0xa9: {  	v3 =	vld.idx.msk [tilespmem:v1+s9+$0x0], $0xffff  }
0xaa: {  	v1 =	vor.u32 $0x7, v2;
	_ =	sdelay $0x2  }
0xab: {  	s16 =	simm.s32 $0x3E80  }
0xac: {  	v2 =	vmov s15;
	s15 =	simm.s32 $0x30;
	[tilespmem:s16+$0x0] =	vst v3  }
.LBB2_17:
0xad: {  	p0 =	sne.s32 s15, $0x180;
	v2 =	vshll.u32 v2, $0x5;
	v3 =	vld.idx.msk [tilespmem:v1+s9+$0x0], $0xffff  }
0xae: {  	v1 =	vor.u32 v0, v2  }
.Ltmp7:
0xaf: {  	v1 =	vor.u32 $0x7, v1;
	(pc) =	sbr.rel @p0 .LBB2_17-.Ltmp7, $3  }
0xb0: {  	_ =	sdelay $0x1  }
0xb1: {  	s16 =	sadd.s32 $0x10, s16  }
0xb2: {  	v2 =	vmov s15;
	s15 =	sadd.s32 $0x10, s15;
	[tilespmem:s16+$0x0] =	vst v3  }
0xb3: {  	_ =	sdelay $0x2  }
0xb4: {  	v2 =	vshll.u32 v2, $0x5  }
0xb5: {  	v1 =	vld.idx.msk [tilespmem:v1+s9+$0x0], $0xffff;
	v2 =	vor.u32 v0, v2  }
0xb6: {  	v2 =	vor.u32 $0x7, v2;
	_ =	sdelay $0x2  }
0xb7: {  	s15 =	simm.s32 $0x0;
	s16 =	sadd.s32 $0x10, s16  }
0xb8: {  	v3 =	vmov s15;
	[tilespmem:s16+$0x0] =	vst v1  }
0xb9: {  	v1 =	vshll.u32 v3, $0x5;
	v2 =	vld.idx.msk [tilespmem:v2+s9+$0x0], $0xffff  }
0xba: {  	v1 =	vor.u32 v0, v1  }
0xbb: {  	v3 =	vor.u32 $0x8, v1;
	_ =	sdelay $0x1  }
0xbc: {  	s31 =	simm.s32 $0x10;
	s30 =	sadd.s32 $0x10, s16  }
0xbd: {  	[tilespmem:s30+$0x0] =	vst v2;
	v2 =	vmov s31  }
0xbe: {  	v2 =	vshll.u32 v2, $0x5  }
0xbf: {  	v5 =	vld.idx.msk [tilespmem:v3+s9+$0x0], $0xffff;
	v2 =	vor.u32 v0, v2  }
0xc0: {  	v3 =	vor.u32 $0x8, v2;
	_ =	sdelay $0x2  }
0xc1: {  	s15 =	simm.s32 $0x20;
	s16 =	simm.s32 $0x4010  }
0xc2: {  	s17 =	simm.s32 $0x30;
	v4 =	vmov s15;
	[tilespmem:s16+$0x0] =	vst v5  }
.LBB2_19:
0xc3: {  	p0 =	sne.s32 s17, $0x180;
	v4 =	vshll.u32 v4, $0x5;
	v5 =	vld.idx.msk [tilespmem:v3+s9+$0x0], $0xffff  }
0xc4: {  	v3 =	vor.u32 v0, v4  }
.Ltmp8:
0xc5: {  	v3 =	vor.u32 $0x8, v3;
	(pc) =	sbr.rel @p0 .LBB2_19-.Ltmp8, $3  }
0xc6: {  	_ =	sdelay $0x1  }
0xc7: {  	s16 =	sadd.s32 $0x10, s16  }
0xc8: {  	v4 =	vmov s17;
	s17 =	sadd.s32 $0x10, s17;
	[tilespmem:s16+$0x0] =	vst v5  }
0xc9: {  	_ =	sdelay $0x2  }
0xca: {  	v4 =	vshll.u32 v4, $0x5  }
0xcb: {  	v3 =	vld.idx.msk [tilespmem:v3+s9+$0x0], $0xffff;
	v4 =	vor.u32 v0, v4  }
0xcc: {  	v4 =	vor.u32 $0x8, v4;
	_ =	sdelay $0x2  }
0xcd: {  	s16 =	sadd.s32 $0x10, s16  }
0xce: {  	[tilespmem:s16+$0x0] =	vst v3  }
0xcf: {  	v3 =	vld.idx.msk [tilespmem:v4+s9+$0x0], $0xffff  }
0xd0: {  	v1 =	vor.u32 $0x9, v1;
	_ =	sdelay $0x2  }
0xd1: {  	s16 =	sadd.s32 $0x10, s16  }
0xd2: {  	[tilespmem:s16+$0x0] =	vst v3  }
0xd3: {  	v3 =	vld.idx.msk [tilespmem:v1+s9+$0x0], $0xffff  }
0xd4: {  	v1 =	vor.u32 $0x9, v2;
	_ =	sdelay $0x2  }
0xd5: {  	s16 =	simm.s32 $0x41A0  }
0xd6: {  	v2 =	vmov s15;
	s15 =	simm.s32 $0x30;
	[tilespmem:s16+$0x0] =	vst v3  }
.LBB2_21:
0xd7: {  	p0 =	sne.s32 s15, $0x180;
	v2 =	vshll.u32 v2, $0x5;
	v3 =	vld.idx.msk [tilespmem:v1+s9+$0x0], $0xffff  }
0xd8: {  	v1 =	vor.u32 v0, v2  }
.Ltmp9:
0xd9: {  	v1 =	vor.u32 $0x9, v1;
	(pc) =	sbr.rel @p0 .LBB2_21-.Ltmp9, $3  }
0xda: {  	_ =	sdelay $0x1  }
0xdb: {  	s16 =	sadd.s32 $0x10, s16  }
0xdc: {  	v2 =	vmov s15;
	s15 =	sadd.s32 $0x10, s15;
	[tilespmem:s16+$0x0] =	vst v3  }
0xdd: {  	_ =	sdelay $0x2  }
0xde: {  	v2 =	vshll.u32 v2, $0x5  }
0xdf: {  	v1 =	vld.idx.msk [tilespmem:v1+s9+$0x0], $0xffff;
	v2 =	vor.u32 v0, v2  }
0xe0: {  	v2 =	vor.u32 $0x9, v2;
	_ =	sdelay $0x2  }
0xe1: {  	s15 =	simm.s32 $0x0;
	s16 =	sadd.s32 $0x10, s16  }
0xe2: {  	v3 =	vmov s15;
	[tilespmem:s16+$0x0] =	vst v1  }
0xe3: {  	v1 =	vshll.u32 v3, $0x5;
	v2 =	vld.idx.msk [tilespmem:v2+s9+$0x0], $0xffff  }
0xe4: {  	v1 =	vor.u32 v0, v1  }
0xe5: {  	v3 =	vor.u32 $0xA, v1;
	_ =	sdelay $0x1  }
0xe6: {  	s31 =	simm.s32 $0x10;
	s30 =	sadd.s32 $0x10, s16  }
0xe7: {  	[tilespmem:s30+$0x0] =	vst v2;
	v2 =	vmov s31  }
0xe8: {  	v2 =	vshll.u32 v2, $0x5  }
0xe9: {  	v5 =	vld.idx.msk [tilespmem:v3+s9+$0x0], $0xffff;
	v2 =	vor.u32 v0, v2  }
0xea: {  	v3 =	vor.u32 $0xA, v2;
	_ =	sdelay $0x2  }
0xeb: {  	s15 =	simm.s32 $0x20;
	s16 =	simm.s32 $0x4330  }
0xec: {  	s17 =	simm.s32 $0x30;
	v4 =	vmov s15;
	[tilespmem:s16+$0x0] =	vst v5  }
.LBB2_23:
0xed: {  	p0 =	sne.s32 s17, $0x180;
	v4 =	vshll.u32 v4, $0x5;
	v5 =	vld.idx.msk [tilespmem:v3+s9+$0x0], $0xffff  }
0xee: {  	v3 =	vor.u32 v0, v4  }
.Ltmp10:
0xef: {  	v3 =	vor.u32 $0xA, v3;
	(pc) =	sbr.rel @p0 .LBB2_23-.Ltmp10, $3  }
0xf0: {  	_ =	sdelay $0x1  }
0xf1: {  	s16 =	sadd.s32 $0x10, s16  }
0xf2: {  	v4 =	vmov s17;
	s17 =	sadd.s32 $0x10, s17;
	[tilespmem:s16+$0x0] =	vst v5  }
0xf3: {  	_ =	sdelay $0x2  }
0xf4: {  	v4 =	vshll.u32 v4, $0x5  }
0xf5: {  	v3 =	vld.idx.msk [tilespmem:v3+s9+$0x0], $0xffff;
	v4 =	vor.u32 v0, v4  }
0xf6: {  	v4 =	vor.u32 $0xA, v4;
	_ =	sdelay $0x2  }
0xf7: {  	s16 =	sadd.s32 $0x10, s16  }
0xf8: {  	[tilespmem:s16+$0x0] =	vst v3  }
0xf9: {  	v3 =	vld.idx.msk [tilespmem:v4+s9+$0x0], $0xffff  }
0xfa: {  	v1 =	vor.u32 $0xB, v1;
	_ =	sdelay $0x2  }
0xfb: {  	s16 =	sadd.s32 $0x10, s16  }
0xfc: {  	[tilespmem:s16+$0x0] =	vst v3  }
0xfd: {  	v3 =	vld.idx.msk [tilespmem:v1+s9+$0x0], $0xffff  }
0xfe: {  	v1 =	vor.u32 $0xB, v2;
	_ =	sdelay $0x2  }
0xff: {  	s16 =	simm.s32 $0x44C0  }
0x100: {  	v2 =	vmov s15;
	s15 =	simm.s32 $0x30;
	[tilespmem:s16+$0x0] =	vst v3  }
.LBB2_25:
0x101: {  	p0 =	sne.s32 s15, $0x180;
	v2 =	vshll.u32 v2, $0x5;
	v3 =	vld.idx.msk [tilespmem:v1+s9+$0x0], $0xffff  }
0x102: {  	v1 =	vor.u32 v0, v2  }
.Ltmp11:
0x103: {  	v1 =	vor.u32 $0xB, v1;
	(pc) =	sbr.rel @p0 .LBB2_25-.Ltmp11, $3  }
0x104: {  	_ =	sdelay $0x1  }
0x105: {  	s16 =	sadd.s32 $0x10, s16  }
0x106: {  	v2 =	vmov s15;
	s15 =	sadd.s32 $0x10, s15;
	[tilespmem:s16+$0x0] =	vst v3  }
0x107: {  	_ =	sdelay $0x2  }
0x108: {  	v2 =	vshll.u32 v2, $0x5  }
0x109: {  	v1 =	vld.idx.msk [tilespmem:v1+s9+$0x0], $0xffff;
	v2 =	vor.u32 v0, v2  }
0x10a: {  	v2 =	vor.u32 $0xB, v2;
	_ =	sdelay $0x2  }
0x10b: {  	s15 =	simm.s32 $0x0;
	s16 =	sadd.s32 $0x10, s16  }
0x10c: {  	v3 =	vmov s15;
	[tilespmem:s16+$0x0] =	vst v1  }
0x10d: {  	v1 =	vshll.u32 v3, $0x5;
	v2 =	vld.idx.msk [tilespmem:v2+s9+$0x0], $0xffff  }
0x10e: {  	v1 =	vor.u32 v0, v1  }
0x10f: {  	v3 =	vor.u32 $0xC, v1;
	_ =	sdelay $0x1  }
0x110: {  	s31 =	simm.s32 $0x10;
	s30 =	sadd.s32 $0x10, s16  }
0x111: {  	[tilespmem:s30+$0x0] =	vst v2;
	v2 =	vmov s31  }
0x112: {  	v2 =	vshll.u32 v2, $0x5  }
0x113: {  	v5 =	vld.idx.msk [tilespmem:v3+s9+$0x0], $0xffff;
	v2 =	vor.u32 v0, v2  }
0x114: {  	v3 =	vor.u32 $0xC, v2;
	_ =	sdelay $0x2  }
0x115: {  	s15 =	simm.s32 $0x20;
	s16 =	simm.s32 $0x4650  }
0x116: {  	s17 =	simm.s32 $0x30;
	v4 =	vmov s15;
	[tilespmem:s16+$0x0] =	vst v5  }
.LBB2_27:
0x117: {  	p0 =	sne.s32 s17, $0x180;
	v4 =	vshll.u32 v4, $0x5;
	v5 =	vld.idx.msk [tilespmem:v3+s9+$0x0], $0xffff  }
0x118: {  	v3 =	vor.u32 v0, v4  }
.Ltmp12:
0x119: {  	v3 =	vor.u32 $0xC, v3;
	(pc) =	sbr.rel @p0 .LBB2_27-.Ltmp12, $3  }
0x11a: {  	_ =	sdelay $0x1  }
0x11b: {  	s16 =	sadd.s32 $0x10, s16  }
0x11c: {  	v4 =	vmov s17;
	s17 =	sadd.s32 $0x10, s17;
	[tilespmem:s16+$0x0] =	vst v5  }
0x11d: {  	_ =	sdelay $0x2  }
0x11e: {  	v4 =	vshll.u32 v4, $0x5  }
0x11f: {  	v3 =	vld.idx.msk [tilespmem:v3+s9+$0x0], $0xffff;
	v4 =	vor.u32 v0, v4  }
0x120: {  	v4 =	vor.u32 $0xC, v4;
	_ =	sdelay $0x2  }
0x121: {  	s16 =	sadd.s32 $0x10, s16  }
0x122: {  	[tilespmem:s16+$0x0] =	vst v3  }
0x123: {  	v3 =	vld.idx.msk [tilespmem:v4+s9+$0x0], $0xffff  }
0x124: {  	v1 =	vor.u32 $0xD, v1;
	_ =	sdelay $0x2  }
0x125: {  	s16 =	sadd.s32 $0x10, s16  }
0x126: {  	[tilespmem:s16+$0x0] =	vst v3  }
0x127: {  	v3 =	vld.idx.msk [tilespmem:v1+s9+$0x0], $0xffff  }
0x128: {  	v1 =	vor.u32 $0xD, v2;
	_ =	sdelay $0x2  }
0x129: {  	s16 =	simm.s32 $0x47E0  }
0x12a: {  	v2 =	vmov s15;
	s15 =	simm.s32 $0x30;
	[tilespmem:s16+$0x0] =	vst v3  }
.LBB2_29:
0x12b: {  	p0 =	sne.s32 s15, $0x180;
	v2 =	vshll.u32 v2, $0x5;
	v3 =	vld.idx.msk [tilespmem:v1+s9+$0x0], $0xffff  }
0x12c: {  	v1 =	vor.u32 v0, v2  }
.Ltmp13:
0x12d: {  	v1 =	vor.u32 $0xD, v1;
	(pc) =	sbr.rel @p0 .LBB2_29-.Ltmp13, $3  }
0x12e: {  	_ =	sdelay $0x1  }
0x12f: {  	s16 =	sadd.s32 $0x10, s16  }
0x130: {  	v2 =	vmov s15;
	s15 =	sadd.s32 $0x10, s15;
	[tilespmem:s16+$0x0] =	vst v3  }
0x131: {  	_ =	sdelay $0x2  }
0x132: {  	v2 =	vshll.u32 v2, $0x5  }
0x133: {  	v1 =	vld.idx.msk [tilespmem:v1+s9+$0x0], $0xffff;
	v2 =	vor.u32 v0, v2  }
0x134: {  	v2 =	vor.u32 $0xD, v2;
	_ =	sdelay $0x2  }
0x135: {  	s15 =	simm.s32 $0x0;
	s16 =	sadd.s32 $0x10, s16  }
0x136: {  	v3 =	vmov s15;
	[tilespmem:s16+$0x0] =	vst v1  }
0x137: {  	v1 =	vshll.u32 v3, $0x5;
	v2 =	vld.idx.msk [tilespmem:v2+s9+$0x0], $0xffff  }
0x138: {  	v1 =	vor.u32 v0, v1  }
0x139: {  	v3 =	vor.u32 $0xE, v1;
	_ =	sdelay $0x1  }
0x13a: {  	s31 =	simm.s32 $0x10;
	s30 =	sadd.s32 $0x10, s16  }
0x13b: {  	[tilespmem:s30+$0x0] =	vst v2;
	v2 =	vmov s31  }
0x13c: {  	v2 =	vshll.u32 v2, $0x5  }
0x13d: {  	v5 =	vld.idx.msk [tilespmem:v3+s9+$0x0], $0xffff;
	v2 =	vor.u32 v0, v2  }
0x13e: {  	v3 =	vor.u32 $0xE, v2;
	_ =	sdelay $0x2  }
0x13f: {  	s15 =	simm.s32 $0x20;
	s16 =	simm.s32 $0x4970  }
0x140: {  	s17 =	simm.s32 $0x30;
	v4 =	vmov s15;
	[tilespmem:s16+$0x0] =	vst v5  }
.LBB2_31:
0x141: {  	p0 =	sne.s32 s17, $0x180;
	v4 =	vshll.u32 v4, $0x5;
	v5 =	vld.idx.msk [tilespmem:v3+s9+$0x0], $0xffff  }
0x142: {  	v3 =	vor.u32 v0, v4  }
.Ltmp14:
0x143: {  	v3 =	vor.u32 $0xE, v3;
	(pc) =	sbr.rel @p0 .LBB2_31-.Ltmp14, $3  }
0x144: {  	_ =	sdelay $0x1  }
0x145: {  	s16 =	sadd.s32 $0x10, s16  }
0x146: {  	v4 =	vmov s17;
	s17 =	sadd.s32 $0x10, s17;
	[tilespmem:s16+$0x0] =	vst v5  }
0x147: {  	_ =	sdelay $0x2  }
0x148: {  	v4 =	vshll.u32 v4, $0x5  }
0x149: {  	v3 =	vld.idx.msk [tilespmem:v3+s9+$0x0], $0xffff;
	v4 =	vor.u32 v0, v4  }
0x14a: {  	v4 =	vor.u32 $0xE, v4;
	_ =	sdelay $0x2  }
0x14b: {  	s16 =	sadd.s32 $0x10, s16  }
0x14c: {  	[tilespmem:s16+$0x0] =	vst v3  }
0x14d: {  	v3 =	vld.idx.msk [tilespmem:v4+s9+$0x0], $0xffff  }
0x14e: {  	v1 =	vor.u32 $0xF, v1;
	_ =	sdelay $0x2  }
0x14f: {  	s16 =	sadd.s32 $0x10, s16  }
0x150: {  	[tilespmem:s16+$0x0] =	vst v3  }
0x151: {  	v3 =	vld.idx.msk [tilespmem:v1+s9+$0x0], $0xffff  }
0x152: {  	v1 =	vor.u32 $0xF, v2;
	_ =	sdelay $0x2  }
0x153: {  	s16 =	simm.s32 $0x4B00  }
0x154: {  	v2 =	vmov s15;
	s15 =	simm.s32 $0x30;
	[tilespmem:s16+$0x0] =	vst v3  }
.LBB2_33:
0x155: {  	p0 =	sne.s32 s15, $0x180;
	v2 =	vshll.u32 v2, $0x5;
	v3 =	vld.idx.msk [tilespmem:v1+s9+$0x0], $0xffff  }
0x156: {  	v1 =	vor.u32 v0, v2  }
.Ltmp15:
0x157: {  	v1 =	vor.u32 $0xF, v1;
	(pc) =	sbr.rel @p0 .LBB2_33-.Ltmp15, $3  }
0x158: {  	_ =	sdelay $0x1  }
0x159: {  	s16 =	sadd.s32 $0x10, s16  }
0x15a: {  	v2 =	vmov s15;
	s15 =	sadd.s32 $0x10, s15;
	[tilespmem:s16+$0x0] =	vst v3  }
0x15b: {  	_ =	sdelay $0x2  }
0x15c: {  	v2 =	vshll.u32 v2, $0x5  }
0x15d: {  	v1 =	vld.idx.msk [tilespmem:v1+s9+$0x0], $0xffff;
	v2 =	vor.u32 v0, v2  }
0x15e: {  	v2 =	vor.u32 $0xF, v2;
	_ =	sdelay $0x2  }
0x15f: {  	s15 =	simm.s32 $0x0;
	s16 =	sadd.s32 $0x10, s16  }
0x160: {  	v3 =	vmov s15;
	[tilespmem:s16+$0x0] =	vst v1  }
0x161: {  	v1 =	vshll.u32 v3, $0x5;
	v2 =	vld.idx.msk [tilespmem:v2+s9+$0x0], $0xffff  }
0x162: {  	v1 =	vor.u32 v0, v1  }
0x163: {  	v3 =	vor.u32 $0x10, v1;
	_ =	sdelay $0x1  }
0x164: {  	s31 =	simm.s32 $0x10;
	s30 =	sadd.s32 $0x10, s16  }
0x165: {  	[tilespmem:s30+$0x0] =	vst v2;
	v2 =	vmov s31  }
0x166: {  	v2 =	vshll.u32 v2, $0x5  }
0x167: {  	v5 =	vld.idx.msk [tilespmem:v3+s9+$0x0], $0xffff;
	v2 =	vor.u32 v0, v2  }
0x168: {  	v3 =	vor.u32 $0x10, v2;
	_ =	sdelay $0x2  }
0x169: {  	s15 =	simm.s32 $0x20;
	s16 =	simm.s32 $0x4C90  }
0x16a: {  	s17 =	simm.s32 $0x30;
	v4 =	vmov s15;
	[tilespmem:s16+$0x0] =	vst v5  }
.LBB2_35:
0x16b: {  	p0 =	sne.s32 s17, $0x180;
	v4 =	vshll.u32 v4, $0x5;
	v5 =	vld.idx.msk [tilespmem:v3+s9+$0x0], $0xffff  }
0x16c: {  	v3 =	vor.u32 v0, v4  }
.Ltmp16:
0x16d: {  	v3 =	vor.u32 $0x10, v3;
	(pc) =	sbr.rel @p0 .LBB2_35-.Ltmp16, $3  }
0x16e: {  	_ =	sdelay $0x1  }
0x16f: {  	s16 =	sadd.s32 $0x10, s16  }
0x170: {  	v4 =	vmov s17;
	s17 =	sadd.s32 $0x10, s17;
	[tilespmem:s16+$0x0] =	vst v5  }
0x171: {  	_ =	sdelay $0x2  }
0x172: {  	v4 =	vshll.u32 v4, $0x5  }
0x173: {  	v3 =	vld.idx.msk [tilespmem:v3+s9+$0x0], $0xffff;
	v4 =	vor.u32 v0, v4  }
0x174: {  	v4 =	vor.u32 $0x10, v4;
	_ =	sdelay $0x2  }
0x175: {  	s16 =	sadd.s32 $0x10, s16  }
0x176: {  	[tilespmem:s16+$0x0] =	vst v3  }
0x177: {  	v3 =	vld.idx.msk [tilespmem:v4+s9+$0x0], $0xffff  }
0x178: {  	v1 =	vor.u32 $0x11, v1;
	_ =	sdelay $0x2  }
0x179: {  	s16 =	sadd.s32 $0x10, s16  }
0x17a: {  	[tilespmem:s16+$0x0] =	vst v3  }
0x17b: {  	v3 =	vld.idx.msk [tilespmem:v1+s9+$0x0], $0xffff  }
0x17c: {  	v1 =	vor.u32 $0x11, v2;
	_ =	sdelay $0x2  }
0x17d: {  	s16 =	simm.s32 $0x4E20  }
0x17e: {  	v2 =	vmov s15;
	s15 =	simm.s32 $0x30;
	[tilespmem:s16+$0x0] =	vst v3  }
.LBB2_37:
0x17f: {  	p0 =	sne.s32 s15, $0x180;
	v2 =	vshll.u32 v2, $0x5;
	v3 =	vld.idx.msk [tilespmem:v1+s9+$0x0], $0xffff  }
0x180: {  	v1 =	vor.u32 v0, v2  }
.Ltmp17:
0x181: {  	v1 =	vor.u32 $0x11, v1;
	(pc) =	sbr.rel @p0 .LBB2_37-.Ltmp17, $3  }
0x182: {  	_ =	sdelay $0x1  }
0x183: {  	s16 =	sadd.s32 $0x10, s16  }
0x184: {  	v2 =	vmov s15;
	s15 =	sadd.s32 $0x10, s15;
	[tilespmem:s16+$0x0] =	vst v3  }
0x185: {  	_ =	sdelay $0x2  }
0x186: {  	v2 =	vshll.u32 v2, $0x5  }
0x187: {  	v1 =	vld.idx.msk [tilespmem:v1+s9+$0x0], $0xffff;
	v2 =	vor.u32 v0, v2  }
0x188: {  	v2 =	vor.u32 $0x11, v2;
	_ =	sdelay $0x2  }
0x189: {  	s15 =	simm.s32 $0x0;
	s16 =	sadd.s32 $0x10, s16  }
0x18a: {  	v3 =	vmov s15;
	[tilespmem:s16+$0x0] =	vst v1  }
0x18b: {  	v1 =	vshll.u32 v3, $0x5;
	v2 =	vld.idx.msk [tilespmem:v2+s9+$0x0], $0xffff  }
0x18c: {  	v1 =	vor.u32 v0, v1  }
0x18d: {  	v3 =	vor.u32 $0x12, v1;
	_ =	sdelay $0x1  }
0x18e: {  	s31 =	simm.s32 $0x10;
	s30 =	sadd.s32 $0x10, s16  }
0x18f: {  	[tilespmem:s30+$0x0] =	vst v2;
	v2 =	vmov s31  }
0x190: {  	v2 =	vshll.u32 v2, $0x5  }
0x191: {  	v5 =	vld.idx.msk [tilespmem:v3+s9+$0x0], $0xffff;
	v2 =	vor.u32 v0, v2  }
0x192: {  	v3 =	vor.u32 $0x12, v2;
	_ =	sdelay $0x2  }
0x193: {  	s15 =	simm.s32 $0x20;
	s16 =	simm.s32 $0x4FB0  }
0x194: {  	s17 =	simm.s32 $0x30;
	v4 =	vmov s15;
	[tilespmem:s16+$0x0] =	vst v5  }
.LBB2_39:
0x195: {  	p0 =	sne.s32 s17, $0x180;
	v4 =	vshll.u32 v4, $0x5;
	v5 =	vld.idx.msk [tilespmem:v3+s9+$0x0], $0xffff  }
0x196: {  	v3 =	vor.u32 v0, v4  }
.Ltmp18:
0x197: {  	v3 =	vor.u32 $0x12, v3;
	(pc) =	sbr.rel @p0 .LBB2_39-.Ltmp18, $3  }
0x198: {  	_ =	sdelay $0x1  }
0x199: {  	s16 =	sadd.s32 $0x10, s16  }
0x19a: {  	v4 =	vmov s17;
	s17 =	sadd.s32 $0x10, s17;
	[tilespmem:s16+$0x0] =	vst v5  }
0x19b: {  	_ =	sdelay $0x2  }
0x19c: {  	v4 =	vshll.u32 v4, $0x5  }
0x19d: {  	v3 =	vld.idx.msk [tilespmem:v3+s9+$0x0], $0xffff;
	v4 =	vor.u32 v0, v4  }
0x19e: {  	v4 =	vor.u32 $0x12, v4;
	_ =	sdelay $0x2  }
0x19f: {  	s16 =	sadd.s32 $0x10, s16  }
0x1a0: {  	[tilespmem:s16+$0x0] =	vst v3  }
0x1a1: {  	v3 =	vld.idx.msk [tilespmem:v4+s9+$0x0], $0xffff  }
0x1a2: {  	v1 =	vor.u32 $0x13, v1;
	_ =	sdelay $0x2  }
0x1a3: {  	s16 =	sadd.s32 $0x10, s16  }
0x1a4: {  	[tilespmem:s16+$0x0] =	vst v3  }
0x1a5: {  	v3 =	vld.idx.msk [tilespmem:v1+s9+$0x0], $0xffff  }
0x1a6: {  	v1 =	vor.u32 $0x13, v2;
	_ =	sdelay $0x2  }
0x1a7: {  	s16 =	simm.s32 $0x5140  }
0x1a8: {  	v2 =	vmov s15;
	s15 =	simm.s32 $0x30;
	[tilespmem:s16+$0x0] =	vst v3  }
.LBB2_41:
0x1a9: {  	p0 =	sne.s32 s15, $0x180;
	v2 =	vshll.u32 v2, $0x5;
	v3 =	vld.idx.msk [tilespmem:v1+s9+$0x0], $0xffff  }
0x1aa: {  	v1 =	vor.u32 v0, v2  }
.Ltmp19:
0x1ab: {  	v1 =	vor.u32 $0x13, v1;
	(pc) =	sbr.rel @p0 .LBB2_41-.Ltmp19, $3  }
0x1ac: {  	_ =	sdelay $0x1  }
0x1ad: {  	s16 =	sadd.s32 $0x10, s16  }
0x1ae: {  	v2 =	vmov s15;
	s15 =	sadd.s32 $0x10, s15;
	[tilespmem:s16+$0x0] =	vst v3  }
0x1af: {  	_ =	sdelay $0x2  }
0x1b0: {  	v2 =	vshll.u32 v2, $0x5  }
0x1b1: {  	v1 =	vld.idx.msk [tilespmem:v1+s9+$0x0], $0xffff;
	v2 =	vor.u32 v0, v2  }
0x1b2: {  	v2 =	vor.u32 $0x13, v2;
	_ =	sdelay $0x2  }
0x1b3: {  	s15 =	simm.s32 $0x0;
	s16 =	sadd.s32 $0x10, s16  }
0x1b4: {  	v3 =	vmov s15;
	[tilespmem:s16+$0x0] =	vst v1  }
0x1b5: {  	v1 =	vshll.u32 v3, $0x5;
	v2 =	vld.idx.msk [tilespmem:v2+s9+$0x0], $0xffff  }
0x1b6: {  	v1 =	vor.u32 v0, v1  }
0x1b7: {  	v3 =	vor.u32 $0x14, v1;
	_ =	sdelay $0x1  }
0x1b8: {  	s31 =	simm.s32 $0x10;
	s30 =	sadd.s32 $0x10, s16  }
0x1b9: {  	[tilespmem:s30+$0x0] =	vst v2;
	v2 =	vmov s31  }
0x1ba: {  	v2 =	vshll.u32 v2, $0x5  }
0x1bb: {  	v5 =	vld.idx.msk [tilespmem:v3+s9+$0x0], $0xffff;
	v2 =	vor.u32 v0, v2  }
0x1bc: {  	v3 =	vor.u32 $0x14, v2;
	_ =	sdelay $0x2  }
0x1bd: {  	s15 =	simm.s32 $0x20;
	s16 =	simm.s32 $0x52D0  }
0x1be: {  	s17 =	simm.s32 $0x30;
	v4 =	vmov s15;
	[tilespmem:s16+$0x0] =	vst v5  }
.LBB2_43:
0x1bf: {  	p0 =	sne.s32 s17, $0x180;
	v4 =	vshll.u32 v4, $0x5;
	v5 =	vld.idx.msk [tilespmem:v3+s9+$0x0], $0xffff  }
0x1c0: {  	v3 =	vor.u32 v0, v4  }
.Ltmp20:
0x1c1: {  	v3 =	vor.u32 $0x14, v3;
	(pc) =	sbr.rel @p0 .LBB2_43-.Ltmp20, $3  }
0x1c2: {  	_ =	sdelay $0x1  }
0x1c3: {  	s16 =	sadd.s32 $0x10, s16  }
0x1c4: {  	v4 =	vmov s17;
	s17 =	sadd.s32 $0x10, s17;
	[tilespmem:s16+$0x0] =	vst v5  }
0x1c5: {  	_ =	sdelay $0x2  }
0x1c6: {  	v4 =	vshll.u32 v4, $0x5  }
0x1c7: {  	v3 =	vld.idx.msk [tilespmem:v3+s9+$0x0], $0xffff;
	v4 =	vor.u32 v0, v4  }
0x1c8: {  	v4 =	vor.u32 $0x14, v4;
	_ =	sdelay $0x2  }
0x1c9: {  	s16 =	sadd.s32 $0x10, s16  }
0x1ca: {  	[tilespmem:s16+$0x0] =	vst v3  }
0x1cb: {  	v3 =	vld.idx.msk [tilespmem:v4+s9+$0x0], $0xffff  }
0x1cc: {  	v1 =	vor.u32 $0x15, v1;
	_ =	sdelay $0x2  }
0x1cd: {  	s16 =	sadd.s32 $0x10, s16  }
0x1ce: {  	[tilespmem:s16+$0x0] =	vst v3  }
0x1cf: {  	v3 =	vld.idx.msk [tilespmem:v1+s9+$0x0], $0xffff  }
0x1d0: {  	v1 =	vor.u32 $0x15, v2;
	_ =	sdelay $0x2  }
0x1d1: {  	s16 =	simm.s32 $0x5460  }
0x1d2: {  	v2 =	vmov s15;
	s15 =	simm.s32 $0x30;
	[tilespmem:s16+$0x0] =	vst v3  }
.LBB2_45:
0x1d3: {  	p0 =	sne.s32 s15, $0x180;
	v2 =	vshll.u32 v2, $0x5;
	v3 =	vld.idx.msk [tilespmem:v1+s9+$0x0], $0xffff  }
0x1d4: {  	v1 =	vor.u32 v0, v2  }
.Ltmp21:
0x1d5: {  	v1 =	vor.u32 $0x15, v1;
	(pc) =	sbr.rel @p0 .LBB2_45-.Ltmp21, $3  }
0x1d6: {  	_ =	sdelay $0x1  }
0x1d7: {  	s16 =	sadd.s32 $0x10, s16  }
0x1d8: {  	v2 =	vmov s15;
	s15 =	sadd.s32 $0x10, s15;
	[tilespmem:s16+$0x0] =	vst v3  }
0x1d9: {  	_ =	sdelay $0x2  }
0x1da: {  	v2 =	vshll.u32 v2, $0x5  }
0x1db: {  	v1 =	vld.idx.msk [tilespmem:v1+s9+$0x0], $0xffff;
	v2 =	vor.u32 v0, v2  }
0x1dc: {  	v2 =	vor.u32 $0x15, v2;
	_ =	sdelay $0x2  }
0x1dd: {  	s15 =	simm.s32 $0x0;
	s16 =	sadd.s32 $0x10, s16  }
0x1de: {  	v3 =	vmov s15;
	[tilespmem:s16+$0x0] =	vst v1  }
0x1df: {  	v1 =	vshll.u32 v3, $0x5;
	v2 =	vld.idx.msk [tilespmem:v2+s9+$0x0], $0xffff  }
0x1e0: {  	v1 =	vor.u32 v0, v1  }
0x1e1: {  	v3 =	vor.u32 $0x16, v1;
	_ =	sdelay $0x1  }
0x1e2: {  	s31 =	simm.s32 $0x10;
	s30 =	sadd.s32 $0x10, s16  }
0x1e3: {  	[tilespmem:s30+$0x0] =	vst v2;
	v2 =	vmov s31  }
0x1e4: {  	v2 =	vshll.u32 v2, $0x5  }
0x1e5: {  	v5 =	vld.idx.msk [tilespmem:v3+s9+$0x0], $0xffff;
	v2 =	vor.u32 v0, v2  }
0x1e6: {  	v3 =	vor.u32 $0x16, v2;
	_ =	sdelay $0x2  }
0x1e7: {  	s15 =	simm.s32 $0x20;
	s16 =	simm.s32 $0x55F0  }
0x1e8: {  	s17 =	simm.s32 $0x30;
	v4 =	vmov s15;
	[tilespmem:s16+$0x0] =	vst v5  }
.LBB2_47:
0x1e9: {  	p0 =	sne.s32 s17, $0x180;
	v4 =	vshll.u32 v4, $0x5;
	v5 =	vld.idx.msk [tilespmem:v3+s9+$0x0], $0xffff  }
0x1ea: {  	v3 =	vor.u32 v0, v4  }
.Ltmp22:
0x1eb: {  	v3 =	vor.u32 $0x16, v3;
	(pc) =	sbr.rel @p0 .LBB2_47-.Ltmp22, $3  }
0x1ec: {  	_ =	sdelay $0x1  }
0x1ed: {  	s16 =	sadd.s32 $0x10, s16  }
0x1ee: {  	v4 =	vmov s17;
	s17 =	sadd.s32 $0x10, s17;
	[tilespmem:s16+$0x0] =	vst v5  }
0x1ef: {  	_ =	sdelay $0x2  }
0x1f0: {  	v4 =	vshll.u32 v4, $0x5  }
0x1f1: {  	v3 =	vld.idx.msk [tilespmem:v3+s9+$0x0], $0xffff;
	v4 =	vor.u32 v0, v4  }
0x1f2: {  	v4 =	vor.u32 $0x16, v4;
	_ =	sdelay $0x2  }
0x1f3: {  	s16 =	sadd.s32 $0x10, s16  }
0x1f4: {  	[tilespmem:s16+$0x0] =	vst v3  }
0x1f5: {  	v3 =	vld.idx.msk [tilespmem:v4+s9+$0x0], $0xffff  }
0x1f6: {  	v1 =	vor.u32 $0x17, v1;
	_ =	sdelay $0x2  }
0x1f7: {  	s16 =	sadd.s32 $0x10, s16  }
0x1f8: {  	[tilespmem:s16+$0x0] =	vst v3  }
0x1f9: {  	v3 =	vld.idx.msk [tilespmem:v1+s9+$0x0], $0xffff  }
0x1fa: {  	v1 =	vor.u32 $0x17, v2;
	_ =	sdelay $0x2  }
0x1fb: {  	s16 =	simm.s32 $0x5780  }
0x1fc: {  	v2 =	vmov s15;
	s15 =	simm.s32 $0x30;
	[tilespmem:s16+$0x0] =	vst v3  }
.LBB2_49:
0x1fd: {  	p0 =	sne.s32 s15, $0x180;
	v2 =	vshll.u32 v2, $0x5;
	v3 =	vld.idx.msk [tilespmem:v1+s9+$0x0], $0xffff  }
0x1fe: {  	v1 =	vor.u32 v0, v2  }
.Ltmp23:
0x1ff: {  	v1 =	vor.u32 $0x17, v1;
	(pc) =	sbr.rel @p0 .LBB2_49-.Ltmp23, $3  }
0x200: {  	_ =	sdelay $0x1  }
0x201: {  	s16 =	sadd.s32 $0x10, s16  }
0x202: {  	v2 =	vmov s15;
	s15 =	sadd.s32 $0x10, s15;
	[tilespmem:s16+$0x0] =	vst v3  }
0x203: {  	_ =	sdelay $0x2  }
0x204: {  	v2 =	vshll.u32 v2, $0x5  }
0x205: {  	v1 =	vld.idx.msk [tilespmem:v1+s9+$0x0], $0xffff;
	v2 =	vor.u32 v0, v2  }
0x206: {  	v2 =	vor.u32 $0x17, v2;
	_ =	sdelay $0x2  }
0x207: {  	s15 =	simm.s32 $0x0;
	s16 =	sadd.s32 $0x10, s16  }
0x208: {  	v3 =	vmov s15;
	[tilespmem:s16+$0x0] =	vst v1  }
0x209: {  	v1 =	vshll.u32 v3, $0x5;
	v2 =	vld.idx.msk [tilespmem:v2+s9+$0x0], $0xffff  }
0x20a: {  	v1 =	vor.u32 v0, v1  }
0x20b: {  	v3 =	vor.u32 $0x18, v1;
	_ =	sdelay $0x1  }
0x20c: {  	s31 =	simm.s32 $0x10;
	s30 =	sadd.s32 $0x10, s16  }
0x20d: {  	[tilespmem:s30+$0x0] =	vst v2;
	v2 =	vmov s31  }
0x20e: {  	v2 =	vshll.u32 v2, $0x5  }
0x20f: {  	v5 =	vld.idx.msk [tilespmem:v3+s9+$0x0], $0xffff;
	v2 =	vor.u32 v0, v2  }
0x210: {  	v3 =	vor.u32 $0x18, v2;
	_ =	sdelay $0x2  }
0x211: {  	s15 =	simm.s32 $0x20;
	s16 =	simm.s32 $0x5910  }
0x212: {  	s17 =	simm.s32 $0x30;
	v4 =	vmov s15;
	[tilespmem:s16+$0x0] =	vst v5  }
.LBB2_51:
0x213: {  	p0 =	sne.s32 s17, $0x180;
	v4 =	vshll.u32 v4, $0x5;
	v5 =	vld.idx.msk [tilespmem:v3+s9+$0x0], $0xffff  }
0x214: {  	v3 =	vor.u32 v0, v4  }
.Ltmp24:
0x215: {  	v3 =	vor.u32 $0x18, v3;
	(pc) =	sbr.rel @p0 .LBB2_51-.Ltmp24, $3  }
0x216: {  	_ =	sdelay $0x1  }
0x217: {  	s16 =	sadd.s32 $0x10, s16  }
0x218: {  	v4 =	vmov s17;
	s17 =	sadd.s32 $0x10, s17;
	[tilespmem:s16+$0x0] =	vst v5  }
0x219: {  	_ =	sdelay $0x2  }
0x21a: {  	v4 =	vshll.u32 v4, $0x5  }
0x21b: {  	v3 =	vld.idx.msk [tilespmem:v3+s9+$0x0], $0xffff;
	v4 =	vor.u32 v0, v4  }
0x21c: {  	v4 =	vor.u32 $0x18, v4;
	_ =	sdelay $0x2  }
0x21d: {  	s16 =	sadd.s32 $0x10, s16  }
0x21e: {  	[tilespmem:s16+$0x0] =	vst v3  }
0x21f: {  	v3 =	vld.idx.msk [tilespmem:v4+s9+$0x0], $0xffff  }
0x220: {  	v1 =	vor.u32 $0x19, v1;
	_ =	sdelay $0x2  }
0x221: {  	s16 =	sadd.s32 $0x10, s16  }
0x222: {  	[tilespmem:s16+$0x0] =	vst v3  }
0x223: {  	v3 =	vld.idx.msk [tilespmem:v1+s9+$0x0], $0xffff  }
0x224: {  	v1 =	vor.u32 $0x19, v2;
	_ =	sdelay $0x2  }
0x225: {  	s16 =	simm.s32 $0x5AA0  }
0x226: {  	v2 =	vmov s15;
	s15 =	simm.s32 $0x30;
	[tilespmem:s16+$0x0] =	vst v3  }
.LBB2_53:
0x227: {  	p0 =	sne.s32 s15, $0x180;
	v2 =	vshll.u32 v2, $0x5;
	v3 =	vld.idx.msk [tilespmem:v1+s9+$0x0], $0xffff  }
0x228: {  	v1 =	vor.u32 v0, v2  }
.Ltmp25:
0x229: {  	v1 =	vor.u32 $0x19, v1;
	(pc) =	sbr.rel @p0 .LBB2_53-.Ltmp25, $3  }
0x22a: {  	_ =	sdelay $0x1  }
0x22b: {  	s16 =	sadd.s32 $0x10, s16  }
0x22c: {  	v2 =	vmov s15;
	s15 =	sadd.s32 $0x10, s15;
	[tilespmem:s16+$0x0] =	vst v3  }
0x22d: {  	_ =	sdelay $0x2  }
0x22e: {  	v2 =	vshll.u32 v2, $0x5  }
0x22f: {  	v1 =	vld.idx.msk [tilespmem:v1+s9+$0x0], $0xffff;
	v2 =	vor.u32 v0, v2  }
0x230: {  	v2 =	vor.u32 $0x19, v2;
	_ =	sdelay $0x2  }
0x231: {  	s15 =	simm.s32 $0x0;
	s16 =	sadd.s32 $0x10, s16  }
0x232: {  	v3 =	vmov s15;
	[tilespmem:s16+$0x0] =	vst v1  }
0x233: {  	v1 =	vshll.u32 v3, $0x5;
	v2 =	vld.idx.msk [tilespmem:v2+s9+$0x0], $0xffff  }
0x234: {  	v1 =	vor.u32 v0, v1  }
0x235: {  	v3 =	vor.u32 $0x1A, v1;
	_ =	sdelay $0x1  }
0x236: {  	s31 =	simm.s32 $0x10;
	s30 =	sadd.s32 $0x10, s16  }
0x237: {  	[tilespmem:s30+$0x0] =	vst v2;
	v2 =	vmov s31  }
0x238: {  	v2 =	vshll.u32 v2, $0x5  }
0x239: {  	v5 =	vld.idx.msk [tilespmem:v3+s9+$0x0], $0xffff;
	v2 =	vor.u32 v0, v2  }
0x23a: {  	v3 =	vor.u32 $0x1A, v2;
	_ =	sdelay $0x2  }
0x23b: {  	s15 =	simm.s32 $0x20;
	s16 =	simm.s32 $0x5C30  }
0x23c: {  	s17 =	simm.s32 $0x30;
	v4 =	vmov s15;
	[tilespmem:s16+$0x0] =	vst v5  }
.LBB2_55:
0x23d: {  	p0 =	sne.s32 s17, $0x180;
	v4 =	vshll.u32 v4, $0x5;
	v5 =	vld.idx.msk [tilespmem:v3+s9+$0x0], $0xffff  }
0x23e: {  	v3 =	vor.u32 v0, v4  }
.Ltmp26:
0x23f: {  	v3 =	vor.u32 $0x1A, v3;
	(pc) =	sbr.rel @p0 .LBB2_55-.Ltmp26, $3  }
0x240: {  	_ =	sdelay $0x1  }
0x241: {  	s16 =	sadd.s32 $0x10, s16  }
0x242: {  	v4 =	vmov s17;
	s17 =	sadd.s32 $0x10, s17;
	[tilespmem:s16+$0x0] =	vst v5  }
0x243: {  	_ =	sdelay $0x2  }
0x244: {  	v4 =	vshll.u32 v4, $0x5  }
0x245: {  	v3 =	vld.idx.msk [tilespmem:v3+s9+$0x0], $0xffff;
	v4 =	vor.u32 v0, v4  }
0x246: {  	v4 =	vor.u32 $0x1A, v4;
	_ =	sdelay $0x2  }
0x247: {  	s16 =	sadd.s32 $0x10, s16  }
0x248: {  	[tilespmem:s16+$0x0] =	vst v3  }
0x249: {  	v3 =	vld.idx.msk [tilespmem:v4+s9+$0x0], $0xffff  }
0x24a: {  	v1 =	vor.u32 $0x1B, v1;
	_ =	sdelay $0x2  }
0x24b: {  	s16 =	sadd.s32 $0x10, s16  }
0x24c: {  	[tilespmem:s16+$0x0] =	vst v3  }
0x24d: {  	v3 =	vld.idx.msk [tilespmem:v1+s9+$0x0], $0xffff  }
0x24e: {  	v1 =	vor.u32 $0x1B, v2;
	_ =	sdelay $0x2  }
0x24f: {  	s16 =	simm.s32 $0x5DC0  }
0x250: {  	v2 =	vmov s15;
	s15 =	simm.s32 $0x30;
	[tilespmem:s16+$0x0] =	vst v3  }
.LBB2_57:
0x251: {  	p0 =	sne.s32 s15, $0x180;
	v2 =	vshll.u32 v2, $0x5;
	v3 =	vld.idx.msk [tilespmem:v1+s9+$0x0], $0xffff  }
0x252: {  	v1 =	vor.u32 v0, v2  }
.Ltmp27:
0x253: {  	v1 =	vor.u32 $0x1B, v1;
	(pc) =	sbr.rel @p0 .LBB2_57-.Ltmp27, $3  }
0x254: {  	_ =	sdelay $0x1  }
0x255: {  	s16 =	sadd.s32 $0x10, s16  }
0x256: {  	v2 =	vmov s15;
	s15 =	sadd.s32 $0x10, s15;
	[tilespmem:s16+$0x0] =	vst v3  }
0x257: {  	_ =	sdelay $0x2  }
0x258: {  	v2 =	vshll.u32 v2, $0x5  }
0x259: {  	v1 =	vld.idx.msk [tilespmem:v1+s9+$0x0], $0xffff;
	v2 =	vor.u32 v0, v2  }
0x25a: {  	v2 =	vor.u32 $0x1B, v2;
	_ =	sdelay $0x2  }
0x25b: {  	s15 =	simm.s32 $0x0;
	s16 =	sadd.s32 $0x10, s16  }
0x25c: {  	v3 =	vmov s15;
	[tilespmem:s16+$0x0] =	vst v1  }
0x25d: {  	v1 =	vshll.u32 v3, $0x5;
	v2 =	vld.idx.msk [tilespmem:v2+s9+$0x0], $0xffff  }
0x25e: {  	v1 =	vor.u32 v0, v1  }
0x25f: {  	v3 =	vor.u32 $0x1C, v1;
	_ =	sdelay $0x1  }
0x260: {  	s31 =	simm.s32 $0x10;
	s30 =	sadd.s32 $0x10, s16  }
0x261: {  	[tilespmem:s30+$0x0] =	vst v2;
	v2 =	vmov s31  }
0x262: {  	v2 =	vshll.u32 v2, $0x5  }
0x263: {  	v5 =	vld.idx.msk [tilespmem:v3+s9+$0x0], $0xffff;
	v2 =	vor.u32 v0, v2  }
0x264: {  	v3 =	vor.u32 $0x1C, v2;
	_ =	sdelay $0x2  }
0x265: {  	s15 =	simm.s32 $0x20;
	s16 =	simm.s32 $0x5F50  }
0x266: {  	s17 =	simm.s32 $0x30;
	v4 =	vmov s15;
	[tilespmem:s16+$0x0] =	vst v5  }
.LBB2_59:
0x267: {  	p0 =	sne.s32 s17, $0x180;
	v4 =	vshll.u32 v4, $0x5;
	v5 =	vld.idx.msk [tilespmem:v3+s9+$0x0], $0xffff  }
0x268: {  	v3 =	vor.u32 v0, v4  }
.Ltmp28:
0x269: {  	v3 =	vor.u32 $0x1C, v3;
	(pc) =	sbr.rel @p0 .LBB2_59-.Ltmp28, $3  }
0x26a: {  	_ =	sdelay $0x1  }
0x26b: {  	s16 =	sadd.s32 $0x10, s16  }
0x26c: {  	v4 =	vmov s17;
	s17 =	sadd.s32 $0x10, s17;
	[tilespmem:s16+$0x0] =	vst v5  }
0x26d: {  	_ =	sdelay $0x2  }
0x26e: {  	v4 =	vshll.u32 v4, $0x5  }
0x26f: {  	v3 =	vld.idx.msk [tilespmem:v3+s9+$0x0], $0xffff;
	v4 =	vor.u32 v0, v4  }
0x270: {  	v4 =	vor.u32 $0x1C, v4;
	_ =	sdelay $0x2  }
0x271: {  	s16 =	sadd.s32 $0x10, s16  }
0x272: {  	[tilespmem:s16+$0x0] =	vst v3  }
0x273: {  	v3 =	vld.idx.msk [tilespmem:v4+s9+$0x0], $0xffff  }
0x274: {  	v1 =	vor.u32 $0x1D, v1;
	_ =	sdelay $0x2  }
0x275: {  	s16 =	sadd.s32 $0x10, s16  }
0x276: {  	[tilespmem:s16+$0x0] =	vst v3  }
0x277: {  	v3 =	vld.idx.msk [tilespmem:v1+s9+$0x0], $0xffff  }
0x278: {  	v1 =	vor.u32 $0x1D, v2;
	_ =	sdelay $0x2  }
0x279: {  	s16 =	simm.s32 $0x60E0  }
0x27a: {  	v2 =	vmov s15;
	s15 =	simm.s32 $0x30;
	[tilespmem:s16+$0x0] =	vst v3  }
.LBB2_61:
0x27b: {  	p0 =	sne.s32 s15, $0x180;
	v2 =	vshll.u32 v2, $0x5;
	v3 =	vld.idx.msk [tilespmem:v1+s9+$0x0], $0xffff  }
0x27c: {  	v1 =	vor.u32 v0, v2  }
.Ltmp29:
0x27d: {  	v1 =	vor.u32 $0x1D, v1;
	(pc) =	sbr.rel @p0 .LBB2_61-.Ltmp29, $3  }
0x27e: {  	_ =	sdelay $0x1  }
0x27f: {  	s16 =	sadd.s32 $0x10, s16  }
0x280: {  	v2 =	vmov s15;
	s15 =	sadd.s32 $0x10, s15;
	[tilespmem:s16+$0x0] =	vst v3  }
0x281: {  	_ =	sdelay $0x2  }
0x282: {  	v2 =	vshll.u32 v2, $0x5  }
0x283: {  	v1 =	vld.idx.msk [tilespmem:v1+s9+$0x0], $0xffff;
	v2 =	vor.u32 v0, v2  }
0x284: {  	v2 =	vor.u32 $0x1D, v2;
	_ =	sdelay $0x2  }
0x285: {  	s15 =	simm.s32 $0x0;
	s16 =	sadd.s32 $0x10, s16  }
0x286: {  	v3 =	vmov s15;
	[tilespmem:s16+$0x0] =	vst v1  }
0x287: {  	v1 =	vshll.u32 v3, $0x5;
	v2 =	vld.idx.msk [tilespmem:v2+s9+$0x0], $0xffff  }
0x288: {  	v1 =	vor.u32 v0, v1  }
0x289: {  	v3 =	vor.u32 $0x1E, v1;
	_ =	sdelay $0x1  }
0x28a: {  	s31 =	simm.s32 $0x10;
	s30 =	sadd.s32 $0x10, s16  }
0x28b: {  	[tilespmem:s30+$0x0] =	vst v2;
	v2 =	vmov s31  }
0x28c: {  	v2 =	vshll.u32 v2, $0x5  }
0x28d: {  	v5 =	vld.idx.msk [tilespmem:v3+s9+$0x0], $0xffff;
	v2 =	vor.u32 v0, v2  }
0x28e: {  	v3 =	vor.u32 $0x1E, v2;
	_ =	sdelay $0x2  }
0x28f: {  	s15 =	simm.s32 $0x20;
	s16 =	simm.s32 $0x6270  }
0x290: {  	s17 =	simm.s32 $0x30;
	v4 =	vmov s15;
	[tilespmem:s16+$0x0] =	vst v5  }
.LBB2_63:
0x291: {  	p0 =	sne.s32 s17, $0x180;
	v4 =	vshll.u32 v4, $0x5;
	v5 =	vld.idx.msk [tilespmem:v3+s9+$0x0], $0xffff  }
0x292: {  	v3 =	vor.u32 v0, v4  }
.Ltmp30:
0x293: {  	v3 =	vor.u32 $0x1E, v3;
	(pc) =	sbr.rel @p0 .LBB2_63-.Ltmp30, $3  }
0x294: {  	_ =	sdelay $0x1  }
0x295: {  	s16 =	sadd.s32 $0x10, s16  }
0x296: {  	v4 =	vmov s17;
	s17 =	sadd.s32 $0x10, s17;
	[tilespmem:s16+$0x0] =	vst v5  }
0x297: {  	_ =	sdelay $0x2  }
0x298: {  	v4 =	vshll.u32 v4, $0x5  }
0x299: {  	v3 =	vld.idx.msk [tilespmem:v3+s9+$0x0], $0xffff;
	v4 =	vor.u32 v0, v4  }
0x29a: {  	v4 =	vor.u32 $0x1E, v4;
	_ =	sdelay $0x2  }
0x29b: {  	s16 =	sadd.s32 $0x10, s16  }
0x29c: {  	[tilespmem:s16+$0x0] =	vst v3  }
0x29d: {  	v3 =	vld.idx.msk [tilespmem:v4+s9+$0x0], $0xffff  }
0x29e: {  	v1 =	vor.u32 $0x1F, v1;
	_ =	sdelay $0x2  }
0x29f: {  	s16 =	sadd.s32 $0x10, s16  }
0x2a0: {  	[tilespmem:s16+$0x0] =	vst v3  }
0x2a1: {  	v3 =	vld.idx.msk [tilespmem:v1+s9+$0x0], $0xffff  }
0x2a2: {  	v1 =	vor.u32 $0x1F, v2;
	_ =	sdelay $0x2  }
0x2a3: {  	s16 =	simm.s32 $0x6400  }
0x2a4: {  	v2 =	vmov s15;
	s15 =	simm.s32 $0x30;
	[tilespmem:s16+$0x0] =	vst v3  }
.LBB2_65:
0x2a5: {  	p0 =	sne.s32 s15, $0x180;
	v2 =	vshll.u32 v2, $0x5;
	v3 =	vld.idx.msk [tilespmem:v1+s9+$0x0], $0xffff  }
0x2a6: {  	v1 =	vor.u32 v0, v2  }
.Ltmp31:
0x2a7: {  	v1 =	vor.u32 $0x1F, v1;
	(pc) =	sbr.rel @p0 .LBB2_65-.Ltmp31, $3  }
0x2a8: {  	_ =	sdelay $0x1  }
0x2a9: {  	s16 =	sadd.s32 $0x10, s16  }
0x2aa: {  	v2 =	vmov s15;
	s15 =	sadd.s32 $0x10, s15;
	[tilespmem:s16+$0x0] =	vst v3  }
0x2ab: {  	_ =	sdelay $0x2  }
0x2ac: {  	v2 =	vshll.u32 v2, $0x5  }
0x2ad: {  	v1 =	vld.idx.msk [tilespmem:v1+s9+$0x0], $0xffff;
	v2 =	vor.u32 v0, v2  }
0x2ae: {  	v2 =	vor.u32 $0x1F, v2;
	_ =	sdelay $0x2  }
0x2af: {  	s15 =	sadd.s32 $0x10, s16  }
0x2b0: {  	[tilespmem:s15+$0x0] =	vst v1  }
0x2b1: {  	v1 =	vld.idx.msk [tilespmem:v2+s9+$0x0], $0xffff;
	_ =	sdelay $0x2  }
0x2b2: {  	s13 =	sadd.s32 $0x1, s13  }
0x2b3: {  	p0 =	sne.s32 s13, $0x7D;
	s15 =	sadd.s32 $0x10, s15  }
.Ltmp32:
0x2b4: {  	s14 =	sadd.s32 s5, s14;
	[tilespmem:s15+$0x0] =	vst v1;
	(pc) =	sbr.rel @p0 .LBB2_2-.Ltmp32, $4  }
0x2b5: {  	[hbm4b:s14+s9] =	stream.strided.scatter [tilespmem:s12], [sflag:$0x2], $0x3200, s11, s9, $0x38;
	[tilespmem:$0x6590] =	vst v63  }
0x2b6: {  	_ =	swait.ge [sflag:s8], $0x3200  }
0x2b7: {  	[sflag:s8] =	ssyncset.done $0x0  }
0x2b8: {  	[sflag:s8] =	ssyncadd.s32 $0xFFFFCE00  }
0x2b9: {  	s2 =	sadd.s32 $0x1, s2  }
0x2ba: {  	p0 =	sne.s32 s2, s7  }
.Ltmp33:
0x2bb: {  	_ = 	snop;
	(pc) =	sbr.rel @p0 .LBB2_1-.Ltmp33, $1  }
0x2bc: {  	_ =	sdelay $0x3  }
0x2bd: {  	_ =	sfence.sel $0x180000  }
0x2be: {  	[bflag:$0x0] =	sbarrier.arrive $0xFFFF  }
0x2bf: {  	p0 =	sne.s32 s1, $0x0;
	_ =	strace $0x90000050  }
0x2c0: {  	s0 =	sadd.s32 @!p0 $0x100000, s0;
	[bflag:$0x2] =	sbarrier.arrive $0xFFFF  }
0x2c1: {  	[sflag:s0] =	ssyncadd.tile.s32 @!p0 $0x1;
	_ =	shalt  }
.Lfunc_end2:
_tile_overlayer_lowered:
.L_overlay_start_2:
0x2c2: {  	(tag) =	ssettag $0x2  }
0x2c3: {  	s0 =	rddreg [dreg:$0x0];
	s2 =	stileid.u32  }
0x2c4: {  	s1 =	rddreg [dreg:$0x1];
	p0 =	sne.s32 s2, $0x0  }
0x2c5: {  	s3 =	rddreg [dreg:$0x2];
	[bflag:$0x3] =	sbarrier.arrive $0xFFFF;
	s2 =	simm.s32 @!p0 $0x1C02  }
0x2c6: {  	[timem:s3], [sflag:s2] =	dma.local @!p0 [hbm:s0], s1  }
0x2c7: {  	s0 =	simm.s32 @!p0 $0x2  }
0x2c8: {  	_ =	swait.ge @!p0 [sflag:s0], s1  }
0x2c9: {  	s1 =	ssub.s32 @!p0 $0x0, s1;
	[sflag:s0] =	ssyncset.done @!p0 $0x0  }
0x2ca: {  	[sflag:s0] =	ssyncadd.s32 @!p0 s1  }
0x2cb: {  	[bflag:$0x3] =	sbarrier.arrive $0xFFFF  }
0x2cc: {  	_ =	shalt  }

// kernel: kernel.25.cloned.1.call-start
scs
__scs_entry_jumppad:
0x0: {  	(pc) =	sbr.rel $0x88, $3  }
0x1: {  	(tag) =	ssettag $0x0;
	lr =	simm.s32 $0x1  }
0x2: {  	[smem:$0x3F93] =	sst lr;
	_ =	strace $0xD0000000  }
0x3: {  	_ = 	snop  }
0x4: {  	_ = 	snop  }
0x5: {  	_ = 	snop  }
0x6: {  	_ = 	snop  }
0x7: {  	_ = 	snop  }
__scs_overlays_trampoline_lowered:
0x8: {  	[smem:$0x3FA2] =	sst s0  }
0x9: {  	[smem:$0x3FA3] =	sst s1  }
0xa: {  	[smem:$0x3FA4] =	sst s2  }
0xb: {  	[smem:$0x3FA5] =	sst s3  }
0xc: {  	[smem:$0x3FA6] =	sst s4  }
0xd: {  	[smem:$0x3FA7] =	sst s5  }
0xe: {  	[smem:$0x3FA8] =	sst s6  }
0xf: {  	[smem:$0x3FA9] =	sst s7  }
0x10: {  	[smem:$0x3FAA] =	sst s8  }
0x11: {  	[smem:$0x3FAB] =	sst s9;
	s0 =	simm.s32 @!p0 $0x0  }
0x12: {  	s1 =	sld [smem:$0x3F91];
	s0 =	simm.s32 @p0 $0x1  }
0x13: {  	[smem:$0x3FAC] =	sst s0;
	s0 =	simm.s32 @!p1 $0x0  }
0x14: {  	s2 =	sld [smem:$0x3F90];
	s0 =	simm.s32 @p1 $0x1  }
0x15: {  	[smem:$0x3FAD] =	sst s0;
	s0 =	simm.s32 @!p2 $0x0  }
0x16: {  	s3 =	sld [smem:$0x3FDB];
	s0 =	simm.s32 @p2 $0x1  }
0x17: {  	s4 =	simm.s32 $0x1BF5;
	[smem:$0x3FAF] =	sst s0  }
0x18: {  	s0 =	sld [smem:$0x3F92];
	_ =	swait.ge [sflag:s4], $0x0  }
0x19: {  	s7 =	sld [smem:$0x3F93]  }
0x1a: {  	s8 =	sadd.s32 $0xFFFFE003, lr  }
0x1b: {  	s9 =	sadd.s32 $0xFFFFFEF7, lr;
	s5 =	simm.s32 $0xFFFFFFFF;
	p2 =	slt.u32 s8, $0xFFFFF086  }
0x1c: {  	p1 =	slt.u32 s9, $0xF7A;
	s5 =	simm.s32 @!p2 $0x0  }
0x1d: {  	s5 =	simm.s32 @p1 $0x1;
	p0 =	seq.s32 s7, s2  }
0x1e: {  	s7 =	smul.u32 @!p0 $0xF7A, s2;
	p2 =	seq.s32 @!p0 s5, $0x0  }
0x1f: {  	s9 =	smul.u32 $0xF7A, s1;
	s8 =	simm.s32 @!p0 $0x1BF5;
	p2 =	por !p2, p0  }
0x20: {  	[sflag:s8] =	ssyncset.s32 @!p0 $0xFFFFF086;
	s6 =	sadd.s32 @!p0 s3, s7;
	s7 =	simm.s32 @!p0 $0x108  }
0x21: {  	s3 =	sadd.s32 s3, s9;
	s6 =	sadd.s32 @!p0 $0x88, s6;
	s7 =	simm.s32 @p2 $0x1082  }
0x22: {  	[simem:s7], [sflag:s8] =	dma.local @!p0 [hbm:s6], $0xF7A  }
0x23: {  	s9 =	sor.u32 $0xD0000000, s2;
	s6 =	simm.s32 $0x108;
	_ =	swait.ge @!p0 [sflag:s8], $0x0  }
0x24: {  	s3 =	sadd.s32 $0x88, s3;
	s6 =	simm.s32 @!p1 $0x1082;
	[sflag:s4] =	ssyncset.s32 $0xFFFFF086  }
0x25: {  	[simem:s6], [sflag:s4] =	dma.local [hbm:s3], $0xF7A  }
0x26: {  	[smem:$0x3F93] =	sst s1;
	(tag) =	ssettag s2;
	_ =	strace s9  }
0x27: {  	s1 =	sld [smem:$0x3FA3]  }
0x28: {  	s2 =	sld [smem:$0x3FA4]  }
0x29: {  	s4 =	sld [smem:$0x3FA6]  }
0x2a: {  	p0 =	seq.s32 s5, $0x0;
	s5 =	sld [smem:$0x3FA7]  }
0x2b: {  	s6 =	sld [smem:$0x3FA8]  }
0x2c: {  	s7 =	sld [smem:$0x3FA9]  }
0x2d: {  	s3 =	simm.s32 $0x108;
	s8 =	sld [smem:$0x3FAA]  }
0x2e: {  	s3 =	simm.s32 @!p0 $0x1082;
	s9 =	sld [smem:$0x3FAB]  }
0x2f: {  	lr =	sadd.s32 s0, s3;
	s0 =	sld [smem:$0x3FA2]  }
0x30: {  	s3 =	sld [smem:$0x3FA5]  }
0x31: {  	[smem:$0x3FAE] =	sst s10  }
0x32: {  	s10 =	sld [smem:$0x3FAC];
	_ =	sdelay $0x3  }
0x33: {  	p0 =	seq.s32 s10, $0x1;
	s10 =	sld [smem:$0x3FAE];
	_ =	sdelay $0x3  }
0x34: {  	[smem:$0x3FAE] =	sst s10  }
0x35: {  	s10 =	sld [smem:$0x3FAD];
	_ =	sdelay $0x3  }
0x36: {  	p1 =	seq.s32 s10, $0x1;
	s10 =	sld [smem:$0x3FAE];
	_ =	sdelay $0x3  }
0x37: {  	[smem:$0x3FAE] =	sst s10  }
0x38: {  	s10 =	sld [smem:$0x3FAF]  }
0x39: {  	_ = 	snop;
	(pc) =	sbr.ind lr, $3  }
0x3a: {  	_ = 	snop  }
0x3b: {  	_ = 	snop  }
0x3c: {  	p2 =	seq.s32 s10, $0x1;
	s10 =	sld [smem:$0x3FAE]  }
0x3d: {  	_ =	shalt  }
0x3e: {  	_ =	shalt  }
0x3f: {  	_ =	shalt  }
0x40: {  	_ =	shalt  }
0x41: {  	_ =	shalt  }
0x42: {  	_ =	shalt  }
0x43: {  	_ =	shalt  }
0x44: {  	_ =	shalt  }
0x45: {  	_ =	shalt  }
0x46: {  	_ =	shalt  }
0x47: {  	_ =	shalt  }
0x48: {  	_ =	shalt  }
0x49: {  	_ =	shalt  }
0x4a: {  	_ =	shalt  }
0x4b: {  	_ =	shalt  }
0x4c: {  	_ =	shalt  }
0x4d: {  	_ =	shalt  }
0x4e: {  	_ =	shalt  }
0x4f: {  	_ =	shalt  }
0x50: {  	_ =	shalt  }
0x51: {  	_ =	shalt  }
0x52: {  	_ =	shalt  }
0x53: {  	_ =	shalt  }
0x54: {  	_ =	shalt  }
0x55: {  	_ =	shalt  }
0x56: {  	_ =	shalt  }
0x57: {  	_ =	shalt  }
0x58: {  	_ =	shalt  }
0x59: {  	_ =	shalt  }
0x5a: {  	_ =	shalt  }
0x5b: {  	_ =	shalt  }
0x5c: {  	_ =	shalt  }
0x5d: {  	_ =	shalt  }
0x5e: {  	_ =	shalt  }
0x5f: {  	_ =	shalt  }
0x60: {  	_ =	shalt  }
0x61: {  	_ =	shalt  }
0x62: {  	_ =	shalt  }
0x63: {  	_ =	shalt  }
0x64: {  	_ =	shalt  }
0x65: {  	_ =	shalt  }
0x66: {  	_ =	shalt  }
0x67: {  	_ =	shalt  }
0x68: {  	_ =	shalt  }
0x69: {  	_ =	shalt  }
0x6a: {  	_ =	shalt  }
0x6b: {  	_ =	shalt  }
0x6c: {  	_ =	shalt  }
0x6d: {  	_ =	shalt  }
0x6e: {  	_ =	shalt  }
0x6f: {  	_ =	shalt  }
0x70: {  	_ =	shalt  }
0x71: {  	_ =	shalt  }
0x72: {  	_ =	shalt  }
0x73: {  	_ =	shalt  }
0x74: {  	_ =	shalt  }
0x75: {  	_ =	shalt  }
0x76: {  	_ =	shalt  }
0x77: {  	_ =	shalt  }
0x78: {  	_ =	shalt  }
0x79: {  	_ =	shalt  }
0x7a: {  	_ =	shalt  }
0x7b: {  	_ =	shalt  }
0x7c: {  	_ =	shalt  }
0x7d: {  	_ =	shalt  }
0x7e: {  	_ =	shalt  }
0x7f: {  	_ =	shalt  }
0x80: {  	_ =	shalt  }
0x81: {  	_ =	shalt  }
0x82: {  	_ =	shalt  }
0x83: {  	_ =	shalt  }
0x84: {  	_ =	shalt  }
0x85: {  	_ =	shalt  }
0x86: {  	_ =	shalt  }
0x87: {  	_ =	shalt  }
.Lfunc_end0:
.L_simem_size_0:
called_computation.4_lowered:
.L_overlay_start_0:
0x88: {  	s2 =	sld [smem:$0x3FD9]  }
0x89: {  	s3 =	sld [smem:$0x3FFE];
	_ =	sdelay $0x1  }
0x8a: {  	s1 =	srdreg.scid  }
0x8b: {  	s0 =	sand.u32 $0x1, s1  }
0x8c: {  	s16 =	sshll.u32 s0, $0xA;
	s2 =	sadd.s32 s3, s2  }
0x8d: {  	s2 =	sadd.s32 s2, s16  }
0x8e: {  	[smem:$0x3FBA] =	sst s2  }
0x8f: {  	_ = 	snop  }
0x90: {  	(tm) =	ssettm $0x1  }
0x91: {  	s17 =	sld [smem:$0x3FFB];
	_ =	sdelay $0x3  }
0x92: {  	_ =	strace s17  }
0x93: {  	s2 =	sld [smem:$0x3FFC];
	_ =	sdelay $0x3  }
0x94: {  	_ =	strace s2  }
0x95: {  	s2 =	sld [smem:$0x3FFD];
	_ =	sdelay $0x3  }
0x96: {  	_ =	strace s2  }
0x97: {  	_ =	strace $0x8FFFFFFF  }
0x98: {  	s18 =	sld [smem:$0x3FDB];
	_ =	sdelay $0x1  }
0x99: {  	s19 =	simm.s32 $_scs_section_size  }
0x9a: {  	s4 =	simm.s32 $_size__tile_overlayer_lowered;
	s5 =	simm.s32 $_tile_overlayer_lowered  }
0x9b: {  	s22 =	simm.s32 $0x1BFF;
	s21 =	sshll.u32 s5, $0x1;
	s2 =	sadd.s32 s19, s18  }
0x9c: {  	s6 =	simm.s32 $0x0;
	s20 =	sshll.u32 s4, $0x1;
	s4 =	sadd.s32 s21, s2  }
0x9d: {  	[timem:s6], [sflag:s22] =	dma.local [hbm:s4], s20  }
0x9e: {  	_ =	swait.ge [sflag:s22], s20  }
0x9f: {  	s3 =	ssub.s32 $0x0, s20;
	[sflag:s22] =	ssyncset.done $0x0  }
0xa0: {  	[sflag:s22] =	ssyncadd.s32 s3;
	_ =	sdelay $0x1  }
0xa1: {  	s23 =	simm.s32 $0x1B8B  }
0xa2: {  	_ =	swait.ge [sflag:s23], $0x1  }
0xa3: {  	[sflag:s23] =	ssyncset.done $0x0  }
0xa4: {  	s25 =	simm.s32 $0x1B8E;
	s24 =	sld [smem:$0x3FFE];
	[sflag:s23] =	ssyncadd.s32 $0xFFFFFFFF  }
0xa5: {  	s26 =	simm.s32 $execute0_lowered;
	[smem:$0x3FD2] =	sst s25  }
0xa6: {  	s4 =	sshll.u32 s26, $0x1;
	_ =	strace $0x80000052;
	[dreg:$0x1] =	wrdreg $0xFFFFFFFF  }
0xa7: {  	s28 =	simm.s32 $_size_execute0_lowered;
	s2 =	sadd.s32 s2, s4;
	[dreg:$0x0] =	wrdreg $0x0  }
0xa8: {  	s4 =	sshll.u32 s28, $0x1;
	[dreg:$0x2] =	wrdreg s2  }
0xa9: {  	[dreg:$0x3] =	wrdreg s4  }
0xaa: {  	[dreg:$0x4] =	wrdreg $0xC0  }
0xab: {  	_ =	task [dreg:s6], $0x5FFFF  }
0xac: {  	[dreg:$0x1] =	wrdreg $0xFFFFFFFF  }
0xad: {  	[dreg:$0x0] =	wrdreg $0x60  }
0xae: {  	[dreg:$0x2] =	wrdreg s24  }
0xaf: {  	[dreg:$0x3] =	wrdreg $0x9  }
0xb0: {  	_ =	task.clear_ibuf [dreg:s6], $0x4FFFF;
	_ =	strace $0x90000052  }
0xb1: {  	s29 =	simm.s32 $0x9;
	_ =	strace $0x80000054  }
0xb2: {  	_ =	swait.ge [sflag:s29], $0x1  }
0xb3: {  	[sflag:s29] =	ssyncadd.s32 $0xFFFFFFFF  }
0xb4: {  	_ =	strace $0x90000054  }
0xb5: {  	_ =	sfence  }
0xb6: {  	s30 =	sld [smem:$0x0];
	_ =	sdelay $0x2  }
0xb7: {  	s31 =	sshll.u32 s1, $0xD;
	s1 =	sshrl.u32 s1, $0x2  }
0xb8: {  	s3 =	sand.u32 $0x4000, s31;
	s1 =	sadd.s32 s1, s30  }
0xb9: {  	s0 =	sor.u32 s3, s0;
	s1 =	sshll.u32 s1, $0x11  }
0xba: {  	s0 =	sor.u32 s1, s0  }
0xbb: {  	s0 =	sadd.s32 $0x8F2B, s0  }
0xbc: {  	[sflag:s0] =	ssyncadd.remote.s32 $0x1  }
0xbd: {  	_ =	sfence.sel $0xFFFF  }
0xbe: {  	[dreg:$0x0] =	wrdreg $0xFFFFFFFF;
	(pc) =	sbr.abs _section_cstart, $3  }
0xbf: {  	[dreg:$0x1] =	wrdreg $0xFFFFFFFF  }
0xc0: {  	_ =	task.clear_ibuf [dreg:s6], $0x2FFFF;
	_ =	strace $0x9FFFFFFF  }
0xc1: {  	(tm) =	ssettm $0x7FFFFFFF  }
tec
execute0_lowered:
.L_overlay_start_1:
0x0: {  	(tag) =	ssettag $0x1  }
0x1: {  	s6 =	rddreg [dreg:$0x0]  }
0x2: {  	s0 =	rddreg [dreg:$0x1];
	s3 =	srdreg.scid  }
0x3: {  	s1 =	stileid.u32;
	s2 =	simm.s32 $0x0;
	s10 =	simm.s32 $0x1  }
0x4: {  	s11 =	simm.s32 $0x197D0;
	s12 =	simm.s32 $0x19FA0;
	s13 =	simm.s32 $0x0  }
0x5: {  	s5 =	sand.u32 $0x1, s3;
	s30 =	sshll.u32 s1, $0x1;
	[smem:$0x7FF] =	sst s2  }
.Ltmp0:
0x6: {  	s3 =	sadd.s32 $0x34800, s6;
	s7 =	sor.u32 s5, s30;
	(pc) =	sbr.rel .LBB2_1-.Ltmp0, $4  }
0x7: {  	s4 =	sadd.s32 $0x6A5600, s6;
	s9 =	ssub.s32 $0x2, s5;
	s8 =	smul.u32 $0x3200, s7  }
0x8: {  	_ =	strace $0x80000053;
	s5 =	sadd.s32 $0xCBFE00, s6;
	s31 =	sshrl.u32 s9, $0x1  }
0x9: {  	s9 =	ssub.s32 s9, s31;
	s8 =	sadd.s32 s8, s6;
	s6 =	smul.u32 $0x186A00, s7  }
0xa: {  	v0 =	vimm.f32 $0.0e+00;
	vm0 =	vmxor vm0, vm0;
	s7 =	sadd.s32 $0x65600, s8;
	s8 =	smax.u32 s9, $0x1;
	s9 =	simm.s32 $0x19000  }
.LBB2_9:
0xb: {  	s13 =	sadd.s32 $0x1, s13  }
0xc: {  	p0 =	sne.s32 s13, s8  }
.Ltmp1:
0xd: {  	_ = 	snop;
	(pc) =	sbr.rel @!p0 .LBB2_10-.Ltmp1, $4  }
0xe: {  	[hbm4b:s7+s2] =	stream.linear.scatter [tilespmem:s2], [sflag:$0x1], $0x19000, $0x38;
	[tilespmem:$0x1A770] =	vst v63  }
0xf: {  	_ =	swait.ge [sflag:s10], $0x19000  }
0x10: {  	[sflag:s10] =	ssyncset.done $0x0  }
0x11: {  	[sflag:s10] =	ssyncadd.s32 $0xFFFE7000  }
.LBB2_1:
0x12: {  	s14 =	simm.s32 $0x40;
	s15 =	simm.s32 $0x0  }
.LBB2_2:
0x13: {  	p0 =	sne.s32 s14, $0x63FC0;
	[tilespmem:s15+$0x0] =	vst v0;
	s15 =	smov.u32 s14;
	s14 =	sadd.s32 $0x40, s14  }
.Ltmp2:
0x14: {  	(pc) =	sbr.rel @p0 .LBB2_2-.Ltmp2, $2  }
0x15: {  	_ =	sdelay $0x2  }
0x16: {  	s15 =	sshra.s32 s15, $0x2  }
.Ltmp3:
0x17: {  	(pc) =	sbr.rel .LBB2_4-.Ltmp3, $2  }
0x18: {  	_ =	sdelay $0x2  }
0x19: {  	[tilespmem:s15+$0x0] =	vst v0;
	s14 =	simm.s32 $0x0;
	s15 =	simm.s32 $0x0  }
.LBB2_8:
0x1a: {  	s15 =	sadd.s32 $0x1, s15  }
0x1b: {  	p0 =	sne.s32 s15, $0x320  }
.Ltmp4:
0x1c: {  	_ = 	snop;
	(pc) =	sbr.rel @!p0 .LBB2_9-.Ltmp4, $1  }
0x1d: {  	_ =	sdelay $0x3  }
.LBB2_4:
0x1e: {  	s16 =	smul.u32 $0x7D0, s15;
	_ =	sdelay $0x1  }
0x1f: {  	s17 =	sshrl.u32 s16, $0x3  }
0x20: {  	s17 =	sadd.s32 s3, s17  }
0x21: {  	[tilespmem:s9], [sflag:$0x1] =	stream.linear.gather [hbm4b:s17+s14], $0x7D0, $0x38;
	[tilespmem:$0x1A770] =	vst v63  }
0x22: {  	s16 =	sadd.s32 s6, s16;
	_ =	swait.ge [sflag:s10], $0x7D0  }
0x23: {  	s16 =	sshrl.u32 s16, $0x3;
	[sflag:s10] =	ssyncset.done $0x0  }
0x24: {  	s30 =	sadd.s32 s4, s16;
	[sflag:s10] =	ssyncadd.s32 $0xFFFFF830  }
0x25: {  	[tilespmem:s11], [sflag:$0x1] =	stream.linear.gather [hbm4b:s30+s14], $0x7D0, $0x38;
	[tilespmem:$0x1A770] =	vst v63  }
0x26: {  	_ =	swait.ge [sflag:s10], $0x7D0  }
0x27: {  	[sflag:s10] =	ssyncset.done $0x0  }
0x28: {  	s16 =	sadd.s32 s5, s16;
	[sflag:s10] =	ssyncadd.s32 $0xFFFFF830  }
0x29: {  	[tilespmem:s12], [sflag:$0x1] =	stream.linear.gather [hbm4b:s16+s14], $0x7D0, $0x38;
	[tilespmem:$0x1A770] =	vst v63  }
0x2a: {  	_ =	swait.ge [sflag:s10], $0x7D0  }
0x2b: {  	[sflag:s10] =	ssyncset.done $0x0  }
0x2c: {  	s31 =	simm.s32 $0x0;
	[sflag:s10] =	ssyncadd.s32 $0xFFFFF830  }
0x2d: {  	v1 =	vld [tilespmem:s31+$0x19000];
	_ =	sdelay $0x4  }
0x2e: {  	v2 =	vld [tilespmem:s31+$0x197D0]  }
0x2f: {  	v3 =	vld [tilespmem:s31+$0x19FA0];
	_ =	sdelay $0x1  }
0x30: {  	v4 =	vld.idx.msk [tilespmem:v1+s2+$0x0], $0xffff;
	_ =	sdelay $0x2  }
0x31: {  	v2 =	vadd.f32 v3, v2;
	_ =	sdelay $0x1  }
0x32: {  	v3 =	vmax.f32 v4, v2  }
0x33: {  	vm1 =	vmmov vm0;
	s17 =	simm.s32 $0x10;
	s16 =	simm.s32 $0x80;
	[tilespmem:v1+s2+$0x0] =	vst.idx.msk $0xffff, v3  }
.LBB2_5:
0x34: {  	p0 =	seq.s32 s16, $0x1F00;
	v3 =	vld [tilespmem:s17+$0x19000]  }
0x35: {  	v4 =	vld.idx.msk [tilespmem:v1+s2+$0x0], $0xffff;
	_ =	sdelay $0x3  }
0x36: {  	v1 =	vmov v3  }
0x37: {  	v5 =	vld [tilespmem:s17+$0x197D0]  }
0x38: {  	vm2 =	vlt.f32 v4, v2;
	v6 =	vld [tilespmem:s17+$0x19FA0]  }
0x39: {  	vm1 =	vmor vm1, vm2;
	v3 =	vld.idx.msk [tilespmem:v3+s2+$0x0], $0xffff;
	_ =	sdelay $0x2  }
.Ltmp5:
0x3a: {  	(pc) =	sbr.rel @!p0 .LBB2_5-.Ltmp5, $3  }
0x3b: {  	v2 =	vadd.f32 v6, v5;
	_ =	sdelay $0x1  }
0x3c: {  	v3 =	vmax.f32 v3, v2  }
0x3d: {  	s17 =	sshra.s32 s16, $0x2;
	s16 =	sadd.s32 $0x40, s16;
	[tilespmem:v1+s2+$0x0] =	vst.idx.msk $0xffff, v3  }
0x3e: {  	v3 =	vld [tilespmem:s17+$0x19000];
	_ =	sdelay $0x4  }
0x3f: {  	v4 =	vld [tilespmem:s17+$0x197D0]  }
0x40: {  	v5 =	vld [tilespmem:s17+$0x19FA0];
	_ =	sdelay $0x1  }
0x41: {  	v6 =	vld.idx.msk [tilespmem:v3+s2+$0x0], $0xffff;
	_ =	sdelay $0x2  }
0x42: {  	v4 =	vadd.f32 v5, v4;
	_ =	sdelay $0x1  }
0x43: {  	v5 =	vmax.f32 v6, v4  }
0x44: {  	v1 =	vld.idx.msk [tilespmem:v1+s2+$0x0], $0xffff;
	[tilespmem:v3+s2+$0x0] =	vst.idx.msk $0xffff, v5  }
0x45: {  	v3 =	vld.idx.msk [tilespmem:v3+s2+$0x0], $0xffff;
	_ =	sdelay $0x3  }
0x46: {  	vm2 =	vlt.f32 v1, v2  }
0x47: {  	vm1 =	vmor vm1, vm2;
	vm2 =	vlt.f32 v3, v4  }
0x48: {  	vm1 =	vmor vm1, vm2  }
0x49: {  	v1 =	vmpcnt.ones.xlane vm1;
	_ =	sdelay $0x1  }
0x4a: {  	(v2sf) =	vpush v1, $0x0;
	_ =	sdelay $0xe  }
0x4b: {  	s16 =	spop (v2sf)  }
0x4c: {  	p0 =	sgt.s32 s16, $0x0  }
.Ltmp6:
0x4d: {  	_ = 	snop;
	(pc) =	sbr.rel @!p0 .LBB2_8-.Ltmp6, $2  }
0x4e: {  	_ =	sdelay $0x2  }
0x4f: {  	vm1 =	vmmov vm0;
	s16 =	simm.s32 $0x0  }
.LBB2_7:
0x50: {  	s17 =	sshll.u32 s16, $0x4  }
0x51: {  	v1 =	vld [tilespmem:s17+$0x19000];
	_ =	sdelay $0x4  }
0x52: {  	v2 =	vld [tilespmem:s17+$0x197D0]  }
0x53: {  	v3 =	vld [tilespmem:s17+$0x19FA0];
	_ =	sdelay $0x1  }
0x54: {  	v4 =	vld.idx.msk [tilespmem:v1+s2+$0x0], $0xffff;
	_ =	sdelay $0x2  }
0x55: {  	v2 =	vadd.f32 v3, v2;
	_ =	sdelay $0x1  }
0x56: {  	vm2 =	vlt.f32 v4, v2;
	_ =	sdelay $0x5  }
0x57: {  	[tilespmem:v1+s2+$0x0] =	vst.idx.msk vm2, v2  }
0x58: {  	v1 =	vld.idx.msk [tilespmem:v1+s2+$0x0], $0xffff;
	_ =	sdelay $0x4  }
0x59: {  	s16 =	sadd.s32 $0x1, s16;
	vm2 =	vlt.f32 v1, v2  }
0x5a: {  	p0 =	seq.s32 s16, $0x7D;
	vm1 =	vmor vm1, vm2  }
0x5b: {  	v1 =	vmpcnt.ones.xlane @p0 vm1;
	_ =	sdelay $0x1  }
0x5c: {  	(v2sf) =	vpush @p0 v1, $0x0;
	_ =	sdelay $0xe  }
0x5d: {  	s17 =	spop @p0 (v2sf)  }
0x5e: {  	p1 =	slt.s32 @p0 s17, $0x1  }
0x5f: {  	p1 =	por !p0, !p1  }
.Ltmp7:
0x60: {  	_ = 	snop;
	(pc) =	sbr.rel @p1 .LBB2_7-.Ltmp7, $3  }
0x61: {  	_ =	sdelay $0x1  }
0x62: {  	vm2 =	vmxor @p0 vm2, vm2  }
0x63: {  	s16 =	simm.s32 @p0 $0x0;
	vm1 =	vmmov @p0 vm2  }
.Ltmp8:
0x64: {  	_ = 	snop;
	(pc) =	sbr.rel .LBB2_8-.Ltmp8, $1  }
0x65: {  	_ =	sdelay $0x3  }
.LBB2_10:
0x66: {  	_ =	sfence.sel $0x180000  }
0x67: {  	[bflag:$0x0] =	sbarrier.arrive $0xFFFF  }
0x68: {  	p0 =	sne.s32 s1, $0x0;
	_ =	strace $0x90000053  }
0x69: {  	s0 =	sadd.s32 @!p0 $0x100000, s0;
	[bflag:$0x2] =	sbarrier.arrive $0xFFFF  }
0x6a: {  	[sflag:s0] =	ssyncadd.tile.s32 @!p0 $0x1;
	_ =	shalt  }
.Lfunc_end2:
_tile_overlayer_lowered:
.L_overlay_start_2:
0x6b: {  	(tag) =	ssettag $0x2  }
0x6c: {  	s0 =	rddreg [dreg:$0x0];
	s2 =	stileid.u32  }
0x6d: {  	s1 =	rddreg [dreg:$0x1];
	p0 =	sne.s32 s2, $0x0  }
0x6e: {  	s3 =	rddreg [dreg:$0x2];
	[bflag:$0x3] =	sbarrier.arrive $0xFFFF;
	s2 =	simm.s32 @!p0 $0x1C01  }
0x6f: {  	[timem:s3], [sflag:s2] =	dma.local @!p0 [hbm:s0], s1  }
0x70: {  	s0 =	simm.s32 @!p0 $0x1  }
0x71: {  	_ =	swait.ge @!p0 [sflag:s0], s1  }
0x72: {  	s1 =	ssub.s32 @!p0 $0x0, s1;
	[sflag:s0] =	ssyncset.done @!p0 $0x0  }
0x73: {  	[sflag:s0] =	ssyncadd.s32 @!p0 s1  }
0x74: {  	[bflag:$0x3] =	sbarrier.arrive $0xFFFF  }
0x75: {  	_ =	shalt  }

// kernel: kernel.28.cloned.1.call-start
scs
__scs_entry_jumppad:
0x0: {  	(pc) =	sbr.rel $0x88, $3  }
0x1: {  	(tag) =	ssettag $0x0;
	lr =	simm.s32 $0x1  }
0x2: {  	[smem:$0x3F93] =	sst lr;
	_ =	strace $0xD0000000  }
0x3: {  	_ = 	snop  }
0x4: {  	_ = 	snop  }
0x5: {  	_ = 	snop  }
0x6: {  	_ = 	snop  }
0x7: {  	_ = 	snop  }
__scs_overlays_trampoline_lowered:
0x8: {  	[smem:$0x3FA2] =	sst s0  }
0x9: {  	[smem:$0x3FA3] =	sst s1  }
0xa: {  	[smem:$0x3FA4] =	sst s2  }
0xb: {  	[smem:$0x3FA5] =	sst s3  }
0xc: {  	[smem:$0x3FA6] =	sst s4  }
0xd: {  	[smem:$0x3FA7] =	sst s5  }
0xe: {  	[smem:$0x3FA8] =	sst s6  }
0xf: {  	[smem:$0x3FA9] =	sst s7  }
0x10: {  	[smem:$0x3FAA] =	sst s8  }
0x11: {  	[smem:$0x3FAB] =	sst s9;
	s0 =	simm.s32 @!p0 $0x0  }
0x12: {  	s1 =	sld [smem:$0x3F91];
	s0 =	simm.s32 @p0 $0x1  }
0x13: {  	[smem:$0x3FAC] =	sst s0;
	s0 =	simm.s32 @!p1 $0x0  }
0x14: {  	s2 =	sld [smem:$0x3F90];
	s0 =	simm.s32 @p1 $0x1  }
0x15: {  	[smem:$0x3FAD] =	sst s0;
	s0 =	simm.s32 @!p2 $0x0  }
0x16: {  	s3 =	sld [smem:$0x3FDB];
	s0 =	simm.s32 @p2 $0x1  }
0x17: {  	s4 =	simm.s32 $0x1BF5;
	[smem:$0x3FAF] =	sst s0  }
0x18: {  	s0 =	sld [smem:$0x3F92];
	_ =	swait.ge [sflag:s4], $0x0  }
0x19: {  	s7 =	sld [smem:$0x3F93]  }
0x1a: {  	s8 =	sadd.s32 $0xFFFFE003, lr  }
0x1b: {  	s9 =	sadd.s32 $0xFFFFFEF7, lr;
	s5 =	simm.s32 $0xFFFFFFFF;
	p2 =	slt.u32 s8, $0xFFFFF086  }
0x1c: {  	p1 =	slt.u32 s9, $0xF7A;
	s5 =	simm.s32 @!p2 $0x0  }
0x1d: {  	s5 =	simm.s32 @p1 $0x1;
	p0 =	seq.s32 s7, s2  }
0x1e: {  	s7 =	smul.u32 @!p0 $0xF7A, s2;
	p2 =	seq.s32 @!p0 s5, $0x0  }
0x1f: {  	s9 =	smul.u32 $0xF7A, s1;
	s8 =	simm.s32 @!p0 $0x1BF5;
	p2 =	por !p2, p0  }
0x20: {  	[sflag:s8] =	ssyncset.s32 @!p0 $0xFFFFF086;
	s6 =	sadd.s32 @!p0 s3, s7;
	s7 =	simm.s32 @!p0 $0x108  }
0x21: {  	s3 =	sadd.s32 s3, s9;
	s6 =	sadd.s32 @!p0 $0x88, s6;
	s7 =	simm.s32 @p2 $0x1082  }
0x22: {  	[simem:s7], [sflag:s8] =	dma.local @!p0 [hbm:s6], $0xF7A  }
0x23: {  	s9 =	sor.u32 $0xD0000000, s2;
	s6 =	simm.s32 $0x108;
	_ =	swait.ge @!p0 [sflag:s8], $0x0  }
0x24: {  	s3 =	sadd.s32 $0x88, s3;
	s6 =	simm.s32 @!p1 $0x1082;
	[sflag:s4] =	ssyncset.s32 $0xFFFFF086  }
0x25: {  	[simem:s6], [sflag:s4] =	dma.local [hbm:s3], $0xF7A  }
0x26: {  	[smem:$0x3F93] =	sst s1;
	(tag) =	ssettag s2;
	_ =	strace s9  }
0x27: {  	s1 =	sld [smem:$0x3FA3]  }
0x28: {  	s2 =	sld [smem:$0x3FA4]  }
0x29: {  	s4 =	sld [smem:$0x3FA6]  }
0x2a: {  	p0 =	seq.s32 s5, $0x0;
	s5 =	sld [smem:$0x3FA7]  }
0x2b: {  	s6 =	sld [smem:$0x3FA8]  }
0x2c: {  	s7 =	sld [smem:$0x3FA9]  }
0x2d: {  	s3 =	simm.s32 $0x108;
	s8 =	sld [smem:$0x3FAA]  }
0x2e: {  	s3 =	simm.s32 @!p0 $0x1082;
	s9 =	sld [smem:$0x3FAB]  }
0x2f: {  	lr =	sadd.s32 s0, s3;
	s0 =	sld [smem:$0x3FA2]  }
0x30: {  	s3 =	sld [smem:$0x3FA5]  }
0x31: {  	[smem:$0x3FAE] =	sst s10  }
0x32: {  	s10 =	sld [smem:$0x3FAC];
	_ =	sdelay $0x3  }
0x33: {  	p0 =	seq.s32 s10, $0x1;
	s10 =	sld [smem:$0x3FAE];
	_ =	sdelay $0x3  }
0x34: {  	[smem:$0x3FAE] =	sst s10  }
0x35: {  	s10 =	sld [smem:$0x3FAD];
	_ =	sdelay $0x3  }
0x36: {  	p1 =	seq.s32 s10, $0x1;
	s10 =	sld [smem:$0x3FAE];
	_ =	sdelay $0x3  }
0x37: {  	[smem:$0x3FAE] =	sst s10  }
0x38: {  	s10 =	sld [smem:$0x3FAF]  }
0x39: {  	_ = 	snop;
	(pc) =	sbr.ind lr, $3  }
0x3a: {  	_ = 	snop  }
0x3b: {  	_ = 	snop  }
0x3c: {  	p2 =	seq.s32 s10, $0x1;
	s10 =	sld [smem:$0x3FAE]  }
0x3d: {  	_ =	shalt  }
0x3e: {  	_ =	shalt  }
0x3f: {  	_ =	shalt  }
0x40: {  	_ =	shalt  }
0x41: {  	_ =	shalt  }
0x42: {  	_ =	shalt  }
0x43: {  	_ =	shalt  }
0x44: {  	_ =	shalt  }
0x45: {  	_ =	shalt  }
0x46: {  	_ =	shalt  }
0x47: {  	_ =	shalt  }
0x48: {  	_ =	shalt  }
0x49: {  	_ =	shalt  }
0x4a: {  	_ =	shalt  }
0x4b: {  	_ =	shalt  }
0x4c: {  	_ =	shalt  }
0x4d: {  	_ =	shalt  }
0x4e: {  	_ =	shalt  }
0x4f: {  	_ =	shalt  }
0x50: {  	_ =	shalt  }
0x51: {  	_ =	shalt  }
0x52: {  	_ =	shalt  }
0x53: {  	_ =	shalt  }
0x54: {  	_ =	shalt  }
0x55: {  	_ =	shalt  }
0x56: {  	_ =	shalt  }
0x57: {  	_ =	shalt  }
0x58: {  	_ =	shalt  }
0x59: {  	_ =	shalt  }
0x5a: {  	_ =	shalt  }
0x5b: {  	_ =	shalt  }
0x5c: {  	_ =	shalt  }
0x5d: {  	_ =	shalt  }
0x5e: {  	_ =	shalt  }
0x5f: {  	_ =	shalt  }
0x60: {  	_ =	shalt  }
0x61: {  	_ =	shalt  }
0x62: {  	_ =	shalt  }
0x63: {  	_ =	shalt  }
0x64: {  	_ =	shalt  }
0x65: {  	_ =	shalt  }
0x66: {  	_ =	shalt  }
0x67: {  	_ =	shalt  }
0x68: {  	_ =	shalt  }
0x69: {  	_ =	shalt  }
0x6a: {  	_ =	shalt  }
0x6b: {  	_ =	shalt  }
0x6c: {  	_ =	shalt  }
0x6d: {  	_ =	shalt  }
0x6e: {  	_ =	shalt  }
0x6f: {  	_ =	shalt  }
0x70: {  	_ =	shalt  }
0x71: {  	_ =	shalt  }
0x72: {  	_ =	shalt  }
0x73: {  	_ =	shalt  }
0x74: {  	_ =	shalt  }
0x75: {  	_ =	shalt  }
0x76: {  	_ =	shalt  }
0x77: {  	_ =	shalt  }
0x78: {  	_ =	shalt  }
0x79: {  	_ =	shalt  }
0x7a: {  	_ =	shalt  }
0x7b: {  	_ =	shalt  }
0x7c: {  	_ =	shalt  }
0x7d: {  	_ =	shalt  }
0x7e: {  	_ =	shalt  }
0x7f: {  	_ =	shalt  }
0x80: {  	_ =	shalt  }
0x81: {  	_ =	shalt  }
0x82: {  	_ =	shalt  }
0x83: {  	_ =	shalt  }
0x84: {  	_ =	shalt  }
0x85: {  	_ =	shalt  }
0x86: {  	_ =	shalt  }
0x87: {  	_ =	shalt  }
.Lfunc_end0:
.L_simem_size_0:
called_computation.5_lowered:
.L_overlay_start_0:
0x88: {  	s2 =	sld [smem:$0x3FD9]  }
0x89: {  	s3 =	sld [smem:$0x3FFE];
	_ =	sdelay $0x1  }
0x8a: {  	s1 =	srdreg.scid  }
0x8b: {  	s0 =	sand.u32 $0x1, s1  }
0x8c: {  	s17 =	sshll.u32 s0, $0xA;
	s2 =	sadd.s32 s3, s2  }
0x8d: {  	s2 =	sadd.s32 s2, s17  }
0x8e: {  	[smem:$0x3FBA] =	sst s2  }
0x8f: {  	_ = 	snop  }
0x90: {  	s2 =	sld [smem:$0x3FC7]  }
0x91: {  	s18 =	sld [smem:$0x3FD0];
	(tm) =	ssettm $0x1  }
0x92: {  	s4 =	sld [smem:$0x3FFB];
	_ =	sdelay $0x3  }
0x93: {  	_ =	strace s4  }
0x94: {  	s4 =	sld [smem:$0x3FFC];
	_ =	sdelay $0x3  }
0x95: {  	_ =	strace s4  }
0x96: {  	s4 =	sld [smem:$0x3FFD];
	_ =	sdelay $0x3  }
0x97: {  	_ =	strace s4  }
0x98: {  	_ =	strace $0x8FFFFFFF  }
0x99: {  	s19 =	sld [smem:$0x3FDB];
	_ =	sdelay $0x1  }
0x9a: {  	s5 =	simm.s32 $_scs_section_size  }
0x9b: {  	s6 =	simm.s32 $_size__tile_overlayer_lowered;
	s7 =	simm.s32 $_tile_overlayer_lowered  }
0x9c: {  	s22 =	simm.s32 $0x1BFF;
	s21 =	sshll.u32 s7, $0x1;
	s4 =	sadd.s32 s5, s19  }
0x9d: {  	s8 =	simm.s32 $0x0;
	s20 =	sshll.u32 s6, $0x1;
	s6 =	sadd.s32 s21, s4  }
0x9e: {  	[timem:s8], [sflag:s22] =	dma.local [hbm:s6], s20  }
0x9f: {  	_ =	swait.ge [sflag:s22], s20  }
0xa0: {  	s5 =	ssub.s32 $0x0, s20;
	[sflag:s22] =	ssyncset.done $0x0  }
0xa1: {  	[sflag:s22] =	ssyncadd.s32 s5;
	_ =	sdelay $0x1  }
0xa2: {  	s23 =	simm.s32 $0x1B8B  }
0xa3: {  	_ =	swait.ge [sflag:s23], $0x1  }
0xa4: {  	[sflag:s23] =	ssyncset.done $0x0  }
0xa5: {  	s25 =	simm.s32 $0x1B8E;
	s24 =	sld [smem:$0x3FFE];
	[sflag:s23] =	ssyncadd.s32 $0xFFFFFFFF  }
0xa6: {  	s26 =	simm.s32 $execute0_lowered;
	[smem:$0x3FD2] =	sst s25  }
0xa7: {  	s6 =	sshll.u32 s26, $0x1;
	_ =	strace $0x80000055;
	[dreg:$0x1] =	wrdreg $0xFFFFFFFF  }
0xa8: {  	s28 =	simm.s32 $_size_execute0_lowered;
	s4 =	sadd.s32 s4, s6;
	[dreg:$0x0] =	wrdreg $0x0  }
0xa9: {  	s6 =	sshll.u32 s28, $0x1;
	[dreg:$0x2] =	wrdreg s4  }
0xaa: {  	[dreg:$0x3] =	wrdreg s6  }
0xab: {  	[dreg:$0x4] =	wrdreg $0xC0  }
0xac: {  	_ =	task [dreg:s8], $0x5FFFF  }
0xad: {  	[dreg:$0x1] =	wrdreg $0xFFFFFFFF  }
0xae: {  	[dreg:$0x0] =	wrdreg $0x60  }
0xaf: {  	[dreg:$0x2] =	wrdreg s24  }
0xb0: {  	[dreg:$0x3] =	wrdreg s2  }
0xb1: {  	[dreg:$0x4] =	wrdreg s18  }
0xb2: {  	[dreg:$0x5] =	wrdreg $0x9  }
0xb3: {  	_ =	task.clear_ibuf [dreg:s8], $0x6FFFF;
	_ =	strace $0x90000055  }
0xb4: {  	s29 =	simm.s32 $0x9;
	_ =	strace $0x80000057  }
0xb5: {  	_ =	swait.ge [sflag:s29], $0x1  }
0xb6: {  	[sflag:s29] =	ssyncadd.s32 $0xFFFFFFFF  }
0xb7: {  	_ =	strace $0x90000057  }
0xb8: {  	_ =	sfence  }
0xb9: {  	s30 =	sld [smem:$0x0];
	_ =	sdelay $0x2  }
0xba: {  	s31 =	sshll.u32 s1, $0xD;
	s1 =	sshrl.u32 s1, $0x2  }
0xbb: {  	s3 =	sand.u32 $0x4000, s31;
	s1 =	sadd.s32 s1, s30  }
0xbc: {  	s0 =	sor.u32 s3, s0;
	s1 =	sshll.u32 s1, $0x11  }
0xbd: {  	s0 =	sor.u32 s1, s0  }
0xbe: {  	s0 =	sadd.s32 $0x8F2B, s0  }
0xbf: {  	[sflag:s0] =	ssyncadd.remote.s32 $0x1  }
0xc0: {  	_ =	sfence.sel $0xFFFF  }
0xc1: {  	[dreg:$0x0] =	wrdreg $0xFFFFFFFF;
	(pc) =	sbr.abs _section_cstart, $3  }
0xc2: {  	[dreg:$0x1] =	wrdreg $0xFFFFFFFF  }
0xc3: {  	_ =	task.clear_ibuf [dreg:s8], $0x2FFFF;
	_ =	strace $0x9FFFFFFF  }
0xc4: {  	(tm) =	ssettm $0x7FFFFFFF  }
0xc5: {  	_ =	shalt  }
tec
execute0_lowered:
.L_overlay_start_1:
0x0: {  	(tag) =	ssettag $0x1  }
0x1: {  	s6 =	rddreg [dreg:$0x0]  }
0x2: {  	s1 =	rddreg [dreg:$0x1]  }
0x3: {  	s0 =	srdreg.scid;
	s2 =	rddreg [dreg:$0x2];
	s4 =	simm.s32 $0x0  }
0x4: {  	s5 =	stileid.u32;
	s9 =	simm.s32 $0x3;
	s10 =	simm.s32 $0x7D0  }
.Ltmp0:
0x5: {  	s11 =	simm.s32 $0x1;
	s3 =	sand.u32 $0x1, s0;
	(pc) =	sbr.rel .LBB2_1-.Ltmp0, $4  }
0x6: {  	s12 =	simm.s32 $0x84D0;
	s13 =	simm.s32 $0x2;
	s7 =	ssub.s32 $0x2, s3  }
0x7: {  	s14 =	simm.s32 $0x0;
	s0 =	rddreg [dreg:$0x3];
	s8 =	sshrl.u32 s7, $0x1  }
0x8: {  	v0 =	vlaneseq.u32;
	[smem:$0x7FF] =	sst s4;
	s6 =	sadd.s32 $0x193E00, s6;
	s8 =	ssub.s32 s7, s8  }
0x9: {  	v0 =	vmul.u32 $0x10, v0;
	_ =	strace $0x80000056;
	s7 =	sshll.u32 s5, $0x1;
	s8 =	smax.u32 s8, $0x1  }
.LBB2_7:
0xa: {  	s14 =	sadd.s32 $0x1, s14  }
0xb: {  	p0 =	sne.s32 s14, s8  }
.Ltmp1:
0xc: {  	_ = 	snop;
	(pc) =	sbr.rel @!p0 .LBB2_8-.Ltmp1, $1  }
0xd: {  	_ =	sdelay $0x3  }
.LBB2_1:
.Ltmp2:
0xe: {  	(pc) =	sbr.rel .LBB2_2-.Ltmp2, $2  }
0xf: {  	_ =	sdelay $0x2  }
0x10: {  	s15 =	simm.s32 $0x0  }
.LBB2_6:
0x11: {  	s15 =	sadd.s32 $0x1, s15  }
0x12: {  	p0 =	sne.s32 s15, $0x7  }
.Ltmp3:
0x13: {  	_ = 	snop;
	(pc) =	sbr.rel @!p0 .LBB2_7-.Ltmp3, $1  }
0x14: {  	_ =	sdelay $0x3  }
.LBB2_2:
0x15: {  	s16 =	sshll.u32 s15, $0x5  }
0x16: {  	s16 =	sor.u32 s7, s16  }
0x17: {  	p0 =	sgt.u32 s16, $0xC7  }
.Ltmp4:
0x18: {  	_ = 	snop;
	(pc) =	sbr.rel @p0 .LBB2_6-.Ltmp4, $1  }
0x19: {  	_ =	sdelay $0x3  }
0x1a: {  	s16 =	sor.u32 s3, s16  }
0x1b: {  	s16 =	smul.u32 $0xFA, s16;
	_ =	sdelay $0x1  }
0x1c: {  	s18 =	simm.s32 $0x0;
	s17 =	sadd.s32 s1, s16  }
0x1d: {  	[tilespmem:s18], [sflag:$0x3] =	stream.linear.gather [hbm4b:s17+s18], $0x7D0, $0x38;
	[tilespmem:$0x8CA0] =	vst v63  }
0x1e: {  	v1 =	vmov s18;
	_ =	swait.ge [sflag:s9], $0x7D0  }
0x1f: {  	v1 =	vshll.u32 v1, $0x4;
	[sflag:s9] =	ssyncset.done $0x0  }
0x20: {  	v1 =	vor.u32 v0, v1;
	[sflag:s9] =	ssyncadd.s32 $0xFFFFF830  }
0x21: {  	[tilespmem:s10], [sflag:$0x1] =	stream.indirect.gather [hbm4b:s6+s10], $0x10, s18, s10, $0xb8;
	[tilespmem:$0x8CA0] =	vst v63  }
0x22: {  	_ =	swait.ge [sflag:s11], $0x7D00  }
0x23: {  	s30 =	simm.s32 $0x10;
	[sflag:s11] =	ssyncset.done $0x0  }
0x24: {  	v2 =	vmov s30;
	[sflag:s11] =	ssyncadd.s32 $0xFFFF8300  }
0x25: {  	v2 =	vshll.u32 v2, $0x4;
	v1 =	vld.idx.msk [tilespmem:v1+s10+$0x0], $0xffff  }
0x26: {  	v3 =	vor.u32 v0, v2;
	_ =	sdelay $0x2  }
0x27: {  	s17 =	simm.s32 $0x84D0  }
0x28: {  	s31 =	simm.s32 $0x20;
	[tilespmem:s17+$0x0] =	vst v1  }
0x29: {  	v2 =	vmov s31;
	s18 =	simm.s32 $0x30;
	v1 =	vld.idx.msk [tilespmem:v3+s10+$0x0], $0xffff  }
.LBB2_4:
0x2a: {  	p0 =	sne.s32 s18, $0x7C0;
	v2 =	vshll.u32 v2, $0x4  }
0x2b: {  	v3 =	vor.u32 v0, v2  }
.Ltmp5:
0x2c: {  	(pc) =	sbr.rel @p0 .LBB2_4-.Ltmp5, $4  }
0x2d: {  	_ = 	snop  }
0x2e: {  	s17 =	sadd.s32 $0x10, s17  }
0x2f: {  	[tilespmem:s17+$0x0] =	vst v1  }
0x30: {  	v2 =	vmov s18;
	s18 =	sadd.s32 $0x10, s18;
	v1 =	vld.idx.msk [tilespmem:v3+s10+$0x0], $0xffff  }
0x31: {  	v2 =	vshll.u32 v2, $0x4  }
0x32: {  	v2 =	vor.u32 v0, v2;
	_ =	sdelay $0x2  }
0x33: {  	s17 =	sadd.s32 $0x10, s17  }
0x34: {  	[tilespmem:s17+$0x0] =	vst v1  }
0x35: {  	v1 =	vld.idx.msk [tilespmem:v2+s10+$0x0], $0xffff;
	_ =	sdelay $0x3  }
0x36: {  	s17 =	sadd.s32 $0x10, s17  }
.Ltmp6:
0x37: {  	s16 =	sadd.s32 s2, s16;
	[tilespmem:s17+$0x0] =	vst v1;
	(pc) =	sbr.rel .LBB2_6-.Ltmp6, $4  }
0x38: {  	[hbm4b:s16+s4] =	stream.linear.scatter [tilespmem:s12], [sflag:$0x2], $0x7D0, $0x38;
	[tilespmem:$0x8CA0] =	vst v63  }
0x39: {  	_ =	swait.ge [sflag:s13], $0x7D0  }
0x3a: {  	[sflag:s13] =	ssyncset.done $0x0  }
0x3b: {  	[sflag:s13] =	ssyncadd.s32 $0xFFFFF830  }
.LBB2_8:
0x3c: {  	_ =	sfence.sel $0x180000  }
0x3d: {  	[bflag:$0x0] =	sbarrier.arrive $0xFFFF  }
0x3e: {  	p0 =	sne.s32 s5, $0x0;
	_ =	strace $0x90000056  }
0x3f: {  	s0 =	sadd.s32 @!p0 $0x100000, s0;
	[bflag:$0x2] =	sbarrier.arrive $0xFFFF  }
0x40: {  	[sflag:s0] =	ssyncadd.tile.s32 @!p0 $0x1;
	_ =	shalt  }
.Lfunc_end2:
_tile_overlayer_lowered:
.L_overlay_start_2:
0x41: {  	(tag) =	ssettag $0x2  }
0x42: {  	s0 =	rddreg [dreg:$0x0];
	s2 =	stileid.u32  }
0x43: {  	s1 =	rddreg [dreg:$0x1];
	p0 =	sne.s32 s2, $0x0  }
0x44: {  	s3 =	rddreg [dreg:$0x2];
	[bflag:$0x3] =	sbarrier.arrive $0xFFFF;
	s2 =	simm.s32 @!p0 $0x1C02  }
0x45: {  	[timem:s3], [sflag:s2] =	dma.local @!p0 [hbm:s0], s1  }
0x46: {  	s0 =	simm.s32 @!p0 $0x2  }
0x47: {  	_ =	swait.ge @!p0 [sflag:s0], s1  }
0x48: {  	s1 =	ssub.s32 @!p0 $0x0, s1;
	[sflag:s0] =	ssyncset.done @!p0 $0x0  }
0x49: {  	[sflag:s0] =	ssyncadd.s32 @!p0 s1  }
0x4a: {  	[bflag:$0x3] =	sbarrier.arrive $0xFFFF  }
0x4b: {  	_ =	shalt  }

</sc_bundles>
